<compile_context>
chip_gen: v7x
topology: tpu7x:2x2x1
jax: 0.10.2.dev20260603
libtpu: 0.0.44.dev20260713+nightly
codegen_flags: <defaults>
</compile_context>

<pallas_src>
import functools

import jax
import jax.numpy as jnp
from jax import lax
from jax.experimental import pallas as pl
from jax.experimental.pallas import tpu as pltpu
from jax.experimental.pallas import tpu_sc as plsc

VOCAB = 100000
DIM = 128
B = 16384
CTX = 50
NNEG = 50
NSLOT = 64

NC = 2
NS = 16
NW = NC * NS
BPW = B // NW
CB = 4
NCHUNK = BPW // CB
NIDX = CB * CTX
GSZ = 4
NGRP = NCHUNK // GSZ
SUP = 4
SNIDX = SUP * NIDX
NSUP = NCHUNK // SUP
NL = 16
ND = DIM // NL

_GATHER_DNUMS = lax.GatherDimensionNumbers(
    offset_dims=(), collapsed_slice_dims=(0,), start_index_map=(0,))


def _lane_gather(v, idx):
    return lax.gather(v, idx[:, None], _GATHER_DNUMS, (1,),
                      mode=lax.GatherScatterMode.PROMISE_IN_BOUNDS)


def _allsum(v, lanes):
    for sh in (8, 4, 2, 1):
        v = v + _lane_gather(v, lanes ^ sh)
    return v


def _reduce16(vs, lanes, masks):
    sh = 1
    for m in masks:
        half = []
        for i in range(len(vs) // 2):
            a, b = vs[2 * i], vs[2 * i + 1]
            half.append(jnp.where(m, a + _lane_gather(a, lanes ^ sh),
                                  b + _lane_gather(b, lanes ^ sh)))
        vs = half
        sh *= 2
    return vs[0]


def _sc_body(ctx_idx_hbm, tgt_idx_hbm, neg_idx_hbm, emb_in_hbm, emb_out_hbm,
             ts_out, ns_out,
             ctx_idx_v, neg_idx_v, tgt_idx_v,
             ctx_rows, neg_rows, tgt_rows,
             ns_gbuf, ts_gbuf, sem_c, sem_n, sem_t, sem_i, sem_o):
    cid = lax.axis_index("c")
    sid = lax.axis_index("s")
    wid = sid * NC + cid
    wbase = wid * BPW
    lanes = lax.iota(jnp.int32, NL)
    masks = [(lanes & sh) == 0 for sh in (1, 2, 4, 8)]

    def stage_idx_descs(sp):
        base_b = wbase + sp * SUP * CB
        sslot = sp % 2
        return (
            pltpu.make_async_copy(
                ctx_idx_hbm.at[pl.ds(base_b * CTX, SNIDX)],
                ctx_idx_v.at[pl.ds(sslot * SNIDX, SNIDX)], sem_i),
            pltpu.make_async_copy(
                neg_idx_hbm.at[pl.ds(base_b * NNEG, SNIDX)],
                neg_idx_v.at[pl.ds(sslot * SNIDX, SNIDX)], sem_i),
        )

    def rows_descs(c):
        slot = c % 2
        off = ((c // SUP) % 2) * SNIDX + (c % SUP) * NIDX
        return (
            pltpu.make_async_copy(
                emb_in_hbm.at[ctx_idx_v.at[pl.ds(off, NIDX)]],
                ctx_rows.at[slot], sem_c),
            pltpu.make_async_copy(
                emb_out_hbm.at[neg_idx_v.at[pl.ds(off, NIDX)]],
                neg_rows.at[slot], sem_n),
        )

    def out_descs(oslot, g):
        return (
            pltpu.make_async_copy(
                ns_gbuf.at[oslot],
                ns_out.at[pl.ds(wbase + g * NL, NL), :], sem_o),
            pltpu.make_async_copy(
                ts_gbuf.at[pl.ds(oslot * NL, NL)],
                ts_out.at[pl.ds(wbase + g * NL, NL)], sem_o),
        )

    def tgt_desc(slot):
        return pltpu.make_async_copy(
            emb_out_hbm.at[tgt_idx_v.at[pl.ds(slot * NL, NL)]],
            tgt_rows.at[slot], sem_t)

    pltpu.sync_copy(ctx_idx_hbm.at[pl.ds(wbase * CTX, SNIDX)],
                    ctx_idx_v.at[pl.ds(0, SNIDX)])
    pltpu.sync_copy(neg_idx_hbm.at[pl.ds(wbase * NNEG, SNIDX)],
                    neg_idx_v.at[pl.ds(0, SNIDX)])
    pltpu.sync_copy(tgt_idx_hbm.at[pl.ds(wbase, NL)], tgt_idx_v.at[pl.ds(0, NL)])
    for d in rows_descs(0):
        d.start()
    tgt_desc(0).start()

    def chunk_body(c, ts_vec):
        cur = c % 2
        nxt = 1 - cur
        g = c // GSZ
        u = c % GSZ
        tslot = g % 2
        oslot = tslot

        sp = c // SUP
        u4 = c % SUP

        @pl.when(c + 1 < NCHUNK)
        def _():
            @pl.when(u4 == SUP - 1)
            def _():
                for d in stage_idx_descs(sp + 1):
                    d.wait()

            for d in rows_descs(c + 1):
                d.start()

        @pl.when((u == GSZ - 1) & (g + 1 < NGRP))
        def _():
            tgt_desc(1 - tslot).start()

        for d in rows_descs(c):
            d.wait()

        @pl.when(u == 0)
        def _():
            tgt_desc(tslot).wait()

        @pl.when((u4 == 0) & (sp + 1 < NSUP))
        def _():
            for d in stage_idx_descs(sp + 1):
                d.start()

        @pl.when((u == 0) & (g >= 2))
        def _():
            for d in out_descs(oslot, g - 2):
                d.wait()

        @pl.when((u == 0) & (g + 1 < NGRP))
        def _():
            pltpu.sync_copy(tgt_idx_hbm.at[pl.ds(wbase + (g + 1) * NL, NL)],
                            tgt_idx_v.at[pl.ds((1 - tslot) * NL, NL)])

        def b_body(b, ts_vec):
            rbase = b * CTX

            def j_body(j, acc):
                r = rbase + j
                return tuple(acc[d] + ctx_rows[cur, r, pl.ds(NL * d, NL)]
                             for d in range(ND))

            acc = lax.fori_loop(
                0, CTX, j_body,
                tuple(jnp.zeros((NL,), jnp.float32) for _ in range(ND)))

            def dot(r):
                q = acc[0] * neg_rows[cur, r, pl.ds(0, NL)]
                for d in range(1, ND):
                    q = q + acc[d] * neg_rows[cur, r, pl.ds(NL * d, NL)]
                return q

            trow = u * CB + b
            p = acc[0] * tgt_rows[tslot, trow, pl.ds(0, NL)]
            for d in range(1, ND):
                p = p + acc[d] * tgt_rows[tslot, trow, pl.ds(NL * d, NL)]
            ts_vec = jnp.where(lanes == trow, _allsum(p, lanes), ts_vec)

            for gg in range(3):
                qs = [dot(rbase + gg * NL + k) for k in range(NL)]
                ns_gbuf[oslot, trow, pl.ds(gg * NL, NL)] = _reduce16(
                    qs, lanes, masks)

            s48 = _allsum(dot(rbase + 48), lanes)
            s49 = _allsum(dot(rbase + 49), lanes)
            tail = jnp.where(lanes == 0, s48,
                             jnp.where(lanes == 1, s49, 0.0))
            ns_gbuf[oslot, trow, pl.ds(48, NL)] = tail
            return ts_vec

        ts_vec = lax.fori_loop(0, CB, b_body, ts_vec)

        @pl.when(u == GSZ - 1)
        def _():
            ts_gbuf[pl.ds(oslot * NL, NL)] = ts_vec
            for d in out_descs(oslot, g):
                d.start()

        return jnp.where(u == GSZ - 1, jnp.zeros((NL,), jnp.float32), ts_vec)

    lax.fori_loop(0, NCHUNK, chunk_body, jnp.zeros((NL,), jnp.float32))

    for gg in (NGRP - 2, NGRP - 1):
        for d in out_descs(gg % 2, gg):
            d.wait()


_sc_call = functools.partial(
    pl.kernel,
    mesh=plsc.VectorSubcoreMesh(core_axis_name="c", subcore_axis_name="s"),
    out_type=[
        jax.ShapeDtypeStruct((B,), jnp.float32),
        jax.ShapeDtypeStruct((B, NSLOT), jnp.float32),
    ],
    scratch_types=[
        pltpu.VMEM((2 * SNIDX,), jnp.int32),
        pltpu.VMEM((2 * SNIDX,), jnp.int32),
        pltpu.VMEM((2 * NL,), jnp.int32),
        pltpu.VMEM((2, NIDX, DIM), jnp.float32),
        pltpu.VMEM((2, NIDX, DIM), jnp.float32),
        pltpu.VMEM((2, NL, DIM), jnp.float32),
        pltpu.VMEM((2, NL, NSLOT), jnp.float32),
        pltpu.VMEM((2 * NL,), jnp.float32),
        pltpu.SemaphoreType.DMA,
        pltpu.SemaphoreType.DMA,
        pltpu.SemaphoreType.DMA,
        pltpu.SemaphoreType.DMA,
        pltpu.SemaphoreType.DMA,
    ],
)(_sc_body)


def _loss_body(ts_ref, ns_ref, out_ref):
    ts = ts_ref[...]
    ns = ns_ref[...]

    def softplus(x):
        return jnp.maximum(x, 0.0) + jnp.log1p(jnp.exp(-jnp.abs(x)))

    t_term = jnp.sum(softplus(-ts)) / B
    mask = lax.broadcasted_iota(jnp.int32, ns.shape, 1) < NNEG
    n_term = jnp.sum(jnp.where(mask, softplus(ns), 0.0)) / (B * NNEG)
    out_ref[0, 0] = t_term + n_term


_loss_call = pl.pallas_call(
    _loss_body,
    out_shape=jax.ShapeDtypeStruct((1, 1), jnp.float32),
    out_specs=pl.BlockSpec(memory_space=pltpu.SMEM),
)


def kernel(context, target, negative_samples, emb_in, emb_out):
    ctx_flat = context.reshape(-1)
    neg_flat = negative_samples.reshape(-1)
    ts, ns = _sc_call(ctx_flat, target, neg_flat, emb_in, emb_out)
    loss = _loss_call(ts.reshape(B // DIM, DIM), ns)
    return loss[0, 0]

# --- scband reference (transcript-rebuilt; emitter-appended) ---
"""Pipeline reference for scband-knowledge-enhanced-cbow-5488968204343 (READ-ONLY COPY).

The authoritative reference and input builder live on the scoring server;
editing this copy changes nothing except your own understanding.
"""

import jax, jax.numpy as jnp
import numpy as np

VOCAB = 100000
DIM = 128
B = 16384
CTX = 50
NNEG = 50

def setup_inputs(seed: int = 0) -> dict:
    key = jax.random.key(seed)
    k1, k2, k3, k4, k5 = jax.random.split(key, 5)
    context = jax.random.randint(k1, (B, CTX), 0, VOCAB, dtype=jnp.int64 if jax.config.jax_enable_x64 else jnp.int32).astype(jnp.int32)
    target = jax.random.randint(k2, (B,), 0, VOCAB).astype(jnp.int32)
    negative_samples = jax.random.randint(k3, (B, NNEG), 0, VOCAB).astype(jnp.int32)
    emb_in = jax.random.uniform(k4, (VOCAB, DIM), dtype=jnp.float32, minval=-0.5, maxval=0.5)
    emb_out = jax.random.uniform(k5, (VOCAB, DIM), dtype=jnp.float32, minval=-0.5, maxval=0.5)
    return {"context": context, "target": target, "negative_samples": negative_samples, "emb_in": emb_in, "emb_out": emb_out}

def reference(context, target, negative_samples, emb_in, emb_out):
    # context embeddings: gather + sum over context window
    context_embeds = jnp.take(emb_in, context, axis=0)          # [B, CTX, D]
    context_embeds = jnp.sum(context_embeds, axis=1)            # [B, D]
    # target (output-side) embedding
    target_embeds = jnp.take(emb_out, target, axis=0)           # [B, D]
    target_score = jnp.sum(context_embeds * target_embeds, axis=1)  # [B]
    # negative samples: gather + batched dot products (bmm)
    negative_embeds = jnp.take(emb_out, negative_samples, axis=0)   # [B, N, D]
    negative_score = jnp.einsum('bnd,bd->bn', negative_embeds, context_embeds)  # [B, N]
    nce_loss = -jnp.mean(jnp.log(jax.nn.sigmoid(target_score))) - jnp.mean(jnp.log(jax.nn.sigmoid(-negative_score)))
    return nce_loss

if __name__ == "__main__":
    import jax
    _d = setup_inputs()
    print(jax.jit(kernel)(*tuple(_d.values())))

</pallas_src>

<mosaic_0001>
#map = affine_map<(d0, d1) -> (0)>
#map1 = affine_map<(d0, d1) -> (0, 0)>
module attributes {stable_mosaic.version = 14 : i64} {
  func.func @_sc_body(%arg0: i32, %arg1: i32, %arg2: memref<819200xi32, #tpu.memory_space<hbm>>, %arg3: memref<16384xi32, #tpu.memory_space<hbm>>, %arg4: memref<819200xi32, #tpu.memory_space<hbm>>, %arg5: memref<100000x128xf32, #tpu.memory_space<hbm>>, %arg6: memref<100000x128xf32, #tpu.memory_space<hbm>>, %arg7: memref<16384xf32, #tpu.memory_space<hbm>>, %arg8: memref<16384x64xf32, #tpu.memory_space<hbm>>, %arg9: memref<1600xi32, #tpu.memory_space<vmem>>, %arg10: memref<1600xi32, #tpu.memory_space<vmem>>, %arg11: memref<32xi32, #tpu.memory_space<vmem>>, %arg12: memref<2x200x128xf32, #tpu.memory_space<vmem>>, %arg13: memref<2x200x128xf32, #tpu.memory_space<vmem>>, %arg14: memref<2x16x128xf32, #tpu.memory_space<vmem>>, %arg15: memref<2x16x64xf32, #tpu.memory_space<vmem>>, %arg16: memref<32xf32, #tpu.memory_space<vmem>>, %arg17: memref<!tpu.dma_semaphore, #tpu.memory_space<semaphore_mem>>, %arg18: memref<!tpu.dma_semaphore, #tpu.memory_space<semaphore_mem>>, %arg19: memref<!tpu.dma_semaphore, #tpu.memory_space<semaphore_mem>>, %arg20: memref<!tpu.dma_semaphore, #tpu.memory_space<semaphore_mem>>, %arg21: memref<!tpu.dma_semaphore, #tpu.memory_space<semaphore_mem>>) attributes {dimension_semantics = [#tpu.dimension_semantics<core_parallel>, #tpu.dimension_semantics<subcore_parallel>], iteration_bounds = array<i64: 2, 16>, scalar_prefetch = 0 : i64, scratch_operands = 13 : i64, tpu.core_type = #tpu.core_type<sc_vector_subcore>, window_params = [{transform_indices = #map}, {transform_indices = #map}, {transform_indices = #map}, {transform_indices = #map1}, {transform_indices = #map1}, {transform_indices = #map}, {transform_indices = #map1}]} {
    %mul3A = arith.constant 2 : i32
    %mul3A_0 = arith.muli %arg1, %mul3A : i32
    %add3A = arith.addi %mul3A_0, %arg0 : i32
    %mul3A_1 = arith.constant 512 : i32
    %mul3A_2 = arith.muli %add3A, %mul3A_1 : i32
    %iota3A = tpu.iota {dimensions = array<i32: 0>} : vector<16xi32>
    %and3A = arith.constant 1 : i32
    %and3A_3 = vector.broadcast %and3A : i32 to vector<16xi32>
    %and3A_4 = arith.andi %iota3A, %and3A_3 : vector<16xi32>
    %eq3A = arith.constant 0 : i32
    %eq3A_5 = vector.broadcast %eq3A : i32 to vector<16xi32>
    %eq3A_6 = arith.cmpi eq, %and3A_4, %eq3A_5 : vector<16xi32>
    %and3A_7 = arith.constant 2 : i32
    %and3A_8 = vector.broadcast %and3A_7 : i32 to vector<16xi32>
    %and3A_9 = arith.andi %iota3A, %and3A_8 : vector<16xi32>
    %eq3A_10 = arith.constant 0 : i32
    %eq3A_11 = vector.broadcast %eq3A_10 : i32 to vector<16xi32>
    %eq3A_12 = arith.cmpi eq, %and3A_9, %eq3A_11 : vector<16xi32>
    %and3A_13 = arith.constant 4 : i32
    %and3A_14 = vector.broadcast %and3A_13 : i32 to vector<16xi32>
    %and3A_15 = arith.andi %iota3A, %and3A_14 : vector<16xi32>
    %eq3A_16 = arith.constant 0 : i32
    %eq3A_17 = vector.broadcast %eq3A_16 : i32 to vector<16xi32>
    %eq3A_18 = arith.cmpi eq, %and3A_15, %eq3A_17 : vector<16xi32>
    %and3A_19 = arith.constant 8 : i32
    %and3A_20 = vector.broadcast %and3A_19 : i32 to vector<16xi32>
    %and3A_21 = arith.andi %iota3A, %and3A_20 : vector<16xi32>
    %eq3A_22 = arith.constant 0 : i32
    %eq3A_23 = vector.broadcast %eq3A_22 : i32 to vector<16xi32>
    %eq3A_24 = arith.cmpi eq, %and3A_21, %eq3A_23 : vector<16xi32>
    %mul3A_25 = arith.constant 50 : i32
    %mul3A_26 = arith.muli %mul3A_2, %mul3A_25 : i32
    "tpu.region"() ({
      %run_scoped3A = tpu.sem_alloc : memref<!tpu.dma_semaphore, #tpu.memory_space<semaphore_mem>>
      %dma_start3A_109 = arith.constant 0 : i32
      %dma_start3A_110 = tpu.memref_slice %arg9[%dma_start3A_109] : memref<1600xi32, #tpu.memory_space<vmem>> -> memref<800xi32, #tpu.memory_space<vmem>>
      %dma_start3A_111 = tpu.memref_slice %arg2[%mul3A_26] : memref<819200xi32, #tpu.memory_space<hbm>> -> memref<800xi32, #tpu.memory_space<hbm>>
      %dma_start3A_112 = arith.constant 0 : i32
      %dma_start3A_113 = tpu.memref_slice %arg9[%dma_start3A_112] : memref<1600xi32, #tpu.memory_space<vmem>> -> memref<800xi32, #tpu.memory_space<vmem>>
      %dma_start3A_114 = tpu.memref_slice %arg2[%mul3A_26] : memref<819200xi32, #tpu.memory_space<hbm>> -> memref<800xi32, #tpu.memory_space<hbm>>
      tpu.enqueue_dma source(%dma_start3A_114 : memref<800xi32, #tpu.memory_space<hbm>>) target(%dma_start3A_113 : memref<800xi32, #tpu.memory_space<vmem>>) target_semaphore(%run_scoped3A : memref<!tpu.dma_semaphore, #tpu.memory_space<semaphore_mem>>)
      %dma_wait3A_115 = arith.constant 0 : i32
      %dma_wait3A_116 = tpu.memref_slice %arg9[%dma_wait3A_115] : memref<1600xi32, #tpu.memory_space<vmem>> -> memref<800xi32, #tpu.memory_space<vmem>>
      %dma_wait3A_117 = tpu.memref_slice %arg2[%mul3A_26] : memref<819200xi32, #tpu.memory_space<hbm>> -> memref<800xi32, #tpu.memory_space<hbm>>
      %dma_wait3A_118 = arith.constant 0 : i32
      %dma_wait3A_119 = tpu.memref_slice %arg9[%dma_wait3A_118] : memref<1600xi32, #tpu.memory_space<vmem>> -> memref<800xi32, #tpu.memory_space<vmem>>
      %dma_wait3A_120 = tpu.memref_slice %arg2[%mul3A_26] : memref<819200xi32, #tpu.memory_space<hbm>> -> memref<800xi32, #tpu.memory_space<hbm>>
      tpu.wait_dma2 semaphore(%run_scoped3A : memref<!tpu.dma_semaphore, #tpu.memory_space<semaphore_mem>>) src(%dma_wait3A_120 : memref<800xi32, #tpu.memory_space<hbm>>) dst(%dma_wait3A_119 : memref<800xi32, #tpu.memory_space<vmem>>)
      tpu.yield
    }) : () -> ()
    %mul3A_27 = arith.constant 50 : i32
    %mul3A_28 = arith.muli %mul3A_2, %mul3A_27 : i32
    "tpu.region"() ({
      %run_scoped3A = tpu.sem_alloc : memref<!tpu.dma_semaphore, #tpu.memory_space<semaphore_mem>>
      %dma_start3A_109 = arith.constant 0 : i32
      %dma_start3A_110 = tpu.memref_slice %arg10[%dma_start3A_109] : memref<1600xi32, #tpu.memory_space<vmem>> -> memref<800xi32, #tpu.memory_space<vmem>>
      %dma_start3A_111 = tpu.memref_slice %arg4[%mul3A_28] : memref<819200xi32, #tpu.memory_space<hbm>> -> memref<800xi32, #tpu.memory_space<hbm>>
      %dma_start3A_112 = arith.constant 0 : i32
      %dma_start3A_113 = tpu.memref_slice %arg10[%dma_start3A_112] : memref<1600xi32, #tpu.memory_space<vmem>> -> memref<800xi32, #tpu.memory_space<vmem>>
      %dma_start3A_114 = tpu.memref_slice %arg4[%mul3A_28] : memref<819200xi32, #tpu.memory_space<hbm>> -> memref<800xi32, #tpu.memory_space<hbm>>
      tpu.enqueue_dma source(%dma_start3A_114 : memref<800xi32, #tpu.memory_space<hbm>>) target(%dma_start3A_113 : memref<800xi32, #tpu.memory_space<vmem>>) target_semaphore(%run_scoped3A : memref<!tpu.dma_semaphore, #tpu.memory_space<semaphore_mem>>)
      %dma_wait3A_115 = arith.constant 0 : i32
      %dma_wait3A_116 = tpu.memref_slice %arg10[%dma_wait3A_115] : memref<1600xi32, #tpu.memory_space<vmem>> -> memref<800xi32, #tpu.memory_space<vmem>>
      %dma_wait3A_117 = tpu.memref_slice %arg4[%mul3A_28] : memref<819200xi32, #tpu.memory_space<hbm>> -> memref<800xi32, #tpu.memory_space<hbm>>
      %dma_wait3A_118 = arith.constant 0 : i32
      %dma_wait3A_119 = tpu.memref_slice %arg10[%dma_wait3A_118] : memref<1600xi32, #tpu.memory_space<vmem>> -> memref<800xi32, #tpu.memory_space<vmem>>
      %dma_wait3A_120 = tpu.memref_slice %arg4[%mul3A_28] : memref<819200xi32, #tpu.memory_space<hbm>> -> memref<800xi32, #tpu.memory_space<hbm>>
      tpu.wait_dma2 semaphore(%run_scoped3A : memref<!tpu.dma_semaphore, #tpu.memory_space<semaphore_mem>>) src(%dma_wait3A_120 : memref<800xi32, #tpu.memory_space<hbm>>) dst(%dma_wait3A_119 : memref<800xi32, #tpu.memory_space<vmem>>)
      tpu.yield
    }) : () -> ()
    "tpu.region"() ({
      %run_scoped3A = tpu.sem_alloc : memref<!tpu.dma_semaphore, #tpu.memory_space<semaphore_mem>>
      %dma_start3A_109 = arith.constant 0 : i32
      %dma_start3A_110 = tpu.memref_slice %arg11[%dma_start3A_109] : memref<32xi32, #tpu.memory_space<vmem>> -> memref<16xi32, #tpu.memory_space<vmem>>
      %dma_start3A_111 = tpu.memref_slice %arg3[%mul3A_2] : memref<16384xi32, #tpu.memory_space<hbm>> -> memref<16xi32, #tpu.memory_space<hbm>>
      %dma_start3A_112 = arith.constant 0 : i32
      %dma_start3A_113 = tpu.memref_slice %arg11[%dma_start3A_112] : memref<32xi32, #tpu.memory_space<vmem>> -> memref<16xi32, #tpu.memory_space<vmem>>
      %dma_start3A_114 = tpu.memref_slice %arg3[%mul3A_2] : memref<16384xi32, #tpu.memory_space<hbm>> -> memref<16xi32, #tpu.memory_space<hbm>>
      tpu.enqueue_dma source(%dma_start3A_114 : memref<16xi32, #tpu.memory_space<hbm>>) target(%dma_start3A_113 : memref<16xi32, #tpu.memory_space<vmem>>) target_semaphore(%run_scoped3A : memref<!tpu.dma_semaphore, #tpu.memory_space<semaphore_mem>>)
      %dma_wait3A_115 = arith.constant 0 : i32
      %dma_wait3A_116 = tpu.memref_slice %arg11[%dma_wait3A_115] : memref<32xi32, #tpu.memory_space<vmem>> -> memref<16xi32, #tpu.memory_space<vmem>>
      %dma_wait3A_117 = tpu.memref_slice %arg3[%mul3A_2] : memref<16384xi32, #tpu.memory_space<hbm>> -> memref<16xi32, #tpu.memory_space<hbm>>
      %dma_wait3A_118 = arith.constant 0 : i32
      %dma_wait3A_119 = tpu.memref_slice %arg11[%dma_wait3A_118] : memref<32xi32, #tpu.memory_space<vmem>> -> memref<16xi32, #tpu.memory_space<vmem>>
      %dma_wait3A_120 = tpu.memref_slice %arg3[%mul3A_2] : memref<16384xi32, #tpu.memory_space<hbm>> -> memref<16xi32, #tpu.memory_space<hbm>>
      tpu.wait_dma2 semaphore(%run_scoped3A : memref<!tpu.dma_semaphore, #tpu.memory_space<semaphore_mem>>) src(%dma_wait3A_120 : memref<16xi32, #tpu.memory_space<hbm>>) dst(%dma_wait3A_119 : memref<16xi32, #tpu.memory_space<vmem>>)
      tpu.yield
    }) : () -> ()
    %dma_start3A = arith.constant 0 : i32
    %dma_start3A_29 = arith.constant 0 : i32
    %dma_start3A_30 = arith.constant 0 : i32
    %dma_start3A_31 = tpu.memref_slice %arg12[%dma_start3A, %dma_start3A_29, %dma_start3A_30] : memref<2x200x128xf32, #tpu.memory_space<vmem>> -> memref<1x200x128xf32, #tpu.memory_space<vmem>>
    %dma_start3A_32 = tpu.memref_squeeze %dma_start3A_31 : memref<1x200x128xf32, #tpu.memory_space<vmem>> -> memref<200x128xf32, #tpu.memory_space<vmem>>
    %dma_start3A_33 = arith.constant 0 : i32
    %dma_start3A_34 = tpu.memref_slice %arg9[%dma_start3A_33] : memref<1600xi32, #tpu.memory_space<vmem>> -> memref<200xi32, #tpu.memory_space<vmem>>
    %dma_start3A_35 = arith.constant 0 : i32
    %dma_start3A_36 = arith.constant 0 : i32
    %dma_start3A_37 = tpu.memref_slice %arg5[%dma_start3A_35, %dma_start3A_36] : memref<100000x128xf32, #tpu.memory_space<hbm>> -> memref<100000x128xf32, #tpu.memory_space<hbm>>
    tpu.enqueue_indirect_dma source(%dma_start3A_37 : memref<100000x128xf32, #tpu.memory_space<hbm>>) target(%dma_start3A_32 : memref<200x128xf32, #tpu.memory_space<vmem>>) offsets(%dma_start3A_34 : memref<200xi32, #tpu.memory_space<vmem>>) semaphore(%arg17 : memref<!tpu.dma_semaphore, #tpu.memory_space<semaphore_mem>>)
    %dma_start3A_38 = arith.constant 0 : i32
    %dma_start3A_39 = arith.constant 0 : i32
    %dma_start3A_40 = arith.constant 0 : i32
    %dma_start3A_41 = tpu.memref_slice %arg13[%dma_start3A_38, %dma_start3A_39, %dma_start3A_40] : memref<2x200x128xf32, #tpu.memory_space<vmem>> -> memref<1x200x128xf32, #tpu.memory_space<vmem>>
    %dma_start3A_42 = tpu.memref_squeeze %dma_start3A_41 : memref<1x200x128xf32, #tpu.memory_space<vmem>> -> memref<200x128xf32, #tpu.memory_space<vmem>>
    %dma_start3A_43 = arith.constant 0 : i32
    %dma_start3A_44 = tpu.memref_slice %arg10[%dma_start3A_43] : memref<1600xi32, #tpu.memory_space<vmem>> -> memref<200xi32, #tpu.memory_space<vmem>>
    %dma_start3A_45 = arith.constant 0 : i32
    %dma_start3A_46 = arith.constant 0 : i32
    %dma_start3A_47 = tpu.memref_slice %arg6[%dma_start3A_45, %dma_start3A_46] : memref<100000x128xf32, #tpu.memory_space<hbm>> -> memref<100000x128xf32, #tpu.memory_space<hbm>>
    tpu.enqueue_indirect_dma source(%dma_start3A_47 : memref<100000x128xf32, #tpu.memory_space<hbm>>) target(%dma_start3A_42 : memref<200x128xf32, #tpu.memory_space<vmem>>) offsets(%dma_start3A_44 : memref<200xi32, #tpu.memory_space<vmem>>) semaphore(%arg18 : memref<!tpu.dma_semaphore, #tpu.memory_space<semaphore_mem>>)
    %dma_start3A_48 = arith.constant 0 : i32
    %dma_start3A_49 = arith.constant 0 : i32
    %dma_start3A_50 = arith.constant 0 : i32
    %dma_start3A_51 = tpu.memref_slice %arg14[%dma_start3A_48, %dma_start3A_49, %dma_start3A_50] : memref<2x16x128xf32, #tpu.memory_space<vmem>> -> memref<1x16x128xf32, #tpu.memory_space<vmem>>
    %dma_start3A_52 = tpu.memref_squeeze %dma_start3A_51 : memref<1x16x128xf32, #tpu.memory_space<vmem>> -> memref<16x128xf32, #tpu.memory_space<vmem>>
    %dma_start3A_53 = arith.constant 0 : i32
    %dma_start3A_54 = tpu.memref_slice %arg11[%dma_start3A_53] : memref<32xi32, #tpu.memory_space<vmem>> -> memref<16xi32, #tpu.memory_space<vmem>>
    %dma_start3A_55 = arith.constant 0 : i32
    %dma_start3A_56 = arith.constant 0 : i32
    %dma_start3A_57 = tpu.memref_slice %arg6[%dma_start3A_55, %dma_start3A_56] : memref<100000x128xf32, #tpu.memory_space<hbm>> -> memref<100000x128xf32, #tpu.memory_space<hbm>>
    tpu.enqueue_indirect_dma source(%dma_start3A_57 : memref<100000x128xf32, #tpu.memory_space<hbm>>) target(%dma_start3A_52 : memref<16x128xf32, #tpu.memory_space<vmem>>) offsets(%dma_start3A_54 : memref<16xi32, #tpu.memory_space<vmem>>) semaphore(%arg19 : memref<!tpu.dma_semaphore, #tpu.memory_space<semaphore_mem>>)
    %broadcast_in_dim3A = arith.constant 0.000000e+00 : f32
    %broadcast_in_dim3A_58 = vector.broadcast %broadcast_in_dim3A : f32 to vector<16xf32>
    %scan3A = arith.constant 0 : i32
    %scan3A_59 = arith.constant 128 : i32
    %scan3A_60 = arith.addi %scan3A, %scan3A_59 : i32
    %scan3A_61 = arith.constant 1 : i32
    %scan3A_62 = scf.for %scan3A_109 = %scan3A to %scan3A_60 step %scan3A_61 iter_args(%scan3A_110 = %broadcast_in_dim3A_58) -> (vector<16xf32>)  : i32 {
      %jit3A = arith.constant 2 : i32
      %eq3A_111 = arith.constant 0 : i32
      %eq3A_112 = arith.cmpi eq, %jit3A, %eq3A_111 : i32
      %jit3A_113 = arith.constant 1 : i32
      %select_n3A = arith.select %eq3A_112, %jit3A_113, %jit3A : i32
      %rem3A = arith.remsi %scan3A_109, %select_n3A : i32
      %ne3A = arith.constant 0 : i32
      %ne3A_114 = arith.cmpi ne, %rem3A, %ne3A : i32
      %lt3A = arith.constant 0 : i32
      %lt3A_115 = arith.cmpi slt, %rem3A, %lt3A : i32
      %lt3A_116 = arith.constant 0 : i32
      %lt3A_117 = arith.cmpi slt, %select_n3A, %lt3A_116 : i32
      %ne3A_118 = arith.xori %lt3A_115, %lt3A_117 : i1
      %and3A_119 = arith.andi %ne3A_118, %ne3A_114 : i1
      %add3A_120 = arith.addi %rem3A, %select_n3A : i32
      %select_n3A_121 = arith.select %and3A_119, %add3A_120, %rem3A : i32
      %sub3A = arith.constant 1 : i32
      %sub3A_122 = arith.subi %sub3A, %select_n3A_121 : i32
      %jit3A_123 = arith.constant 4 : i32
      %div3A = arith.divsi %scan3A_109, %jit3A_123 : i32
      %sign3A = arith.constant 0 : i32
      %sign3A_124 = arith.cmpi sgt, %scan3A_109, %sign3A : i32
      %sign3A_125 = arith.extui %sign3A_124 : i1 to i32
      %sign3A_126 = arith.constant 0 : i32
      %sign3A_127 = arith.cmpi slt, %scan3A_109, %sign3A_126 : i32
      %sign3A_128 = arith.extui %sign3A_127 : i1 to i32
      %sign3A_129 = arith.subi %sign3A_125, %sign3A_128 : i32
      %sign3A_130 = arith.constant 0 : i32
      %sign3A_131 = arith.cmpi sgt, %jit3A_123, %sign3A_130 : i32
      %sign3A_132 = arith.extui %sign3A_131 : i1 to i32
      %sign3A_133 = arith.constant 0 : i32
      %sign3A_134 = arith.cmpi slt, %jit3A_123, %sign3A_133 : i32
      %sign3A_135 = arith.extui %sign3A_134 : i1 to i32
      %sign3A_136 = arith.subi %sign3A_132, %sign3A_135 : i32
      %ne3A_137 = arith.cmpi ne, %sign3A_129, %sign3A_136 : i32
      %rem3A_138 = arith.remsi %scan3A_109, %jit3A_123 : i32
      %ne3A_139 = arith.constant 0 : i32
      %ne3A_140 = arith.cmpi ne, %rem3A_138, %ne3A_139 : i32
      %and3A_141 = arith.andi %ne3A_137, %ne3A_140 : i1
      %sub3A_142 = arith.constant 1 : i32
      %sub3A_143 = arith.subi %div3A, %sub3A_142 : i32
      %select_n3A_144 = arith.select %and3A_141, %sub3A_143, %div3A : i32
      %jit3A_145 = arith.constant 4 : i32
      %eq3A_146 = arith.constant 0 : i32
      %eq3A_147 = arith.cmpi eq, %jit3A_145, %eq3A_146 : i32
      %jit3A_148 = arith.constant 1 : i32
      %select_n3A_149 = arith.select %eq3A_147, %jit3A_148, %jit3A_145 : i32
      %rem3A_150 = arith.remsi %scan3A_109, %select_n3A_149 : i32
      %ne3A_151 = arith.constant 0 : i32
      %ne3A_152 = arith.cmpi ne, %rem3A_150, %ne3A_151 : i32
      %lt3A_153 = arith.constant 0 : i32
      %lt3A_154 = arith.cmpi slt, %rem3A_150, %lt3A_153 : i32
      %lt3A_155 = arith.constant 0 : i32
      %lt3A_156 = arith.cmpi slt, %select_n3A_149, %lt3A_155 : i32
      %ne3A_157 = arith.xori %lt3A_154, %lt3A_156 : i1
      %and3A_158 = arith.andi %ne3A_157, %ne3A_152 : i1
      %add3A_159 = arith.addi %rem3A_150, %select_n3A_149 : i32
      %select_n3A_160 = arith.select %and3A_158, %add3A_159, %rem3A_150 : i32
      %jit3A_161 = arith.constant 2 : i32
      %eq3A_162 = arith.constant 0 : i32
      %eq3A_163 = arith.cmpi eq, %jit3A_161, %eq3A_162 : i32
      %jit3A_164 = arith.constant 1 : i32
      %select_n3A_165 = arith.select %eq3A_163, %jit3A_164, %jit3A_161 : i32
      %rem3A_166 = arith.remsi %select_n3A_144, %select_n3A_165 : i32
      %ne3A_167 = arith.constant 0 : i32
      %ne3A_168 = arith.cmpi ne, %rem3A_166, %ne3A_167 : i32
      %lt3A_169 = arith.constant 0 : i32
      %lt3A_170 = arith.cmpi slt, %rem3A_166, %lt3A_169 : i32
      %lt3A_171 = arith.constant 0 : i32
      %lt3A_172 = arith.cmpi slt, %select_n3A_165, %lt3A_171 : i32
      %ne3A_173 = arith.xori %lt3A_170, %lt3A_172 : i1
      %and3A_174 = arith.andi %ne3A_173, %ne3A_168 : i1
      %add3A_175 = arith.addi %rem3A_166, %select_n3A_165 : i32
      %select_n3A_176 = arith.select %and3A_174, %add3A_175, %rem3A_166 : i32
      %jit3A_177 = arith.constant 4 : i32
      %div3A_178 = arith.divsi %scan3A_109, %jit3A_177 : i32
      %sign3A_179 = arith.constant 0 : i32
      %sign3A_180 = arith.cmpi sgt, %scan3A_109, %sign3A_179 : i32
      %sign3A_181 = arith.extui %sign3A_180 : i1 to i32
      %sign3A_182 = arith.constant 0 : i32
      %sign3A_183 = arith.cmpi slt, %scan3A_109, %sign3A_182 : i32
      %sign3A_184 = arith.extui %sign3A_183 : i1 to i32
      %sign3A_185 = arith.subi %sign3A_181, %sign3A_184 : i32
      %sign3A_186 = arith.constant 0 : i32
      %sign3A_187 = arith.cmpi sgt, %jit3A_177, %sign3A_186 : i32
      %sign3A_188 = arith.extui %sign3A_187 : i1 to i32
      %sign3A_189 = arith.constant 0 : i32
      %sign3A_190 = arith.cmpi slt, %jit3A_177, %sign3A_189 : i32
      %sign3A_191 = arith.extui %sign3A_190 : i1 to i32
      %sign3A_192 = arith.subi %sign3A_188, %sign3A_191 : i32
      %ne3A_193 = arith.cmpi ne, %sign3A_185, %sign3A_192 : i32
      %rem3A_194 = arith.remsi %scan3A_109, %jit3A_177 : i32
      %ne3A_195 = arith.constant 0 : i32
      %ne3A_196 = arith.cmpi ne, %rem3A_194, %ne3A_195 : i32
      %and3A_197 = arith.andi %ne3A_193, %ne3A_196 : i1
      %sub3A_198 = arith.constant 1 : i32
      %sub3A_199 = arith.subi %div3A_178, %sub3A_198 : i32
      %select_n3A_200 = arith.select %and3A_197, %sub3A_199, %div3A_178 : i32
      %jit3A_201 = arith.constant 4 : i32
      %eq3A_202 = arith.constant 0 : i32
      %eq3A_203 = arith.cmpi eq, %jit3A_201, %eq3A_202 : i32
      %jit3A_204 = arith.constant 1 : i32
      %select_n3A_205 = arith.select %eq3A_203, %jit3A_204, %jit3A_201 : i32
      %rem3A_206 = arith.remsi %scan3A_109, %select_n3A_205 : i32
      %ne3A_207 = arith.constant 0 : i32
      %ne3A_208 = arith.cmpi ne, %rem3A_206, %ne3A_207 : i32
      %lt3A_209 = arith.constant 0 : i32
      %lt3A_210 = arith.cmpi slt, %rem3A_206, %lt3A_209 : i32
      %lt3A_211 = arith.constant 0 : i32
      %lt3A_212 = arith.cmpi slt, %select_n3A_205, %lt3A_211 : i32
      %ne3A_213 = arith.xori %lt3A_210, %lt3A_212 : i1
      %and3A_214 = arith.andi %ne3A_213, %ne3A_208 : i1
      %add3A_215 = arith.addi %rem3A_206, %select_n3A_205 : i32
      %select_n3A_216 = arith.select %and3A_214, %add3A_215, %rem3A_206 : i32
      %add3A_217 = arith.constant 1 : i32
      %add3A_218 = arith.addi %scan3A_109, %add3A_217 : i32
      %lt3A_219 = arith.constant 128 : i32
      %lt3A_220 = arith.cmpi slt, %add3A_218, %lt3A_219 : i32
      %convert_element_type3A = arith.extui %lt3A_220 : i1 to i32
      %cond3A = arith.constant 0 : i32
      %cond3A_221 = arith.cmpi ne, %convert_element_type3A, %cond3A : i32
      scf.if %cond3A_221 {
        %eq3A_373 = arith.constant 3 : i32
        %eq3A_374 = arith.cmpi eq, %select_n3A_216, %eq3A_373 : i32
        %convert_element_type3A_375 = arith.extui %eq3A_374 : i1 to i32
        %cond3A_376 = arith.constant 0 : i32
        %cond3A_377 = arith.cmpi ne, %convert_element_type3A_375, %cond3A_376 : i32
        scf.if %cond3A_377 {
          %add3A_473 = arith.constant 1 : i32
          %add3A_474 = arith.addi %select_n3A_200, %add3A_473 : i32
          %mul3A_475 = arith.constant 4 : i32
          %mul3A_476 = arith.muli %add3A_474, %mul3A_475 : i32
          %mul3A_477 = arith.constant 4 : i32
          %mul3A_478 = arith.muli %mul3A_476, %mul3A_477 : i32
          %add3A_479 = arith.addi %mul3A_2, %mul3A_478 : i32
          %jit3A_480 = arith.constant 2 : i32
          %eq3A_481 = arith.constant 0 : i32
          %eq3A_482 = arith.cmpi eq, %jit3A_480, %eq3A_481 : i32
          %jit3A_483 = arith.constant 1 : i32
          %select_n3A_484 = arith.select %eq3A_482, %jit3A_483, %jit3A_480 : i32
          %rem3A_485 = arith.remsi %add3A_474, %select_n3A_484 : i32
          %ne3A_486 = arith.constant 0 : i32
          %ne3A_487 = arith.cmpi ne, %rem3A_485, %ne3A_486 : i32
          %lt3A_488 = arith.constant 0 : i32
          %lt3A_489 = arith.cmpi slt, %rem3A_485, %lt3A_488 : i32
          %lt3A_490 = arith.constant 0 : i32
          %lt3A_491 = arith.cmpi slt, %select_n3A_484, %lt3A_490 : i32
          %ne3A_492 = arith.xori %lt3A_489, %lt3A_491 : i1
          %and3A_493 = arith.andi %ne3A_492, %ne3A_487 : i1
          %add3A_494 = arith.addi %rem3A_485, %select_n3A_484 : i32
          %select_n3A_495 = arith.select %and3A_493, %add3A_494, %rem3A_485 : i32
          %mul3A_496 = arith.constant 50 : i32
          %mul3A_497 = arith.muli %add3A_479, %mul3A_496 : i32
          %mul3A_498 = arith.constant 800 : i32
          %mul3A_499 = arith.muli %select_n3A_495, %mul3A_498 : i32
          %mul3A_500 = arith.constant 50 : i32
          %mul3A_501 = arith.muli %add3A_479, %mul3A_500 : i32
          %mul3A_502 = arith.constant 800 : i32
          %mul3A_503 = arith.muli %select_n3A_495, %mul3A_502 : i32
          %dma_wait3A_504 = tpu.memref_slice %arg9[%mul3A_499] : memref<1600xi32, #tpu.memory_space<vmem>> -> memref<800xi32, #tpu.memory_space<vmem>>
          %dma_wait3A_505 = tpu.memref_slice %arg2[%mul3A_497] : memref<819200xi32, #tpu.memory_space<hbm>> -> memref<800xi32, #tpu.memory_space<hbm>>
          %dma_wait3A_506 = tpu.memref_slice %arg9[%mul3A_499] : memref<1600xi32, #tpu.memory_space<vmem>> -> memref<800xi32, #tpu.memory_space<vmem>>
          %dma_wait3A_507 = tpu.memref_slice %arg2[%mul3A_497] : memref<819200xi32, #tpu.memory_space<hbm>> -> memref<800xi32, #tpu.memory_space<hbm>>
          tpu.wait_dma2 semaphore(%arg20 : memref<!tpu.dma_semaphore, #tpu.memory_space<semaphore_mem>>) src(%dma_wait3A_507 : memref<800xi32, #tpu.memory_space<hbm>>) dst(%dma_wait3A_506 : memref<800xi32, #tpu.memory_space<vmem>>)
          %dma_wait3A_508 = tpu.memref_slice %arg10[%mul3A_503] : memref<1600xi32, #tpu.memory_space<vmem>> -> memref<800xi32, #tpu.memory_space<vmem>>
          %dma_wait3A_509 = tpu.memref_slice %arg4[%mul3A_501] : memref<819200xi32, #tpu.memory_space<hbm>> -> memref<800xi32, #tpu.memory_space<hbm>>
          %dma_wait3A_510 = tpu.memref_slice %arg10[%mul3A_503] : memref<1600xi32, #tpu.memory_space<vmem>> -> memref<800xi32, #tpu.memory_space<vmem>>
          %dma_wait3A_511 = tpu.memref_slice %arg4[%mul3A_501] : memref<819200xi32, #tpu.memory_space<hbm>> -> memref<800xi32, #tpu.memory_space<hbm>>
          tpu.wait_dma2 semaphore(%arg20 : memref<!tpu.dma_semaphore, #tpu.memory_space<semaphore_mem>>) src(%dma_wait3A_511 : memref<800xi32, #tpu.memory_space<hbm>>) dst(%dma_wait3A_510 : memref<800xi32, #tpu.memory_space<vmem>>)
        } else {
        }
        %add3A_378 = arith.constant 1 : i32
        %add3A_379 = arith.addi %scan3A_109, %add3A_378 : i32
        %jit3A_380 = arith.constant 2 : i32
        %eq3A_381 = arith.constant 0 : i32
        %eq3A_382 = arith.cmpi eq, %jit3A_380, %eq3A_381 : i32
        %jit3A_383 = arith.constant 1 : i32
        %select_n3A_384 = arith.select %eq3A_382, %jit3A_383, %jit3A_380 : i32
        %rem3A_385 = arith.remsi %add3A_379, %select_n3A_384 : i32
        %ne3A_386 = arith.constant 0 : i32
        %ne3A_387 = arith.cmpi ne, %rem3A_385, %ne3A_386 : i32
        %lt3A_388 = arith.constant 0 : i32
        %lt3A_389 = arith.cmpi slt, %rem3A_385, %lt3A_388 : i32
        %lt3A_390 = arith.constant 0 : i32
        %lt3A_391 = arith.cmpi slt, %select_n3A_384, %lt3A_390 : i32
        %ne3A_392 = arith.xori %lt3A_389, %lt3A_391 : i1
        %and3A_393 = arith.andi %ne3A_392, %ne3A_387 : i1
        %add3A_394 = arith.addi %rem3A_385, %select_n3A_384 : i32
        %select_n3A_395 = arith.select %and3A_393, %add3A_394, %rem3A_385 : i32
        %jit3A_396 = arith.constant 4 : i32
        %div3A_397 = arith.divsi %add3A_379, %jit3A_396 : i32
        %sign3A_398 = arith.constant 0 : i32
        %sign3A_399 = arith.cmpi sgt, %add3A_379, %sign3A_398 : i32
        %sign3A_400 = arith.extui %sign3A_399 : i1 to i32
        %sign3A_401 = arith.constant 0 : i32
        %sign3A_402 = arith.cmpi slt, %add3A_379, %sign3A_401 : i32
        %sign3A_403 = arith.extui %sign3A_402 : i1 to i32
        %sign3A_404 = arith.subi %sign3A_400, %sign3A_403 : i32
        %sign3A_405 = arith.constant 0 : i32
        %sign3A_406 = arith.cmpi sgt, %jit3A_396, %sign3A_405 : i32
        %sign3A_407 = arith.extui %sign3A_406 : i1 to i32
        %sign3A_408 = arith.constant 0 : i32
        %sign3A_409 = arith.cmpi slt, %jit3A_396, %sign3A_408 : i32
        %sign3A_410 = arith.extui %sign3A_409 : i1 to i32
        %sign3A_411 = arith.subi %sign3A_407, %sign3A_410 : i32
        %ne3A_412 = arith.cmpi ne, %sign3A_404, %sign3A_411 : i32
        %rem3A_413 = arith.remsi %add3A_379, %jit3A_396 : i32
        %ne3A_414 = arith.constant 0 : i32
        %ne3A_415 = arith.cmpi ne, %rem3A_413, %ne3A_414 : i32
        %and3A_416 = arith.andi %ne3A_412, %ne3A_415 : i1
        %sub3A_417 = arith.constant 1 : i32
        %sub3A_418 = arith.subi %div3A_397, %sub3A_417 : i32
        %select_n3A_419 = arith.select %and3A_416, %sub3A_418, %div3A_397 : i32
        %jit3A_420 = arith.constant 2 : i32
        %eq3A_421 = arith.constant 0 : i32
        %eq3A_422 = arith.cmpi eq, %jit3A_420, %eq3A_421 : i32
        %jit3A_423 = arith.constant 1 : i32
        %select_n3A_424 = arith.select %eq3A_422, %jit3A_423, %jit3A_420 : i32
        %rem3A_425 = arith.remsi %select_n3A_419, %select_n3A_424 : i32
        %ne3A_426 = arith.constant 0 : i32
        %ne3A_427 = arith.cmpi ne, %rem3A_425, %ne3A_426 : i32
        %lt3A_428 = arith.constant 0 : i32
        %lt3A_429 = arith.cmpi slt, %rem3A_425, %lt3A_428 : i32
        %lt3A_430 = arith.constant 0 : i32
        %lt3A_431 = arith.cmpi slt, %select_n3A_424, %lt3A_430 : i32
        %ne3A_432 = arith.xori %lt3A_429, %lt3A_431 : i1
        %and3A_433 = arith.andi %ne3A_432, %ne3A_427 : i1
        %add3A_434 = arith.addi %rem3A_425, %select_n3A_424 : i32
        %select_n3A_435 = arith.select %and3A_433, %add3A_434, %rem3A_425 : i32
        %mul3A_436 = arith.constant 800 : i32
        %mul3A_437 = arith.muli %select_n3A_435, %mul3A_436 : i32
        %jit3A_438 = arith.constant 4 : i32
        %eq3A_439 = arith.constant 0 : i32
        %eq3A_440 = arith.cmpi eq, %jit3A_438, %eq3A_439 : i32
        %jit3A_441 = arith.constant 1 : i32
        %select_n3A_442 = arith.select %eq3A_440, %jit3A_441, %jit3A_438 : i32
        %rem3A_443 = arith.remsi %add3A_379, %select_n3A_442 : i32
        %ne3A_444 = arith.constant 0 : i32
        %ne3A_445 = arith.cmpi ne, %rem3A_443, %ne3A_444 : i32
        %lt3A_446 = arith.constant 0 : i32
        %lt3A_447 = arith.cmpi slt, %rem3A_443, %lt3A_446 : i32
        %lt3A_448 = arith.constant 0 : i32
        %lt3A_449 = arith.cmpi slt, %select_n3A_442, %lt3A_448 : i32
        %ne3A_450 = arith.xori %lt3A_447, %lt3A_449 : i1
        %and3A_451 = arith.andi %ne3A_450, %ne3A_445 : i1
        %add3A_452 = arith.addi %rem3A_443, %select_n3A_442 : i32
        %select_n3A_453 = arith.select %and3A_451, %add3A_452, %rem3A_443 : i32
        %mul3A_454 = arith.constant 200 : i32
        %mul3A_455 = arith.muli %select_n3A_453, %mul3A_454 : i32
        %add3A_456 = arith.addi %mul3A_437, %mul3A_455 : i32
        %dma_start3A_457 = arith.constant 0 : i32
        %dma_start3A_458 = arith.constant 0 : i32
        %dma_start3A_459 = tpu.memref_slice %arg12[%select_n3A_395, %dma_start3A_457, %dma_start3A_458] : memref<2x200x128xf32, #tpu.memory_space<vmem>> -> memref<1x200x128xf32, #tpu.memory_space<vmem>>
        %dma_start3A_460 = tpu.memref_squeeze %dma_start3A_459 : memref<1x200x128xf32, #tpu.memory_space<vmem>> -> memref<200x128xf32, #tpu.memory_space<vmem>>
        %dma_start3A_461 = tpu.memref_slice %arg9[%add3A_456] : memref<1600xi32, #tpu.memory_space<vmem>> -> memref<200xi32, #tpu.memory_space<vmem>>
        %dma_start3A_462 = arith.constant 0 : i32
        %dma_start3A_463 = arith.constant 0 : i32
        %dma_start3A_464 = tpu.memref_slice %arg5[%dma_start3A_462, %dma_start3A_463] : memref<100000x128xf32, #tpu.memory_space<hbm>> -> memref<100000x128xf32, #tpu.memory_space<hbm>>
        tpu.enqueue_indirect_dma source(%dma_start3A_464 : memref<100000x128xf32, #tpu.memory_space<hbm>>) target(%dma_start3A_460 : memref<200x128xf32, #tpu.memory_space<vmem>>) offsets(%dma_start3A_461 : memref<200xi32, #tpu.memory_space<vmem>>) semaphore(%arg17 : memref<!tpu.dma_semaphore, #tpu.memory_space<semaphore_mem>>)
        %dma_start3A_465 = arith.constant 0 : i32
        %dma_start3A_466 = arith.constant 0 : i32
        %dma_start3A_467 = tpu.memref_slice %arg13[%select_n3A_395, %dma_start3A_465, %dma_start3A_466] : memref<2x200x128xf32, #tpu.memory_space<vmem>> -> memref<1x200x128xf32, #tpu.memory_space<vmem>>
        %dma_start3A_468 = tpu.memref_squeeze %dma_start3A_467 : memref<1x200x128xf32, #tpu.memory_space<vmem>> -> memref<200x128xf32, #tpu.memory_space<vmem>>
        %dma_start3A_469 = tpu.memref_slice %arg10[%add3A_456] : memref<1600xi32, #tpu.memory_space<vmem>> -> memref<200xi32, #tpu.memory_space<vmem>>
        %dma_start3A_470 = arith.constant 0 : i32
        %dma_start3A_471 = arith.constant 0 : i32
        %dma_start3A_472 = tpu.memref_slice %arg6[%dma_start3A_470, %dma_start3A_471] : memref<100000x128xf32, #tpu.memory_space<hbm>> -> memref<100000x128xf32, #tpu.memory_space<hbm>>
        tpu.enqueue_indirect_dma source(%dma_start3A_472 : memref<100000x128xf32, #tpu.memory_space<hbm>>) target(%dma_start3A_468 : memref<200x128xf32, #tpu.memory_space<vmem>>) offsets(%dma_start3A_469 : memref<200xi32, #tpu.memory_space<vmem>>) semaphore(%arg18 : memref<!tpu.dma_semaphore, #tpu.memory_space<semaphore_mem>>)
      } else {
      }
      %eq3A_222 = arith.constant 3 : i32
      %eq3A_223 = arith.cmpi eq, %select_n3A_160, %eq3A_222 : i32
      %add3A_224 = arith.constant 1 : i32
      %add3A_225 = arith.addi %select_n3A_144, %add3A_224 : i32
      %lt3A_226 = arith.constant 32 : i32
      %lt3A_227 = arith.cmpi slt, %add3A_225, %lt3A_226 : i32
      %and3A_228 = arith.andi %eq3A_223, %lt3A_227 : i1
      %convert_element_type3A_229 = arith.extui %and3A_228 : i1 to i32
      %cond3A_230 = arith.constant 0 : i32
      %cond3A_231 = arith.cmpi ne, %convert_element_type3A_229, %cond3A_230 : i32
      scf.if %cond3A_231 {
        %sub3A_373 = arith.constant 1 : i32
        %sub3A_374 = arith.subi %sub3A_373, %select_n3A_176 : i32
        %mul3A_375 = arith.constant 16 : i32
        %mul3A_376 = arith.muli %sub3A_374, %mul3A_375 : i32
        %dma_start3A_377 = arith.constant 0 : i32
        %dma_start3A_378 = arith.constant 0 : i32
        %dma_start3A_379 = tpu.memref_slice %arg14[%sub3A_374, %dma_start3A_377, %dma_start3A_378] : memref<2x16x128xf32, #tpu.memory_space<vmem>> -> memref<1x16x128xf32, #tpu.memory_space<vmem>>
        %dma_start3A_380 = tpu.memref_squeeze %dma_start3A_379 : memref<1x16x128xf32, #tpu.memory_space<vmem>> -> memref<16x128xf32, #tpu.memory_space<vmem>>
        %dma_start3A_381 = tpu.memref_slice %arg11[%mul3A_376] : memref<32xi32, #tpu.memory_space<vmem>> -> memref<16xi32, #tpu.memory_space<vmem>>
        %dma_start3A_382 = arith.constant 0 : i32
        %dma_start3A_383 = arith.constant 0 : i32
        %dma_start3A_384 = tpu.memref_slice %arg6[%dma_start3A_382, %dma_start3A_383] : memref<100000x128xf32, #tpu.memory_space<hbm>> -> memref<100000x128xf32, #tpu.memory_space<hbm>>
        tpu.enqueue_indirect_dma source(%dma_start3A_384 : memref<100000x128xf32, #tpu.memory_space<hbm>>) target(%dma_start3A_380 : memref<16x128xf32, #tpu.memory_space<vmem>>) offsets(%dma_start3A_381 : memref<16xi32, #tpu.memory_space<vmem>>) semaphore(%arg19 : memref<!tpu.dma_semaphore, #tpu.memory_space<semaphore_mem>>)
      } else {
      }
      %jit3A_232 = arith.constant 2 : i32
      %eq3A_233 = arith.constant 0 : i32
      %eq3A_234 = arith.cmpi eq, %jit3A_232, %eq3A_233 : i32
      %jit3A_235 = arith.constant 1 : i32
      %select_n3A_236 = arith.select %eq3A_234, %jit3A_235, %jit3A_232 : i32
      %rem3A_237 = arith.remsi %scan3A_109, %select_n3A_236 : i32
      %ne3A_238 = arith.constant 0 : i32
      %ne3A_239 = arith.cmpi ne, %rem3A_237, %ne3A_238 : i32
      %lt3A_240 = arith.constant 0 : i32
      %lt3A_241 = arith.cmpi slt, %rem3A_237, %lt3A_240 : i32
      %lt3A_242 = arith.constant 0 : i32
      %lt3A_243 = arith.cmpi slt, %select_n3A_236, %lt3A_242 : i32
      %ne3A_244 = arith.xori %lt3A_241, %lt3A_243 : i1
      %and3A_245 = arith.andi %ne3A_244, %ne3A_239 : i1
      %add3A_246 = arith.addi %rem3A_237, %select_n3A_236 : i32
      %select_n3A_247 = arith.select %and3A_245, %add3A_246, %rem3A_237 : i32
      %jit3A_248 = arith.constant 4 : i32
      %div3A_249 = arith.divsi %scan3A_109, %jit3A_248 : i32
      %sign3A_250 = arith.constant 0 : i32
      %sign3A_251 = arith.cmpi sgt, %scan3A_109, %sign3A_250 : i32
      %sign3A_252 = arith.extui %sign3A_251 : i1 to i32
      %sign3A_253 = arith.constant 0 : i32
      %sign3A_254 = arith.cmpi slt, %scan3A_109, %sign3A_253 : i32
      %sign3A_255 = arith.extui %sign3A_254 : i1 to i32
      %sign3A_256 = arith.subi %sign3A_252, %sign3A_255 : i32
      %sign3A_257 = arith.constant 0 : i32
      %sign3A_258 = arith.cmpi sgt, %jit3A_248, %sign3A_257 : i32
      %sign3A_259 = arith.extui %sign3A_258 : i1 to i32
      %sign3A_260 = arith.constant 0 : i32
      %sign3A_261 = arith.cmpi slt, %jit3A_248, %sign3A_260 : i32
      %sign3A_262 = arith.extui %sign3A_261 : i1 to i32
      %sign3A_263 = arith.subi %sign3A_259, %sign3A_262 : i32
      %ne3A_264 = arith.cmpi ne, %sign3A_256, %sign3A_263 : i32
      %rem3A_265 = arith.remsi %scan3A_109, %jit3A_248 : i32
      %ne3A_266 = arith.constant 0 : i32
      %ne3A_267 = arith.cmpi ne, %rem3A_265, %ne3A_266 : i32
      %and3A_268 = arith.andi %ne3A_264, %ne3A_267 : i1
      %sub3A_269 = arith.constant 1 : i32
      %sub3A_270 = arith.subi %div3A_249, %sub3A_269 : i32
      %select_n3A_271 = arith.select %and3A_268, %sub3A_270, %div3A_249 : i32
      %jit3A_272 = arith.constant 2 : i32
      %eq3A_273 = arith.constant 0 : i32
      %eq3A_274 = arith.cmpi eq, %jit3A_272, %eq3A_273 : i32
      %jit3A_275 = arith.constant 1 : i32
      %select_n3A_276 = arith.select %eq3A_274, %jit3A_275, %jit3A_272 : i32
      %rem3A_277 = arith.remsi %select_n3A_271, %select_n3A_276 : i32
      %ne3A_278 = arith.constant 0 : i32
      %ne3A_279 = arith.cmpi ne, %rem3A_277, %ne3A_278 : i32
      %lt3A_280 = arith.constant 0 : i32
      %lt3A_281 = arith.cmpi slt, %rem3A_277, %lt3A_280 : i32
      %lt3A_282 = arith.constant 0 : i32
      %lt3A_283 = arith.cmpi slt, %select_n3A_276, %lt3A_282 : i32
      %ne3A_284 = arith.xori %lt3A_281, %lt3A_283 : i1
      %and3A_285 = arith.andi %ne3A_284, %ne3A_279 : i1
      %add3A_286 = arith.addi %rem3A_277, %select_n3A_276 : i32
      %select_n3A_287 = arith.select %and3A_285, %add3A_286, %rem3A_277 : i32
      %mul3A_288 = arith.constant 800 : i32
      %mul3A_289 = arith.muli %select_n3A_287, %mul3A_288 : i32
      %jit3A_290 = arith.constant 4 : i32
      %eq3A_291 = arith.constant 0 : i32
      %eq3A_292 = arith.cmpi eq, %jit3A_290, %eq3A_291 : i32
      %jit3A_293 = arith.constant 1 : i32
      %select_n3A_294 = arith.select %eq3A_292, %jit3A_293, %jit3A_290 : i32
      %rem3A_295 = arith.remsi %scan3A_109, %select_n3A_294 : i32
      %ne3A_296 = arith.constant 0 : i32
      %ne3A_297 = arith.cmpi ne, %rem3A_295, %ne3A_296 : i32
      %lt3A_298 = arith.constant 0 : i32
      %lt3A_299 = arith.cmpi slt, %rem3A_295, %lt3A_298 : i32
      %lt3A_300 = arith.constant 0 : i32
      %lt3A_301 = arith.cmpi slt, %select_n3A_294, %lt3A_300 : i32
      %ne3A_302 = arith.xori %lt3A_299, %lt3A_301 : i1
      %and3A_303 = arith.andi %ne3A_302, %ne3A_297 : i1
      %add3A_304 = arith.addi %rem3A_295, %select_n3A_294 : i32
      %select_n3A_305 = arith.select %and3A_303, %add3A_304, %rem3A_295 : i32
      %mul3A_306 = arith.constant 200 : i32
      %mul3A_307 = arith.muli %select_n3A_305, %mul3A_306 : i32
      %add3A_308 = arith.addi %mul3A_289, %mul3A_307 : i32
      %dma_wait3A_309 = arith.constant 0 : i32
      %dma_wait3A_310 = arith.constant 0 : i32
      %dma_wait3A_311 = tpu.memref_slice %arg12[%select_n3A_247, %dma_wait3A_309, %dma_wait3A_310] : memref<2x200x128xf32, #tpu.memory_space<vmem>> -> memref<1x200x128xf32, #tpu.memory_space<vmem>>
      %dma_wait3A_312 = tpu.memref_squeeze %dma_wait3A_311 : memref<1x200x128xf32, #tpu.memory_space<vmem>> -> memref<200x128xf32, #tpu.memory_space<vmem>>
      %dma_wait3A_313 = tpu.memref_slice %arg9[%add3A_308] : memref<1600xi32, #tpu.memory_space<vmem>> -> memref<200xi32, #tpu.memory_space<vmem>>
      %dma_wait3A_314 = arith.constant 0 : i32
      %dma_wait3A_315 = arith.constant 0 : i32
      %dma_wait3A_316 = tpu.memref_slice %arg5[%dma_wait3A_314, %dma_wait3A_315] : memref<100000x128xf32, #tpu.memory_space<hbm>> -> memref<100000x128xf32, #tpu.memory_space<hbm>>
      tpu.wait_indirect_dma semaphore(%arg17 : memref<!tpu.dma_semaphore, #tpu.memory_space<semaphore_mem>>) src(%dma_wait3A_316 : memref<100000x128xf32, #tpu.memory_space<hbm>>) dst(%dma_wait3A_312 : memref<200x128xf32, #tpu.memory_space<vmem>>)
      %dma_wait3A_317 = arith.constant 0 : i32
      %dma_wait3A_318 = arith.constant 0 : i32
      %dma_wait3A_319 = tpu.memref_slice %arg13[%select_n3A_247, %dma_wait3A_317, %dma_wait3A_318] : memref<2x200x128xf32, #tpu.memory_space<vmem>> -> memref<1x200x128xf32, #tpu.memory_space<vmem>>
      %dma_wait3A_320 = tpu.memref_squeeze %dma_wait3A_319 : memref<1x200x128xf32, #tpu.memory_space<vmem>> -> memref<200x128xf32, #tpu.memory_space<vmem>>
      %dma_wait3A_321 = tpu.memref_slice %arg10[%add3A_308] : memref<1600xi32, #tpu.memory_space<vmem>> -> memref<200xi32, #tpu.memory_space<vmem>>
      %dma_wait3A_322 = arith.constant 0 : i32
      %dma_wait3A_323 = arith.constant 0 : i32
      %dma_wait3A_324 = tpu.memref_slice %arg6[%dma_wait3A_322, %dma_wait3A_323] : memref<100000x128xf32, #tpu.memory_space<hbm>> -> memref<100000x128xf32, #tpu.memory_space<hbm>>
      tpu.wait_indirect_dma semaphore(%arg18 : memref<!tpu.dma_semaphore, #tpu.memory_space<semaphore_mem>>) src(%dma_wait3A_324 : memref<100000x128xf32, #tpu.memory_space<hbm>>) dst(%dma_wait3A_320 : memref<200x128xf32, #tpu.memory_space<vmem>>)
      %eq3A_325 = arith.constant 0 : i32
      %eq3A_326 = arith.cmpi eq, %select_n3A_160, %eq3A_325 : i32
      %convert_element_type3A_327 = arith.extui %eq3A_326 : i1 to i32
      %cond3A_328 = arith.constant 0 : i32
      %cond3A_329 = arith.cmpi ne, %convert_element_type3A_327, %cond3A_328 : i32
      scf.if %cond3A_329 {
        %mul3A_373 = arith.constant 16 : i32
        %mul3A_374 = arith.muli %select_n3A_176, %mul3A_373 : i32
        %dma_wait3A_375 = arith.constant 0 : i32
        %dma_wait3A_376 = arith.constant 0 : i32
        %dma_wait3A_377 = tpu.memref_slice %arg14[%select_n3A_176, %dma_wait3A_375, %dma_wait3A_376] : memref<2x16x128xf32, #tpu.memory_space<vmem>> -> memref<1x16x128xf32, #tpu.memory_space<vmem>>
        %dma_wait3A_378 = tpu.memref_squeeze %dma_wait3A_377 : memref<1x16x128xf32, #tpu.memory_space<vmem>> -> memref<16x128xf32, #tpu.memory_space<vmem>>
        %dma_wait3A_379 = tpu.memref_slice %arg11[%mul3A_374] : memref<32xi32, #tpu.memory_space<vmem>> -> memref<16xi32, #tpu.memory_space<vmem>>
        %dma_wait3A_380 = arith.constant 0 : i32
        %dma_wait3A_381 = arith.constant 0 : i32
        %dma_wait3A_382 = tpu.memref_slice %arg6[%dma_wait3A_380, %dma_wait3A_381] : memref<100000x128xf32, #tpu.memory_space<hbm>> -> memref<100000x128xf32, #tpu.memory_space<hbm>>
        tpu.wait_indirect_dma semaphore(%arg19 : memref<!tpu.dma_semaphore, #tpu.memory_space<semaphore_mem>>) src(%dma_wait3A_382 : memref<100000x128xf32, #tpu.memory_space<hbm>>) dst(%dma_wait3A_378 : memref<16x128xf32, #tpu.memory_space<vmem>>)
      } else {
      }
      %eq3A_330 = arith.constant 0 : i32
      %eq3A_331 = arith.cmpi eq, %select_n3A_216, %eq3A_330 : i32
      %add3A_332 = arith.constant 1 : i32
      %add3A_333 = arith.addi %select_n3A_200, %add3A_332 : i32
      %lt3A_334 = arith.constant 32 : i32
      %lt3A_335 = arith.cmpi slt, %add3A_333, %lt3A_334 : i32
      %and3A_336 = arith.andi %eq3A_331, %lt3A_335 : i1
      %convert_element_type3A_337 = arith.extui %and3A_336 : i1 to i32
      %cond3A_338 = arith.constant 0 : i32
      %cond3A_339 = arith.cmpi ne, %convert_element_type3A_337, %cond3A_338 : i32
      scf.if %cond3A_339 {
        %add3A_373 = arith.constant 1 : i32
        %add3A_374 = arith.addi %select_n3A_200, %add3A_373 : i32
        %mul3A_375 = arith.constant 4 : i32
        %mul3A_376 = arith.muli %add3A_374, %mul3A_375 : i32
        %mul3A_377 = arith.constant 4 : i32
        %mul3A_378 = arith.muli %mul3A_376, %mul3A_377 : i32
        %add3A_379 = arith.addi %mul3A_2, %mul3A_378 : i32
        %jit3A_380 = arith.constant 2 : i32
        %eq3A_381 = arith.constant 0 : i32
        %eq3A_382 = arith.cmpi eq, %jit3A_380, %eq3A_381 : i32
        %jit3A_383 = arith.constant 1 : i32
        %select_n3A_384 = arith.select %eq3A_382, %jit3A_383, %jit3A_380 : i32
        %rem3A_385 = arith.remsi %add3A_374, %select_n3A_384 : i32
        %ne3A_386 = arith.constant 0 : i32
        %ne3A_387 = arith.cmpi ne, %rem3A_385, %ne3A_386 : i32
        %lt3A_388 = arith.constant 0 : i32
        %lt3A_389 = arith.cmpi slt, %rem3A_385, %lt3A_388 : i32
        %lt3A_390 = arith.constant 0 : i32
        %lt3A_391 = arith.cmpi slt, %select_n3A_384, %lt3A_390 : i32
        %ne3A_392 = arith.xori %lt3A_389, %lt3A_391 : i1
        %and3A_393 = arith.andi %ne3A_392, %ne3A_387 : i1
        %add3A_394 = arith.addi %rem3A_385, %select_n3A_384 : i32
        %select_n3A_395 = arith.select %and3A_393, %add3A_394, %rem3A_385 : i32
        %mul3A_396 = arith.constant 50 : i32
        %mul3A_397 = arith.muli %add3A_379, %mul3A_396 : i32
        %mul3A_398 = arith.constant 800 : i32
        %mul3A_399 = arith.muli %select_n3A_395, %mul3A_398 : i32
        %mul3A_400 = arith.constant 50 : i32
        %mul3A_401 = arith.muli %add3A_379, %mul3A_400 : i32
        %mul3A_402 = arith.constant 800 : i32
        %mul3A_403 = arith.muli %select_n3A_395, %mul3A_402 : i32
        %dma_start3A_404 = tpu.memref_slice %arg9[%mul3A_399] : memref<1600xi32, #tpu.memory_space<vmem>> -> memref<800xi32, #tpu.memory_space<vmem>>
        %dma_start3A_405 = tpu.memref_slice %arg2[%mul3A_397] : memref<819200xi32, #tpu.memory_space<hbm>> -> memref<800xi32, #tpu.memory_space<hbm>>
        %dma_start3A_406 = tpu.memref_slice %arg9[%mul3A_399] : memref<1600xi32, #tpu.memory_space<vmem>> -> memref<800xi32, #tpu.memory_space<vmem>>
        %dma_start3A_407 = tpu.memref_slice %arg2[%mul3A_397] : memref<819200xi32, #tpu.memory_space<hbm>> -> memref<800xi32, #tpu.memory_space<hbm>>
        tpu.enqueue_dma source(%dma_start3A_407 : memref<800xi32, #tpu.memory_space<hbm>>) target(%dma_start3A_406 : memref<800xi32, #tpu.memory_space<vmem>>) target_semaphore(%arg20 : memref<!tpu.dma_semaphore, #tpu.memory_space<semaphore_mem>>)
        %dma_start3A_408 = tpu.memref_slice %arg10[%mul3A_403] : memref<1600xi32, #tpu.memory_space<vmem>> -> memref<800xi32, #tpu.memory_space<vmem>>
        %dma_start3A_409 = tpu.memref_slice %arg4[%mul3A_401] : memref<819200xi32, #tpu.memory_space<hbm>> -> memref<800xi32, #tpu.memory_space<hbm>>
        %dma_start3A_410 = tpu.memref_slice %arg10[%mul3A_403] : memref<1600xi32, #tpu.memory_space<vmem>> -> memref<800xi32, #tpu.memory_space<vmem>>
        %dma_start3A_411 = tpu.memref_slice %arg4[%mul3A_401] : memref<819200xi32, #tpu.memory_space<hbm>> -> memref<800xi32, #tpu.memory_space<hbm>>
        tpu.enqueue_dma source(%dma_start3A_411 : memref<800xi32, #tpu.memory_space<hbm>>) target(%dma_start3A_410 : memref<800xi32, #tpu.memory_space<vmem>>) target_semaphore(%arg20 : memref<!tpu.dma_semaphore, #tpu.memory_space<semaphore_mem>>)
      } else {
      }
      %eq3A_340 = arith.constant 0 : i32
      %eq3A_341 = arith.cmpi eq, %select_n3A_160, %eq3A_340 : i32
      %ge3A = arith.constant 2 : i32
      %ge3A_342 = arith.cmpi sge, %select_n3A_144, %ge3A : i32
      %and3A_343 = arith.andi %eq3A_341, %ge3A_342 : i1
      %convert_element_type3A_344 = arith.extui %and3A_343 : i1 to i32
      %cond3A_345 = arith.constant 0 : i32
      %cond3A_346 = arith.cmpi ne, %convert_element_type3A_344, %cond3A_345 : i32
      scf.if %cond3A_346 {
        %sub3A_373 = arith.constant 2 : i32
        %sub3A_374 = arith.subi %select_n3A_144, %sub3A_373 : i32
        %mul3A_375 = arith.constant 16 : i32
        %mul3A_376 = arith.muli %sub3A_374, %mul3A_375 : i32
        %add3A_377 = arith.addi %mul3A_2, %mul3A_376 : i32
        %mul3A_378 = arith.constant 16 : i32
        %mul3A_379 = arith.muli %select_n3A_176, %mul3A_378 : i32
        %mul3A_380 = arith.constant 16 : i32
        %mul3A_381 = arith.muli %sub3A_374, %mul3A_380 : i32
        %add3A_382 = arith.addi %mul3A_2, %mul3A_381 : i32
        %dma_wait3A_383 = arith.constant 0 : i32
        %dma_wait3A_384 = arith.constant 0 : i32
        %dma_wait3A_385 = tpu.memref_slice %arg15[%select_n3A_176, %dma_wait3A_383, %dma_wait3A_384] : memref<2x16x64xf32, #tpu.memory_space<vmem>> -> memref<1x16x64xf32, #tpu.memory_space<vmem>>
        %dma_wait3A_386 = tpu.memref_squeeze %dma_wait3A_385 : memref<1x16x64xf32, #tpu.memory_space<vmem>> -> memref<16x64xf32, #tpu.memory_space<vmem>>
        %dma_wait3A_387 = arith.constant 0 : i32
        %dma_wait3A_388 = tpu.memref_slice %arg8[%add3A_377, %dma_wait3A_387] : memref<16384x64xf32, #tpu.memory_space<hbm>> -> memref<16x64xf32, #tpu.memory_space<hbm>>
        %dma_wait3A_389 = arith.constant 0 : i32
        %dma_wait3A_390 = tpu.memref_slice %arg8[%add3A_377, %dma_wait3A_389] : memref<16384x64xf32, #tpu.memory_space<hbm>> -> memref<16x64xf32, #tpu.memory_space<hbm>>
        %dma_wait3A_391 = arith.constant 0 : i32
        %dma_wait3A_392 = arith.constant 0 : i32
        %dma_wait3A_393 = tpu.memref_slice %arg15[%select_n3A_176, %dma_wait3A_391, %dma_wait3A_392] : memref<2x16x64xf32, #tpu.memory_space<vmem>> -> memref<1x16x64xf32, #tpu.memory_space<vmem>>
        %dma_wait3A_394 = tpu.memref_squeeze %dma_wait3A_393 : memref<1x16x64xf32, #tpu.memory_space<vmem>> -> memref<16x64xf32, #tpu.memory_space<vmem>>
        tpu.wait_dma2 semaphore(%arg21 : memref<!tpu.dma_semaphore, #tpu.memory_space<semaphore_mem>>) src(%dma_wait3A_394 : memref<16x64xf32, #tpu.memory_space<vmem>>) dst(%dma_wait3A_390 : memref<16x64xf32, #tpu.memory_space<hbm>>)
        %dma_wait3A_395 = tpu.memref_slice %arg16[%mul3A_379] : memref<32xf32, #tpu.memory_space<vmem>> -> memref<16xf32, #tpu.memory_space<vmem>>
        %dma_wait3A_396 = tpu.memref_slice %arg7[%add3A_382] : memref<16384xf32, #tpu.memory_space<hbm>> -> memref<16xf32, #tpu.memory_space<hbm>>
        %dma_wait3A_397 = tpu.memref_slice %arg7[%add3A_382] : memref<16384xf32, #tpu.memory_space<hbm>> -> memref<16xf32, #tpu.memory_space<hbm>>
        %dma_wait3A_398 = tpu.memref_slice %arg16[%mul3A_379] : memref<32xf32, #tpu.memory_space<vmem>> -> memref<16xf32, #tpu.memory_space<vmem>>
        tpu.wait_dma2 semaphore(%arg21 : memref<!tpu.dma_semaphore, #tpu.memory_space<semaphore_mem>>) src(%dma_wait3A_398 : memref<16xf32, #tpu.memory_space<vmem>>) dst(%dma_wait3A_397 : memref<16xf32, #tpu.memory_space<hbm>>)
      } else {
      }
      %eq3A_347 = arith.constant 0 : i32
      %eq3A_348 = arith.cmpi eq, %select_n3A_160, %eq3A_347 : i32
      %add3A_349 = arith.constant 1 : i32
      %add3A_350 = arith.addi %select_n3A_144, %add3A_349 : i32
      %lt3A_351 = arith.constant 32 : i32
      %lt3A_352 = arith.cmpi slt, %add3A_350, %lt3A_351 : i32
      %and3A_353 = arith.andi %eq3A_348, %lt3A_352 : i1
      %convert_element_type3A_354 = arith.extui %and3A_353 : i1 to i32
      %cond3A_355 = arith.constant 0 : i32
      %cond3A_356 = arith.cmpi ne, %convert_element_type3A_354, %cond3A_355 : i32
      scf.if %cond3A_356 {
        %add3A_373 = arith.constant 1 : i32
        %add3A_374 = arith.addi %select_n3A_144, %add3A_373 : i32
        %mul3A_375 = arith.constant 16 : i32
        %mul3A_376 = arith.muli %add3A_374, %mul3A_375 : i32
        %add3A_377 = arith.addi %mul3A_2, %mul3A_376 : i32
        %sub3A_378 = arith.constant 1 : i32
        %sub3A_379 = arith.subi %sub3A_378, %select_n3A_176 : i32
        %mul3A_380 = arith.constant 16 : i32
        %mul3A_381 = arith.muli %sub3A_379, %mul3A_380 : i32
        "tpu.region"() ({
          %run_scoped3A = tpu.sem_alloc : memref<!tpu.dma_semaphore, #tpu.memory_space<semaphore_mem>>
          %dma_start3A_382 = tpu.memref_slice %arg11[%mul3A_381] : memref<32xi32, #tpu.memory_space<vmem>> -> memref<16xi32, #tpu.memory_space<vmem>>
          %dma_start3A_383 = tpu.memref_slice %arg3[%add3A_377] : memref<16384xi32, #tpu.memory_space<hbm>> -> memref<16xi32, #tpu.memory_space<hbm>>
          %dma_start3A_384 = tpu.memref_slice %arg11[%mul3A_381] : memref<32xi32, #tpu.memory_space<vmem>> -> memref<16xi32, #tpu.memory_space<vmem>>
          %dma_start3A_385 = tpu.memref_slice %arg3[%add3A_377] : memref<16384xi32, #tpu.memory_space<hbm>> -> memref<16xi32, #tpu.memory_space<hbm>>
          tpu.enqueue_dma source(%dma_start3A_385 : memref<16xi32, #tpu.memory_space<hbm>>) target(%dma_start3A_384 : memref<16xi32, #tpu.memory_space<vmem>>) target_semaphore(%run_scoped3A : memref<!tpu.dma_semaphore, #tpu.memory_space<semaphore_mem>>)
          %dma_wait3A_386 = tpu.memref_slice %arg11[%mul3A_381] : memref<32xi32, #tpu.memory_space<vmem>> -> memref<16xi32, #tpu.memory_space<vmem>>
          %dma_wait3A_387 = tpu.memref_slice %arg3[%add3A_377] : memref<16384xi32, #tpu.memory_space<hbm>> -> memref<16xi32, #tpu.memory_space<hbm>>
          %dma_wait3A_388 = tpu.memref_slice %arg11[%mul3A_381] : memref<32xi32, #tpu.memory_space<vmem>> -> memref<16xi32, #tpu.memory_space<vmem>>
          %dma_wait3A_389 = tpu.memref_slice %arg3[%add3A_377] : memref<16384xi32, #tpu.memory_space<hbm>> -> memref<16xi32, #tpu.memory_space<hbm>>
          tpu.wait_dma2 semaphore(%run_scoped3A : memref<!tpu.dma_semaphore, #tpu.memory_space<semaphore_mem>>) src(%dma_wait3A_389 : memref<16xi32, #tpu.memory_space<hbm>>) dst(%dma_wait3A_388 : memref<16xi32, #tpu.memory_space<vmem>>)
          tpu.yield
        }) : () -> ()
      } else {
      }
      %scan3A_357 = arith.constant 0 : i32
      %scan3A_358 = arith.constant 4 : i32
      %scan3A_359 = arith.addi %scan3A_357, %scan3A_358 : i32
      %scan3A_360 = arith.constant 1 : i32
      %scan3A_361 = scf.for %scan3A_373 = %scan3A_357 to %scan3A_359 step %scan3A_360 iter_args(%scan3A_374 = %scan3A_110) -> (vector<16xf32>)  : i32 {
        %mul3A_375 = arith.constant 50 : i32
        %mul3A_376 = arith.muli %scan3A_373, %mul3A_375 : i32
        %broadcast_in_dim3A_377 = arith.constant 0.000000e+00 : f32
        %broadcast_in_dim3A_378 = vector.broadcast %broadcast_in_dim3A_377 : f32 to vector<16xf32>
        %broadcast_in_dim3A_379 = arith.constant 0.000000e+00 : f32
        %broadcast_in_dim3A_380 = vector.broadcast %broadcast_in_dim3A_379 : f32 to vector<16xf32>
        %broadcast_in_dim3A_381 = arith.constant 0.000000e+00 : f32
        %broadcast_in_dim3A_382 = vector.broadcast %broadcast_in_dim3A_381 : f32 to vector<16xf32>
        %broadcast_in_dim3A_383 = arith.constant 0.000000e+00 : f32
        %broadcast_in_dim3A_384 = vector.broadcast %broadcast_in_dim3A_383 : f32 to vector<16xf32>
        %broadcast_in_dim3A_385 = arith.constant 0.000000e+00 : f32
        %broadcast_in_dim3A_386 = vector.broadcast %broadcast_in_dim3A_385 : f32 to vector<16xf32>
        %broadcast_in_dim3A_387 = arith.constant 0.000000e+00 : f32
        %broadcast_in_dim3A_388 = vector.broadcast %broadcast_in_dim3A_387 : f32 to vector<16xf32>
        %broadcast_in_dim3A_389 = arith.constant 0.000000e+00 : f32
        %broadcast_in_dim3A_390 = vector.broadcast %broadcast_in_dim3A_389 : f32 to vector<16xf32>
        %broadcast_in_dim3A_391 = arith.constant 0.000000e+00 : f32
        %broadcast_in_dim3A_392 = vector.broadcast %broadcast_in_dim3A_391 : f32 to vector<16xf32>
        %scan3A_393 = arith.constant 0 : i32
        %scan3A_394 = arith.constant 50 : i32
        %scan3A_395 = arith.addi %scan3A_393, %scan3A_394 : i32
        %scan3A_396 = arith.constant 1 : i32
        %scan3A_397:8 = scf.for %scan3A_4195 = %scan3A_393 to %scan3A_395 step %scan3A_396 iter_args(%scan3A_4196 = %broadcast_in_dim3A_378, %scan3A_4197 = %broadcast_in_dim3A_380, %scan3A_4198 = %broadcast_in_dim3A_382, %scan3A_4199 = %broadcast_in_dim3A_384, %scan3A_4200 = %broadcast_in_dim3A_386, %scan3A_4201 = %broadcast_in_dim3A_388, %scan3A_4202 = %broadcast_in_dim3A_390, %scan3A_4203 = %broadcast_in_dim3A_392) -> (vector<16xf32>, vector<16xf32>, vector<16xf32>, vector<16xf32>, vector<16xf32>, vector<16xf32>, vector<16xf32>, vector<16xf32>)  : i32 {
          %add3A_4204 = arith.addi %mul3A_376, %scan3A_4195 : i32
          %get3A_4205 = arith.index_cast %select_n3A_121 : i32 to index
          %get3A_4206 = arith.index_cast %add3A_4204 : i32 to index
          %get3A_4207 = arith.constant 0 : index
          %get3A_4208 = tpu.vector_load %arg12[%get3A_4205, %get3A_4206, %get3A_4207] {strides = array<i32>} : memref<2x200x128xf32, #tpu.memory_space<vmem>>, vector<1x1x16xf32>,
          %get3A_4209 = vector.shape_cast %get3A_4208 : vector<1x1x16xf32> to vector<16xf32>
          %add3A_4210 = arith.addf %scan3A_4196, %get3A_4209 : vector<16xf32>
          %get3A_4211 = arith.index_cast %select_n3A_121 : i32 to index
          %get3A_4212 = arith.index_cast %add3A_4204 : i32 to index
          %get3A_4213 = arith.constant 16 : index
          %get3A_4214 = tpu.vector_load %arg12[%get3A_4211, %get3A_4212, %get3A_4213] {strides = array<i32>} : memref<2x200x128xf32, #tpu.memory_space<vmem>>, vector<1x1x16xf32>,
          %get3A_4215 = vector.shape_cast %get3A_4214 : vector<1x1x16xf32> to vector<16xf32>
          %add3A_4216 = arith.addf %scan3A_4197, %get3A_4215 : vector<16xf32>
          %get3A_4217 = arith.index_cast %select_n3A_121 : i32 to index
          %get3A_4218 = arith.index_cast %add3A_4204 : i32 to index
          %get3A_4219 = arith.constant 32 : index
          %get3A_4220 = tpu.vector_load %arg12[%get3A_4217, %get3A_4218, %get3A_4219] {strides = array<i32>} : memref<2x200x128xf32, #tpu.memory_space<vmem>>, vector<1x1x16xf32>,
          %get3A_4221 = vector.shape_cast %get3A_4220 : vector<1x1x16xf32> to vector<16xf32>
          %add3A_4222 = arith.addf %scan3A_4198, %get3A_4221 : vector<16xf32>
          %get3A_4223 = arith.index_cast %select_n3A_121 : i32 to index
          %get3A_4224 = arith.index_cast %add3A_4204 : i32 to index
          %get3A_4225 = arith.constant 48 : index
          %get3A_4226 = tpu.vector_load %arg12[%get3A_4223, %get3A_4224, %get3A_4225] {strides = array<i32>} : memref<2x200x128xf32, #tpu.memory_space<vmem>>, vector<1x1x16xf32>,
          %get3A_4227 = vector.shape_cast %get3A_4226 : vector<1x1x16xf32> to vector<16xf32>
          %add3A_4228 = arith.addf %scan3A_4199, %get3A_4227 : vector<16xf32>
          %get3A_4229 = arith.index_cast %select_n3A_121 : i32 to index
          %get3A_4230 = arith.index_cast %add3A_4204 : i32 to index
          %get3A_4231 = arith.constant 64 : index
          %get3A_4232 = tpu.vector_load %arg12[%get3A_4229, %get3A_4230, %get3A_4231] {strides = array<i32>} : memref<2x200x128xf32, #tpu.memory_space<vmem>>, vector<1x1x16xf32>,
          %get3A_4233 = vector.shape_cast %get3A_4232 : vector<1x1x16xf32> to vector<16xf32>
          %add3A_4234 = arith.addf %scan3A_4200, %get3A_4233 : vector<16xf32>
          %get3A_4235 = arith.index_cast %select_n3A_121 : i32 to index
          %get3A_4236 = arith.index_cast %add3A_4204 : i32 to index
          %get3A_4237 = arith.constant 80 : index
          %get3A_4238 = tpu.vector_load %arg12[%get3A_4235, %get3A_4236, %get3A_4237] {strides = array<i32>} : memref<2x200x128xf32, #tpu.memory_space<vmem>>, vector<1x1x16xf32>,
          %get3A_4239 = vector.shape_cast %get3A_4238 : vector<1x1x16xf32> to vector<16xf32>
          %add3A_4240 = arith.addf %scan3A_4201, %get3A_4239 : vector<16xf32>
          %get3A_4241 = arith.index_cast %select_n3A_121 : i32 to index
          %get3A_4242 = arith.index_cast %add3A_4204 : i32 to index
          %get3A_4243 = arith.constant 96 : index
          %get3A_4244 = tpu.vector_load %arg12[%get3A_4241, %get3A_4242, %get3A_4243] {strides = array<i32>} : memref<2x200x128xf32, #tpu.memory_space<vmem>>, vector<1x1x16xf32>,
          %get3A_4245 = vector.shape_cast %get3A_4244 : vector<1x1x16xf32> to vector<16xf32>
          %add3A_4246 = arith.addf %scan3A_4202, %get3A_4245 : vector<16xf32>
          %get3A_4247 = arith.index_cast %select_n3A_121 : i32 to index
          %get3A_4248 = arith.index_cast %add3A_4204 : i32 to index
          %get3A_4249 = arith.constant 112 : index
          %get3A_4250 = tpu.vector_load %arg12[%get3A_4247, %get3A_4248, %get3A_4249] {strides = array<i32>} : memref<2x200x128xf32, #tpu.memory_space<vmem>>, vector<1x1x16xf32>,
          %get3A_4251 = vector.shape_cast %get3A_4250 : vector<1x1x16xf32> to vector<16xf32>
          %add3A_4252 = arith.addf %scan3A_4203, %get3A_4251 : vector<16xf32>
          scf.yield %add3A_4210, %add3A_4216, %add3A_4222, %add3A_4228, %add3A_4234, %add3A_4240, %add3A_4246, %add3A_4252 : vector<16xf32>, vector<16xf32>, vector<16xf32>, vector<16xf32>, vector<16xf32>, vector<16xf32>, vector<16xf32>, vector<16xf32>
        }
        %scan3A_398 = arith.constant 50 : i32
        %mul3A_399 = arith.constant 4 : i32
        %mul3A_400 = arith.muli %select_n3A_160, %mul3A_399 : i32
        %add3A_401 = arith.addi %mul3A_400, %scan3A_373 : i32
        %get3A = arith.index_cast %select_n3A_176 : i32 to index
        %get3A_402 = arith.index_cast %add3A_401 : i32 to index
        %get3A_403 = arith.constant 0 : index
        %get3A_404 = tpu.vector_load %arg14[%get3A, %get3A_402, %get3A_403] {strides = array<i32>} : memref<2x16x128xf32, #tpu.memory_space<vmem>>, vector<1x1x16xf32>,
        %get3A_405 = vector.shape_cast %get3A_404 : vector<1x1x16xf32> to vector<16xf32>
        %mul3A_406 = arith.mulf %scan3A_397#0, %get3A_405 : vector<16xf32>
        %get3A_407 = arith.index_cast %select_n3A_176 : i32 to index
        %get3A_408 = arith.index_cast %add3A_401 : i32 to index
        %get3A_409 = arith.constant 16 : index
        %get3A_410 = tpu.vector_load %arg14[%get3A_407, %get3A_408, %get3A_409] {strides = array<i32>} : memref<2x16x128xf32, #tpu.memory_space<vmem>>, vector<1x1x16xf32>,
        %get3A_411 = vector.shape_cast %get3A_410 : vector<1x1x16xf32> to vector<16xf32>
        %mul3A_412 = arith.mulf %scan3A_397#1, %get3A_411 : vector<16xf32>
        %add3A_413 = arith.addf %mul3A_406, %mul3A_412 : vector<16xf32>
        %get3A_414 = arith.index_cast %select_n3A_176 : i32 to index
        %get3A_415 = arith.index_cast %add3A_401 : i32 to index
        %get3A_416 = arith.constant 32 : index
        %get3A_417 = tpu.vector_load %arg14[%get3A_414, %get3A_415, %get3A_416] {strides = array<i32>} : memref<2x16x128xf32, #tpu.memory_space<vmem>>, vector<1x1x16xf32>,
        %get3A_418 = vector.shape_cast %get3A_417 : vector<1x1x16xf32> to vector<16xf32>
        %mul3A_419 = arith.mulf %scan3A_397#2, %get3A_418 : vector<16xf32>
        %add3A_420 = arith.addf %add3A_413, %mul3A_419 : vector<16xf32>
        %get3A_421 = arith.index_cast %select_n3A_176 : i32 to index
        %get3A_422 = arith.index_cast %add3A_401 : i32 to index
        %get3A_423 = arith.constant 48 : index
        %get3A_424 = tpu.vector_load %arg14[%get3A_421, %get3A_422, %get3A_423] {strides = array<i32>} : memref<2x16x128xf32, #tpu.memory_space<vmem>>, vector<1x1x16xf32>,
        %get3A_425 = vector.shape_cast %get3A_424 : vector<1x1x16xf32> to vector<16xf32>
        %mul3A_426 = arith.mulf %scan3A_397#3, %get3A_425 : vector<16xf32>
        %add3A_427 = arith.addf %add3A_420, %mul3A_426 : vector<16xf32>
        %get3A_428 = arith.index_cast %select_n3A_176 : i32 to index
        %get3A_429 = arith.index_cast %add3A_401 : i32 to index
        %get3A_430 = arith.constant 64 : index
        %get3A_431 = tpu.vector_load %arg14[%get3A_428, %get3A_429, %get3A_430] {strides = array<i32>} : memref<2x16x128xf32, #tpu.memory_space<vmem>>, vector<1x1x16xf32>,
        %get3A_432 = vector.shape_cast %get3A_431 : vector<1x1x16xf32> to vector<16xf32>
        %mul3A_433 = arith.mulf %scan3A_397#4, %get3A_432 : vector<16xf32>
        %add3A_434 = arith.addf %add3A_427, %mul3A_433 : vector<16xf32>
        %get3A_435 = arith.index_cast %select_n3A_176 : i32 to index
        %get3A_436 = arith.index_cast %add3A_401 : i32 to index
        %get3A_437 = arith.constant 80 : index
        %get3A_438 = tpu.vector_load %arg14[%get3A_435, %get3A_436, %get3A_437] {strides = array<i32>} : memref<2x16x128xf32, #tpu.memory_space<vmem>>, vector<1x1x16xf32>,
        %get3A_439 = vector.shape_cast %get3A_438 : vector<1x1x16xf32> to vector<16xf32>
        %mul3A_440 = arith.mulf %scan3A_397#5, %get3A_439 : vector<16xf32>
        %add3A_441 = arith.addf %add3A_434, %mul3A_440 : vector<16xf32>
        %get3A_442 = arith.index_cast %select_n3A_176 : i32 to index
        %get3A_443 = arith.index_cast %add3A_401 : i32 to index
        %get3A_444 = arith.constant 96 : index
        %get3A_445 = tpu.vector_load %arg14[%get3A_442, %get3A_443, %get3A_444] {strides = array<i32>} : memref<2x16x128xf32, #tpu.memory_space<vmem>>, vector<1x1x16xf32>,
        %get3A_446 = vector.shape_cast %get3A_445 : vector<1x1x16xf32> to vector<16xf32>
        %mul3A_447 = arith.mulf %scan3A_397#6, %get3A_446 : vector<16xf32>
        %add3A_448 = arith.addf %add3A_441, %mul3A_447 : vector<16xf32>
        %get3A_449 = arith.index_cast %select_n3A_176 : i32 to index
        %get3A_450 = arith.index_cast %add3A_401 : i32 to index
        %get3A_451 = arith.constant 112 : index
        %get3A_452 = tpu.vector_load %arg14[%get3A_449, %get3A_450, %get3A_451] {strides = array<i32>} : memref<2x16x128xf32, #tpu.memory_space<vmem>>, vector<1x1x16xf32>,
        %get3A_453 = vector.shape_cast %get3A_452 : vector<1x1x16xf32> to vector<16xf32>
        %mul3A_454 = arith.mulf %scan3A_397#7, %get3A_453 : vector<16xf32>
        %add3A_455 = arith.addf %add3A_448, %mul3A_454 : vector<16xf32>
        %eq3A_456 = vector.broadcast %add3A_401 : i32 to vector<16xi32>
        %eq3A_457 = arith.cmpi eq, %iota3A, %eq3A_456 : vector<16xi32>
        %xor3A = arith.constant 8 : i32
        %xor3A_458 = vector.broadcast %xor3A : i32 to vector<16xi32>
        %xor3A_459 = arith.xori %iota3A, %xor3A_458 : vector<16xi32>
        %broadcast_in_dim3A_460 = vector.shape_cast %xor3A_459 : vector<16xi32> to vector<16x1xi32>
        %gather3A = vector.shape_cast %broadcast_in_dim3A_460 : vector<16x1xi32> to vector<16xi32>
        %gather3A_461 = tpu.dynamic_gather %add3A_455[%gather3A] in [0] : vector<16xf32>, vector<16xi32> -> vector<16xf32>
        %add3A_462 = arith.addf %add3A_455, %gather3A_461 : vector<16xf32>
        %xor3A_463 = arith.constant 4 : i32
        %xor3A_464 = vector.broadcast %xor3A_463 : i32 to vector<16xi32>
        %xor3A_465 = arith.xori %iota3A, %xor3A_464 : vector<16xi32>
        %broadcast_in_dim3A_466 = vector.shape_cast %xor3A_465 : vector<16xi32> to vector<16x1xi32>
        %gather3A_467 = vector.shape_cast %broadcast_in_dim3A_466 : vector<16x1xi32> to vector<16xi32>
        %gather3A_468 = tpu.dynamic_gather %add3A_462[%gather3A_467] in [0] : vector<16xf32>, vector<16xi32> -> vector<16xf32>
        %add3A_469 = arith.addf %add3A_462, %gather3A_468 : vector<16xf32>
        %xor3A_470 = arith.constant 2 : i32
        %xor3A_471 = vector.broadcast %xor3A_470 : i32 to vector<16xi32>
        %xor3A_472 = arith.xori %iota3A, %xor3A_471 : vector<16xi32>
        %broadcast_in_dim3A_473 = vector.shape_cast %xor3A_472 : vector<16xi32> to vector<16x1xi32>
        %gather3A_474 = vector.shape_cast %broadcast_in_dim3A_473 : vector<16x1xi32> to vector<16xi32>
        %gather3A_475 = tpu.dynamic_gather %add3A_469[%gather3A_474] in [0] : vector<16xf32>, vector<16xi32> -> vector<16xf32>
        %add3A_476 = arith.addf %add3A_469, %gather3A_475 : vector<16xf32>
        %xor3A_477 = arith.constant 1 : i32
        %xor3A_478 = vector.broadcast %xor3A_477 : i32 to vector<16xi32>
        %xor3A_479 = arith.xori %iota3A, %xor3A_478 : vector<16xi32>
        %broadcast_in_dim3A_480 = vector.shape_cast %xor3A_479 : vector<16xi32> to vector<16x1xi32>
        %gather3A_481 = vector.shape_cast %broadcast_in_dim3A_480 : vector<16x1xi32> to vector<16xi32>
        %gather3A_482 = tpu.dynamic_gather %add3A_476[%gather3A_481] in [0] : vector<16xf32>, vector<16xi32> -> vector<16xf32>
        %add3A_483 = arith.addf %add3A_476, %gather3A_482 : vector<16xf32>
        %select_n3A_484 = arith.select %eq3A_457, %add3A_483, %scan3A_374 : vector<16xi1>, vector<16xf32>
        %add3A_485 = arith.constant 0 : i32
        %add3A_486 = arith.addi %mul3A_376, %add3A_485 : i32
        %add3A_487 = arith.constant 0 : i32
        %add3A_488 = arith.addi %add3A_486, %add3A_487 : i32
        %get3A_489 = arith.index_cast %select_n3A_121 : i32 to index
        %get3A_490 = arith.index_cast %add3A_488 : i32 to index
        %get3A_491 = arith.constant 0 : index
        %get3A_492 = tpu.vector_load %arg13[%get3A_489, %get3A_490, %get3A_491] {strides = array<i32>} : memref<2x200x128xf32, #tpu.memory_space<vmem>>, vector<1x1x16xf32>,
        %get3A_493 = vector.shape_cast %get3A_492 : vector<1x1x16xf32> to vector<16xf32>
        %mul3A_494 = arith.mulf %scan3A_397#0, %get3A_493 : vector<16xf32>
        %get3A_495 = arith.index_cast %select_n3A_121 : i32 to index
        %get3A_496 = arith.index_cast %add3A_488 : i32 to index
        %get3A_497 = arith.constant 16 : index
        %get3A_498 = tpu.vector_load %arg13[%get3A_495, %get3A_496, %get3A_497] {strides = array<i32>} : memref<2x200x128xf32, #tpu.memory_space<vmem>>, vector<1x1x16xf32>,
        %get3A_499 = vector.shape_cast %get3A_498 : vector<1x1x16xf32> to vector<16xf32>
        %mul3A_500 = arith.mulf %scan3A_397#1, %get3A_499 : vector<16xf32>
        %add3A_501 = arith.addf %mul3A_494, %mul3A_500 : vector<16xf32>
        %get3A_502 = arith.index_cast %select_n3A_121 : i32 to index
        %get3A_503 = arith.index_cast %add3A_488 : i32 to index
        %get3A_504 = arith.constant 32 : index
        %get3A_505 = tpu.vector_load %arg13[%get3A_502, %get3A_503, %get3A_504] {strides = array<i32>} : memref<2x200x128xf32, #tpu.memory_space<vmem>>, vector<1x1x16xf32>,
        %get3A_506 = vector.shape_cast %get3A_505 : vector<1x1x16xf32> to vector<16xf32>
        %mul3A_507 = arith.mulf %scan3A_397#2, %get3A_506 : vector<16xf32>
        %add3A_508 = arith.addf %add3A_501, %mul3A_507 : vector<16xf32>
        %get3A_509 = arith.index_cast %select_n3A_121 : i32 to index
        %get3A_510 = arith.index_cast %add3A_488 : i32 to index
        %get3A_511 = arith.constant 48 : index
        %get3A_512 = tpu.vector_load %arg13[%get3A_509, %get3A_510, %get3A_511] {strides = array<i32>} : memref<2x200x128xf32, #tpu.memory_space<vmem>>, vector<1x1x16xf32>,
        %get3A_513 = vector.shape_cast %get3A_512 : vector<1x1x16xf32> to vector<16xf32>
        %mul3A_514 = arith.mulf %scan3A_397#3, %get3A_513 : vector<16xf32>
        %add3A_515 = arith.addf %add3A_508, %mul3A_514 : vector<16xf32>
        %get3A_516 = arith.index_cast %select_n3A_121 : i32 to index
        %get3A_517 = arith.index_cast %add3A_488 : i32 to index
        %get3A_518 = arith.constant 64 : index
        %get3A_519 = tpu.vector_load %arg13[%get3A_516, %get3A_517, %get3A_518] {strides = array<i32>} : memref<2x200x128xf32, #tpu.memory_space<vmem>>, vector<1x1x16xf32>,
        %get3A_520 = vector.shape_cast %get3A_519 : vector<1x1x16xf32> to vector<16xf32>
        %mul3A_521 = arith.mulf %scan3A_397#4, %get3A_520 : vector<16xf32>
        %add3A_522 = arith.addf %add3A_515, %mul3A_521 : vector<16xf32>
        %get3A_523 = arith.index_cast %select_n3A_121 : i32 to index
        %get3A_524 = arith.index_cast %add3A_488 : i32 to index
        %get3A_525 = arith.constant 80 : index
        %get3A_526 = tpu.vector_load %arg13[%get3A_523, %get3A_524, %get3A_525] {strides = array<i32>} : memref<2x200x128xf32, #tpu.memory_space<vmem>>, vector<1x1x16xf32>,
        %get3A_527 = vector.shape_cast %get3A_526 : vector<1x1x16xf32> to vector<16xf32>
        %mul3A_528 = arith.mulf %scan3A_397#5, %get3A_527 : vector<16xf32>
        %add3A_529 = arith.addf %add3A_522, %mul3A_528 : vector<16xf32>
        %get3A_530 = arith.index_cast %select_n3A_121 : i32 to index
        %get3A_531 = arith.index_cast %add3A_488 : i32 to index
        %get3A_532 = arith.constant 96 : index
        %get3A_533 = tpu.vector_load %arg13[%get3A_530, %get3A_531, %get3A_532] {strides = array<i32>} : memref<2x200x128xf32, #tpu.memory_space<vmem>>, vector<1x1x16xf32>,
        %get3A_534 = vector.shape_cast %get3A_533 : vector<1x1x16xf32> to vector<16xf32>
        %mul3A_535 = arith.mulf %scan3A_397#6, %get3A_534 : vector<16xf32>
        %add3A_536 = arith.addf %add3A_529, %mul3A_535 : vector<16xf32>
        %get3A_537 = arith.index_cast %select_n3A_121 : i32 to index
        %get3A_538 = arith.index_cast %add3A_488 : i32 to index
        %get3A_539 = arith.constant 112 : index
        %get3A_540 = tpu.vector_load %arg13[%get3A_537, %get3A_538, %get3A_539] {strides = array<i32>} : memref<2x200x128xf32, #tpu.memory_space<vmem>>, vector<1x1x16xf32>,
        %get3A_541 = vector.shape_cast %get3A_540 : vector<1x1x16xf32> to vector<16xf32>
        %mul3A_542 = arith.mulf %scan3A_397#7, %get3A_541 : vector<16xf32>
        %add3A_543 = arith.addf %add3A_536, %mul3A_542 : vector<16xf32>
        %add3A_544 = arith.constant 0 : i32
        %add3A_545 = arith.addi %mul3A_376, %add3A_544 : i32
        %add3A_546 = arith.constant 1 : i32
        %add3A_547 = arith.addi %add3A_545, %add3A_546 : i32
        %get3A_548 = arith.index_cast %select_n3A_121 : i32 to index
        %get3A_549 = arith.index_cast %add3A_547 : i32 to index
        %get3A_550 = arith.constant 0 : index
        %get3A_551 = tpu.vector_load %arg13[%get3A_548, %get3A_549, %get3A_550] {strides = array<i32>} : memref<2x200x128xf32, #tpu.memory_space<vmem>>, vector<1x1x16xf32>,
        %get3A_552 = vector.shape_cast %get3A_551 : vector<1x1x16xf32> to vector<16xf32>
        %mul3A_553 = arith.mulf %scan3A_397#0, %get3A_552 : vector<16xf32>
        %get3A_554 = arith.index_cast %select_n3A_121 : i32 to index
        %get3A_555 = arith.index_cast %add3A_547 : i32 to index
        %get3A_556 = arith.constant 16 : index
        %get3A_557 = tpu.vector_load %arg13[%get3A_554, %get3A_555, %get3A_556] {strides = array<i32>} : memref<2x200x128xf32, #tpu.memory_space<vmem>>, vector<1x1x16xf32>,
        %get3A_558 = vector.shape_cast %get3A_557 : vector<1x1x16xf32> to vector<16xf32>
        %mul3A_559 = arith.mulf %scan3A_397#1, %get3A_558 : vector<16xf32>
        %add3A_560 = arith.addf %mul3A_553, %mul3A_559 : vector<16xf32>
        %get3A_561 = arith.index_cast %select_n3A_121 : i32 to index
        %get3A_562 = arith.index_cast %add3A_547 : i32 to index
        %get3A_563 = arith.constant 32 : index
        %get3A_564 = tpu.vector_load %arg13[%get3A_561, %get3A_562, %get3A_563] {strides = array<i32>} : memref<2x200x128xf32, #tpu.memory_space<vmem>>, vector<1x1x16xf32>,
        %get3A_565 = vector.shape_cast %get3A_564 : vector<1x1x16xf32> to vector<16xf32>
        %mul3A_566 = arith.mulf %scan3A_397#2, %get3A_565 : vector<16xf32>
        %add3A_567 = arith.addf %add3A_560, %mul3A_566 : vector<16xf32>
        %get3A_568 = arith.index_cast %select_n3A_121 : i32 to index
        %get3A_569 = arith.index_cast %add3A_547 : i32 to index
        %get3A_570 = arith.constant 48 : index
        %get3A_571 = tpu.vector_load %arg13[%get3A_568, %get3A_569, %get3A_570] {strides = array<i32>} : memref<2x200x128xf32, #tpu.memory_space<vmem>>, vector<1x1x16xf32>,
        %get3A_572 = vector.shape_cast %get3A_571 : vector<1x1x16xf32> to vector<16xf32>
        %mul3A_573 = arith.mulf %scan3A_397#3, %get3A_572 : vector<16xf32>
        %add3A_574 = arith.addf %add3A_567, %mul3A_573 : vector<16xf32>
        %get3A_575 = arith.index_cast %select_n3A_121 : i32 to index
        %get3A_576 = arith.index_cast %add3A_547 : i32 to index
        %get3A_577 = arith.constant 64 : index
        %get3A_578 = tpu.vector_load %arg13[%get3A_575, %get3A_576, %get3A_577] {strides = array<i32>} : memref<2x200x128xf32, #tpu.memory_space<vmem>>, vector<1x1x16xf32>,
        %get3A_579 = vector.shape_cast %get3A_578 : vector<1x1x16xf32> to vector<16xf32>
        %mul3A_580 = arith.mulf %scan3A_397#4, %get3A_579 : vector<16xf32>
        %add3A_581 = arith.addf %add3A_574, %mul3A_580 : vector<16xf32>
        %get3A_582 = arith.index_cast %select_n3A_121 : i32 to index
        %get3A_583 = arith.index_cast %add3A_547 : i32 to index
        %get3A_584 = arith.constant 80 : index
        %get3A_585 = tpu.vector_load %arg13[%get3A_582, %get3A_583, %get3A_584] {strides = array<i32>} : memref<2x200x128xf32, #tpu.memory_space<vmem>>, vector<1x1x16xf32>,
        %get3A_586 = vector.shape_cast %get3A_585 : vector<1x1x16xf32> to vector<16xf32>
        %mul3A_587 = arith.mulf %scan3A_397#5, %get3A_586 : vector<16xf32>
        %add3A_588 = arith.addf %add3A_581, %mul3A_587 : vector<16xf32>
        %get3A_589 = arith.index_cast %select_n3A_121 : i32 to index
        %get3A_590 = arith.index_cast %add3A_547 : i32 to index
        %get3A_591 = arith.constant 96 : index
        %get3A_592 = tpu.vector_load %arg13[%get3A_589, %get3A_590, %get3A_591] {strides = array<i32>} : memref<2x200x128xf32, #tpu.memory_space<vmem>>, vector<1x1x16xf32>,
        %get3A_593 = vector.shape_cast %get3A_592 : vector<1x1x16xf32> to vector<16xf32>
        %mul3A_594 = arith.mulf %scan3A_397#6, %get3A_593 : vector<16xf32>
        %add3A_595 = arith.addf %add3A_588, %mul3A_594 : vector<16xf32>
        %get3A_596 = arith.index_cast %select_n3A_121 : i32 to index
        %get3A_597 = arith.index_cast %add3A_547 : i32 to index
        %get3A_598 = arith.constant 112 : index
        %get3A_599 = tpu.vector_load %arg13[%get3A_596, %get3A_597, %get3A_598] {strides = array<i32>} : memref<2x200x128xf32, #tpu.memory_space<vmem>>, vector<1x1x16xf32>,
        %get3A_600 = vector.shape_cast %get3A_599 : vector<1x1x16xf32> to vector<16xf32>
        %mul3A_601 = arith.mulf %scan3A_397#7, %get3A_600 : vector<16xf32>
        %add3A_602 = arith.addf %add3A_595, %mul3A_601 : vector<16xf32>
        %add3A_603 = arith.constant 0 : i32
        %add3A_604 = arith.addi %mul3A_376, %add3A_603 : i32
        %add3A_605 = arith.constant 2 : i32
        %add3A_606 = arith.addi %add3A_604, %add3A_605 : i32
        %get3A_607 = arith.index_cast %select_n3A_121 : i32 to index
        %get3A_608 = arith.index_cast %add3A_606 : i32 to index
        %get3A_609 = arith.constant 0 : index
        %get3A_610 = tpu.vector_load %arg13[%get3A_607, %get3A_608, %get3A_609] {strides = array<i32>} : memref<2x200x128xf32, #tpu.memory_space<vmem>>, vector<1x1x16xf32>,
        %get3A_611 = vector.shape_cast %get3A_610 : vector<1x1x16xf32> to vector<16xf32>
        %mul3A_612 = arith.mulf %scan3A_397#0, %get3A_611 : vector<16xf32>
        %get3A_613 = arith.index_cast %select_n3A_121 : i32 to index
        %get3A_614 = arith.index_cast %add3A_606 : i32 to index
        %get3A_615 = arith.constant 16 : index
        %get3A_616 = tpu.vector_load %arg13[%get3A_613, %get3A_614, %get3A_615] {strides = array<i32>} : memref<2x200x128xf32, #tpu.memory_space<vmem>>, vector<1x1x16xf32>,
        %get3A_617 = vector.shape_cast %get3A_616 : vector<1x1x16xf32> to vector<16xf32>
        %mul3A_618 = arith.mulf %scan3A_397#1, %get3A_617 : vector<16xf32>
        %add3A_619 = arith.addf %mul3A_612, %mul3A_618 : vector<16xf32>
        %get3A_620 = arith.index_cast %select_n3A_121 : i32 to index
        %get3A_621 = arith.index_cast %add3A_606 : i32 to index
        %get3A_622 = arith.constant 32 : index
        %get3A_623 = tpu.vector_load %arg13[%get3A_620, %get3A_621, %get3A_622] {strides = array<i32>} : memref<2x200x128xf32, #tpu.memory_space<vmem>>, vector<1x1x16xf32>,
        %get3A_624 = vector.shape_cast %get3A_623 : vector<1x1x16xf32> to vector<16xf32>
        %mul3A_625 = arith.mulf %scan3A_397#2, %get3A_624 : vector<16xf32>
        %add3A_626 = arith.addf %add3A_619, %mul3A_625 : vector<16xf32>
        %get3A_627 = arith.index_cast %select_n3A_121 : i32 to index
        %get3A_628 = arith.index_cast %add3A_606 : i32 to index
        %get3A_629 = arith.constant 48 : index
        %get3A_630 = tpu.vector_load %arg13[%get3A_627, %get3A_628, %get3A_629] {strides = array<i32>} : memref<2x200x128xf32, #tpu.memory_space<vmem>>, vector<1x1x16xf32>,
        %get3A_631 = vector.shape_cast %get3A_630 : vector<1x1x16xf32> to vector<16xf32>
        %mul3A_632 = arith.mulf %scan3A_397#3, %get3A_631 : vector<16xf32>
        %add3A_633 = arith.addf %add3A_626, %mul3A_632 : vector<16xf32>
        %get3A_634 = arith.index_cast %select_n3A_121 : i32 to index
        %get3A_635 = arith.index_cast %add3A_606 : i32 to index
        %get3A_636 = arith.constant 64 : index
        %get3A_637 = tpu.vector_load %arg13[%get3A_634, %get3A_635, %get3A_636] {strides = array<i32>} : memref<2x200x128xf32, #tpu.memory_space<vmem>>, vector<1x1x16xf32>,
        %get3A_638 = vector.shape_cast %get3A_637 : vector<1x1x16xf32> to vector<16xf32>
        %mul3A_639 = arith.mulf %scan3A_397#4, %get3A_638 : vector<16xf32>
        %add3A_640 = arith.addf %add3A_633, %mul3A_639 : vector<16xf32>
        %get3A_641 = arith.index_cast %select_n3A_121 : i32 to index
        %get3A_642 = arith.index_cast %add3A_606 : i32 to index
        %get3A_643 = arith.constant 80 : index
        %get3A_644 = tpu.vector_load %arg13[%get3A_641, %get3A_642, %get3A_643] {strides = array<i32>} : memref<2x200x128xf32, #tpu.memory_space<vmem>>, vector<1x1x16xf32>,
        %get3A_645 = vector.shape_cast %get3A_644 : vector<1x1x16xf32> to vector<16xf32>
        %mul3A_646 = arith.mulf %scan3A_397#5, %get3A_645 : vector<16xf32>
        %add3A_647 = arith.addf %add3A_640, %mul3A_646 : vector<16xf32>
        %get3A_648 = arith.index_cast %select_n3A_121 : i32 to index
        %get3A_649 = arith.index_cast %add3A_606 : i32 to index
        %get3A_650 = arith.constant 96 : index
        %get3A_651 = tpu.vector_load %arg13[%get3A_648, %get3A_649, %get3A_650] {strides = array<i32>} : memref<2x200x128xf32, #tpu.memory_space<vmem>>, vector<1x1x16xf32>,
        %get3A_652 = vector.shape_cast %get3A_651 : vector<1x1x16xf32> to vector<16xf32>
        %mul3A_653 = arith.mulf %scan3A_397#6, %get3A_652 : vector<16xf32>
        %add3A_654 = arith.addf %add3A_647, %mul3A_653 : vector<16xf32>
        %get3A_655 = arith.index_cast %select_n3A_121 : i32 to index
        %get3A_656 = arith.index_cast %add3A_606 : i32 to index
        %get3A_657 = arith.constant 112 : index
        %get3A_658 = tpu.vector_load %arg13[%get3A_655, %get3A_656, %get3A_657] {strides = array<i32>} : memref<2x200x128xf32, #tpu.memory_space<vmem>>, vector<1x1x16xf32>,
        %get3A_659 = vector.shape_cast %get3A_658 : vector<1x1x16xf32> to vector<16xf32>
        %mul3A_660 = arith.mulf %scan3A_397#7, %get3A_659 : vector<16xf32>
        %add3A_661 = arith.addf %add3A_654, %mul3A_660 : vector<16xf32>
        %add3A_662 = arith.constant 0 : i32
        %add3A_663 = arith.addi %mul3A_376, %add3A_662 : i32
        %add3A_664 = arith.constant 3 : i32
        %add3A_665 = arith.addi %add3A_663, %add3A_664 : i32
        %get3A_666 = arith.index_cast %select_n3A_121 : i32 to index
        %get3A_667 = arith.index_cast %add3A_665 : i32 to index
        %get3A_668 = arith.constant 0 : index
        %get3A_669 = tpu.vector_load %arg13[%get3A_666, %get3A_667, %get3A_668] {strides = array<i32>} : memref<2x200x128xf32, #tpu.memory_space<vmem>>, vector<1x1x16xf32>,
        %get3A_670 = vector.shape_cast %get3A_669 : vector<1x1x16xf32> to vector<16xf32>
        %mul3A_671 = arith.mulf %scan3A_397#0, %get3A_670 : vector<16xf32>
        %get3A_672 = arith.index_cast %select_n3A_121 : i32 to index
        %get3A_673 = arith.index_cast %add3A_665 : i32 to index
        %get3A_674 = arith.constant 16 : index
        %get3A_675 = tpu.vector_load %arg13[%get3A_672, %get3A_673, %get3A_674] {strides = array<i32>} : memref<2x200x128xf32, #tpu.memory_space<vmem>>, vector<1x1x16xf32>,
        %get3A_676 = vector.shape_cast %get3A_675 : vector<1x1x16xf32> to vector<16xf32>
        %mul3A_677 = arith.mulf %scan3A_397#1, %get3A_676 : vector<16xf32>
        %add3A_678 = arith.addf %mul3A_671, %mul3A_677 : vector<16xf32>
        %get3A_679 = arith.index_cast %select_n3A_121 : i32 to index
        %get3A_680 = arith.index_cast %add3A_665 : i32 to index
        %get3A_681 = arith.constant 32 : index
        %get3A_682 = tpu.vector_load %arg13[%get3A_679, %get3A_680, %get3A_681] {strides = array<i32>} : memref<2x200x128xf32, #tpu.memory_space<vmem>>, vector<1x1x16xf32>,
        %get3A_683 = vector.shape_cast %get3A_682 : vector<1x1x16xf32> to vector<16xf32>
        %mul3A_684 = arith.mulf %scan3A_397#2, %get3A_683 : vector<16xf32>
        %add3A_685 = arith.addf %add3A_678, %mul3A_684 : vector<16xf32>
        %get3A_686 = arith.index_cast %select_n3A_121 : i32 to index
        %get3A_687 = arith.index_cast %add3A_665 : i32 to index
        %get3A_688 = arith.constant 48 : index
        %get3A_689 = tpu.vector_load %arg13[%get3A_686, %get3A_687, %get3A_688] {strides = array<i32>} : memref<2x200x128xf32, #tpu.memory_space<vmem>>, vector<1x1x16xf32>,
        %get3A_690 = vector.shape_cast %get3A_689 : vector<1x1x16xf32> to vector<16xf32>
        %mul3A_691 = arith.mulf %scan3A_397#3, %get3A_690 : vector<16xf32>
        %add3A_692 = arith.addf %add3A_685, %mul3A_691 : vector<16xf32>
        %get3A_693 = arith.index_cast %select_n3A_121 : i32 to index
        %get3A_694 = arith.index_cast %add3A_665 : i32 to index
        %get3A_695 = arith.constant 64 : index
        %get3A_696 = tpu.vector_load %arg13[%get3A_693, %get3A_694, %get3A_695] {strides = array<i32>} : memref<2x200x128xf32, #tpu.memory_space<vmem>>, vector<1x1x16xf32>,
        %get3A_697 = vector.shape_cast %get3A_696 : vector<1x1x16xf32> to vector<16xf32>
        %mul3A_698 = arith.mulf %scan3A_397#4, %get3A_697 : vector<16xf32>
        %add3A_699 = arith.addf %add3A_692, %mul3A_698 : vector<16xf32>
        %get3A_700 = arith.index_cast %select_n3A_121 : i32 to index
        %get3A_701 = arith.index_cast %add3A_665 : i32 to index
        %get3A_702 = arith.constant 80 : index
        %get3A_703 = tpu.vector_load %arg13[%get3A_700, %get3A_701, %get3A_702] {strides = array<i32>} : memref<2x200x128xf32, #tpu.memory_space<vmem>>, vector<1x1x16xf32>,
        %get3A_704 = vector.shape_cast %get3A_703 : vector<1x1x16xf32> to vector<16xf32>
        %mul3A_705 = arith.mulf %scan3A_397#5, %get3A_704 : vector<16xf32>
        %add3A_706 = arith.addf %add3A_699, %mul3A_705 : vector<16xf32>
        %get3A_707 = arith.index_cast %select_n3A_121 : i32 to index
        %get3A_708 = arith.index_cast %add3A_665 : i32 to index
        %get3A_709 = arith.constant 96 : index
        %get3A_710 = tpu.vector_load %arg13[%get3A_707, %get3A_708, %get3A_709] {strides = array<i32>} : memref<2x200x128xf32, #tpu.memory_space<vmem>>, vector<1x1x16xf32>,
        %get3A_711 = vector.shape_cast %get3A_710 : vector<1x1x16xf32> to vector<16xf32>
        %mul3A_712 = arith.mulf %scan3A_397#6, %get3A_711 : vector<16xf32>
        %add3A_713 = arith.addf %add3A_706, %mul3A_712 : vector<16xf32>
        %get3A_714 = arith.index_cast %select_n3A_121 : i32 to index
        %get3A_715 = arith.index_cast %add3A_665 : i32 to index
        %get3A_716 = arith.constant 112 : index
        %get3A_717 = tpu.vector_load %arg13[%get3A_714, %get3A_715, %get3A_716] {strides = array<i32>} : memref<2x200x128xf32, #tpu.memory_space<vmem>>, vector<1x1x16xf32>,
        %get3A_718 = vector.shape_cast %get3A_717 : vector<1x1x16xf32> to vector<16xf32>
        %mul3A_719 = arith.mulf %scan3A_397#7, %get3A_718 : vector<16xf32>
        %add3A_720 = arith.addf %add3A_713, %mul3A_719 : vector<16xf32>
        %add3A_721 = arith.constant 0 : i32
        %add3A_722 = arith.addi %mul3A_376, %add3A_721 : i32
        %add3A_723 = arith.constant 4 : i32
        %add3A_724 = arith.addi %add3A_722, %add3A_723 : i32
        %get3A_725 = arith.index_cast %select_n3A_121 : i32 to index
        %get3A_726 = arith.index_cast %add3A_724 : i32 to index
        %get3A_727 = arith.constant 0 : index
        %get3A_728 = tpu.vector_load %arg13[%get3A_725, %get3A_726, %get3A_727] {strides = array<i32>} : memref<2x200x128xf32, #tpu.memory_space<vmem>>, vector<1x1x16xf32>,
        %get3A_729 = vector.shape_cast %get3A_728 : vector<1x1x16xf32> to vector<16xf32>
        %mul3A_730 = arith.mulf %scan3A_397#0, %get3A_729 : vector<16xf32>
        %get3A_731 = arith.index_cast %select_n3A_121 : i32 to index
        %get3A_732 = arith.index_cast %add3A_724 : i32 to index
        %get3A_733 = arith.constant 16 : index
        %get3A_734 = tpu.vector_load %arg13[%get3A_731, %get3A_732, %get3A_733] {strides = array<i32>} : memref<2x200x128xf32, #tpu.memory_space<vmem>>, vector<1x1x16xf32>,
        %get3A_735 = vector.shape_cast %get3A_734 : vector<1x1x16xf32> to vector<16xf32>
        %mul3A_736 = arith.mulf %scan3A_397#1, %get3A_735 : vector<16xf32>
        %add3A_737 = arith.addf %mul3A_730, %mul3A_736 : vector<16xf32>
        %get3A_738 = arith.index_cast %select_n3A_121 : i32 to index
        %get3A_739 = arith.index_cast %add3A_724 : i32 to index
        %get3A_740 = arith.constant 32 : index
        %get3A_741 = tpu.vector_load %arg13[%get3A_738, %get3A_739, %get3A_740] {strides = array<i32>} : memref<2x200x128xf32, #tpu.memory_space<vmem>>, vector<1x1x16xf32>,
        %get3A_742 = vector.shape_cast %get3A_741 : vector<1x1x16xf32> to vector<16xf32>
        %mul3A_743 = arith.mulf %scan3A_397#2, %get3A_742 : vector<16xf32>
        %add3A_744 = arith.addf %add3A_737, %mul3A_743 : vector<16xf32>
        %get3A_745 = arith.index_cast %select_n3A_121 : i32 to index
        %get3A_746 = arith.index_cast %add3A_724 : i32 to index
        %get3A_747 = arith.constant 48 : index
        %get3A_748 = tpu.vector_load %arg13[%get3A_745, %get3A_746, %get3A_747] {strides = array<i32>} : memref<2x200x128xf32, #tpu.memory_space<vmem>>, vector<1x1x16xf32>,
        %get3A_749 = vector.shape_cast %get3A_748 : vector<1x1x16xf32> to vector<16xf32>
        %mul3A_750 = arith.mulf %scan3A_397#3, %get3A_749 : vector<16xf32>
        %add3A_751 = arith.addf %add3A_744, %mul3A_750 : vector<16xf32>
        %get3A_752 = arith.index_cast %select_n3A_121 : i32 to index
        %get3A_753 = arith.index_cast %add3A_724 : i32 to index
        %get3A_754 = arith.constant 64 : index
        %get3A_755 = tpu.vector_load %arg13[%get3A_752, %get3A_753, %get3A_754] {strides = array<i32>} : memref<2x200x128xf32, #tpu.memory_space<vmem>>, vector<1x1x16xf32>,
        %get3A_756 = vector.shape_cast %get3A_755 : vector<1x1x16xf32> to vector<16xf32>
        %mul3A_757 = arith.mulf %scan3A_397#4, %get3A_756 : vector<16xf32>
        %add3A_758 = arith.addf %add3A_751, %mul3A_757 : vector<16xf32>
        %get3A_759 = arith.index_cast %select_n3A_121 : i32 to index
        %get3A_760 = arith.index_cast %add3A_724 : i32 to index
        %get3A_761 = arith.constant 80 : index
        %get3A_762 = tpu.vector_load %arg13[%get3A_759, %get3A_760, %get3A_761] {strides = array<i32>} : memref<2x200x128xf32, #tpu.memory_space<vmem>>, vector<1x1x16xf32>,
        %get3A_763 = vector.shape_cast %get3A_762 : vector<1x1x16xf32> to vector<16xf32>
        %mul3A_764 = arith.mulf %scan3A_397#5, %get3A_763 : vector<16xf32>
        %add3A_765 = arith.addf %add3A_758, %mul3A_764 : vector<16xf32>
        %get3A_766 = arith.index_cast %select_n3A_121 : i32 to index
        %get3A_767 = arith.index_cast %add3A_724 : i32 to index
        %get3A_768 = arith.constant 96 : index
        %get3A_769 = tpu.vector_load %arg13[%get3A_766, %get3A_767, %get3A_768] {strides = array<i32>} : memref<2x200x128xf32, #tpu.memory_space<vmem>>, vector<1x1x16xf32>,
        %get3A_770 = vector.shape_cast %get3A_769 : vector<1x1x16xf32> to vector<16xf32>
        %mul3A_771 = arith.mulf %scan3A_397#6, %get3A_770 : vector<16xf32>
        %add3A_772 = arith.addf %add3A_765, %mul3A_771 : vector<16xf32>
        %get3A_773 = arith.index_cast %select_n3A_121 : i32 to index
        %get3A_774 = arith.index_cast %add3A_724 : i32 to index
        %get3A_775 = arith.constant 112 : index
        %get3A_776 = tpu.vector_load %arg13[%get3A_773, %get3A_774, %get3A_775] {strides = array<i32>} : memref<2x200x128xf32, #tpu.memory_space<vmem>>, vector<1x1x16xf32>,
        %get3A_777 = vector.shape_cast %get3A_776 : vector<1x1x16xf32> to vector<16xf32>
        %mul3A_778 = arith.mulf %scan3A_397#7, %get3A_777 : vector<16xf32>
        %add3A_779 = arith.addf %add3A_772, %mul3A_778 : vector<16xf32>
        %add3A_780 = arith.constant 0 : i32
        %add3A_781 = arith.addi %mul3A_376, %add3A_780 : i32
        %add3A_782 = arith.constant 5 : i32
        %add3A_783 = arith.addi %add3A_781, %add3A_782 : i32
        %get3A_784 = arith.index_cast %select_n3A_121 : i32 to index
        %get3A_785 = arith.index_cast %add3A_783 : i32 to index
        %get3A_786 = arith.constant 0 : index
        %get3A_787 = tpu.vector_load %arg13[%get3A_784, %get3A_785, %get3A_786] {strides = array<i32>} : memref<2x200x128xf32, #tpu.memory_space<vmem>>, vector<1x1x16xf32>,
        %get3A_788 = vector.shape_cast %get3A_787 : vector<1x1x16xf32> to vector<16xf32>
        %mul3A_789 = arith.mulf %scan3A_397#0, %get3A_788 : vector<16xf32>
        %get3A_790 = arith.index_cast %select_n3A_121 : i32 to index
        %get3A_791 = arith.index_cast %add3A_783 : i32 to index
        %get3A_792 = arith.constant 16 : index
        %get3A_793 = tpu.vector_load %arg13[%get3A_790, %get3A_791, %get3A_792] {strides = array<i32>} : memref<2x200x128xf32, #tpu.memory_space<vmem>>, vector<1x1x16xf32>,
        %get3A_794 = vector.shape_cast %get3A_793 : vector<1x1x16xf32> to vector<16xf32>
        %mul3A_795 = arith.mulf %scan3A_397#1, %get3A_794 : vector<16xf32>
        %add3A_796 = arith.addf %mul3A_789, %mul3A_795 : vector<16xf32>
        %get3A_797 = arith.index_cast %select_n3A_121 : i32 to index
        %get3A_798 = arith.index_cast %add3A_783 : i32 to index
        %get3A_799 = arith.constant 32 : index
        %get3A_800 = tpu.vector_load %arg13[%get3A_797, %get3A_798, %get3A_799] {strides = array<i32>} : memref<2x200x128xf32, #tpu.memory_space<vmem>>, vector<1x1x16xf32>,
        %get3A_801 = vector.shape_cast %get3A_800 : vector<1x1x16xf32> to vector<16xf32>
        %mul3A_802 = arith.mulf %scan3A_397#2, %get3A_801 : vector<16xf32>
        %add3A_803 = arith.addf %add3A_796, %mul3A_802 : vector<16xf32>
        %get3A_804 = arith.index_cast %select_n3A_121 : i32 to index
        %get3A_805 = arith.index_cast %add3A_783 : i32 to index
        %get3A_806 = arith.constant 48 : index
        %get3A_807 = tpu.vector_load %arg13[%get3A_804, %get3A_805, %get3A_806] {strides = array<i32>} : memref<2x200x128xf32, #tpu.memory_space<vmem>>, vector<1x1x16xf32>,
        %get3A_808 = vector.shape_cast %get3A_807 : vector<1x1x16xf32> to vector<16xf32>
        %mul3A_809 = arith.mulf %scan3A_397#3, %get3A_808 : vector<16xf32>
        %add3A_810 = arith.addf %add3A_803, %mul3A_809 : vector<16xf32>
        %get3A_811 = arith.index_cast %select_n3A_121 : i32 to index
        %get3A_812 = arith.index_cast %add3A_783 : i32 to index
        %get3A_813 = arith.constant 64 : index
        %get3A_814 = tpu.vector_load %arg13[%get3A_811, %get3A_812, %get3A_813] {strides = array<i32>} : memref<2x200x128xf32, #tpu.memory_space<vmem>>, vector<1x1x16xf32>,
        %get3A_815 = vector.shape_cast %get3A_814 : vector<1x1x16xf32> to vector<16xf32>
        %mul3A_816 = arith.mulf %scan3A_397#4, %get3A_815 : vector<16xf32>
        %add3A_817 = arith.addf %add3A_810, %mul3A_816 : vector<16xf32>
        %get3A_818 = arith.index_cast %select_n3A_121 : i32 to index
        %get3A_819 = arith.index_cast %add3A_783 : i32 to index
        %get3A_820 = arith.constant 80 : index
        %get3A_821 = tpu.vector_load %arg13[%get3A_818, %get3A_819, %get3A_820] {strides = array<i32>} : memref<2x200x128xf32, #tpu.memory_space<vmem>>, vector<1x1x16xf32>,
        %get3A_822 = vector.shape_cast %get3A_821 : vector<1x1x16xf32> to vector<16xf32>
        %mul3A_823 = arith.mulf %scan3A_397#5, %get3A_822 : vector<16xf32>
        %add3A_824 = arith.addf %add3A_817, %mul3A_823 : vector<16xf32>
        %get3A_825 = arith.index_cast %select_n3A_121 : i32 to index
        %get3A_826 = arith.index_cast %add3A_783 : i32 to index
        %get3A_827 = arith.constant 96 : index
        %get3A_828 = tpu.vector_load %arg13[%get3A_825, %get3A_826, %get3A_827] {strides = array<i32>} : memref<2x200x128xf32, #tpu.memory_space<vmem>>, vector<1x1x16xf32>,
        %get3A_829 = vector.shape_cast %get3A_828 : vector<1x1x16xf32> to vector<16xf32>
        %mul3A_830 = arith.mulf %scan3A_397#6, %get3A_829 : vector<16xf32>
        %add3A_831 = arith.addf %add3A_824, %mul3A_830 : vector<16xf32>
        %get3A_832 = arith.index_cast %select_n3A_121 : i32 to index
        %get3A_833 = arith.index_cast %add3A_783 : i32 to index
        %get3A_834 = arith.constant 112 : index
        %get3A_835 = tpu.vector_load %arg13[%get3A_832, %get3A_833, %get3A_834] {strides = array<i32>} : memref<2x200x128xf32, #tpu.memory_space<vmem>>, vector<1x1x16xf32>,
        %get3A_836 = vector.shape_cast %get3A_835 : vector<1x1x16xf32> to vector<16xf32>
        %mul3A_837 = arith.mulf %scan3A_397#7, %get3A_836 : vector<16xf32>
        %add3A_838 = arith.addf %add3A_831, %mul3A_837 : vector<16xf32>
        %add3A_839 = arith.constant 0 : i32
        %add3A_840 = arith.addi %mul3A_376, %add3A_839 : i32
        %add3A_841 = arith.constant 6 : i32
        %add3A_842 = arith.addi %add3A_840, %add3A_841 : i32
        %get3A_843 = arith.index_cast %select_n3A_121 : i32 to index
        %get3A_844 = arith.index_cast %add3A_842 : i32 to index
        %get3A_845 = arith.constant 0 : index
        %get3A_846 = tpu.vector_load %arg13[%get3A_843, %get3A_844, %get3A_845] {strides = array<i32>} : memref<2x200x128xf32, #tpu.memory_space<vmem>>, vector<1x1x16xf32>,
        %get3A_847 = vector.shape_cast %get3A_846 : vector<1x1x16xf32> to vector<16xf32>
        %mul3A_848 = arith.mulf %scan3A_397#0, %get3A_847 : vector<16xf32>
        %get3A_849 = arith.index_cast %select_n3A_121 : i32 to index
        %get3A_850 = arith.index_cast %add3A_842 : i32 to index
        %get3A_851 = arith.constant 16 : index
        %get3A_852 = tpu.vector_load %arg13[%get3A_849, %get3A_850, %get3A_851] {strides = array<i32>} : memref<2x200x128xf32, #tpu.memory_space<vmem>>, vector<1x1x16xf32>,
        %get3A_853 = vector.shape_cast %get3A_852 : vector<1x1x16xf32> to vector<16xf32>
        %mul3A_854 = arith.mulf %scan3A_397#1, %get3A_853 : vector<16xf32>
        %add3A_855 = arith.addf %mul3A_848, %mul3A_854 : vector<16xf32>
        %get3A_856 = arith.index_cast %select_n3A_121 : i32 to index
        %get3A_857 = arith.index_cast %add3A_842 : i32 to index
        %get3A_858 = arith.constant 32 : index
        %get3A_859 = tpu.vector_load %arg13[%get3A_856, %get3A_857, %get3A_858] {strides = array<i32>} : memref<2x200x128xf32, #tpu.memory_space<vmem>>, vector<1x1x16xf32>,
        %get3A_860 = vector.shape_cast %get3A_859 : vector<1x1x16xf32> to vector<16xf32>
        %mul3A_861 = arith.mulf %scan3A_397#2, %get3A_860 : vector<16xf32>
        %add3A_862 = arith.addf %add3A_855, %mul3A_861 : vector<16xf32>
        %get3A_863 = arith.index_cast %select_n3A_121 : i32 to index
        %get3A_864 = arith.index_cast %add3A_842 : i32 to index
        %get3A_865 = arith.constant 48 : index
        %get3A_866 = tpu.vector_load %arg13[%get3A_863, %get3A_864, %get3A_865] {strides = array<i32>} : memref<2x200x128xf32, #tpu.memory_space<vmem>>, vector<1x1x16xf32>,
        %get3A_867 = vector.shape_cast %get3A_866 : vector<1x1x16xf32> to vector<16xf32>
        %mul3A_868 = arith.mulf %scan3A_397#3, %get3A_867 : vector<16xf32>
        %add3A_869 = arith.addf %add3A_862, %mul3A_868 : vector<16xf32>
        %get3A_870 = arith.index_cast %select_n3A_121 : i32 to index
        %get3A_871 = arith.index_cast %add3A_842 : i32 to index
        %get3A_872 = arith.constant 64 : index
        %get3A_873 = tpu.vector_load %arg13[%get3A_870, %get3A_871, %get3A_872] {strides = array<i32>} : memref<2x200x128xf32, #tpu.memory_space<vmem>>, vector<1x1x16xf32>,
        %get3A_874 = vector.shape_cast %get3A_873 : vector<1x1x16xf32> to vector<16xf32>
        %mul3A_875 = arith.mulf %scan3A_397#4, %get3A_874 : vector<16xf32>
        %add3A_876 = arith.addf %add3A_869, %mul3A_875 : vector<16xf32>
        %get3A_877 = arith.index_cast %select_n3A_121 : i32 to index
        %get3A_878 = arith.index_cast %add3A_842 : i32 to index
        %get3A_879 = arith.constant 80 : index
        %get3A_880 = tpu.vector_load %arg13[%get3A_877, %get3A_878, %get3A_879] {strides = array<i32>} : memref<2x200x128xf32, #tpu.memory_space<vmem>>, vector<1x1x16xf32>,
        %get3A_881 = vector.shape_cast %get3A_880 : vector<1x1x16xf32> to vector<16xf32>
        %mul3A_882 = arith.mulf %scan3A_397#5, %get3A_881 : vector<16xf32>
        %add3A_883 = arith.addf %add3A_876, %mul3A_882 : vector<16xf32>
        %get3A_884 = arith.index_cast %select_n3A_121 : i32 to index
        %get3A_885 = arith.index_cast %add3A_842 : i32 to index
        %get3A_886 = arith.constant 96 : index
        %get3A_887 = tpu.vector_load %arg13[%get3A_884, %get3A_885, %get3A_886] {strides = array<i32>} : memref<2x200x128xf32, #tpu.memory_space<vmem>>, vector<1x1x16xf32>,
        %get3A_888 = vector.shape_cast %get3A_887 : vector<1x1x16xf32> to vector<16xf32>
        %mul3A_889 = arith.mulf %scan3A_397#6, %get3A_888 : vector<16xf32>
        %add3A_890 = arith.addf %add3A_883, %mul3A_889 : vector<16xf32>
        %get3A_891 = arith.index_cast %select_n3A_121 : i32 to index
        %get3A_892 = arith.index_cast %add3A_842 : i32 to index
        %get3A_893 = arith.constant 112 : index
        %get3A_894 = tpu.vector_load %arg13[%get3A_891, %get3A_892, %get3A_893] {strides = array<i32>} : memref<2x200x128xf32, #tpu.memory_space<vmem>>, vector<1x1x16xf32>,
        %get3A_895 = vector.shape_cast %get3A_894 : vector<1x1x16xf32> to vector<16xf32>
        %mul3A_896 = arith.mulf %scan3A_397#7, %get3A_895 : vector<16xf32>
        %add3A_897 = arith.addf %add3A_890, %mul3A_896 : vector<16xf32>
        %add3A_898 = arith.constant 0 : i32
        %add3A_899 = arith.addi %mul3A_376, %add3A_898 : i32
        %add3A_900 = arith.constant 7 : i32
        %add3A_901 = arith.addi %add3A_899, %add3A_900 : i32
        %get3A_902 = arith.index_cast %select_n3A_121 : i32 to index
        %get3A_903 = arith.index_cast %add3A_901 : i32 to index
        %get3A_904 = arith.constant 0 : index
        %get3A_905 = tpu.vector_load %arg13[%get3A_902, %get3A_903, %get3A_904] {strides = array<i32>} : memref<2x200x128xf32, #tpu.memory_space<vmem>>, vector<1x1x16xf32>,
        %get3A_906 = vector.shape_cast %get3A_905 : vector<1x1x16xf32> to vector<16xf32>
        %mul3A_907 = arith.mulf %scan3A_397#0, %get3A_906 : vector<16xf32>
        %get3A_908 = arith.index_cast %select_n3A_121 : i32 to index
        %get3A_909 = arith.index_cast %add3A_901 : i32 to index
        %get3A_910 = arith.constant 16 : index
        %get3A_911 = tpu.vector_load %arg13[%get3A_908, %get3A_909, %get3A_910] {strides = array<i32>} : memref<2x200x128xf32, #tpu.memory_space<vmem>>, vector<1x1x16xf32>,
        %get3A_912 = vector.shape_cast %get3A_911 : vector<1x1x16xf32> to vector<16xf32>
        %mul3A_913 = arith.mulf %scan3A_397#1, %get3A_912 : vector<16xf32>
        %add3A_914 = arith.addf %mul3A_907, %mul3A_913 : vector<16xf32>
        %get3A_915 = arith.index_cast %select_n3A_121 : i32 to index
        %get3A_916 = arith.index_cast %add3A_901 : i32 to index
        %get3A_917 = arith.constant 32 : index
        %get3A_918 = tpu.vector_load %arg13[%get3A_915, %get3A_916, %get3A_917] {strides = array<i32>} : memref<2x200x128xf32, #tpu.memory_space<vmem>>, vector<1x1x16xf32>,
        %get3A_919 = vector.shape_cast %get3A_918 : vector<1x1x16xf32> to vector<16xf32>
        %mul3A_920 = arith.mulf %scan3A_397#2, %get3A_919 : vector<16xf32>
        %add3A_921 = arith.addf %add3A_914, %mul3A_920 : vector<16xf32>
        %get3A_922 = arith.index_cast %select_n3A_121 : i32 to index
        %get3A_923 = arith.index_cast %add3A_901 : i32 to index
        %get3A_924 = arith.constant 48 : index
        %get3A_925 = tpu.vector_load %arg13[%get3A_922, %get3A_923, %get3A_924] {strides = array<i32>} : memref<2x200x128xf32, #tpu.memory_space<vmem>>, vector<1x1x16xf32>,
        %get3A_926 = vector.shape_cast %get3A_925 : vector<1x1x16xf32> to vector<16xf32>
        %mul3A_927 = arith.mulf %scan3A_397#3, %get3A_926 : vector<16xf32>
        %add3A_928 = arith.addf %add3A_921, %mul3A_927 : vector<16xf32>
        %get3A_929 = arith.index_cast %select_n3A_121 : i32 to index
        %get3A_930 = arith.index_cast %add3A_901 : i32 to index
        %get3A_931 = arith.constant 64 : index
        %get3A_932 = tpu.vector_load %arg13[%get3A_929, %get3A_930, %get3A_931] {strides = array<i32>} : memref<2x200x128xf32, #tpu.memory_space<vmem>>, vector<1x1x16xf32>,
        %get3A_933 = vector.shape_cast %get3A_932 : vector<1x1x16xf32> to vector<16xf32>
        %mul3A_934 = arith.mulf %scan3A_397#4, %get3A_933 : vector<16xf32>
        %add3A_935 = arith.addf %add3A_928, %mul3A_934 : vector<16xf32>
        %get3A_936 = arith.index_cast %select_n3A_121 : i32 to index
        %get3A_937 = arith.index_cast %add3A_901 : i32 to index
        %get3A_938 = arith.constant 80 : index
        %get3A_939 = tpu.vector_load %arg13[%get3A_936, %get3A_937, %get3A_938] {strides = array<i32>} : memref<2x200x128xf32, #tpu.memory_space<vmem>>, vector<1x1x16xf32>,
        %get3A_940 = vector.shape_cast %get3A_939 : vector<1x1x16xf32> to vector<16xf32>
        %mul3A_941 = arith.mulf %scan3A_397#5, %get3A_940 : vector<16xf32>
        %add3A_942 = arith.addf %add3A_935, %mul3A_941 : vector<16xf32>
        %get3A_943 = arith.index_cast %select_n3A_121 : i32 to index
        %get3A_944 = arith.index_cast %add3A_901 : i32 to index
        %get3A_945 = arith.constant 96 : index
        %get3A_946 = tpu.vector_load %arg13[%get3A_943, %get3A_944, %get3A_945] {strides = array<i32>} : memref<2x200x128xf32, #tpu.memory_space<vmem>>, vector<1x1x16xf32>,
        %get3A_947 = vector.shape_cast %get3A_946 : vector<1x1x16xf32> to vector<16xf32>
        %mul3A_948 = arith.mulf %scan3A_397#6, %get3A_947 : vector<16xf32>
        %add3A_949 = arith.addf %add3A_942, %mul3A_948 : vector<16xf32>
        %get3A_950 = arith.index_cast %select_n3A_121 : i32 to index
        %get3A_951 = arith.index_cast %add3A_901 : i32 to index
        %get3A_952 = arith.constant 112 : index
        %get3A_953 = tpu.vector_load %arg13[%get3A_950, %get3A_951, %get3A_952] {strides = array<i32>} : memref<2x200x128xf32, #tpu.memory_space<vmem>>, vector<1x1x16xf32>,
        %get3A_954 = vector.shape_cast %get3A_953 : vector<1x1x16xf32> to vector<16xf32>
        %mul3A_955 = arith.mulf %scan3A_397#7, %get3A_954 : vector<16xf32>
        %add3A_956 = arith.addf %add3A_949, %mul3A_955 : vector<16xf32>
        %add3A_957 = arith.constant 0 : i32
        %add3A_958 = arith.addi %mul3A_376, %add3A_957 : i32
        %add3A_959 = arith.constant 8 : i32
        %add3A_960 = arith.addi %add3A_958, %add3A_959 : i32
        %get3A_961 = arith.index_cast %select_n3A_121 : i32 to index
        %get3A_962 = arith.index_cast %add3A_960 : i32 to index
        %get3A_963 = arith.constant 0 : index
        %get3A_964 = tpu.vector_load %arg13[%get3A_961, %get3A_962, %get3A_963] {strides = array<i32>} : memref<2x200x128xf32, #tpu.memory_space<vmem>>, vector<1x1x16xf32>,
        %get3A_965 = vector.shape_cast %get3A_964 : vector<1x1x16xf32> to vector<16xf32>
        %mul3A_966 = arith.mulf %scan3A_397#0, %get3A_965 : vector<16xf32>
        %get3A_967 = arith.index_cast %select_n3A_121 : i32 to index
        %get3A_968 = arith.index_cast %add3A_960 : i32 to index
        %get3A_969 = arith.constant 16 : index
        %get3A_970 = tpu.vector_load %arg13[%get3A_967, %get3A_968, %get3A_969] {strides = array<i32>} : memref<2x200x128xf32, #tpu.memory_space<vmem>>, vector<1x1x16xf32>,
        %get3A_971 = vector.shape_cast %get3A_970 : vector<1x1x16xf32> to vector<16xf32>
        %mul3A_972 = arith.mulf %scan3A_397#1, %get3A_971 : vector<16xf32>
        %add3A_973 = arith.addf %mul3A_966, %mul3A_972 : vector<16xf32>
        %get3A_974 = arith.index_cast %select_n3A_121 : i32 to index
        %get3A_975 = arith.index_cast %add3A_960 : i32 to index
        %get3A_976 = arith.constant 32 : index
        %get3A_977 = tpu.vector_load %arg13[%get3A_974, %get3A_975, %get3A_976] {strides = array<i32>} : memref<2x200x128xf32, #tpu.memory_space<vmem>>, vector<1x1x16xf32>,
        %get3A_978 = vector.shape_cast %get3A_977 : vector<1x1x16xf32> to vector<16xf32>
        %mul3A_979 = arith.mulf %scan3A_397#2, %get3A_978 : vector<16xf32>
        %add3A_980 = arith.addf %add3A_973, %mul3A_979 : vector<16xf32>
        %get3A_981 = arith.index_cast %select_n3A_121 : i32 to index
        %get3A_982 = arith.index_cast %add3A_960 : i32 to index
        %get3A_983 = arith.constant 48 : index
        %get3A_984 = tpu.vector_load %arg13[%get3A_981, %get3A_982, %get3A_983] {strides = array<i32>} : memref<2x200x128xf32, #tpu.memory_space<vmem>>, vector<1x1x16xf32>,
        %get3A_985 = vector.shape_cast %get3A_984 : vector<1x1x16xf32> to vector<16xf32>
        %mul3A_986 = arith.mulf %scan3A_397#3, %get3A_985 : vector<16xf32>
        %add3A_987 = arith.addf %add3A_980, %mul3A_986 : vector<16xf32>
        %get3A_988 = arith.index_cast %select_n3A_121 : i32 to index
        %get3A_989 = arith.index_cast %add3A_960 : i32 to index
        %get3A_990 = arith.constant 64 : index
        %get3A_991 = tpu.vector_load %arg13[%get3A_988, %get3A_989, %get3A_990] {strides = array<i32>} : memref<2x200x128xf32, #tpu.memory_space<vmem>>, vector<1x1x16xf32>,
        %get3A_992 = vector.shape_cast %get3A_991 : vector<1x1x16xf32> to vector<16xf32>
        %mul3A_993 = arith.mulf %scan3A_397#4, %get3A_992 : vector<16xf32>
        %add3A_994 = arith.addf %add3A_987, %mul3A_993 : vector<16xf32>
        %get3A_995 = arith.index_cast %select_n3A_121 : i32 to index
        %get3A_996 = arith.index_cast %add3A_960 : i32 to index
        %get3A_997 = arith.constant 80 : index
        %get3A_998 = tpu.vector_load %arg13[%get3A_995, %get3A_996, %get3A_997] {strides = array<i32>} : memref<2x200x128xf32, #tpu.memory_space<vmem>>, vector<1x1x16xf32>,
        %get3A_999 = vector.shape_cast %get3A_998 : vector<1x1x16xf32> to vector<16xf32>
        %mul3A_1000 = arith.mulf %scan3A_397#5, %get3A_999 : vector<16xf32>
        %add3A_1001 = arith.addf %add3A_994, %mul3A_1000 : vector<16xf32>
        %get3A_1002 = arith.index_cast %select_n3A_121 : i32 to index
        %get3A_1003 = arith.index_cast %add3A_960 : i32 to index
        %get3A_1004 = arith.constant 96 : index
        %get3A_1005 = tpu.vector_load %arg13[%get3A_1002, %get3A_1003, %get3A_1004] {strides = array<i32>} : memref<2x200x128xf32, #tpu.memory_space<vmem>>, vector<1x1x16xf32>,
        %get3A_1006 = vector.shape_cast %get3A_1005 : vector<1x1x16xf32> to vector<16xf32>
        %mul3A_1007 = arith.mulf %scan3A_397#6, %get3A_1006 : vector<16xf32>
        %add3A_1008 = arith.addf %add3A_1001, %mul3A_1007 : vector<16xf32>
        %get3A_1009 = arith.index_cast %select_n3A_121 : i32 to index
        %get3A_1010 = arith.index_cast %add3A_960 : i32 to index
        %get3A_1011 = arith.constant 112 : index
        %get3A_1012 = tpu.vector_load %arg13[%get3A_1009, %get3A_1010, %get3A_1011] {strides = array<i32>} : memref<2x200x128xf32, #tpu.memory_space<vmem>>, vector<1x1x16xf32>,
        %get3A_1013 = vector.shape_cast %get3A_1012 : vector<1x1x16xf32> to vector<16xf32>
        %mul3A_1014 = arith.mulf %scan3A_397#7, %get3A_1013 : vector<16xf32>
        %add3A_1015 = arith.addf %add3A_1008, %mul3A_1014 : vector<16xf32>
        %add3A_1016 = arith.constant 0 : i32
        %add3A_1017 = arith.addi %mul3A_376, %add3A_1016 : i32
        %add3A_1018 = arith.constant 9 : i32
        %add3A_1019 = arith.addi %add3A_1017, %add3A_1018 : i32
        %get3A_1020 = arith.index_cast %select_n3A_121 : i32 to index
        %get3A_1021 = arith.index_cast %add3A_1019 : i32 to index
        %get3A_1022 = arith.constant 0 : index
        %get3A_1023 = tpu.vector_load %arg13[%get3A_1020, %get3A_1021, %get3A_1022] {strides = array<i32>} : memref<2x200x128xf32, #tpu.memory_space<vmem>>, vector<1x1x16xf32>,
        %get3A_1024 = vector.shape_cast %get3A_1023 : vector<1x1x16xf32> to vector<16xf32>
        %mul3A_1025 = arith.mulf %scan3A_397#0, %get3A_1024 : vector<16xf32>
        %get3A_1026 = arith.index_cast %select_n3A_121 : i32 to index
        %get3A_1027 = arith.index_cast %add3A_1019 : i32 to index
        %get3A_1028 = arith.constant 16 : index
        %get3A_1029 = tpu.vector_load %arg13[%get3A_1026, %get3A_1027, %get3A_1028] {strides = array<i32>} : memref<2x200x128xf32, #tpu.memory_space<vmem>>, vector<1x1x16xf32>,
        %get3A_1030 = vector.shape_cast %get3A_1029 : vector<1x1x16xf32> to vector<16xf32>
        %mul3A_1031 = arith.mulf %scan3A_397#1, %get3A_1030 : vector<16xf32>
        %add3A_1032 = arith.addf %mul3A_1025, %mul3A_1031 : vector<16xf32>
        %get3A_1033 = arith.index_cast %select_n3A_121 : i32 to index
        %get3A_1034 = arith.index_cast %add3A_1019 : i32 to index
        %get3A_1035 = arith.constant 32 : index
        %get3A_1036 = tpu.vector_load %arg13[%get3A_1033, %get3A_1034, %get3A_1035] {strides = array<i32>} : memref<2x200x128xf32, #tpu.memory_space<vmem>>, vector<1x1x16xf32>,
        %get3A_1037 = vector.shape_cast %get3A_1036 : vector<1x1x16xf32> to vector<16xf32>
        %mul3A_1038 = arith.mulf %scan3A_397#2, %get3A_1037 : vector<16xf32>
        %add3A_1039 = arith.addf %add3A_1032, %mul3A_1038 : vector<16xf32>
        %get3A_1040 = arith.index_cast %select_n3A_121 : i32 to index
        %get3A_1041 = arith.index_cast %add3A_1019 : i32 to index
        %get3A_1042 = arith.constant 48 : index
        %get3A_1043 = tpu.vector_load %arg13[%get3A_1040, %get3A_1041, %get3A_1042] {strides = array<i32>} : memref<2x200x128xf32, #tpu.memory_space<vmem>>, vector<1x1x16xf32>,
        %get3A_1044 = vector.shape_cast %get3A_1043 : vector<1x1x16xf32> to vector<16xf32>
        %mul3A_1045 = arith.mulf %scan3A_397#3, %get3A_1044 : vector<16xf32>
        %add3A_1046 = arith.addf %add3A_1039, %mul3A_1045 : vector<16xf32>
        %get3A_1047 = arith.index_cast %select_n3A_121 : i32 to index
        %get3A_1048 = arith.index_cast %add3A_1019 : i32 to index
        %get3A_1049 = arith.constant 64 : index
        %get3A_1050 = tpu.vector_load %arg13[%get3A_1047, %get3A_1048, %get3A_1049] {strides = array<i32>} : memref<2x200x128xf32, #tpu.memory_space<vmem>>, vector<1x1x16xf32>,
        %get3A_1051 = vector.shape_cast %get3A_1050 : vector<1x1x16xf32> to vector<16xf32>
        %mul3A_1052 = arith.mulf %scan3A_397#4, %get3A_1051 : vector<16xf32>
        %add3A_1053 = arith.addf %add3A_1046, %mul3A_1052 : vector<16xf32>
        %get3A_1054 = arith.index_cast %select_n3A_121 : i32 to index
        %get3A_1055 = arith.index_cast %add3A_1019 : i32 to index
        %get3A_1056 = arith.constant 80 : index
        %get3A_1057 = tpu.vector_load %arg13[%get3A_1054, %get3A_1055, %get3A_1056] {strides = array<i32>} : memref<2x200x128xf32, #tpu.memory_space<vmem>>, vector<1x1x16xf32>,
        %get3A_1058 = vector.shape_cast %get3A_1057 : vector<1x1x16xf32> to vector<16xf32>
        %mul3A_1059 = arith.mulf %scan3A_397#5, %get3A_1058 : vector<16xf32>
        %add3A_1060 = arith.addf %add3A_1053, %mul3A_1059 : vector<16xf32>
        %get3A_1061 = arith.index_cast %select_n3A_121 : i32 to index
        %get3A_1062 = arith.index_cast %add3A_1019 : i32 to index
        %get3A_1063 = arith.constant 96 : index
        %get3A_1064 = tpu.vector_load %arg13[%get3A_1061, %get3A_1062, %get3A_1063] {strides = array<i32>} : memref<2x200x128xf32, #tpu.memory_space<vmem>>, vector<1x1x16xf32>,
        %get3A_1065 = vector.shape_cast %get3A_1064 : vector<1x1x16xf32> to vector<16xf32>
        %mul3A_1066 = arith.mulf %scan3A_397#6, %get3A_1065 : vector<16xf32>
        %add3A_1067 = arith.addf %add3A_1060, %mul3A_1066 : vector<16xf32>
        %get3A_1068 = arith.index_cast %select_n3A_121 : i32 to index
        %get3A_1069 = arith.index_cast %add3A_1019 : i32 to index
        %get3A_1070 = arith.constant 112 : index
        %get3A_1071 = tpu.vector_load %arg13[%get3A_1068, %get3A_1069, %get3A_1070] {strides = array<i32>} : memref<2x200x128xf32, #tpu.memory_space<vmem>>, vector<1x1x16xf32>,
        %get3A_1072 = vector.shape_cast %get3A_1071 : vector<1x1x16xf32> to vector<16xf32>
        %mul3A_1073 = arith.mulf %scan3A_397#7, %get3A_1072 : vector<16xf32>
        %add3A_1074 = arith.addf %add3A_1067, %mul3A_1073 : vector<16xf32>
        %add3A_1075 = arith.constant 0 : i32
        %add3A_1076 = arith.addi %mul3A_376, %add3A_1075 : i32
        %add3A_1077 = arith.constant 10 : i32
        %add3A_1078 = arith.addi %add3A_1076, %add3A_1077 : i32
        %get3A_1079 = arith.index_cast %select_n3A_121 : i32 to index
        %get3A_1080 = arith.index_cast %add3A_1078 : i32 to index
        %get3A_1081 = arith.constant 0 : index
        %get3A_1082 = tpu.vector_load %arg13[%get3A_1079, %get3A_1080, %get3A_1081] {strides = array<i32>} : memref<2x200x128xf32, #tpu.memory_space<vmem>>, vector<1x1x16xf32>,
        %get3A_1083 = vector.shape_cast %get3A_1082 : vector<1x1x16xf32> to vector<16xf32>
        %mul3A_1084 = arith.mulf %scan3A_397#0, %get3A_1083 : vector<16xf32>
        %get3A_1085 = arith.index_cast %select_n3A_121 : i32 to index
        %get3A_1086 = arith.index_cast %add3A_1078 : i32 to index
        %get3A_1087 = arith.constant 16 : index
        %get3A_1088 = tpu.vector_load %arg13[%get3A_1085, %get3A_1086, %get3A_1087] {strides = array<i32>} : memref<2x200x128xf32, #tpu.memory_space<vmem>>, vector<1x1x16xf32>,
        %get3A_1089 = vector.shape_cast %get3A_1088 : vector<1x1x16xf32> to vector<16xf32>
        %mul3A_1090 = arith.mulf %scan3A_397#1, %get3A_1089 : vector<16xf32>
        %add3A_1091 = arith.addf %mul3A_1084, %mul3A_1090 : vector<16xf32>
        %get3A_1092 = arith.index_cast %select_n3A_121 : i32 to index
        %get3A_1093 = arith.index_cast %add3A_1078 : i32 to index
        %get3A_1094 = arith.constant 32 : index
        %get3A_1095 = tpu.vector_load %arg13[%get3A_1092, %get3A_1093, %get3A_1094] {strides = array<i32>} : memref<2x200x128xf32, #tpu.memory_space<vmem>>, vector<1x1x16xf32>,
        %get3A_1096 = vector.shape_cast %get3A_1095 : vector<1x1x16xf32> to vector<16xf32>
        %mul3A_1097 = arith.mulf %scan3A_397#2, %get3A_1096 : vector<16xf32>
        %add3A_1098 = arith.addf %add3A_1091, %mul3A_1097 : vector<16xf32>
        %get3A_1099 = arith.index_cast %select_n3A_121 : i32 to index
        %get3A_1100 = arith.index_cast %add3A_1078 : i32 to index
        %get3A_1101 = arith.constant 48 : index
        %get3A_1102 = tpu.vector_load %arg13[%get3A_1099, %get3A_1100, %get3A_1101] {strides = array<i32>} : memref<2x200x128xf32, #tpu.memory_space<vmem>>, vector<1x1x16xf32>,
        %get3A_1103 = vector.shape_cast %get3A_1102 : vector<1x1x16xf32> to vector<16xf32>
        %mul3A_1104 = arith.mulf %scan3A_397#3, %get3A_1103 : vector<16xf32>
        %add3A_1105 = arith.addf %add3A_1098, %mul3A_1104 : vector<16xf32>
        %get3A_1106 = arith.index_cast %select_n3A_121 : i32 to index
        %get3A_1107 = arith.index_cast %add3A_1078 : i32 to index
        %get3A_1108 = arith.constant 64 : index
        %get3A_1109 = tpu.vector_load %arg13[%get3A_1106, %get3A_1107, %get3A_1108] {strides = array<i32>} : memref<2x200x128xf32, #tpu.memory_space<vmem>>, vector<1x1x16xf32>,
        %get3A_1110 = vector.shape_cast %get3A_1109 : vector<1x1x16xf32> to vector<16xf32>
        %mul3A_1111 = arith.mulf %scan3A_397#4, %get3A_1110 : vector<16xf32>
        %add3A_1112 = arith.addf %add3A_1105, %mul3A_1111 : vector<16xf32>
        %get3A_1113 = arith.index_cast %select_n3A_121 : i32 to index
        %get3A_1114 = arith.index_cast %add3A_1078 : i32 to index
        %get3A_1115 = arith.constant 80 : index
        %get3A_1116 = tpu.vector_load %arg13[%get3A_1113, %get3A_1114, %get3A_1115] {strides = array<i32>} : memref<2x200x128xf32, #tpu.memory_space<vmem>>, vector<1x1x16xf32>,
        %get3A_1117 = vector.shape_cast %get3A_1116 : vector<1x1x16xf32> to vector<16xf32>
        %mul3A_1118 = arith.mulf %scan3A_397#5, %get3A_1117 : vector<16xf32>
        %add3A_1119 = arith.addf %add3A_1112, %mul3A_1118 : vector<16xf32>
        %get3A_1120 = arith.index_cast %select_n3A_121 : i32 to index
        %get3A_1121 = arith.index_cast %add3A_1078 : i32 to index
        %get3A_1122 = arith.constant 96 : index
        %get3A_1123 = tpu.vector_load %arg13[%get3A_1120, %get3A_1121, %get3A_1122] {strides = array<i32>} : memref<2x200x128xf32, #tpu.memory_space<vmem>>, vector<1x1x16xf32>,
        %get3A_1124 = vector.shape_cast %get3A_1123 : vector<1x1x16xf32> to vector<16xf32>
        %mul3A_1125 = arith.mulf %scan3A_397#6, %get3A_1124 : vector<16xf32>
        %add3A_1126 = arith.addf %add3A_1119, %mul3A_1125 : vector<16xf32>
        %get3A_1127 = arith.index_cast %select_n3A_121 : i32 to index
        %get3A_1128 = arith.index_cast %add3A_1078 : i32 to index
        %get3A_1129 = arith.constant 112 : index
        %get3A_1130 = tpu.vector_load %arg13[%get3A_1127, %get3A_1128, %get3A_1129] {strides = array<i32>} : memref<2x200x128xf32, #tpu.memory_space<vmem>>, vector<1x1x16xf32>,
        %get3A_1131 = vector.shape_cast %get3A_1130 : vector<1x1x16xf32> to vector<16xf32>
        %mul3A_1132 = arith.mulf %scan3A_397#7, %get3A_1131 : vector<16xf32>
        %add3A_1133 = arith.addf %add3A_1126, %mul3A_1132 : vector<16xf32>
        %add3A_1134 = arith.constant 0 : i32
        %add3A_1135 = arith.addi %mul3A_376, %add3A_1134 : i32
        %add3A_1136 = arith.constant 11 : i32
        %add3A_1137 = arith.addi %add3A_1135, %add3A_1136 : i32
        %get3A_1138 = arith.index_cast %select_n3A_121 : i32 to index
        %get3A_1139 = arith.index_cast %add3A_1137 : i32 to index
        %get3A_1140 = arith.constant 0 : index
        %get3A_1141 = tpu.vector_load %arg13[%get3A_1138, %get3A_1139, %get3A_1140] {strides = array<i32>} : memref<2x200x128xf32, #tpu.memory_space<vmem>>, vector<1x1x16xf32>,
        %get3A_1142 = vector.shape_cast %get3A_1141 : vector<1x1x16xf32> to vector<16xf32>
        %mul3A_1143 = arith.mulf %scan3A_397#0, %get3A_1142 : vector<16xf32>
        %get3A_1144 = arith.index_cast %select_n3A_121 : i32 to index
        %get3A_1145 = arith.index_cast %add3A_1137 : i32 to index
        %get3A_1146 = arith.constant 16 : index
        %get3A_1147 = tpu.vector_load %arg13[%get3A_1144, %get3A_1145, %get3A_1146] {strides = array<i32>} : memref<2x200x128xf32, #tpu.memory_space<vmem>>, vector<1x1x16xf32>,
        %get3A_1148 = vector.shape_cast %get3A_1147 : vector<1x1x16xf32> to vector<16xf32>
        %mul3A_1149 = arith.mulf %scan3A_397#1, %get3A_1148 : vector<16xf32>
        %add3A_1150 = arith.addf %mul3A_1143, %mul3A_1149 : vector<16xf32>
        %get3A_1151 = arith.index_cast %select_n3A_121 : i32 to index
        %get3A_1152 = arith.index_cast %add3A_1137 : i32 to index
        %get3A_1153 = arith.constant 32 : index
        %get3A_1154 = tpu.vector_load %arg13[%get3A_1151, %get3A_1152, %get3A_1153] {strides = array<i32>} : memref<2x200x128xf32, #tpu.memory_space<vmem>>, vector<1x1x16xf32>,
        %get3A_1155 = vector.shape_cast %get3A_1154 : vector<1x1x16xf32> to vector<16xf32>
        %mul3A_1156 = arith.mulf %scan3A_397#2, %get3A_1155 : vector<16xf32>
        %add3A_1157 = arith.addf %add3A_1150, %mul3A_1156 : vector<16xf32>
        %get3A_1158 = arith.index_cast %select_n3A_121 : i32 to index
        %get3A_1159 = arith.index_cast %add3A_1137 : i32 to index
        %get3A_1160 = arith.constant 48 : index
        %get3A_1161 = tpu.vector_load %arg13[%get3A_1158, %get3A_1159, %get3A_1160] {strides = array<i32>} : memref<2x200x128xf32, #tpu.memory_space<vmem>>, vector<1x1x16xf32>,
        %get3A_1162 = vector.shape_cast %get3A_1161 : vector<1x1x16xf32> to vector<16xf32>
        %mul3A_1163 = arith.mulf %scan3A_397#3, %get3A_1162 : vector<16xf32>
        %add3A_1164 = arith.addf %add3A_1157, %mul3A_1163 : vector<16xf32>
        %get3A_1165 = arith.index_cast %select_n3A_121 : i32 to index
        %get3A_1166 = arith.index_cast %add3A_1137 : i32 to index
        %get3A_1167 = arith.constant 64 : index
        %get3A_1168 = tpu.vector_load %arg13[%get3A_1165, %get3A_1166, %get3A_1167] {strides = array<i32>} : memref<2x200x128xf32, #tpu.memory_space<vmem>>, vector<1x1x16xf32>,
        %get3A_1169 = vector.shape_cast %get3A_1168 : vector<1x1x16xf32> to vector<16xf32>
        %mul3A_1170 = arith.mulf %scan3A_397#4, %get3A_1169 : vector<16xf32>
        %add3A_1171 = arith.addf %add3A_1164, %mul3A_1170 : vector<16xf32>
        %get3A_1172 = arith.index_cast %select_n3A_121 : i32 to index
        %get3A_1173 = arith.index_cast %add3A_1137 : i32 to index
        %get3A_1174 = arith.constant 80 : index
        %get3A_1175 = tpu.vector_load %arg13[%get3A_1172, %get3A_1173, %get3A_1174] {strides = array<i32>} : memref<2x200x128xf32, #tpu.memory_space<vmem>>, vector<1x1x16xf32>,
        %get3A_1176 = vector.shape_cast %get3A_1175 : vector<1x1x16xf32> to vector<16xf32>
        %mul3A_1177 = arith.mulf %scan3A_397#5, %get3A_1176 : vector<16xf32>
        %add3A_1178 = arith.addf %add3A_1171, %mul3A_1177 : vector<16xf32>
        %get3A_1179 = arith.index_cast %select_n3A_121 : i32 to index
        %get3A_1180 = arith.index_cast %add3A_1137 : i32 to index
        %get3A_1181 = arith.constant 96 : index
        %get3A_1182 = tpu.vector_load %arg13[%get3A_1179, %get3A_1180, %get3A_1181] {strides = array<i32>} : memref<2x200x128xf32, #tpu.memory_space<vmem>>, vector<1x1x16xf32>,
        %get3A_1183 = vector.shape_cast %get3A_1182 : vector<1x1x16xf32> to vector<16xf32>
        %mul3A_1184 = arith.mulf %scan3A_397#6, %get3A_1183 : vector<16xf32>
        %add3A_1185 = arith.addf %add3A_1178, %mul3A_1184 : vector<16xf32>
        %get3A_1186 = arith.index_cast %select_n3A_121 : i32 to index
        %get3A_1187 = arith.index_cast %add3A_1137 : i32 to index
        %get3A_1188 = arith.constant 112 : index
        %get3A_1189 = tpu.vector_load %arg13[%get3A_1186, %get3A_1187, %get3A_1188] {strides = array<i32>} : memref<2x200x128xf32, #tpu.memory_space<vmem>>, vector<1x1x16xf32>,
        %get3A_1190 = vector.shape_cast %get3A_1189 : vector<1x1x16xf32> to vector<16xf32>
        %mul3A_1191 = arith.mulf %scan3A_397#7, %get3A_1190 : vector<16xf32>
        %add3A_1192 = arith.addf %add3A_1185, %mul3A_1191 : vector<16xf32>
        %add3A_1193 = arith.constant 0 : i32
        %add3A_1194 = arith.addi %mul3A_376, %add3A_1193 : i32
        %add3A_1195 = arith.constant 12 : i32
        %add3A_1196 = arith.addi %add3A_1194, %add3A_1195 : i32
        %get3A_1197 = arith.index_cast %select_n3A_121 : i32 to index
        %get3A_1198 = arith.index_cast %add3A_1196 : i32 to index
        %get3A_1199 = arith.constant 0 : index
        %get3A_1200 = tpu.vector_load %arg13[%get3A_1197, %get3A_1198, %get3A_1199] {strides = array<i32>} : memref<2x200x128xf32, #tpu.memory_space<vmem>>, vector<1x1x16xf32>,
        %get3A_1201 = vector.shape_cast %get3A_1200 : vector<1x1x16xf32> to vector<16xf32>
        %mul3A_1202 = arith.mulf %scan3A_397#0, %get3A_1201 : vector<16xf32>
        %get3A_1203 = arith.index_cast %select_n3A_121 : i32 to index
        %get3A_1204 = arith.index_cast %add3A_1196 : i32 to index
        %get3A_1205 = arith.constant 16 : index
        %get3A_1206 = tpu.vector_load %arg13[%get3A_1203, %get3A_1204, %get3A_1205] {strides = array<i32>} : memref<2x200x128xf32, #tpu.memory_space<vmem>>, vector<1x1x16xf32>,
        %get3A_1207 = vector.shape_cast %get3A_1206 : vector<1x1x16xf32> to vector<16xf32>
        %mul3A_1208 = arith.mulf %scan3A_397#1, %get3A_1207 : vector<16xf32>
        %add3A_1209 = arith.addf %mul3A_1202, %mul3A_1208 : vector<16xf32>
        %get3A_1210 = arith.index_cast %select_n3A_121 : i32 to index
        %get3A_1211 = arith.index_cast %add3A_1196 : i32 to index
        %get3A_1212 = arith.constant 32 : index
        %get3A_1213 = tpu.vector_load %arg13[%get3A_1210, %get3A_1211, %get3A_1212] {strides = array<i32>} : memref<2x200x128xf32, #tpu.memory_space<vmem>>, vector<1x1x16xf32>,
        %get3A_1214 = vector.shape_cast %get3A_1213 : vector<1x1x16xf32> to vector<16xf32>
        %mul3A_1215 = arith.mulf %scan3A_397#2, %get3A_1214 : vector<16xf32>
        %add3A_1216 = arith.addf %add3A_1209, %mul3A_1215 : vector<16xf32>
        %get3A_1217 = arith.index_cast %select_n3A_121 : i32 to index
        %get3A_1218 = arith.index_cast %add3A_1196 : i32 to index
        %get3A_1219 = arith.constant 48 : index
        %get3A_1220 = tpu.vector_load %arg13[%get3A_1217, %get3A_1218, %get3A_1219] {strides = array<i32>} : memref<2x200x128xf32, #tpu.memory_space<vmem>>, vector<1x1x16xf32>,
        %get3A_1221 = vector.shape_cast %get3A_1220 : vector<1x1x16xf32> to vector<16xf32>
        %mul3A_1222 = arith.mulf %scan3A_397#3, %get3A_1221 : vector<16xf32>
        %add3A_1223 = arith.addf %add3A_1216, %mul3A_1222 : vector<16xf32>
        %get3A_1224 = arith.index_cast %select_n3A_121 : i32 to index
        %get3A_1225 = arith.index_cast %add3A_1196 : i32 to index
        %get3A_1226 = arith.constant 64 : index
        %get3A_1227 = tpu.vector_load %arg13[%get3A_1224, %get3A_1225, %get3A_1226] {strides = array<i32>} : memref<2x200x128xf32, #tpu.memory_space<vmem>>, vector<1x1x16xf32>,
        %get3A_1228 = vector.shape_cast %get3A_1227 : vector<1x1x16xf32> to vector<16xf32>
        %mul3A_1229 = arith.mulf %scan3A_397#4, %get3A_1228 : vector<16xf32>
        %add3A_1230 = arith.addf %add3A_1223, %mul3A_1229 : vector<16xf32>
        %get3A_1231 = arith.index_cast %select_n3A_121 : i32 to index
        %get3A_1232 = arith.index_cast %add3A_1196 : i32 to index
        %get3A_1233 = arith.constant 80 : index
        %get3A_1234 = tpu.vector_load %arg13[%get3A_1231, %get3A_1232, %get3A_1233] {strides = array<i32>} : memref<2x200x128xf32, #tpu.memory_space<vmem>>, vector<1x1x16xf32>,
        %get3A_1235 = vector.shape_cast %get3A_1234 : vector<1x1x16xf32> to vector<16xf32>
        %mul3A_1236 = arith.mulf %scan3A_397#5, %get3A_1235 : vector<16xf32>
        %add3A_1237 = arith.addf %add3A_1230, %mul3A_1236 : vector<16xf32>
        %get3A_1238 = arith.index_cast %select_n3A_121 : i32 to index
        %get3A_1239 = arith.index_cast %add3A_1196 : i32 to index
        %get3A_1240 = arith.constant 96 : index
        %get3A_1241 = tpu.vector_load %arg13[%get3A_1238, %get3A_1239, %get3A_1240] {strides = array<i32>} : memref<2x200x128xf32, #tpu.memory_space<vmem>>, vector<1x1x16xf32>,
        %get3A_1242 = vector.shape_cast %get3A_1241 : vector<1x1x16xf32> to vector<16xf32>
        %mul3A_1243 = arith.mulf %scan3A_397#6, %get3A_1242 : vector<16xf32>
        %add3A_1244 = arith.addf %add3A_1237, %mul3A_1243 : vector<16xf32>
        %get3A_1245 = arith.index_cast %select_n3A_121 : i32 to index
        %get3A_1246 = arith.index_cast %add3A_1196 : i32 to index
        %get3A_1247 = arith.constant 112 : index
        %get3A_1248 = tpu.vector_load %arg13[%get3A_1245, %get3A_1246, %get3A_1247] {strides = array<i32>} : memref<2x200x128xf32, #tpu.memory_space<vmem>>, vector<1x1x16xf32>,
        %get3A_1249 = vector.shape_cast %get3A_1248 : vector<1x1x16xf32> to vector<16xf32>
        %mul3A_1250 = arith.mulf %scan3A_397#7, %get3A_1249 : vector<16xf32>
        %add3A_1251 = arith.addf %add3A_1244, %mul3A_1250 : vector<16xf32>
        %add3A_1252 = arith.constant 0 : i32
        %add3A_1253 = arith.addi %mul3A_376, %add3A_1252 : i32
        %add3A_1254 = arith.constant 13 : i32
        %add3A_1255 = arith.addi %add3A_1253, %add3A_1254 : i32
        %get3A_1256 = arith.index_cast %select_n3A_121 : i32 to index
        %get3A_1257 = arith.index_cast %add3A_1255 : i32 to index
        %get3A_1258 = arith.constant 0 : index
        %get3A_1259 = tpu.vector_load %arg13[%get3A_1256, %get3A_1257, %get3A_1258] {strides = array<i32>} : memref<2x200x128xf32, #tpu.memory_space<vmem>>, vector<1x1x16xf32>,
        %get3A_1260 = vector.shape_cast %get3A_1259 : vector<1x1x16xf32> to vector<16xf32>
        %mul3A_1261 = arith.mulf %scan3A_397#0, %get3A_1260 : vector<16xf32>
        %get3A_1262 = arith.index_cast %select_n3A_121 : i32 to index
        %get3A_1263 = arith.index_cast %add3A_1255 : i32 to index
        %get3A_1264 = arith.constant 16 : index
        %get3A_1265 = tpu.vector_load %arg13[%get3A_1262, %get3A_1263, %get3A_1264] {strides = array<i32>} : memref<2x200x128xf32, #tpu.memory_space<vmem>>, vector<1x1x16xf32>,
        %get3A_1266 = vector.shape_cast %get3A_1265 : vector<1x1x16xf32> to vector<16xf32>
        %mul3A_1267 = arith.mulf %scan3A_397#1, %get3A_1266 : vector<16xf32>
        %add3A_1268 = arith.addf %mul3A_1261, %mul3A_1267 : vector<16xf32>
        %get3A_1269 = arith.index_cast %select_n3A_121 : i32 to index
        %get3A_1270 = arith.index_cast %add3A_1255 : i32 to index
        %get3A_1271 = arith.constant 32 : index
        %get3A_1272 = tpu.vector_load %arg13[%get3A_1269, %get3A_1270, %get3A_1271] {strides = array<i32>} : memref<2x200x128xf32, #tpu.memory_space<vmem>>, vector<1x1x16xf32>,
        %get3A_1273 = vector.shape_cast %get3A_1272 : vector<1x1x16xf32> to vector<16xf32>
        %mul3A_1274 = arith.mulf %scan3A_397#2, %get3A_1273 : vector<16xf32>
        %add3A_1275 = arith.addf %add3A_1268, %mul3A_1274 : vector<16xf32>
        %get3A_1276 = arith.index_cast %select_n3A_121 : i32 to index
        %get3A_1277 = arith.index_cast %add3A_1255 : i32 to index
        %get3A_1278 = arith.constant 48 : index
        %get3A_1279 = tpu.vector_load %arg13[%get3A_1276, %get3A_1277, %get3A_1278] {strides = array<i32>} : memref<2x200x128xf32, #tpu.memory_space<vmem>>, vector<1x1x16xf32>,
        %get3A_1280 = vector.shape_cast %get3A_1279 : vector<1x1x16xf32> to vector<16xf32>
        %mul3A_1281 = arith.mulf %scan3A_397#3, %get3A_1280 : vector<16xf32>
        %add3A_1282 = arith.addf %add3A_1275, %mul3A_1281 : vector<16xf32>
        %get3A_1283 = arith.index_cast %select_n3A_121 : i32 to index
        %get3A_1284 = arith.index_cast %add3A_1255 : i32 to index
        %get3A_1285 = arith.constant 64 : index
        %get3A_1286 = tpu.vector_load %arg13[%get3A_1283, %get3A_1284, %get3A_1285] {strides = array<i32>} : memref<2x200x128xf32, #tpu.memory_space<vmem>>, vector<1x1x16xf32>,
        %get3A_1287 = vector.shape_cast %get3A_1286 : vector<1x1x16xf32> to vector<16xf32>
        %mul3A_1288 = arith.mulf %scan3A_397#4, %get3A_1287 : vector<16xf32>
        %add3A_1289 = arith.addf %add3A_1282, %mul3A_1288 : vector<16xf32>
        %get3A_1290 = arith.index_cast %select_n3A_121 : i32 to index
        %get3A_1291 = arith.index_cast %add3A_1255 : i32 to index
        %get3A_1292 = arith.constant 80 : index
        %get3A_1293 = tpu.vector_load %arg13[%get3A_1290, %get3A_1291, %get3A_1292] {strides = array<i32>} : memref<2x200x128xf32, #tpu.memory_space<vmem>>, vector<1x1x16xf32>,
        %get3A_1294 = vector.shape_cast %get3A_1293 : vector<1x1x16xf32> to vector<16xf32>
        %mul3A_1295 = arith.mulf %scan3A_397#5, %get3A_1294 : vector<16xf32>
        %add3A_1296 = arith.addf %add3A_1289, %mul3A_1295 : vector<16xf32>
        %get3A_1297 = arith.index_cast %select_n3A_121 : i32 to index
        %get3A_1298 = arith.index_cast %add3A_1255 : i32 to index
        %get3A_1299 = arith.constant 96 : index
        %get3A_1300 = tpu.vector_load %arg13[%get3A_1297, %get3A_1298, %get3A_1299] {strides = array<i32>} : memref<2x200x128xf32, #tpu.memory_space<vmem>>, vector<1x1x16xf32>,
        %get3A_1301 = vector.shape_cast %get3A_1300 : vector<1x1x16xf32> to vector<16xf32>
        %mul3A_1302 = arith.mulf %scan3A_397#6, %get3A_1301 : vector<16xf32>
        %add3A_1303 = arith.addf %add3A_1296, %mul3A_1302 : vector<16xf32>
        %get3A_1304 = arith.index_cast %select_n3A_121 : i32 to index
        %get3A_1305 = arith.index_cast %add3A_1255 : i32 to index
        %get3A_1306 = arith.constant 112 : index
        %get3A_1307 = tpu.vector_load %arg13[%get3A_1304, %get3A_1305, %get3A_1306] {strides = array<i32>} : memref<2x200x128xf32, #tpu.memory_space<vmem>>, vector<1x1x16xf32>,
        %get3A_1308 = vector.shape_cast %get3A_1307 : vector<1x1x16xf32> to vector<16xf32>
        %mul3A_1309 = arith.mulf %scan3A_397#7, %get3A_1308 : vector<16xf32>
        %add3A_1310 = arith.addf %add3A_1303, %mul3A_1309 : vector<16xf32>
        %add3A_1311 = arith.constant 0 : i32
        %add3A_1312 = arith.addi %mul3A_376, %add3A_1311 : i32
        %add3A_1313 = arith.constant 14 : i32
        %add3A_1314 = arith.addi %add3A_1312, %add3A_1313 : i32
        %get3A_1315 = arith.index_cast %select_n3A_121 : i32 to index
        %get3A_1316 = arith.index_cast %add3A_1314 : i32 to index
        %get3A_1317 = arith.constant 0 : index
        %get3A_1318 = tpu.vector_load %arg13[%get3A_1315, %get3A_1316, %get3A_1317] {strides = array<i32>} : memref<2x200x128xf32, #tpu.memory_space<vmem>>, vector<1x1x16xf32>,
        %get3A_1319 = vector.shape_cast %get3A_1318 : vector<1x1x16xf32> to vector<16xf32>
        %mul3A_1320 = arith.mulf %scan3A_397#0, %get3A_1319 : vector<16xf32>
        %get3A_1321 = arith.index_cast %select_n3A_121 : i32 to index
        %get3A_1322 = arith.index_cast %add3A_1314 : i32 to index
        %get3A_1323 = arith.constant 16 : index
        %get3A_1324 = tpu.vector_load %arg13[%get3A_1321, %get3A_1322, %get3A_1323] {strides = array<i32>} : memref<2x200x128xf32, #tpu.memory_space<vmem>>, vector<1x1x16xf32>,
        %get3A_1325 = vector.shape_cast %get3A_1324 : vector<1x1x16xf32> to vector<16xf32>
        %mul3A_1326 = arith.mulf %scan3A_397#1, %get3A_1325 : vector<16xf32>
        %add3A_1327 = arith.addf %mul3A_1320, %mul3A_1326 : vector<16xf32>
        %get3A_1328 = arith.index_cast %select_n3A_121 : i32 to index
        %get3A_1329 = arith.index_cast %add3A_1314 : i32 to index
        %get3A_1330 = arith.constant 32 : index
        %get3A_1331 = tpu.vector_load %arg13[%get3A_1328, %get3A_1329, %get3A_1330] {strides = array<i32>} : memref<2x200x128xf32, #tpu.memory_space<vmem>>, vector<1x1x16xf32>,
        %get3A_1332 = vector.shape_cast %get3A_1331 : vector<1x1x16xf32> to vector<16xf32>
        %mul3A_1333 = arith.mulf %scan3A_397#2, %get3A_1332 : vector<16xf32>
        %add3A_1334 = arith.addf %add3A_1327, %mul3A_1333 : vector<16xf32>
        %get3A_1335 = arith.index_cast %select_n3A_121 : i32 to index
        %get3A_1336 = arith.index_cast %add3A_1314 : i32 to index
        %get3A_1337 = arith.constant 48 : index
        %get3A_1338 = tpu.vector_load %arg13[%get3A_1335, %get3A_1336, %get3A_1337] {strides = array<i32>} : memref<2x200x128xf32, #tpu.memory_space<vmem>>, vector<1x1x16xf32>,
        %get3A_1339 = vector.shape_cast %get3A_1338 : vector<1x1x16xf32> to vector<16xf32>
        %mul3A_1340 = arith.mulf %scan3A_397#3, %get3A_1339 : vector<16xf32>
        %add3A_1341 = arith.addf %add3A_1334, %mul3A_1340 : vector<16xf32>
        %get3A_1342 = arith.index_cast %select_n3A_121 : i32 to index
        %get3A_1343 = arith.index_cast %add3A_1314 : i32 to index
        %get3A_1344 = arith.constant 64 : index
        %get3A_1345 = tpu.vector_load %arg13[%get3A_1342, %get3A_1343, %get3A_1344] {strides = array<i32>} : memref<2x200x128xf32, #tpu.memory_space<vmem>>, vector<1x1x16xf32>,
        %get3A_1346 = vector.shape_cast %get3A_1345 : vector<1x1x16xf32> to vector<16xf32>
        %mul3A_1347 = arith.mulf %scan3A_397#4, %get3A_1346 : vector<16xf32>
        %add3A_1348 = arith.addf %add3A_1341, %mul3A_1347 : vector<16xf32>
        %get3A_1349 = arith.index_cast %select_n3A_121 : i32 to index
        %get3A_1350 = arith.index_cast %add3A_1314 : i32 to index
        %get3A_1351 = arith.constant 80 : index
        %get3A_1352 = tpu.vector_load %arg13[%get3A_1349, %get3A_1350, %get3A_1351] {strides = array<i32>} : memref<2x200x128xf32, #tpu.memory_space<vmem>>, vector<1x1x16xf32>,
        %get3A_1353 = vector.shape_cast %get3A_1352 : vector<1x1x16xf32> to vector<16xf32>
        %mul3A_1354 = arith.mulf %scan3A_397#5, %get3A_1353 : vector<16xf32>
        %add3A_1355 = arith.addf %add3A_1348, %mul3A_1354 : vector<16xf32>
        %get3A_1356 = arith.index_cast %select_n3A_121 : i32 to index
        %get3A_1357 = arith.index_cast %add3A_1314 : i32 to index
        %get3A_1358 = arith.constant 96 : index
        %get3A_1359 = tpu.vector_load %arg13[%get3A_1356, %get3A_1357, %get3A_1358] {strides = array<i32>} : memref<2x200x128xf32, #tpu.memory_space<vmem>>, vector<1x1x16xf32>,
        %get3A_1360 = vector.shape_cast %get3A_1359 : vector<1x1x16xf32> to vector<16xf32>
        %mul3A_1361 = arith.mulf %scan3A_397#6, %get3A_1360 : vector<16xf32>
        %add3A_1362 = arith.addf %add3A_1355, %mul3A_1361 : vector<16xf32>
        %get3A_1363 = arith.index_cast %select_n3A_121 : i32 to index
        %get3A_1364 = arith.index_cast %add3A_1314 : i32 to index
        %get3A_1365 = arith.constant 112 : index
        %get3A_1366 = tpu.vector_load %arg13[%get3A_1363, %get3A_1364, %get3A_1365] {strides = array<i32>} : memref<2x200x128xf32, #tpu.memory_space<vmem>>, vector<1x1x16xf32>,
        %get3A_1367 = vector.shape_cast %get3A_1366 : vector<1x1x16xf32> to vector<16xf32>
        %mul3A_1368 = arith.mulf %scan3A_397#7, %get3A_1367 : vector<16xf32>
        %add3A_1369 = arith.addf %add3A_1362, %mul3A_1368 : vector<16xf32>
        %add3A_1370 = arith.constant 0 : i32
        %add3A_1371 = arith.addi %mul3A_376, %add3A_1370 : i32
        %add3A_1372 = arith.constant 15 : i32
        %add3A_1373 = arith.addi %add3A_1371, %add3A_1372 : i32
        %get3A_1374 = arith.index_cast %select_n3A_121 : i32 to index
        %get3A_1375 = arith.index_cast %add3A_1373 : i32 to index
        %get3A_1376 = arith.constant 0 : index
        %get3A_1377 = tpu.vector_load %arg13[%get3A_1374, %get3A_1375, %get3A_1376] {strides = array<i32>} : memref<2x200x128xf32, #tpu.memory_space<vmem>>, vector<1x1x16xf32>,
        %get3A_1378 = vector.shape_cast %get3A_1377 : vector<1x1x16xf32> to vector<16xf32>
        %mul3A_1379 = arith.mulf %scan3A_397#0, %get3A_1378 : vector<16xf32>
        %get3A_1380 = arith.index_cast %select_n3A_121 : i32 to index
        %get3A_1381 = arith.index_cast %add3A_1373 : i32 to index
        %get3A_1382 = arith.constant 16 : index
        %get3A_1383 = tpu.vector_load %arg13[%get3A_1380, %get3A_1381, %get3A_1382] {strides = array<i32>} : memref<2x200x128xf32, #tpu.memory_space<vmem>>, vector<1x1x16xf32>,
        %get3A_1384 = vector.shape_cast %get3A_1383 : vector<1x1x16xf32> to vector<16xf32>
        %mul3A_1385 = arith.mulf %scan3A_397#1, %get3A_1384 : vector<16xf32>
        %add3A_1386 = arith.addf %mul3A_1379, %mul3A_1385 : vector<16xf32>
        %get3A_1387 = arith.index_cast %select_n3A_121 : i32 to index
        %get3A_1388 = arith.index_cast %add3A_1373 : i32 to index
        %get3A_1389 = arith.constant 32 : index
        %get3A_1390 = tpu.vector_load %arg13[%get3A_1387, %get3A_1388, %get3A_1389] {strides = array<i32>} : memref<2x200x128xf32, #tpu.memory_space<vmem>>, vector<1x1x16xf32>,
        %get3A_1391 = vector.shape_cast %get3A_1390 : vector<1x1x16xf32> to vector<16xf32>
        %mul3A_1392 = arith.mulf %scan3A_397#2, %get3A_1391 : vector<16xf32>
        %add3A_1393 = arith.addf %add3A_1386, %mul3A_1392 : vector<16xf32>
        %get3A_1394 = arith.index_cast %select_n3A_121 : i32 to index
        %get3A_1395 = arith.index_cast %add3A_1373 : i32 to index
        %get3A_1396 = arith.constant 48 : index
        %get3A_1397 = tpu.vector_load %arg13[%get3A_1394, %get3A_1395, %get3A_1396] {strides = array<i32>} : memref<2x200x128xf32, #tpu.memory_space<vmem>>, vector<1x1x16xf32>,
        %get3A_1398 = vector.shape_cast %get3A_1397 : vector<1x1x16xf32> to vector<16xf32>
        %mul3A_1399 = arith.mulf %scan3A_397#3, %get3A_1398 : vector<16xf32>
        %add3A_1400 = arith.addf %add3A_1393, %mul3A_1399 : vector<16xf32>
        %get3A_1401 = arith.index_cast %select_n3A_121 : i32 to index
        %get3A_1402 = arith.index_cast %add3A_1373 : i32 to index
        %get3A_1403 = arith.constant 64 : index
        %get3A_1404 = tpu.vector_load %arg13[%get3A_1401, %get3A_1402, %get3A_1403] {strides = array<i32>} : memref<2x200x128xf32, #tpu.memory_space<vmem>>, vector<1x1x16xf32>,
        %get3A_1405 = vector.shape_cast %get3A_1404 : vector<1x1x16xf32> to vector<16xf32>
        %mul3A_1406 = arith.mulf %scan3A_397#4, %get3A_1405 : vector<16xf32>
        %add3A_1407 = arith.addf %add3A_1400, %mul3A_1406 : vector<16xf32>
        %get3A_1408 = arith.index_cast %select_n3A_121 : i32 to index
        %get3A_1409 = arith.index_cast %add3A_1373 : i32 to index
        %get3A_1410 = arith.constant 80 : index
        %get3A_1411 = tpu.vector_load %arg13[%get3A_1408, %get3A_1409, %get3A_1410] {strides = array<i32>} : memref<2x200x128xf32, #tpu.memory_space<vmem>>, vector<1x1x16xf32>,
        %get3A_1412 = vector.shape_cast %get3A_1411 : vector<1x1x16xf32> to vector<16xf32>
        %mul3A_1413 = arith.mulf %scan3A_397#5, %get3A_1412 : vector<16xf32>
        %add3A_1414 = arith.addf %add3A_1407, %mul3A_1413 : vector<16xf32>
        %get3A_1415 = arith.index_cast %select_n3A_121 : i32 to index
        %get3A_1416 = arith.index_cast %add3A_1373 : i32 to index
        %get3A_1417 = arith.constant 96 : index
        %get3A_1418 = tpu.vector_load %arg13[%get3A_1415, %get3A_1416, %get3A_1417] {strides = array<i32>} : memref<2x200x128xf32, #tpu.memory_space<vmem>>, vector<1x1x16xf32>,
        %get3A_1419 = vector.shape_cast %get3A_1418 : vector<1x1x16xf32> to vector<16xf32>
        %mul3A_1420 = arith.mulf %scan3A_397#6, %get3A_1419 : vector<16xf32>
        %add3A_1421 = arith.addf %add3A_1414, %mul3A_1420 : vector<16xf32>
        %get3A_1422 = arith.index_cast %select_n3A_121 : i32 to index
        %get3A_1423 = arith.index_cast %add3A_1373 : i32 to index
        %get3A_1424 = arith.constant 112 : index
        %get3A_1425 = tpu.vector_load %arg13[%get3A_1422, %get3A_1423, %get3A_1424] {strides = array<i32>} : memref<2x200x128xf32, #tpu.memory_space<vmem>>, vector<1x1x16xf32>,
        %get3A_1426 = vector.shape_cast %get3A_1425 : vector<1x1x16xf32> to vector<16xf32>
        %mul3A_1427 = arith.mulf %scan3A_397#7, %get3A_1426 : vector<16xf32>
        %add3A_1428 = arith.addf %add3A_1421, %mul3A_1427 : vector<16xf32>
        %xor3A_1429 = arith.constant 1 : i32
        %xor3A_1430 = vector.broadcast %xor3A_1429 : i32 to vector<16xi32>
        %xor3A_1431 = arith.xori %iota3A, %xor3A_1430 : vector<16xi32>
        %broadcast_in_dim3A_1432 = vector.shape_cast %xor3A_1431 : vector<16xi32> to vector<16x1xi32>
        %gather3A_1433 = vector.shape_cast %broadcast_in_dim3A_1432 : vector<16x1xi32> to vector<16xi32>
        %gather3A_1434 = tpu.dynamic_gather %add3A_543[%gather3A_1433] in [0] : vector<16xf32>, vector<16xi32> -> vector<16xf32>
        %add3A_1435 = arith.addf %add3A_543, %gather3A_1434 : vector<16xf32>
        %xor3A_1436 = arith.constant 1 : i32
        %xor3A_1437 = vector.broadcast %xor3A_1436 : i32 to vector<16xi32>
        %xor3A_1438 = arith.xori %iota3A, %xor3A_1437 : vector<16xi32>
        %broadcast_in_dim3A_1439 = vector.shape_cast %xor3A_1438 : vector<16xi32> to vector<16x1xi32>
        %gather3A_1440 = vector.shape_cast %broadcast_in_dim3A_1439 : vector<16x1xi32> to vector<16xi32>
        %gather3A_1441 = tpu.dynamic_gather %add3A_602[%gather3A_1440] in [0] : vector<16xf32>, vector<16xi32> -> vector<16xf32>
        %add3A_1442 = arith.addf %add3A_602, %gather3A_1441 : vector<16xf32>
        %select_n3A_1443 = arith.select %eq3A_6, %add3A_1435, %add3A_1442 : vector<16xi1>, vector<16xf32>
        %xor3A_1444 = arith.constant 1 : i32
        %xor3A_1445 = vector.broadcast %xor3A_1444 : i32 to vector<16xi32>
        %xor3A_1446 = arith.xori %iota3A, %xor3A_1445 : vector<16xi32>
        %broadcast_in_dim3A_1447 = vector.shape_cast %xor3A_1446 : vector<16xi32> to vector<16x1xi32>
        %gather3A_1448 = vector.shape_cast %broadcast_in_dim3A_1447 : vector<16x1xi32> to vector<16xi32>
        %gather3A_1449 = tpu.dynamic_gather %add3A_661[%gather3A_1448] in [0] : vector<16xf32>, vector<16xi32> -> vector<16xf32>
        %add3A_1450 = arith.addf %add3A_661, %gather3A_1449 : vector<16xf32>
        %xor3A_1451 = arith.constant 1 : i32
        %xor3A_1452 = vector.broadcast %xor3A_1451 : i32 to vector<16xi32>
        %xor3A_1453 = arith.xori %iota3A, %xor3A_1452 : vector<16xi32>
        %broadcast_in_dim3A_1454 = vector.shape_cast %xor3A_1453 : vector<16xi32> to vector<16x1xi32>
        %gather3A_1455 = vector.shape_cast %broadcast_in_dim3A_1454 : vector<16x1xi32> to vector<16xi32>
        %gather3A_1456 = tpu.dynamic_gather %add3A_720[%gather3A_1455] in [0] : vector<16xf32>, vector<16xi32> -> vector<16xf32>
        %add3A_1457 = arith.addf %add3A_720, %gather3A_1456 : vector<16xf32>
        %select_n3A_1458 = arith.select %eq3A_6, %add3A_1450, %add3A_1457 : vector<16xi1>, vector<16xf32>
        %xor3A_1459 = arith.constant 1 : i32
        %xor3A_1460 = vector.broadcast %xor3A_1459 : i32 to vector<16xi32>
        %xor3A_1461 = arith.xori %iota3A, %xor3A_1460 : vector<16xi32>
        %broadcast_in_dim3A_1462 = vector.shape_cast %xor3A_1461 : vector<16xi32> to vector<16x1xi32>
        %gather3A_1463 = vector.shape_cast %broadcast_in_dim3A_1462 : vector<16x1xi32> to vector<16xi32>
        %gather3A_1464 = tpu.dynamic_gather %add3A_779[%gather3A_1463] in [0] : vector<16xf32>, vector<16xi32> -> vector<16xf32>
        %add3A_1465 = arith.addf %add3A_779, %gather3A_1464 : vector<16xf32>
        %xor3A_1466 = arith.constant 1 : i32
        %xor3A_1467 = vector.broadcast %xor3A_1466 : i32 to vector<16xi32>
        %xor3A_1468 = arith.xori %iota3A, %xor3A_1467 : vector<16xi32>
        %broadcast_in_dim3A_1469 = vector.shape_cast %xor3A_1468 : vector<16xi32> to vector<16x1xi32>
        %gather3A_1470 = vector.shape_cast %broadcast_in_dim3A_1469 : vector<16x1xi32> to vector<16xi32>
        %gather3A_1471 = tpu.dynamic_gather %add3A_838[%gather3A_1470] in [0] : vector<16xf32>, vector<16xi32> -> vector<16xf32>
        %add3A_1472 = arith.addf %add3A_838, %gather3A_1471 : vector<16xf32>
        %select_n3A_1473 = arith.select %eq3A_6, %add3A_1465, %add3A_1472 : vector<16xi1>, vector<16xf32>
        %xor3A_1474 = arith.constant 1 : i32
        %xor3A_1475 = vector.broadcast %xor3A_1474 : i32 to vector<16xi32>
        %xor3A_1476 = arith.xori %iota3A, %xor3A_1475 : vector<16xi32>
        %broadcast_in_dim3A_1477 = vector.shape_cast %xor3A_1476 : vector<16xi32> to vector<16x1xi32>
        %gather3A_1478 = vector.shape_cast %broadcast_in_dim3A_1477 : vector<16x1xi32> to vector<16xi32>
        %gather3A_1479 = tpu.dynamic_gather %add3A_897[%gather3A_1478] in [0] : vector<16xf32>, vector<16xi32> -> vector<16xf32>
        %add3A_1480 = arith.addf %add3A_897, %gather3A_1479 : vector<16xf32>
        %xor3A_1481 = arith.constant 1 : i32
        %xor3A_1482 = vector.broadcast %xor3A_1481 : i32 to vector<16xi32>
        %xor3A_1483 = arith.xori %iota3A, %xor3A_1482 : vector<16xi32>
        %broadcast_in_dim3A_1484 = vector.shape_cast %xor3A_1483 : vector<16xi32> to vector<16x1xi32>
        %gather3A_1485 = vector.shape_cast %broadcast_in_dim3A_1484 : vector<16x1xi32> to vector<16xi32>
        %gather3A_1486 = tpu.dynamic_gather %add3A_956[%gather3A_1485] in [0] : vector<16xf32>, vector<16xi32> -> vector<16xf32>
        %add3A_1487 = arith.addf %add3A_956, %gather3A_1486 : vector<16xf32>
        %select_n3A_1488 = arith.select %eq3A_6, %add3A_1480, %add3A_1487 : vector<16xi1>, vector<16xf32>
        %xor3A_1489 = arith.constant 1 : i32
        %xor3A_1490 = vector.broadcast %xor3A_1489 : i32 to vector<16xi32>
        %xor3A_1491 = arith.xori %iota3A, %xor3A_1490 : vector<16xi32>
        %broadcast_in_dim3A_1492 = vector.shape_cast %xor3A_1491 : vector<16xi32> to vector<16x1xi32>
        %gather3A_1493 = vector.shape_cast %broadcast_in_dim3A_1492 : vector<16x1xi32> to vector<16xi32>
        %gather3A_1494 = tpu.dynamic_gather %add3A_1015[%gather3A_1493] in [0] : vector<16xf32>, vector<16xi32> -> vector<16xf32>
        %add3A_1495 = arith.addf %add3A_1015, %gather3A_1494 : vector<16xf32>
        %xor3A_1496 = arith.constant 1 : i32
        %xor3A_1497 = vector.broadcast %xor3A_1496 : i32 to vector<16xi32>
        %xor3A_1498 = arith.xori %iota3A, %xor3A_1497 : vector<16xi32>
        %broadcast_in_dim3A_1499 = vector.shape_cast %xor3A_1498 : vector<16xi32> to vector<16x1xi32>
        %gather3A_1500 = vector.shape_cast %broadcast_in_dim3A_1499 : vector<16x1xi32> to vector<16xi32>
        %gather3A_1501 = tpu.dynamic_gather %add3A_1074[%gather3A_1500] in [0] : vector<16xf32>, vector<16xi32> -> vector<16xf32>
        %add3A_1502 = arith.addf %add3A_1074, %gather3A_1501 : vector<16xf32>
        %select_n3A_1503 = arith.select %eq3A_6, %add3A_1495, %add3A_1502 : vector<16xi1>, vector<16xf32>
        %xor3A_1504 = arith.constant 1 : i32
        %xor3A_1505 = vector.broadcast %xor3A_1504 : i32 to vector<16xi32>
        %xor3A_1506 = arith.xori %iota3A, %xor3A_1505 : vector<16xi32>
        %broadcast_in_dim3A_1507 = vector.shape_cast %xor3A_1506 : vector<16xi32> to vector<16x1xi32>
        %gather3A_1508 = vector.shape_cast %broadcast_in_dim3A_1507 : vector<16x1xi32> to vector<16xi32>
        %gather3A_1509 = tpu.dynamic_gather %add3A_1133[%gather3A_1508] in [0] : vector<16xf32>, vector<16xi32> -> vector<16xf32>
        %add3A_1510 = arith.addf %add3A_1133, %gather3A_1509 : vector<16xf32>
        %xor3A_1511 = arith.constant 1 : i32
        %xor3A_1512 = vector.broadcast %xor3A_1511 : i32 to vector<16xi32>
        %xor3A_1513 = arith.xori %iota3A, %xor3A_1512 : vector<16xi32>
        %broadcast_in_dim3A_1514 = vector.shape_cast %xor3A_1513 : vector<16xi32> to vector<16x1xi32>
        %gather3A_1515 = vector.shape_cast %broadcast_in_dim3A_1514 : vector<16x1xi32> to vector<16xi32>
        %gather3A_1516 = tpu.dynamic_gather %add3A_1192[%gather3A_1515] in [0] : vector<16xf32>, vector<16xi32> -> vector<16xf32>
        %add3A_1517 = arith.addf %add3A_1192, %gather3A_1516 : vector<16xf32>
        %select_n3A_1518 = arith.select %eq3A_6, %add3A_1510, %add3A_1517 : vector<16xi1>, vector<16xf32>
        %xor3A_1519 = arith.constant 1 : i32
        %xor3A_1520 = vector.broadcast %xor3A_1519 : i32 to vector<16xi32>
        %xor3A_1521 = arith.xori %iota3A, %xor3A_1520 : vector<16xi32>
        %broadcast_in_dim3A_1522 = vector.shape_cast %xor3A_1521 : vector<16xi32> to vector<16x1xi32>
        %gather3A_1523 = vector.shape_cast %broadcast_in_dim3A_1522 : vector<16x1xi32> to vector<16xi32>
        %gather3A_1524 = tpu.dynamic_gather %add3A_1251[%gather3A_1523] in [0] : vector<16xf32>, vector<16xi32> -> vector<16xf32>
        %add3A_1525 = arith.addf %add3A_1251, %gather3A_1524 : vector<16xf32>
        %xor3A_1526 = arith.constant 1 : i32
        %xor3A_1527 = vector.broadcast %xor3A_1526 : i32 to vector<16xi32>
        %xor3A_1528 = arith.xori %iota3A, %xor3A_1527 : vector<16xi32>
        %broadcast_in_dim3A_1529 = vector.shape_cast %xor3A_1528 : vector<16xi32> to vector<16x1xi32>
        %gather3A_1530 = vector.shape_cast %broadcast_in_dim3A_1529 : vector<16x1xi32> to vector<16xi32>
        %gather3A_1531 = tpu.dynamic_gather %add3A_1310[%gather3A_1530] in [0] : vector<16xf32>, vector<16xi32> -> vector<16xf32>
        %add3A_1532 = arith.addf %add3A_1310, %gather3A_1531 : vector<16xf32>
        %select_n3A_1533 = arith.select %eq3A_6, %add3A_1525, %add3A_1532 : vector<16xi1>, vector<16xf32>
        %xor3A_1534 = arith.constant 1 : i32
        %xor3A_1535 = vector.broadcast %xor3A_1534 : i32 to vector<16xi32>
        %xor3A_1536 = arith.xori %iota3A, %xor3A_1535 : vector<16xi32>
        %broadcast_in_dim3A_1537 = vector.shape_cast %xor3A_1536 : vector<16xi32> to vector<16x1xi32>
        %gather3A_1538 = vector.shape_cast %broadcast_in_dim3A_1537 : vector<16x1xi32> to vector<16xi32>
        %gather3A_1539 = tpu.dynamic_gather %add3A_1369[%gather3A_1538] in [0] : vector<16xf32>, vector<16xi32> -> vector<16xf32>
        %add3A_1540 = arith.addf %add3A_1369, %gather3A_1539 : vector<16xf32>
        %xor3A_1541 = arith.constant 1 : i32
        %xor3A_1542 = vector.broadcast %xor3A_1541 : i32 to vector<16xi32>
        %xor3A_1543 = arith.xori %iota3A, %xor3A_1542 : vector<16xi32>
        %broadcast_in_dim3A_1544 = vector.shape_cast %xor3A_1543 : vector<16xi32> to vector<16x1xi32>
        %gather3A_1545 = vector.shape_cast %broadcast_in_dim3A_1544 : vector<16x1xi32> to vector<16xi32>
        %gather3A_1546 = tpu.dynamic_gather %add3A_1428[%gather3A_1545] in [0] : vector<16xf32>, vector<16xi32> -> vector<16xf32>
        %add3A_1547 = arith.addf %add3A_1428, %gather3A_1546 : vector<16xf32>
        %select_n3A_1548 = arith.select %eq3A_6, %add3A_1540, %add3A_1547 : vector<16xi1>, vector<16xf32>
        %xor3A_1549 = arith.constant 2 : i32
        %xor3A_1550 = vector.broadcast %xor3A_1549 : i32 to vector<16xi32>
        %xor3A_1551 = arith.xori %iota3A, %xor3A_1550 : vector<16xi32>
        %broadcast_in_dim3A_1552 = vector.shape_cast %xor3A_1551 : vector<16xi32> to vector<16x1xi32>
        %gather3A_1553 = vector.shape_cast %broadcast_in_dim3A_1552 : vector<16x1xi32> to vector<16xi32>
        %gather3A_1554 = tpu.dynamic_gather %select_n3A_1443[%gather3A_1553] in [0] : vector<16xf32>, vector<16xi32> -> vector<16xf32>
        %add3A_1555 = arith.addf %select_n3A_1443, %gather3A_1554 : vector<16xf32>
        %xor3A_1556 = arith.constant 2 : i32
        %xor3A_1557 = vector.broadcast %xor3A_1556 : i32 to vector<16xi32>
        %xor3A_1558 = arith.xori %iota3A, %xor3A_1557 : vector<16xi32>
        %broadcast_in_dim3A_1559 = vector.shape_cast %xor3A_1558 : vector<16xi32> to vector<16x1xi32>
        %gather3A_1560 = vector.shape_cast %broadcast_in_dim3A_1559 : vector<16x1xi32> to vector<16xi32>
        %gather3A_1561 = tpu.dynamic_gather %select_n3A_1458[%gather3A_1560] in [0] : vector<16xf32>, vector<16xi32> -> vector<16xf32>
        %add3A_1562 = arith.addf %select_n3A_1458, %gather3A_1561 : vector<16xf32>
        %select_n3A_1563 = arith.select %eq3A_12, %add3A_1555, %add3A_1562 : vector<16xi1>, vector<16xf32>
        %xor3A_1564 = arith.constant 2 : i32
        %xor3A_1565 = vector.broadcast %xor3A_1564 : i32 to vector<16xi32>
        %xor3A_1566 = arith.xori %iota3A, %xor3A_1565 : vector<16xi32>
        %broadcast_in_dim3A_1567 = vector.shape_cast %xor3A_1566 : vector<16xi32> to vector<16x1xi32>
        %gather3A_1568 = vector.shape_cast %broadcast_in_dim3A_1567 : vector<16x1xi32> to vector<16xi32>
        %gather3A_1569 = tpu.dynamic_gather %select_n3A_1473[%gather3A_1568] in [0] : vector<16xf32>, vector<16xi32> -> vector<16xf32>
        %add3A_1570 = arith.addf %select_n3A_1473, %gather3A_1569 : vector<16xf32>
        %xor3A_1571 = arith.constant 2 : i32
        %xor3A_1572 = vector.broadcast %xor3A_1571 : i32 to vector<16xi32>
        %xor3A_1573 = arith.xori %iota3A, %xor3A_1572 : vector<16xi32>
        %broadcast_in_dim3A_1574 = vector.shape_cast %xor3A_1573 : vector<16xi32> to vector<16x1xi32>
        %gather3A_1575 = vector.shape_cast %broadcast_in_dim3A_1574 : vector<16x1xi32> to vector<16xi32>
        %gather3A_1576 = tpu.dynamic_gather %select_n3A_1488[%gather3A_1575] in [0] : vector<16xf32>, vector<16xi32> -> vector<16xf32>
        %add3A_1577 = arith.addf %select_n3A_1488, %gather3A_1576 : vector<16xf32>
        %select_n3A_1578 = arith.select %eq3A_12, %add3A_1570, %add3A_1577 : vector<16xi1>, vector<16xf32>
        %xor3A_1579 = arith.constant 2 : i32
        %xor3A_1580 = vector.broadcast %xor3A_1579 : i32 to vector<16xi32>
        %xor3A_1581 = arith.xori %iota3A, %xor3A_1580 : vector<16xi32>
        %broadcast_in_dim3A_1582 = vector.shape_cast %xor3A_1581 : vector<16xi32> to vector<16x1xi32>
        %gather3A_1583 = vector.shape_cast %broadcast_in_dim3A_1582 : vector<16x1xi32> to vector<16xi32>
        %gather3A_1584 = tpu.dynamic_gather %select_n3A_1503[%gather3A_1583] in [0] : vector<16xf32>, vector<16xi32> -> vector<16xf32>
        %add3A_1585 = arith.addf %select_n3A_1503, %gather3A_1584 : vector<16xf32>
        %xor3A_1586 = arith.constant 2 : i32
        %xor3A_1587 = vector.broadcast %xor3A_1586 : i32 to vector<16xi32>
        %xor3A_1588 = arith.xori %iota3A, %xor3A_1587 : vector<16xi32>
        %broadcast_in_dim3A_1589 = vector.shape_cast %xor3A_1588 : vector<16xi32> to vector<16x1xi32>
        %gather3A_1590 = vector.shape_cast %broadcast_in_dim3A_1589 : vector<16x1xi32> to vector<16xi32>
        %gather3A_1591 = tpu.dynamic_gather %select_n3A_1518[%gather3A_1590] in [0] : vector<16xf32>, vector<16xi32> -> vector<16xf32>
        %add3A_1592 = arith.addf %select_n3A_1518, %gather3A_1591 : vector<16xf32>
        %select_n3A_1593 = arith.select %eq3A_12, %add3A_1585, %add3A_1592 : vector<16xi1>, vector<16xf32>
        %xor3A_1594 = arith.constant 2 : i32
        %xor3A_1595 = vector.broadcast %xor3A_1594 : i32 to vector<16xi32>
        %xor3A_1596 = arith.xori %iota3A, %xor3A_1595 : vector<16xi32>
        %broadcast_in_dim3A_1597 = vector.shape_cast %xor3A_1596 : vector<16xi32> to vector<16x1xi32>
        %gather3A_1598 = vector.shape_cast %broadcast_in_dim3A_1597 : vector<16x1xi32> to vector<16xi32>
        %gather3A_1599 = tpu.dynamic_gather %select_n3A_1533[%gather3A_1598] in [0] : vector<16xf32>, vector<16xi32> -> vector<16xf32>
        %add3A_1600 = arith.addf %select_n3A_1533, %gather3A_1599 : vector<16xf32>
        %xor3A_1601 = arith.constant 2 : i32
        %xor3A_1602 = vector.broadcast %xor3A_1601 : i32 to vector<16xi32>
        %xor3A_1603 = arith.xori %iota3A, %xor3A_1602 : vector<16xi32>
        %broadcast_in_dim3A_1604 = vector.shape_cast %xor3A_1603 : vector<16xi32> to vector<16x1xi32>
        %gather3A_1605 = vector.shape_cast %broadcast_in_dim3A_1604 : vector<16x1xi32> to vector<16xi32>
        %gather3A_1606 = tpu.dynamic_gather %select_n3A_1548[%gather3A_1605] in [0] : vector<16xf32>, vector<16xi32> -> vector<16xf32>
        %add3A_1607 = arith.addf %select_n3A_1548, %gather3A_1606 : vector<16xf32>
        %select_n3A_1608 = arith.select %eq3A_12, %add3A_1600, %add3A_1607 : vector<16xi1>, vector<16xf32>
        %xor3A_1609 = arith.constant 4 : i32
        %xor3A_1610 = vector.broadcast %xor3A_1609 : i32 to vector<16xi32>
        %xor3A_1611 = arith.xori %iota3A, %xor3A_1610 : vector<16xi32>
        %broadcast_in_dim3A_1612 = vector.shape_cast %xor3A_1611 : vector<16xi32> to vector<16x1xi32>
        %gather3A_1613 = vector.shape_cast %broadcast_in_dim3A_1612 : vector<16x1xi32> to vector<16xi32>
        %gather3A_1614 = tpu.dynamic_gather %select_n3A_1563[%gather3A_1613] in [0] : vector<16xf32>, vector<16xi32> -> vector<16xf32>
        %add3A_1615 = arith.addf %select_n3A_1563, %gather3A_1614 : vector<16xf32>
        %xor3A_1616 = arith.constant 4 : i32
        %xor3A_1617 = vector.broadcast %xor3A_1616 : i32 to vector<16xi32>
        %xor3A_1618 = arith.xori %iota3A, %xor3A_1617 : vector<16xi32>
        %broadcast_in_dim3A_1619 = vector.shape_cast %xor3A_1618 : vector<16xi32> to vector<16x1xi32>
        %gather3A_1620 = vector.shape_cast %broadcast_in_dim3A_1619 : vector<16x1xi32> to vector<16xi32>
        %gather3A_1621 = tpu.dynamic_gather %select_n3A_1578[%gather3A_1620] in [0] : vector<16xf32>, vector<16xi32> -> vector<16xf32>
        %add3A_1622 = arith.addf %select_n3A_1578, %gather3A_1621 : vector<16xf32>
        %select_n3A_1623 = arith.select %eq3A_18, %add3A_1615, %add3A_1622 : vector<16xi1>, vector<16xf32>
        %xor3A_1624 = arith.constant 4 : i32
        %xor3A_1625 = vector.broadcast %xor3A_1624 : i32 to vector<16xi32>
        %xor3A_1626 = arith.xori %iota3A, %xor3A_1625 : vector<16xi32>
        %broadcast_in_dim3A_1627 = vector.shape_cast %xor3A_1626 : vector<16xi32> to vector<16x1xi32>
        %gather3A_1628 = vector.shape_cast %broadcast_in_dim3A_1627 : vector<16x1xi32> to vector<16xi32>
        %gather3A_1629 = tpu.dynamic_gather %select_n3A_1593[%gather3A_1628] in [0] : vector<16xf32>, vector<16xi32> -> vector<16xf32>
        %add3A_1630 = arith.addf %select_n3A_1593, %gather3A_1629 : vector<16xf32>
        %xor3A_1631 = arith.constant 4 : i32
        %xor3A_1632 = vector.broadcast %xor3A_1631 : i32 to vector<16xi32>
        %xor3A_1633 = arith.xori %iota3A, %xor3A_1632 : vector<16xi32>
        %broadcast_in_dim3A_1634 = vector.shape_cast %xor3A_1633 : vector<16xi32> to vector<16x1xi32>
        %gather3A_1635 = vector.shape_cast %broadcast_in_dim3A_1634 : vector<16x1xi32> to vector<16xi32>
        %gather3A_1636 = tpu.dynamic_gather %select_n3A_1608[%gather3A_1635] in [0] : vector<16xf32>, vector<16xi32> -> vector<16xf32>
        %add3A_1637 = arith.addf %select_n3A_1608, %gather3A_1636 : vector<16xf32>
        %select_n3A_1638 = arith.select %eq3A_18, %add3A_1630, %add3A_1637 : vector<16xi1>, vector<16xf32>
        %xor3A_1639 = arith.constant 8 : i32
        %xor3A_1640 = vector.broadcast %xor3A_1639 : i32 to vector<16xi32>
        %xor3A_1641 = arith.xori %iota3A, %xor3A_1640 : vector<16xi32>
        %broadcast_in_dim3A_1642 = vector.shape_cast %xor3A_1641 : vector<16xi32> to vector<16x1xi32>
        %gather3A_1643 = vector.shape_cast %broadcast_in_dim3A_1642 : vector<16x1xi32> to vector<16xi32>
        %gather3A_1644 = tpu.dynamic_gather %select_n3A_1623[%gather3A_1643] in [0] : vector<16xf32>, vector<16xi32> -> vector<16xf32>
        %add3A_1645 = arith.addf %select_n3A_1623, %gather3A_1644 : vector<16xf32>
        %xor3A_1646 = arith.constant 8 : i32
        %xor3A_1647 = vector.broadcast %xor3A_1646 : i32 to vector<16xi32>
        %xor3A_1648 = arith.xori %iota3A, %xor3A_1647 : vector<16xi32>
        %broadcast_in_dim3A_1649 = vector.shape_cast %xor3A_1648 : vector<16xi32> to vector<16x1xi32>
        %gather3A_1650 = vector.shape_cast %broadcast_in_dim3A_1649 : vector<16x1xi32> to vector<16xi32>
        %gather3A_1651 = tpu.dynamic_gather %select_n3A_1638[%gather3A_1650] in [0] : vector<16xf32>, vector<16xi32> -> vector<16xf32>
        %add3A_1652 = arith.addf %select_n3A_1638, %gather3A_1651 : vector<16xf32>
        %select_n3A_1653 = arith.select %eq3A_24, %add3A_1645, %add3A_1652 : vector<16xi1>, vector<16xf32>
        %swap3A = arith.index_cast %select_n3A_176 : i32 to index
        %swap3A_1654 = arith.index_cast %add3A_401 : i32 to index
        %swap3A_1655 = arith.constant 0 : index
        %swap3A_1656 = tpu.vector_load %arg15[%swap3A, %swap3A_1654, %swap3A_1655] {strides = array<i32>} : memref<2x16x64xf32, #tpu.memory_space<vmem>>, vector<1x1x16xf32>,
        %swap3A_1657 = vector.shape_cast %swap3A_1656 : vector<1x1x16xf32> to vector<16xf32>
        %swap3A_1658 = vector.shape_cast %select_n3A_1653 : vector<16xf32> to vector<1x1x16xf32>
        tpu.vector_store %arg15[%swap3A, %swap3A_1654, %swap3A_1655], %swap3A_1658 {strides = array<i32>} : memref<2x16x64xf32, #tpu.memory_space<vmem>>, vector<1x1x16xf32>,
        %add3A_1659 = arith.constant 16 : i32
        %add3A_1660 = arith.addi %mul3A_376, %add3A_1659 : i32
        %add3A_1661 = arith.constant 0 : i32
        %add3A_1662 = arith.addi %add3A_1660, %add3A_1661 : i32
        %get3A_1663 = arith.index_cast %select_n3A_121 : i32 to index
        %get3A_1664 = arith.index_cast %add3A_1662 : i32 to index
        %get3A_1665 = arith.constant 0 : index
        %get3A_1666 = tpu.vector_load %arg13[%get3A_1663, %get3A_1664, %get3A_1665] {strides = array<i32>} : memref<2x200x128xf32, #tpu.memory_space<vmem>>, vector<1x1x16xf32>,
        %get3A_1667 = vector.shape_cast %get3A_1666 : vector<1x1x16xf32> to vector<16xf32>
        %mul3A_1668 = arith.mulf %scan3A_397#0, %get3A_1667 : vector<16xf32>
        %get3A_1669 = arith.index_cast %select_n3A_121 : i32 to index
        %get3A_1670 = arith.index_cast %add3A_1662 : i32 to index
        %get3A_1671 = arith.constant 16 : index
        %get3A_1672 = tpu.vector_load %arg13[%get3A_1669, %get3A_1670, %get3A_1671] {strides = array<i32>} : memref<2x200x128xf32, #tpu.memory_space<vmem>>, vector<1x1x16xf32>,
        %get3A_1673 = vector.shape_cast %get3A_1672 : vector<1x1x16xf32> to vector<16xf32>
        %mul3A_1674 = arith.mulf %scan3A_397#1, %get3A_1673 : vector<16xf32>
        %add3A_1675 = arith.addf %mul3A_1668, %mul3A_1674 : vector<16xf32>
        %get3A_1676 = arith.index_cast %select_n3A_121 : i32 to index
        %get3A_1677 = arith.index_cast %add3A_1662 : i32 to index
        %get3A_1678 = arith.constant 32 : index
        %get3A_1679 = tpu.vector_load %arg13[%get3A_1676, %get3A_1677, %get3A_1678] {strides = array<i32>} : memref<2x200x128xf32, #tpu.memory_space<vmem>>, vector<1x1x16xf32>,
        %get3A_1680 = vector.shape_cast %get3A_1679 : vector<1x1x16xf32> to vector<16xf32>
        %mul3A_1681 = arith.mulf %scan3A_397#2, %get3A_1680 : vector<16xf32>
        %add3A_1682 = arith.addf %add3A_1675, %mul3A_1681 : vector<16xf32>
        %get3A_1683 = arith.index_cast %select_n3A_121 : i32 to index
        %get3A_1684 = arith.index_cast %add3A_1662 : i32 to index
        %get3A_1685 = arith.constant 48 : index
        %get3A_1686 = tpu.vector_load %arg13[%get3A_1683, %get3A_1684, %get3A_1685] {strides = array<i32>} : memref<2x200x128xf32, #tpu.memory_space<vmem>>, vector<1x1x16xf32>,
        %get3A_1687 = vector.shape_cast %get3A_1686 : vector<1x1x16xf32> to vector<16xf32>
        %mul3A_1688 = arith.mulf %scan3A_397#3, %get3A_1687 : vector<16xf32>
        %add3A_1689 = arith.addf %add3A_1682, %mul3A_1688 : vector<16xf32>
        %get3A_1690 = arith.index_cast %select_n3A_121 : i32 to index
        %get3A_1691 = arith.index_cast %add3A_1662 : i32 to index
        %get3A_1692 = arith.constant 64 : index
        %get3A_1693 = tpu.vector_load %arg13[%get3A_1690, %get3A_1691, %get3A_1692] {strides = array<i32>} : memref<2x200x128xf32, #tpu.memory_space<vmem>>, vector<1x1x16xf32>,
        %get3A_1694 = vector.shape_cast %get3A_1693 : vector<1x1x16xf32> to vector<16xf32>
        %mul3A_1695 = arith.mulf %scan3A_397#4, %get3A_1694 : vector<16xf32>
        %add3A_1696 = arith.addf %add3A_1689, %mul3A_1695 : vector<16xf32>
        %get3A_1697 = arith.index_cast %select_n3A_121 : i32 to index
        %get3A_1698 = arith.index_cast %add3A_1662 : i32 to index
        %get3A_1699 = arith.constant 80 : index
        %get3A_1700 = tpu.vector_load %arg13[%get3A_1697, %get3A_1698, %get3A_1699] {strides = array<i32>} : memref<2x200x128xf32, #tpu.memory_space<vmem>>, vector<1x1x16xf32>,
        %get3A_1701 = vector.shape_cast %get3A_1700 : vector<1x1x16xf32> to vector<16xf32>
        %mul3A_1702 = arith.mulf %scan3A_397#5, %get3A_1701 : vector<16xf32>
        %add3A_1703 = arith.addf %add3A_1696, %mul3A_1702 : vector<16xf32>
        %get3A_1704 = arith.index_cast %select_n3A_121 : i32 to index
        %get3A_1705 = arith.index_cast %add3A_1662 : i32 to index
        %get3A_1706 = arith.constant 96 : index
        %get3A_1707 = tpu.vector_load %arg13[%get3A_1704, %get3A_1705, %get3A_1706] {strides = array<i32>} : memref<2x200x128xf32, #tpu.memory_space<vmem>>, vector<1x1x16xf32>,
        %get3A_1708 = vector.shape_cast %get3A_1707 : vector<1x1x16xf32> to vector<16xf32>
        %mul3A_1709 = arith.mulf %scan3A_397#6, %get3A_1708 : vector<16xf32>
        %add3A_1710 = arith.addf %add3A_1703, %mul3A_1709 : vector<16xf32>
        %get3A_1711 = arith.index_cast %select_n3A_121 : i32 to index
        %get3A_1712 = arith.index_cast %add3A_1662 : i32 to index
        %get3A_1713 = arith.constant 112 : index
        %get3A_1714 = tpu.vector_load %arg13[%get3A_1711, %get3A_1712, %get3A_1713] {strides = array<i32>} : memref<2x200x128xf32, #tpu.memory_space<vmem>>, vector<1x1x16xf32>,
        %get3A_1715 = vector.shape_cast %get3A_1714 : vector<1x1x16xf32> to vector<16xf32>
        %mul3A_1716 = arith.mulf %scan3A_397#7, %get3A_1715 : vector<16xf32>
        %add3A_1717 = arith.addf %add3A_1710, %mul3A_1716 : vector<16xf32>
        %add3A_1718 = arith.constant 16 : i32
        %add3A_1719 = arith.addi %mul3A_376, %add3A_1718 : i32
        %add3A_1720 = arith.constant 1 : i32
        %add3A_1721 = arith.addi %add3A_1719, %add3A_1720 : i32
        %get3A_1722 = arith.index_cast %select_n3A_121 : i32 to index
        %get3A_1723 = arith.index_cast %add3A_1721 : i32 to index
        %get3A_1724 = arith.constant 0 : index
        %get3A_1725 = tpu.vector_load %arg13[%get3A_1722, %get3A_1723, %get3A_1724] {strides = array<i32>} : memref<2x200x128xf32, #tpu.memory_space<vmem>>, vector<1x1x16xf32>,
        %get3A_1726 = vector.shape_cast %get3A_1725 : vector<1x1x16xf32> to vector<16xf32>
        %mul3A_1727 = arith.mulf %scan3A_397#0, %get3A_1726 : vector<16xf32>
        %get3A_1728 = arith.index_cast %select_n3A_121 : i32 to index
        %get3A_1729 = arith.index_cast %add3A_1721 : i32 to index
        %get3A_1730 = arith.constant 16 : index
        %get3A_1731 = tpu.vector_load %arg13[%get3A_1728, %get3A_1729, %get3A_1730] {strides = array<i32>} : memref<2x200x128xf32, #tpu.memory_space<vmem>>, vector<1x1x16xf32>,
        %get3A_1732 = vector.shape_cast %get3A_1731 : vector<1x1x16xf32> to vector<16xf32>
        %mul3A_1733 = arith.mulf %scan3A_397#1, %get3A_1732 : vector<16xf32>
        %add3A_1734 = arith.addf %mul3A_1727, %mul3A_1733 : vector<16xf32>
        %get3A_1735 = arith.index_cast %select_n3A_121 : i32 to index
        %get3A_1736 = arith.index_cast %add3A_1721 : i32 to index
        %get3A_1737 = arith.constant 32 : index
        %get3A_1738 = tpu.vector_load %arg13[%get3A_1735, %get3A_1736, %get3A_1737] {strides = array<i32>} : memref<2x200x128xf32, #tpu.memory_space<vmem>>, vector<1x1x16xf32>,
        %get3A_1739 = vector.shape_cast %get3A_1738 : vector<1x1x16xf32> to vector<16xf32>
        %mul3A_1740 = arith.mulf %scan3A_397#2, %get3A_1739 : vector<16xf32>
        %add3A_1741 = arith.addf %add3A_1734, %mul3A_1740 : vector<16xf32>
        %get3A_1742 = arith.index_cast %select_n3A_121 : i32 to index
        %get3A_1743 = arith.index_cast %add3A_1721 : i32 to index
        %get3A_1744 = arith.constant 48 : index
        %get3A_1745 = tpu.vector_load %arg13[%get3A_1742, %get3A_1743, %get3A_1744] {strides = array<i32>} : memref<2x200x128xf32, #tpu.memory_space<vmem>>, vector<1x1x16xf32>,
        %get3A_1746 = vector.shape_cast %get3A_1745 : vector<1x1x16xf32> to vector<16xf32>
        %mul3A_1747 = arith.mulf %scan3A_397#3, %get3A_1746 : vector<16xf32>
        %add3A_1748 = arith.addf %add3A_1741, %mul3A_1747 : vector<16xf32>
        %get3A_1749 = arith.index_cast %select_n3A_121 : i32 to index
        %get3A_1750 = arith.index_cast %add3A_1721 : i32 to index
        %get3A_1751 = arith.constant 64 : index
        %get3A_1752 = tpu.vector_load %arg13[%get3A_1749, %get3A_1750, %get3A_1751] {strides = array<i32>} : memref<2x200x128xf32, #tpu.memory_space<vmem>>, vector<1x1x16xf32>,
        %get3A_1753 = vector.shape_cast %get3A_1752 : vector<1x1x16xf32> to vector<16xf32>
        %mul3A_1754 = arith.mulf %scan3A_397#4, %get3A_1753 : vector<16xf32>
        %add3A_1755 = arith.addf %add3A_1748, %mul3A_1754 : vector<16xf32>
        %get3A_1756 = arith.index_cast %select_n3A_121 : i32 to index
        %get3A_1757 = arith.index_cast %add3A_1721 : i32 to index
        %get3A_1758 = arith.constant 80 : index
        %get3A_1759 = tpu.vector_load %arg13[%get3A_1756, %get3A_1757, %get3A_1758] {strides = array<i32>} : memref<2x200x128xf32, #tpu.memory_space<vmem>>, vector<1x1x16xf32>,
        %get3A_1760 = vector.shape_cast %get3A_1759 : vector<1x1x16xf32> to vector<16xf32>
        %mul3A_1761 = arith.mulf %scan3A_397#5, %get3A_1760 : vector<16xf32>
        %add3A_1762 = arith.addf %add3A_1755, %mul3A_1761 : vector<16xf32>
        %get3A_1763 = arith.index_cast %select_n3A_121 : i32 to index
        %get3A_1764 = arith.index_cast %add3A_1721 : i32 to index
        %get3A_1765 = arith.constant 96 : index
        %get3A_1766 = tpu.vector_load %arg13[%get3A_1763, %get3A_1764, %get3A_1765] {strides = array<i32>} : memref<2x200x128xf32, #tpu.memory_space<vmem>>, vector<1x1x16xf32>,
        %get3A_1767 = vector.shape_cast %get3A_1766 : vector<1x1x16xf32> to vector<16xf32>
        %mul3A_1768 = arith.mulf %scan3A_397#6, %get3A_1767 : vector<16xf32>
        %add3A_1769 = arith.addf %add3A_1762, %mul3A_1768 : vector<16xf32>
        %get3A_1770 = arith.index_cast %select_n3A_121 : i32 to index
        %get3A_1771 = arith.index_cast %add3A_1721 : i32 to index
        %get3A_1772 = arith.constant 112 : index
        %get3A_1773 = tpu.vector_load %arg13[%get3A_1770, %get3A_1771, %get3A_1772] {strides = array<i32>} : memref<2x200x128xf32, #tpu.memory_space<vmem>>, vector<1x1x16xf32>,
        %get3A_1774 = vector.shape_cast %get3A_1773 : vector<1x1x16xf32> to vector<16xf32>
        %mul3A_1775 = arith.mulf %scan3A_397#7, %get3A_1774 : vector<16xf32>
        %add3A_1776 = arith.addf %add3A_1769, %mul3A_1775 : vector<16xf32>
        %add3A_1777 = arith.constant 16 : i32
        %add3A_1778 = arith.addi %mul3A_376, %add3A_1777 : i32
        %add3A_1779 = arith.constant 2 : i32
        %add3A_1780 = arith.addi %add3A_1778, %add3A_1779 : i32
        %get3A_1781 = arith.index_cast %select_n3A_121 : i32 to index
        %get3A_1782 = arith.index_cast %add3A_1780 : i32 to index
        %get3A_1783 = arith.constant 0 : index
        %get3A_1784 = tpu.vector_load %arg13[%get3A_1781, %get3A_1782, %get3A_1783] {strides = array<i32>} : memref<2x200x128xf32, #tpu.memory_space<vmem>>, vector<1x1x16xf32>,
        %get3A_1785 = vector.shape_cast %get3A_1784 : vector<1x1x16xf32> to vector<16xf32>
        %mul3A_1786 = arith.mulf %scan3A_397#0, %get3A_1785 : vector<16xf32>
        %get3A_1787 = arith.index_cast %select_n3A_121 : i32 to index
        %get3A_1788 = arith.index_cast %add3A_1780 : i32 to index
        %get3A_1789 = arith.constant 16 : index
        %get3A_1790 = tpu.vector_load %arg13[%get3A_1787, %get3A_1788, %get3A_1789] {strides = array<i32>} : memref<2x200x128xf32, #tpu.memory_space<vmem>>, vector<1x1x16xf32>,
        %get3A_1791 = vector.shape_cast %get3A_1790 : vector<1x1x16xf32> to vector<16xf32>
        %mul3A_1792 = arith.mulf %scan3A_397#1, %get3A_1791 : vector<16xf32>
        %add3A_1793 = arith.addf %mul3A_1786, %mul3A_1792 : vector<16xf32>
        %get3A_1794 = arith.index_cast %select_n3A_121 : i32 to index
        %get3A_1795 = arith.index_cast %add3A_1780 : i32 to index
        %get3A_1796 = arith.constant 32 : index
        %get3A_1797 = tpu.vector_load %arg13[%get3A_1794, %get3A_1795, %get3A_1796] {strides = array<i32>} : memref<2x200x128xf32, #tpu.memory_space<vmem>>, vector<1x1x16xf32>,
        %get3A_1798 = vector.shape_cast %get3A_1797 : vector<1x1x16xf32> to vector<16xf32>
        %mul3A_1799 = arith.mulf %scan3A_397#2, %get3A_1798 : vector<16xf32>
        %add3A_1800 = arith.addf %add3A_1793, %mul3A_1799 : vector<16xf32>
        %get3A_1801 = arith.index_cast %select_n3A_121 : i32 to index
        %get3A_1802 = arith.index_cast %add3A_1780 : i32 to index
        %get3A_1803 = arith.constant 48 : index
        %get3A_1804 = tpu.vector_load %arg13[%get3A_1801, %get3A_1802, %get3A_1803] {strides = array<i32>} : memref<2x200x128xf32, #tpu.memory_space<vmem>>, vector<1x1x16xf32>,
        %get3A_1805 = vector.shape_cast %get3A_1804 : vector<1x1x16xf32> to vector<16xf32>
        %mul3A_1806 = arith.mulf %scan3A_397#3, %get3A_1805 : vector<16xf32>
        %add3A_1807 = arith.addf %add3A_1800, %mul3A_1806 : vector<16xf32>
        %get3A_1808 = arith.index_cast %select_n3A_121 : i32 to index
        %get3A_1809 = arith.index_cast %add3A_1780 : i32 to index
        %get3A_1810 = arith.constant 64 : index
        %get3A_1811 = tpu.vector_load %arg13[%get3A_1808, %get3A_1809, %get3A_1810] {strides = array<i32>} : memref<2x200x128xf32, #tpu.memory_space<vmem>>, vector<1x1x16xf32>,
        %get3A_1812 = vector.shape_cast %get3A_1811 : vector<1x1x16xf32> to vector<16xf32>
        %mul3A_1813 = arith.mulf %scan3A_397#4, %get3A_1812 : vector<16xf32>
        %add3A_1814 = arith.addf %add3A_1807, %mul3A_1813 : vector<16xf32>
        %get3A_1815 = arith.index_cast %select_n3A_121 : i32 to index
        %get3A_1816 = arith.index_cast %add3A_1780 : i32 to index
        %get3A_1817 = arith.constant 80 : index
        %get3A_1818 = tpu.vector_load %arg13[%get3A_1815, %get3A_1816, %get3A_1817] {strides = array<i32>} : memref<2x200x128xf32, #tpu.memory_space<vmem>>, vector<1x1x16xf32>,
        %get3A_1819 = vector.shape_cast %get3A_1818 : vector<1x1x16xf32> to vector<16xf32>
        %mul3A_1820 = arith.mulf %scan3A_397#5, %get3A_1819 : vector<16xf32>
        %add3A_1821 = arith.addf %add3A_1814, %mul3A_1820 : vector<16xf32>
        %get3A_1822 = arith.index_cast %select_n3A_121 : i32 to index
        %get3A_1823 = arith.index_cast %add3A_1780 : i32 to index
        %get3A_1824 = arith.constant 96 : index
        %get3A_1825 = tpu.vector_load %arg13[%get3A_1822, %get3A_1823, %get3A_1824] {strides = array<i32>} : memref<2x200x128xf32, #tpu.memory_space<vmem>>, vector<1x1x16xf32>,
        %get3A_1826 = vector.shape_cast %get3A_1825 : vector<1x1x16xf32> to vector<16xf32>
        %mul3A_1827 = arith.mulf %scan3A_397#6, %get3A_1826 : vector<16xf32>
        %add3A_1828 = arith.addf %add3A_1821, %mul3A_1827 : vector<16xf32>
        %get3A_1829 = arith.index_cast %select_n3A_121 : i32 to index
        %get3A_1830 = arith.index_cast %add3A_1780 : i32 to index
        %get3A_1831 = arith.constant 112 : index
        %get3A_1832 = tpu.vector_load %arg13[%get3A_1829, %get3A_1830, %get3A_1831] {strides = array<i32>} : memref<2x200x128xf32, #tpu.memory_space<vmem>>, vector<1x1x16xf32>,
        %get3A_1833 = vector.shape_cast %get3A_1832 : vector<1x1x16xf32> to vector<16xf32>
        %mul3A_1834 = arith.mulf %scan3A_397#7, %get3A_1833 : vector<16xf32>
        %add3A_1835 = arith.addf %add3A_1828, %mul3A_1834 : vector<16xf32>
        %add3A_1836 = arith.constant 16 : i32
        %add3A_1837 = arith.addi %mul3A_376, %add3A_1836 : i32
        %add3A_1838 = arith.constant 3 : i32
        %add3A_1839 = arith.addi %add3A_1837, %add3A_1838 : i32
        %get3A_1840 = arith.index_cast %select_n3A_121 : i32 to index
        %get3A_1841 = arith.index_cast %add3A_1839 : i32 to index
        %get3A_1842 = arith.constant 0 : index
        %get3A_1843 = tpu.vector_load %arg13[%get3A_1840, %get3A_1841, %get3A_1842] {strides = array<i32>} : memref<2x200x128xf32, #tpu.memory_space<vmem>>, vector<1x1x16xf32>,
        %get3A_1844 = vector.shape_cast %get3A_1843 : vector<1x1x16xf32> to vector<16xf32>
        %mul3A_1845 = arith.mulf %scan3A_397#0, %get3A_1844 : vector<16xf32>
        %get3A_1846 = arith.index_cast %select_n3A_121 : i32 to index
        %get3A_1847 = arith.index_cast %add3A_1839 : i32 to index
        %get3A_1848 = arith.constant 16 : index
        %get3A_1849 = tpu.vector_load %arg13[%get3A_1846, %get3A_1847, %get3A_1848] {strides = array<i32>} : memref<2x200x128xf32, #tpu.memory_space<vmem>>, vector<1x1x16xf32>,
        %get3A_1850 = vector.shape_cast %get3A_1849 : vector<1x1x16xf32> to vector<16xf32>
        %mul3A_1851 = arith.mulf %scan3A_397#1, %get3A_1850 : vector<16xf32>
        %add3A_1852 = arith.addf %mul3A_1845, %mul3A_1851 : vector<16xf32>
        %get3A_1853 = arith.index_cast %select_n3A_121 : i32 to index
        %get3A_1854 = arith.index_cast %add3A_1839 : i32 to index
        %get3A_1855 = arith.constant 32 : index
        %get3A_1856 = tpu.vector_load %arg13[%get3A_1853, %get3A_1854, %get3A_1855] {strides = array<i32>} : memref<2x200x128xf32, #tpu.memory_space<vmem>>, vector<1x1x16xf32>,
        %get3A_1857 = vector.shape_cast %get3A_1856 : vector<1x1x16xf32> to vector<16xf32>
        %mul3A_1858 = arith.mulf %scan3A_397#2, %get3A_1857 : vector<16xf32>
        %add3A_1859 = arith.addf %add3A_1852, %mul3A_1858 : vector<16xf32>
        %get3A_1860 = arith.index_cast %select_n3A_121 : i32 to index
        %get3A_1861 = arith.index_cast %add3A_1839 : i32 to index
        %get3A_1862 = arith.constant 48 : index
        %get3A_1863 = tpu.vector_load %arg13[%get3A_1860, %get3A_1861, %get3A_1862] {strides = array<i32>} : memref<2x200x128xf32, #tpu.memory_space<vmem>>, vector<1x1x16xf32>,
        %get3A_1864 = vector.shape_cast %get3A_1863 : vector<1x1x16xf32> to vector<16xf32>
        %mul3A_1865 = arith.mulf %scan3A_397#3, %get3A_1864 : vector<16xf32>
        %add3A_1866 = arith.addf %add3A_1859, %mul3A_1865 : vector<16xf32>
        %get3A_1867 = arith.index_cast %select_n3A_121 : i32 to index
        %get3A_1868 = arith.index_cast %add3A_1839 : i32 to index
        %get3A_1869 = arith.constant 64 : index
        %get3A_1870 = tpu.vector_load %arg13[%get3A_1867, %get3A_1868, %get3A_1869] {strides = array<i32>} : memref<2x200x128xf32, #tpu.memory_space<vmem>>, vector<1x1x16xf32>,
        %get3A_1871 = vector.shape_cast %get3A_1870 : vector<1x1x16xf32> to vector<16xf32>
        %mul3A_1872 = arith.mulf %scan3A_397#4, %get3A_1871 : vector<16xf32>
        %add3A_1873 = arith.addf %add3A_1866, %mul3A_1872 : vector<16xf32>
        %get3A_1874 = arith.index_cast %select_n3A_121 : i32 to index
        %get3A_1875 = arith.index_cast %add3A_1839 : i32 to index
        %get3A_1876 = arith.constant 80 : index
        %get3A_1877 = tpu.vector_load %arg13[%get3A_1874, %get3A_1875, %get3A_1876] {strides = array<i32>} : memref<2x200x128xf32, #tpu.memory_space<vmem>>, vector<1x1x16xf32>,
        %get3A_1878 = vector.shape_cast %get3A_1877 : vector<1x1x16xf32> to vector<16xf32>
        %mul3A_1879 = arith.mulf %scan3A_397#5, %get3A_1878 : vector<16xf32>
        %add3A_1880 = arith.addf %add3A_1873, %mul3A_1879 : vector<16xf32>
        %get3A_1881 = arith.index_cast %select_n3A_121 : i32 to index
        %get3A_1882 = arith.index_cast %add3A_1839 : i32 to index
        %get3A_1883 = arith.constant 96 : index
        %get3A_1884 = tpu.vector_load %arg13[%get3A_1881, %get3A_1882, %get3A_1883] {strides = array<i32>} : memref<2x200x128xf32, #tpu.memory_space<vmem>>, vector<1x1x16xf32>,
        %get3A_1885 = vector.shape_cast %get3A_1884 : vector<1x1x16xf32> to vector<16xf32>
        %mul3A_1886 = arith.mulf %scan3A_397#6, %get3A_1885 : vector<16xf32>
        %add3A_1887 = arith.addf %add3A_1880, %mul3A_1886 : vector<16xf32>
        %get3A_1888 = arith.index_cast %select_n3A_121 : i32 to index
        %get3A_1889 = arith.index_cast %add3A_1839 : i32 to index
        %get3A_1890 = arith.constant 112 : index
        %get3A_1891 = tpu.vector_load %arg13[%get3A_1888, %get3A_1889, %get3A_1890] {strides = array<i32>} : memref<2x200x128xf32, #tpu.memory_space<vmem>>, vector<1x1x16xf32>,
        %get3A_1892 = vector.shape_cast %get3A_1891 : vector<1x1x16xf32> to vector<16xf32>
        %mul3A_1893 = arith.mulf %scan3A_397#7, %get3A_1892 : vector<16xf32>
        %add3A_1894 = arith.addf %add3A_1887, %mul3A_1893 : vector<16xf32>
        %add3A_1895 = arith.constant 16 : i32
        %add3A_1896 = arith.addi %mul3A_376, %add3A_1895 : i32
        %add3A_1897 = arith.constant 4 : i32
        %add3A_1898 = arith.addi %add3A_1896, %add3A_1897 : i32
        %get3A_1899 = arith.index_cast %select_n3A_121 : i32 to index
        %get3A_1900 = arith.index_cast %add3A_1898 : i32 to index
        %get3A_1901 = arith.constant 0 : index
        %get3A_1902 = tpu.vector_load %arg13[%get3A_1899, %get3A_1900, %get3A_1901] {strides = array<i32>} : memref<2x200x128xf32, #tpu.memory_space<vmem>>, vector<1x1x16xf32>,
        %get3A_1903 = vector.shape_cast %get3A_1902 : vector<1x1x16xf32> to vector<16xf32>
        %mul3A_1904 = arith.mulf %scan3A_397#0, %get3A_1903 : vector<16xf32>
        %get3A_1905 = arith.index_cast %select_n3A_121 : i32 to index
        %get3A_1906 = arith.index_cast %add3A_1898 : i32 to index
        %get3A_1907 = arith.constant 16 : index
        %get3A_1908 = tpu.vector_load %arg13[%get3A_1905, %get3A_1906, %get3A_1907] {strides = array<i32>} : memref<2x200x128xf32, #tpu.memory_space<vmem>>, vector<1x1x16xf32>,
        %get3A_1909 = vector.shape_cast %get3A_1908 : vector<1x1x16xf32> to vector<16xf32>
        %mul3A_1910 = arith.mulf %scan3A_397#1, %get3A_1909 : vector<16xf32>
        %add3A_1911 = arith.addf %mul3A_1904, %mul3A_1910 : vector<16xf32>
        %get3A_1912 = arith.index_cast %select_n3A_121 : i32 to index
        %get3A_1913 = arith.index_cast %add3A_1898 : i32 to index
        %get3A_1914 = arith.constant 32 : index
        %get3A_1915 = tpu.vector_load %arg13[%get3A_1912, %get3A_1913, %get3A_1914] {strides = array<i32>} : memref<2x200x128xf32, #tpu.memory_space<vmem>>, vector<1x1x16xf32>,
        %get3A_1916 = vector.shape_cast %get3A_1915 : vector<1x1x16xf32> to vector<16xf32>
        %mul3A_1917 = arith.mulf %scan3A_397#2, %get3A_1916 : vector<16xf32>
        %add3A_1918 = arith.addf %add3A_1911, %mul3A_1917 : vector<16xf32>
        %get3A_1919 = arith.index_cast %select_n3A_121 : i32 to index
        %get3A_1920 = arith.index_cast %add3A_1898 : i32 to index
        %get3A_1921 = arith.constant 48 : index
        %get3A_1922 = tpu.vector_load %arg13[%get3A_1919, %get3A_1920, %get3A_1921] {strides = array<i32>} : memref<2x200x128xf32, #tpu.memory_space<vmem>>, vector<1x1x16xf32>,
        %get3A_1923 = vector.shape_cast %get3A_1922 : vector<1x1x16xf32> to vector<16xf32>
        %mul3A_1924 = arith.mulf %scan3A_397#3, %get3A_1923 : vector<16xf32>
        %add3A_1925 = arith.addf %add3A_1918, %mul3A_1924 : vector<16xf32>
        %get3A_1926 = arith.index_cast %select_n3A_121 : i32 to index
        %get3A_1927 = arith.index_cast %add3A_1898 : i32 to index
        %get3A_1928 = arith.constant 64 : index
        %get3A_1929 = tpu.vector_load %arg13[%get3A_1926, %get3A_1927, %get3A_1928] {strides = array<i32>} : memref<2x200x128xf32, #tpu.memory_space<vmem>>, vector<1x1x16xf32>,
        %get3A_1930 = vector.shape_cast %get3A_1929 : vector<1x1x16xf32> to vector<16xf32>
        %mul3A_1931 = arith.mulf %scan3A_397#4, %get3A_1930 : vector<16xf32>
        %add3A_1932 = arith.addf %add3A_1925, %mul3A_1931 : vector<16xf32>
        %get3A_1933 = arith.index_cast %select_n3A_121 : i32 to index
        %get3A_1934 = arith.index_cast %add3A_1898 : i32 to index
        %get3A_1935 = arith.constant 80 : index
        %get3A_1936 = tpu.vector_load %arg13[%get3A_1933, %get3A_1934, %get3A_1935] {strides = array<i32>} : memref<2x200x128xf32, #tpu.memory_space<vmem>>, vector<1x1x16xf32>,
        %get3A_1937 = vector.shape_cast %get3A_1936 : vector<1x1x16xf32> to vector<16xf32>
        %mul3A_1938 = arith.mulf %scan3A_397#5, %get3A_1937 : vector<16xf32>
        %add3A_1939 = arith.addf %add3A_1932, %mul3A_1938 : vector<16xf32>
        %get3A_1940 = arith.index_cast %select_n3A_121 : i32 to index
        %get3A_1941 = arith.index_cast %add3A_1898 : i32 to index
        %get3A_1942 = arith.constant 96 : index
        %get3A_1943 = tpu.vector_load %arg13[%get3A_1940, %get3A_1941, %get3A_1942] {strides = array<i32>} : memref<2x200x128xf32, #tpu.memory_space<vmem>>, vector<1x1x16xf32>,
        %get3A_1944 = vector.shape_cast %get3A_1943 : vector<1x1x16xf32> to vector<16xf32>
        %mul3A_1945 = arith.mulf %scan3A_397#6, %get3A_1944 : vector<16xf32>
        %add3A_1946 = arith.addf %add3A_1939, %mul3A_1945 : vector<16xf32>
        %get3A_1947 = arith.index_cast %select_n3A_121 : i32 to index
        %get3A_1948 = arith.index_cast %add3A_1898 : i32 to index
        %get3A_1949 = arith.constant 112 : index
        %get3A_1950 = tpu.vector_load %arg13[%get3A_1947, %get3A_1948, %get3A_1949] {strides = array<i32>} : memref<2x200x128xf32, #tpu.memory_space<vmem>>, vector<1x1x16xf32>,
        %get3A_1951 = vector.shape_cast %get3A_1950 : vector<1x1x16xf32> to vector<16xf32>
        %mul3A_1952 = arith.mulf %scan3A_397#7, %get3A_1951 : vector<16xf32>
        %add3A_1953 = arith.addf %add3A_1946, %mul3A_1952 : vector<16xf32>
        %add3A_1954 = arith.constant 16 : i32
        %add3A_1955 = arith.addi %mul3A_376, %add3A_1954 : i32
        %add3A_1956 = arith.constant 5 : i32
        %add3A_1957 = arith.addi %add3A_1955, %add3A_1956 : i32
        %get3A_1958 = arith.index_cast %select_n3A_121 : i32 to index
        %get3A_1959 = arith.index_cast %add3A_1957 : i32 to index
        %get3A_1960 = arith.constant 0 : index
        %get3A_1961 = tpu.vector_load %arg13[%get3A_1958, %get3A_1959, %get3A_1960] {strides = array<i32>} : memref<2x200x128xf32, #tpu.memory_space<vmem>>, vector<1x1x16xf32>,
        %get3A_1962 = vector.shape_cast %get3A_1961 : vector<1x1x16xf32> to vector<16xf32>
        %mul3A_1963 = arith.mulf %scan3A_397#0, %get3A_1962 : vector<16xf32>
        %get3A_1964 = arith.index_cast %select_n3A_121 : i32 to index
        %get3A_1965 = arith.index_cast %add3A_1957 : i32 to index
        %get3A_1966 = arith.constant 16 : index
        %get3A_1967 = tpu.vector_load %arg13[%get3A_1964, %get3A_1965, %get3A_1966] {strides = array<i32>} : memref<2x200x128xf32, #tpu.memory_space<vmem>>, vector<1x1x16xf32>,
        %get3A_1968 = vector.shape_cast %get3A_1967 : vector<1x1x16xf32> to vector<16xf32>
        %mul3A_1969 = arith.mulf %scan3A_397#1, %get3A_1968 : vector<16xf32>
        %add3A_1970 = arith.addf %mul3A_1963, %mul3A_1969 : vector<16xf32>
        %get3A_1971 = arith.index_cast %select_n3A_121 : i32 to index
        %get3A_1972 = arith.index_cast %add3A_1957 : i32 to index
        %get3A_1973 = arith.constant 32 : index
        %get3A_1974 = tpu.vector_load %arg13[%get3A_1971, %get3A_1972, %get3A_1973] {strides = array<i32>} : memref<2x200x128xf32, #tpu.memory_space<vmem>>, vector<1x1x16xf32>,
        %get3A_1975 = vector.shape_cast %get3A_1974 : vector<1x1x16xf32> to vector<16xf32>
        %mul3A_1976 = arith.mulf %scan3A_397#2, %get3A_1975 : vector<16xf32>
        %add3A_1977 = arith.addf %add3A_1970, %mul3A_1976 : vector<16xf32>
        %get3A_1978 = arith.index_cast %select_n3A_121 : i32 to index
        %get3A_1979 = arith.index_cast %add3A_1957 : i32 to index
        %get3A_1980 = arith.constant 48 : index
        %get3A_1981 = tpu.vector_load %arg13[%get3A_1978, %get3A_1979, %get3A_1980] {strides = array<i32>} : memref<2x200x128xf32, #tpu.memory_space<vmem>>, vector<1x1x16xf32>,
        %get3A_1982 = vector.shape_cast %get3A_1981 : vector<1x1x16xf32> to vector<16xf32>
        %mul3A_1983 = arith.mulf %scan3A_397#3, %get3A_1982 : vector<16xf32>
        %add3A_1984 = arith.addf %add3A_1977, %mul3A_1983 : vector<16xf32>
        %get3A_1985 = arith.index_cast %select_n3A_121 : i32 to index
        %get3A_1986 = arith.index_cast %add3A_1957 : i32 to index
        %get3A_1987 = arith.constant 64 : index
        %get3A_1988 = tpu.vector_load %arg13[%get3A_1985, %get3A_1986, %get3A_1987] {strides = array<i32>} : memref<2x200x128xf32, #tpu.memory_space<vmem>>, vector<1x1x16xf32>,
        %get3A_1989 = vector.shape_cast %get3A_1988 : vector<1x1x16xf32> to vector<16xf32>
        %mul3A_1990 = arith.mulf %scan3A_397#4, %get3A_1989 : vector<16xf32>
        %add3A_1991 = arith.addf %add3A_1984, %mul3A_1990 : vector<16xf32>
        %get3A_1992 = arith.index_cast %select_n3A_121 : i32 to index
        %get3A_1993 = arith.index_cast %add3A_1957 : i32 to index
        %get3A_1994 = arith.constant 80 : index
        %get3A_1995 = tpu.vector_load %arg13[%get3A_1992, %get3A_1993, %get3A_1994] {strides = array<i32>} : memref<2x200x128xf32, #tpu.memory_space<vmem>>, vector<1x1x16xf32>,
        %get3A_1996 = vector.shape_cast %get3A_1995 : vector<1x1x16xf32> to vector<16xf32>
        %mul3A_1997 = arith.mulf %scan3A_397#5, %get3A_1996 : vector<16xf32>
        %add3A_1998 = arith.addf %add3A_1991, %mul3A_1997 : vector<16xf32>
        %get3A_1999 = arith.index_cast %select_n3A_121 : i32 to index
        %get3A_2000 = arith.index_cast %add3A_1957 : i32 to index
        %get3A_2001 = arith.constant 96 : index
        %get3A_2002 = tpu.vector_load %arg13[%get3A_1999, %get3A_2000, %get3A_2001] {strides = array<i32>} : memref<2x200x128xf32, #tpu.memory_space<vmem>>, vector<1x1x16xf32>,
        %get3A_2003 = vector.shape_cast %get3A_2002 : vector<1x1x16xf32> to vector<16xf32>
        %mul3A_2004 = arith.mulf %scan3A_397#6, %get3A_2003 : vector<16xf32>
        %add3A_2005 = arith.addf %add3A_1998, %mul3A_2004 : vector<16xf32>
        %get3A_2006 = arith.index_cast %select_n3A_121 : i32 to index
        %get3A_2007 = arith.index_cast %add3A_1957 : i32 to index
        %get3A_2008 = arith.constant 112 : index
        %get3A_2009 = tpu.vector_load %arg13[%get3A_2006, %get3A_2007, %get3A_2008] {strides = array<i32>} : memref<2x200x128xf32, #tpu.memory_space<vmem>>, vector<1x1x16xf32>,
        %get3A_2010 = vector.shape_cast %get3A_2009 : vector<1x1x16xf32> to vector<16xf32>
        %mul3A_2011 = arith.mulf %scan3A_397#7, %get3A_2010 : vector<16xf32>
        %add3A_2012 = arith.addf %add3A_2005, %mul3A_2011 : vector<16xf32>
        %add3A_2013 = arith.constant 16 : i32
        %add3A_2014 = arith.addi %mul3A_376, %add3A_2013 : i32
        %add3A_2015 = arith.constant 6 : i32
        %add3A_2016 = arith.addi %add3A_2014, %add3A_2015 : i32
        %get3A_2017 = arith.index_cast %select_n3A_121 : i32 to index
        %get3A_2018 = arith.index_cast %add3A_2016 : i32 to index
        %get3A_2019 = arith.constant 0 : index
        %get3A_2020 = tpu.vector_load %arg13[%get3A_2017, %get3A_2018, %get3A_2019] {strides = array<i32>} : memref<2x200x128xf32, #tpu.memory_space<vmem>>, vector<1x1x16xf32>,
        %get3A_2021 = vector.shape_cast %get3A_2020 : vector<1x1x16xf32> to vector<16xf32>
        %mul3A_2022 = arith.mulf %scan3A_397#0, %get3A_2021 : vector<16xf32>
        %get3A_2023 = arith.index_cast %select_n3A_121 : i32 to index
        %get3A_2024 = arith.index_cast %add3A_2016 : i32 to index
        %get3A_2025 = arith.constant 16 : index
        %get3A_2026 = tpu.vector_load %arg13[%get3A_2023, %get3A_2024, %get3A_2025] {strides = array<i32>} : memref<2x200x128xf32, #tpu.memory_space<vmem>>, vector<1x1x16xf32>,
        %get3A_2027 = vector.shape_cast %get3A_2026 : vector<1x1x16xf32> to vector<16xf32>
        %mul3A_2028 = arith.mulf %scan3A_397#1, %get3A_2027 : vector<16xf32>
        %add3A_2029 = arith.addf %mul3A_2022, %mul3A_2028 : vector<16xf32>
        %get3A_2030 = arith.index_cast %select_n3A_121 : i32 to index
        %get3A_2031 = arith.index_cast %add3A_2016 : i32 to index
        %get3A_2032 = arith.constant 32 : index
        %get3A_2033 = tpu.vector_load %arg13[%get3A_2030, %get3A_2031, %get3A_2032] {strides = array<i32>} : memref<2x200x128xf32, #tpu.memory_space<vmem>>, vector<1x1x16xf32>,
        %get3A_2034 = vector.shape_cast %get3A_2033 : vector<1x1x16xf32> to vector<16xf32>
        %mul3A_2035 = arith.mulf %scan3A_397#2, %get3A_2034 : vector<16xf32>
        %add3A_2036 = arith.addf %add3A_2029, %mul3A_2035 : vector<16xf32>
        %get3A_2037 = arith.index_cast %select_n3A_121 : i32 to index
        %get3A_2038 = arith.index_cast %add3A_2016 : i32 to index
        %get3A_2039 = arith.constant 48 : index
        %get3A_2040 = tpu.vector_load %arg13[%get3A_2037, %get3A_2038, %get3A_2039] {strides = array<i32>} : memref<2x200x128xf32, #tpu.memory_space<vmem>>, vector<1x1x16xf32>,
        %get3A_2041 = vector.shape_cast %get3A_2040 : vector<1x1x16xf32> to vector<16xf32>
        %mul3A_2042 = arith.mulf %scan3A_397#3, %get3A_2041 : vector<16xf32>
        %add3A_2043 = arith.addf %add3A_2036, %mul3A_2042 : vector<16xf32>
        %get3A_2044 = arith.index_cast %select_n3A_121 : i32 to index
        %get3A_2045 = arith.index_cast %add3A_2016 : i32 to index
        %get3A_2046 = arith.constant 64 : index
        %get3A_2047 = tpu.vector_load %arg13[%get3A_2044, %get3A_2045, %get3A_2046] {strides = array<i32>} : memref<2x200x128xf32, #tpu.memory_space<vmem>>, vector<1x1x16xf32>,
        %get3A_2048 = vector.shape_cast %get3A_2047 : vector<1x1x16xf32> to vector<16xf32>
        %mul3A_2049 = arith.mulf %scan3A_397#4, %get3A_2048 : vector<16xf32>
        %add3A_2050 = arith.addf %add3A_2043, %mul3A_2049 : vector<16xf32>
        %get3A_2051 = arith.index_cast %select_n3A_121 : i32 to index
        %get3A_2052 = arith.index_cast %add3A_2016 : i32 to index
        %get3A_2053 = arith.constant 80 : index
        %get3A_2054 = tpu.vector_load %arg13[%get3A_2051, %get3A_2052, %get3A_2053] {strides = array<i32>} : memref<2x200x128xf32, #tpu.memory_space<vmem>>, vector<1x1x16xf32>,
        %get3A_2055 = vector.shape_cast %get3A_2054 : vector<1x1x16xf32> to vector<16xf32>
        %mul3A_2056 = arith.mulf %scan3A_397#5, %get3A_2055 : vector<16xf32>
        %add3A_2057 = arith.addf %add3A_2050, %mul3A_2056 : vector<16xf32>
        %get3A_2058 = arith.index_cast %select_n3A_121 : i32 to index
        %get3A_2059 = arith.index_cast %add3A_2016 : i32 to index
        %get3A_2060 = arith.constant 96 : index
        %get3A_2061 = tpu.vector_load %arg13[%get3A_2058, %get3A_2059, %get3A_2060] {strides = array<i32>} : memref<2x200x128xf32, #tpu.memory_space<vmem>>, vector<1x1x16xf32>,
        %get3A_2062 = vector.shape_cast %get3A_2061 : vector<1x1x16xf32> to vector<16xf32>
        %mul3A_2063 = arith.mulf %scan3A_397#6, %get3A_2062 : vector<16xf32>
        %add3A_2064 = arith.addf %add3A_2057, %mul3A_2063 : vector<16xf32>
        %get3A_2065 = arith.index_cast %select_n3A_121 : i32 to index
        %get3A_2066 = arith.index_cast %add3A_2016 : i32 to index
        %get3A_2067 = arith.constant 112 : index
        %get3A_2068 = tpu.vector_load %arg13[%get3A_2065, %get3A_2066, %get3A_2067] {strides = array<i32>} : memref<2x200x128xf32, #tpu.memory_space<vmem>>, vector<1x1x16xf32>,
        %get3A_2069 = vector.shape_cast %get3A_2068 : vector<1x1x16xf32> to vector<16xf32>
        %mul3A_2070 = arith.mulf %scan3A_397#7, %get3A_2069 : vector<16xf32>
        %add3A_2071 = arith.addf %add3A_2064, %mul3A_2070 : vector<16xf32>
        %add3A_2072 = arith.constant 16 : i32
        %add3A_2073 = arith.addi %mul3A_376, %add3A_2072 : i32
        %add3A_2074 = arith.constant 7 : i32
        %add3A_2075 = arith.addi %add3A_2073, %add3A_2074 : i32
        %get3A_2076 = arith.index_cast %select_n3A_121 : i32 to index
        %get3A_2077 = arith.index_cast %add3A_2075 : i32 to index
        %get3A_2078 = arith.constant 0 : index
        %get3A_2079 = tpu.vector_load %arg13[%get3A_2076, %get3A_2077, %get3A_2078] {strides = array<i32>} : memref<2x200x128xf32, #tpu.memory_space<vmem>>, vector<1x1x16xf32>,
        %get3A_2080 = vector.shape_cast %get3A_2079 : vector<1x1x16xf32> to vector<16xf32>
        %mul3A_2081 = arith.mulf %scan3A_397#0, %get3A_2080 : vector<16xf32>
        %get3A_2082 = arith.index_cast %select_n3A_121 : i32 to index
        %get3A_2083 = arith.index_cast %add3A_2075 : i32 to index
        %get3A_2084 = arith.constant 16 : index
        %get3A_2085 = tpu.vector_load %arg13[%get3A_2082, %get3A_2083, %get3A_2084] {strides = array<i32>} : memref<2x200x128xf32, #tpu.memory_space<vmem>>, vector<1x1x16xf32>,
        %get3A_2086 = vector.shape_cast %get3A_2085 : vector<1x1x16xf32> to vector<16xf32>
        %mul3A_2087 = arith.mulf %scan3A_397#1, %get3A_2086 : vector<16xf32>
        %add3A_2088 = arith.addf %mul3A_2081, %mul3A_2087 : vector<16xf32>
        %get3A_2089 = arith.index_cast %select_n3A_121 : i32 to index
        %get3A_2090 = arith.index_cast %add3A_2075 : i32 to index
        %get3A_2091 = arith.constant 32 : index
        %get3A_2092 = tpu.vector_load %arg13[%get3A_2089, %get3A_2090, %get3A_2091] {strides = array<i32>} : memref<2x200x128xf32, #tpu.memory_space<vmem>>, vector<1x1x16xf32>,
        %get3A_2093 = vector.shape_cast %get3A_2092 : vector<1x1x16xf32> to vector<16xf32>
        %mul3A_2094 = arith.mulf %scan3A_397#2, %get3A_2093 : vector<16xf32>
        %add3A_2095 = arith.addf %add3A_2088, %mul3A_2094 : vector<16xf32>
        %get3A_2096 = arith.index_cast %select_n3A_121 : i32 to index
        %get3A_2097 = arith.index_cast %add3A_2075 : i32 to index
        %get3A_2098 = arith.constant 48 : index
        %get3A_2099 = tpu.vector_load %arg13[%get3A_2096, %get3A_2097, %get3A_2098] {strides = array<i32>} : memref<2x200x128xf32, #tpu.memory_space<vmem>>, vector<1x1x16xf32>,
        %get3A_2100 = vector.shape_cast %get3A_2099 : vector<1x1x16xf32> to vector<16xf32>
        %mul3A_2101 = arith.mulf %scan3A_397#3, %get3A_2100 : vector<16xf32>
        %add3A_2102 = arith.addf %add3A_2095, %mul3A_2101 : vector<16xf32>
        %get3A_2103 = arith.index_cast %select_n3A_121 : i32 to index
        %get3A_2104 = arith.index_cast %add3A_2075 : i32 to index
        %get3A_2105 = arith.constant 64 : index
        %get3A_2106 = tpu.vector_load %arg13[%get3A_2103, %get3A_2104, %get3A_2105] {strides = array<i32>} : memref<2x200x128xf32, #tpu.memory_space<vmem>>, vector<1x1x16xf32>,
        %get3A_2107 = vector.shape_cast %get3A_2106 : vector<1x1x16xf32> to vector<16xf32>
        %mul3A_2108 = arith.mulf %scan3A_397#4, %get3A_2107 : vector<16xf32>
        %add3A_2109 = arith.addf %add3A_2102, %mul3A_2108 : vector<16xf32>
        %get3A_2110 = arith.index_cast %select_n3A_121 : i32 to index
        %get3A_2111 = arith.index_cast %add3A_2075 : i32 to index
        %get3A_2112 = arith.constant 80 : index
        %get3A_2113 = tpu.vector_load %arg13[%get3A_2110, %get3A_2111, %get3A_2112] {strides = array<i32>} : memref<2x200x128xf32, #tpu.memory_space<vmem>>, vector<1x1x16xf32>,
        %get3A_2114 = vector.shape_cast %get3A_2113 : vector<1x1x16xf32> to vector<16xf32>
        %mul3A_2115 = arith.mulf %scan3A_397#5, %get3A_2114 : vector<16xf32>
        %add3A_2116 = arith.addf %add3A_2109, %mul3A_2115 : vector<16xf32>
        %get3A_2117 = arith.index_cast %select_n3A_121 : i32 to index
        %get3A_2118 = arith.index_cast %add3A_2075 : i32 to index
        %get3A_2119 = arith.constant 96 : index
        %get3A_2120 = tpu.vector_load %arg13[%get3A_2117, %get3A_2118, %get3A_2119] {strides = array<i32>} : memref<2x200x128xf32, #tpu.memory_space<vmem>>, vector<1x1x16xf32>,
        %get3A_2121 = vector.shape_cast %get3A_2120 : vector<1x1x16xf32> to vector<16xf32>
        %mul3A_2122 = arith.mulf %scan3A_397#6, %get3A_2121 : vector<16xf32>
        %add3A_2123 = arith.addf %add3A_2116, %mul3A_2122 : vector<16xf32>
        %get3A_2124 = arith.index_cast %select_n3A_121 : i32 to index
        %get3A_2125 = arith.index_cast %add3A_2075 : i32 to index
        %get3A_2126 = arith.constant 112 : index
        %get3A_2127 = tpu.vector_load %arg13[%get3A_2124, %get3A_2125, %get3A_2126] {strides = array<i32>} : memref<2x200x128xf32, #tpu.memory_space<vmem>>, vector<1x1x16xf32>,
        %get3A_2128 = vector.shape_cast %get3A_2127 : vector<1x1x16xf32> to vector<16xf32>
        %mul3A_2129 = arith.mulf %scan3A_397#7, %get3A_2128 : vector<16xf32>
        %add3A_2130 = arith.addf %add3A_2123, %mul3A_2129 : vector<16xf32>
        %add3A_2131 = arith.constant 16 : i32
        %add3A_2132 = arith.addi %mul3A_376, %add3A_2131 : i32
        %add3A_2133 = arith.constant 8 : i32
        %add3A_2134 = arith.addi %add3A_2132, %add3A_2133 : i32
        %get3A_2135 = arith.index_cast %select_n3A_121 : i32 to index
        %get3A_2136 = arith.index_cast %add3A_2134 : i32 to index
        %get3A_2137 = arith.constant 0 : index
        %get3A_2138 = tpu.vector_load %arg13[%get3A_2135, %get3A_2136, %get3A_2137] {strides = array<i32>} : memref<2x200x128xf32, #tpu.memory_space<vmem>>, vector<1x1x16xf32>,
        %get3A_2139 = vector.shape_cast %get3A_2138 : vector<1x1x16xf32> to vector<16xf32>
        %mul3A_2140 = arith.mulf %scan3A_397#0, %get3A_2139 : vector<16xf32>
        %get3A_2141 = arith.index_cast %select_n3A_121 : i32 to index
        %get3A_2142 = arith.index_cast %add3A_2134 : i32 to index
        %get3A_2143 = arith.constant 16 : index
        %get3A_2144 = tpu.vector_load %arg13[%get3A_2141, %get3A_2142, %get3A_2143] {strides = array<i32>} : memref<2x200x128xf32, #tpu.memory_space<vmem>>, vector<1x1x16xf32>,
        %get3A_2145 = vector.shape_cast %get3A_2144 : vector<1x1x16xf32> to vector<16xf32>
        %mul3A_2146 = arith.mulf %scan3A_397#1, %get3A_2145 : vector<16xf32>
        %add3A_2147 = arith.addf %mul3A_2140, %mul3A_2146 : vector<16xf32>
        %get3A_2148 = arith.index_cast %select_n3A_121 : i32 to index
        %get3A_2149 = arith.index_cast %add3A_2134 : i32 to index
        %get3A_2150 = arith.constant 32 : index
        %get3A_2151 = tpu.vector_load %arg13[%get3A_2148, %get3A_2149, %get3A_2150] {strides = array<i32>} : memref<2x200x128xf32, #tpu.memory_space<vmem>>, vector<1x1x16xf32>,
        %get3A_2152 = vector.shape_cast %get3A_2151 : vector<1x1x16xf32> to vector<16xf32>
        %mul3A_2153 = arith.mulf %scan3A_397#2, %get3A_2152 : vector<16xf32>
        %add3A_2154 = arith.addf %add3A_2147, %mul3A_2153 : vector<16xf32>
        %get3A_2155 = arith.index_cast %select_n3A_121 : i32 to index
        %get3A_2156 = arith.index_cast %add3A_2134 : i32 to index
        %get3A_2157 = arith.constant 48 : index
        %get3A_2158 = tpu.vector_load %arg13[%get3A_2155, %get3A_2156, %get3A_2157] {strides = array<i32>} : memref<2x200x128xf32, #tpu.memory_space<vmem>>, vector<1x1x16xf32>,
        %get3A_2159 = vector.shape_cast %get3A_2158 : vector<1x1x16xf32> to vector<16xf32>
        %mul3A_2160 = arith.mulf %scan3A_397#3, %get3A_2159 : vector<16xf32>
        %add3A_2161 = arith.addf %add3A_2154, %mul3A_2160 : vector<16xf32>
        %get3A_2162 = arith.index_cast %select_n3A_121 : i32 to index
        %get3A_2163 = arith.index_cast %add3A_2134 : i32 to index
        %get3A_2164 = arith.constant 64 : index
        %get3A_2165 = tpu.vector_load %arg13[%get3A_2162, %get3A_2163, %get3A_2164] {strides = array<i32>} : memref<2x200x128xf32, #tpu.memory_space<vmem>>, vector<1x1x16xf32>,
        %get3A_2166 = vector.shape_cast %get3A_2165 : vector<1x1x16xf32> to vector<16xf32>
        %mul3A_2167 = arith.mulf %scan3A_397#4, %get3A_2166 : vector<16xf32>
        %add3A_2168 = arith.addf %add3A_2161, %mul3A_2167 : vector<16xf32>
        %get3A_2169 = arith.index_cast %select_n3A_121 : i32 to index
        %get3A_2170 = arith.index_cast %add3A_2134 : i32 to index
        %get3A_2171 = arith.constant 80 : index
        %get3A_2172 = tpu.vector_load %arg13[%get3A_2169, %get3A_2170, %get3A_2171] {strides = array<i32>} : memref<2x200x128xf32, #tpu.memory_space<vmem>>, vector<1x1x16xf32>,
        %get3A_2173 = vector.shape_cast %get3A_2172 : vector<1x1x16xf32> to vector<16xf32>
        %mul3A_2174 = arith.mulf %scan3A_397#5, %get3A_2173 : vector<16xf32>
        %add3A_2175 = arith.addf %add3A_2168, %mul3A_2174 : vector<16xf32>
        %get3A_2176 = arith.index_cast %select_n3A_121 : i32 to index
        %get3A_2177 = arith.index_cast %add3A_2134 : i32 to index
        %get3A_2178 = arith.constant 96 : index
        %get3A_2179 = tpu.vector_load %arg13[%get3A_2176, %get3A_2177, %get3A_2178] {strides = array<i32>} : memref<2x200x128xf32, #tpu.memory_space<vmem>>, vector<1x1x16xf32>,
        %get3A_2180 = vector.shape_cast %get3A_2179 : vector<1x1x16xf32> to vector<16xf32>
        %mul3A_2181 = arith.mulf %scan3A_397#6, %get3A_2180 : vector<16xf32>
        %add3A_2182 = arith.addf %add3A_2175, %mul3A_2181 : vector<16xf32>
        %get3A_2183 = arith.index_cast %select_n3A_121 : i32 to index
        %get3A_2184 = arith.index_cast %add3A_2134 : i32 to index
        %get3A_2185 = arith.constant 112 : index
        %get3A_2186 = tpu.vector_load %arg13[%get3A_2183, %get3A_2184, %get3A_2185] {strides = array<i32>} : memref<2x200x128xf32, #tpu.memory_space<vmem>>, vector<1x1x16xf32>,
        %get3A_2187 = vector.shape_cast %get3A_2186 : vector<1x1x16xf32> to vector<16xf32>
        %mul3A_2188 = arith.mulf %scan3A_397#7, %get3A_2187 : vector<16xf32>
        %add3A_2189 = arith.addf %add3A_2182, %mul3A_2188 : vector<16xf32>
        %add3A_2190 = arith.constant 16 : i32
        %add3A_2191 = arith.addi %mul3A_376, %add3A_2190 : i32
        %add3A_2192 = arith.constant 9 : i32
        %add3A_2193 = arith.addi %add3A_2191, %add3A_2192 : i32
        %get3A_2194 = arith.index_cast %select_n3A_121 : i32 to index
        %get3A_2195 = arith.index_cast %add3A_2193 : i32 to index
        %get3A_2196 = arith.constant 0 : index
        %get3A_2197 = tpu.vector_load %arg13[%get3A_2194, %get3A_2195, %get3A_2196] {strides = array<i32>} : memref<2x200x128xf32, #tpu.memory_space<vmem>>, vector<1x1x16xf32>,
        %get3A_2198 = vector.shape_cast %get3A_2197 : vector<1x1x16xf32> to vector<16xf32>
        %mul3A_2199 = arith.mulf %scan3A_397#0, %get3A_2198 : vector<16xf32>
        %get3A_2200 = arith.index_cast %select_n3A_121 : i32 to index
        %get3A_2201 = arith.index_cast %add3A_2193 : i32 to index
        %get3A_2202 = arith.constant 16 : index
        %get3A_2203 = tpu.vector_load %arg13[%get3A_2200, %get3A_2201, %get3A_2202] {strides = array<i32>} : memref<2x200x128xf32, #tpu.memory_space<vmem>>, vector<1x1x16xf32>,
        %get3A_2204 = vector.shape_cast %get3A_2203 : vector<1x1x16xf32> to vector<16xf32>
        %mul3A_2205 = arith.mulf %scan3A_397#1, %get3A_2204 : vector<16xf32>
        %add3A_2206 = arith.addf %mul3A_2199, %mul3A_2205 : vector<16xf32>
        %get3A_2207 = arith.index_cast %select_n3A_121 : i32 to index
        %get3A_2208 = arith.index_cast %add3A_2193 : i32 to index
        %get3A_2209 = arith.constant 32 : index
        %get3A_2210 = tpu.vector_load %arg13[%get3A_2207, %get3A_2208, %get3A_2209] {strides = array<i32>} : memref<2x200x128xf32, #tpu.memory_space<vmem>>, vector<1x1x16xf32>,
        %get3A_2211 = vector.shape_cast %get3A_2210 : vector<1x1x16xf32> to vector<16xf32>
        %mul3A_2212 = arith.mulf %scan3A_397#2, %get3A_2211 : vector<16xf32>
        %add3A_2213 = arith.addf %add3A_2206, %mul3A_2212 : vector<16xf32>
        %get3A_2214 = arith.index_cast %select_n3A_121 : i32 to index
        %get3A_2215 = arith.index_cast %add3A_2193 : i32 to index
        %get3A_2216 = arith.constant 48 : index
        %get3A_2217 = tpu.vector_load %arg13[%get3A_2214, %get3A_2215, %get3A_2216] {strides = array<i32>} : memref<2x200x128xf32, #tpu.memory_space<vmem>>, vector<1x1x16xf32>,
        %get3A_2218 = vector.shape_cast %get3A_2217 : vector<1x1x16xf32> to vector<16xf32>
        %mul3A_2219 = arith.mulf %scan3A_397#3, %get3A_2218 : vector<16xf32>
        %add3A_2220 = arith.addf %add3A_2213, %mul3A_2219 : vector<16xf32>
        %get3A_2221 = arith.index_cast %select_n3A_121 : i32 to index
        %get3A_2222 = arith.index_cast %add3A_2193 : i32 to index
        %get3A_2223 = arith.constant 64 : index
        %get3A_2224 = tpu.vector_load %arg13[%get3A_2221, %get3A_2222, %get3A_2223] {strides = array<i32>} : memref<2x200x128xf32, #tpu.memory_space<vmem>>, vector<1x1x16xf32>,
        %get3A_2225 = vector.shape_cast %get3A_2224 : vector<1x1x16xf32> to vector<16xf32>
        %mul3A_2226 = arith.mulf %scan3A_397#4, %get3A_2225 : vector<16xf32>
        %add3A_2227 = arith.addf %add3A_2220, %mul3A_2226 : vector<16xf32>
        %get3A_2228 = arith.index_cast %select_n3A_121 : i32 to index
        %get3A_2229 = arith.index_cast %add3A_2193 : i32 to index
        %get3A_2230 = arith.constant 80 : index
        %get3A_2231 = tpu.vector_load %arg13[%get3A_2228, %get3A_2229, %get3A_2230] {strides = array<i32>} : memref<2x200x128xf32, #tpu.memory_space<vmem>>, vector<1x1x16xf32>,
        %get3A_2232 = vector.shape_cast %get3A_2231 : vector<1x1x16xf32> to vector<16xf32>
        %mul3A_2233 = arith.mulf %scan3A_397#5, %get3A_2232 : vector<16xf32>
        %add3A_2234 = arith.addf %add3A_2227, %mul3A_2233 : vector<16xf32>
        %get3A_2235 = arith.index_cast %select_n3A_121 : i32 to index
        %get3A_2236 = arith.index_cast %add3A_2193 : i32 to index
        %get3A_2237 = arith.constant 96 : index
        %get3A_2238 = tpu.vector_load %arg13[%get3A_2235, %get3A_2236, %get3A_2237] {strides = array<i32>} : memref<2x200x128xf32, #tpu.memory_space<vmem>>, vector<1x1x16xf32>,
        %get3A_2239 = vector.shape_cast %get3A_2238 : vector<1x1x16xf32> to vector<16xf32>
        %mul3A_2240 = arith.mulf %scan3A_397#6, %get3A_2239 : vector<16xf32>
        %add3A_2241 = arith.addf %add3A_2234, %mul3A_2240 : vector<16xf32>
        %get3A_2242 = arith.index_cast %select_n3A_121 : i32 to index
        %get3A_2243 = arith.index_cast %add3A_2193 : i32 to index
        %get3A_2244 = arith.constant 112 : index
        %get3A_2245 = tpu.vector_load %arg13[%get3A_2242, %get3A_2243, %get3A_2244] {strides = array<i32>} : memref<2x200x128xf32, #tpu.memory_space<vmem>>, vector<1x1x16xf32>,
        %get3A_2246 = vector.shape_cast %get3A_2245 : vector<1x1x16xf32> to vector<16xf32>
        %mul3A_2247 = arith.mulf %scan3A_397#7, %get3A_2246 : vector<16xf32>
        %add3A_2248 = arith.addf %add3A_2241, %mul3A_2247 : vector<16xf32>
        %add3A_2249 = arith.constant 16 : i32
        %add3A_2250 = arith.addi %mul3A_376, %add3A_2249 : i32
        %add3A_2251 = arith.constant 10 : i32
        %add3A_2252 = arith.addi %add3A_2250, %add3A_2251 : i32
        %get3A_2253 = arith.index_cast %select_n3A_121 : i32 to index
        %get3A_2254 = arith.index_cast %add3A_2252 : i32 to index
        %get3A_2255 = arith.constant 0 : index
        %get3A_2256 = tpu.vector_load %arg13[%get3A_2253, %get3A_2254, %get3A_2255] {strides = array<i32>} : memref<2x200x128xf32, #tpu.memory_space<vmem>>, vector<1x1x16xf32>,
        %get3A_2257 = vector.shape_cast %get3A_2256 : vector<1x1x16xf32> to vector<16xf32>
        %mul3A_2258 = arith.mulf %scan3A_397#0, %get3A_2257 : vector<16xf32>
        %get3A_2259 = arith.index_cast %select_n3A_121 : i32 to index
        %get3A_2260 = arith.index_cast %add3A_2252 : i32 to index
        %get3A_2261 = arith.constant 16 : index
        %get3A_2262 = tpu.vector_load %arg13[%get3A_2259, %get3A_2260, %get3A_2261] {strides = array<i32>} : memref<2x200x128xf32, #tpu.memory_space<vmem>>, vector<1x1x16xf32>,
        %get3A_2263 = vector.shape_cast %get3A_2262 : vector<1x1x16xf32> to vector<16xf32>
        %mul3A_2264 = arith.mulf %scan3A_397#1, %get3A_2263 : vector<16xf32>
        %add3A_2265 = arith.addf %mul3A_2258, %mul3A_2264 : vector<16xf32>
        %get3A_2266 = arith.index_cast %select_n3A_121 : i32 to index
        %get3A_2267 = arith.index_cast %add3A_2252 : i32 to index
        %get3A_2268 = arith.constant 32 : index
        %get3A_2269 = tpu.vector_load %arg13[%get3A_2266, %get3A_2267, %get3A_2268] {strides = array<i32>} : memref<2x200x128xf32, #tpu.memory_space<vmem>>, vector<1x1x16xf32>,
        %get3A_2270 = vector.shape_cast %get3A_2269 : vector<1x1x16xf32> to vector<16xf32>
        %mul3A_2271 = arith.mulf %scan3A_397#2, %get3A_2270 : vector<16xf32>
        %add3A_2272 = arith.addf %add3A_2265, %mul3A_2271 : vector<16xf32>
        %get3A_2273 = arith.index_cast %select_n3A_121 : i32 to index
        %get3A_2274 = arith.index_cast %add3A_2252 : i32 to index
        %get3A_2275 = arith.constant 48 : index
        %get3A_2276 = tpu.vector_load %arg13[%get3A_2273, %get3A_2274, %get3A_2275] {strides = array<i32>} : memref<2x200x128xf32, #tpu.memory_space<vmem>>, vector<1x1x16xf32>,
        %get3A_2277 = vector.shape_cast %get3A_2276 : vector<1x1x16xf32> to vector<16xf32>
        %mul3A_2278 = arith.mulf %scan3A_397#3, %get3A_2277 : vector<16xf32>
        %add3A_2279 = arith.addf %add3A_2272, %mul3A_2278 : vector<16xf32>
        %get3A_2280 = arith.index_cast %select_n3A_121 : i32 to index
        %get3A_2281 = arith.index_cast %add3A_2252 : i32 to index
        %get3A_2282 = arith.constant 64 : index
        %get3A_2283 = tpu.vector_load %arg13[%get3A_2280, %get3A_2281, %get3A_2282] {strides = array<i32>} : memref<2x200x128xf32, #tpu.memory_space<vmem>>, vector<1x1x16xf32>,
        %get3A_2284 = vector.shape_cast %get3A_2283 : vector<1x1x16xf32> to vector<16xf32>
        %mul3A_2285 = arith.mulf %scan3A_397#4, %get3A_2284 : vector<16xf32>
        %add3A_2286 = arith.addf %add3A_2279, %mul3A_2285 : vector<16xf32>
        %get3A_2287 = arith.index_cast %select_n3A_121 : i32 to index
        %get3A_2288 = arith.index_cast %add3A_2252 : i32 to index
        %get3A_2289 = arith.constant 80 : index
        %get3A_2290 = tpu.vector_load %arg13[%get3A_2287, %get3A_2288, %get3A_2289] {strides = array<i32>} : memref<2x200x128xf32, #tpu.memory_space<vmem>>, vector<1x1x16xf32>,
        %get3A_2291 = vector.shape_cast %get3A_2290 : vector<1x1x16xf32> to vector<16xf32>
        %mul3A_2292 = arith.mulf %scan3A_397#5, %get3A_2291 : vector<16xf32>
        %add3A_2293 = arith.addf %add3A_2286, %mul3A_2292 : vector<16xf32>
        %get3A_2294 = arith.index_cast %select_n3A_121 : i32 to index
        %get3A_2295 = arith.index_cast %add3A_2252 : i32 to index
        %get3A_2296 = arith.constant 96 : index
        %get3A_2297 = tpu.vector_load %arg13[%get3A_2294, %get3A_2295, %get3A_2296] {strides = array<i32>} : memref<2x200x128xf32, #tpu.memory_space<vmem>>, vector<1x1x16xf32>,
        %get3A_2298 = vector.shape_cast %get3A_2297 : vector<1x1x16xf32> to vector<16xf32>
        %mul3A_2299 = arith.mulf %scan3A_397#6, %get3A_2298 : vector<16xf32>
        %add3A_2300 = arith.addf %add3A_2293, %mul3A_2299 : vector<16xf32>
        %get3A_2301 = arith.index_cast %select_n3A_121 : i32 to index
        %get3A_2302 = arith.index_cast %add3A_2252 : i32 to index
        %get3A_2303 = arith.constant 112 : index
        %get3A_2304 = tpu.vector_load %arg13[%get3A_2301, %get3A_2302, %get3A_2303] {strides = array<i32>} : memref<2x200x128xf32, #tpu.memory_space<vmem>>, vector<1x1x16xf32>,
        %get3A_2305 = vector.shape_cast %get3A_2304 : vector<1x1x16xf32> to vector<16xf32>
        %mul3A_2306 = arith.mulf %scan3A_397#7, %get3A_2305 : vector<16xf32>
        %add3A_2307 = arith.addf %add3A_2300, %mul3A_2306 : vector<16xf32>
        %add3A_2308 = arith.constant 16 : i32
        %add3A_2309 = arith.addi %mul3A_376, %add3A_2308 : i32
        %add3A_2310 = arith.constant 11 : i32
        %add3A_2311 = arith.addi %add3A_2309, %add3A_2310 : i32
        %get3A_2312 = arith.index_cast %select_n3A_121 : i32 to index
        %get3A_2313 = arith.index_cast %add3A_2311 : i32 to index
        %get3A_2314 = arith.constant 0 : index
        %get3A_2315 = tpu.vector_load %arg13[%get3A_2312, %get3A_2313, %get3A_2314] {strides = array<i32>} : memref<2x200x128xf32, #tpu.memory_space<vmem>>, vector<1x1x16xf32>,
        %get3A_2316 = vector.shape_cast %get3A_2315 : vector<1x1x16xf32> to vector<16xf32>
        %mul3A_2317 = arith.mulf %scan3A_397#0, %get3A_2316 : vector<16xf32>
        %get3A_2318 = arith.index_cast %select_n3A_121 : i32 to index
        %get3A_2319 = arith.index_cast %add3A_2311 : i32 to index
        %get3A_2320 = arith.constant 16 : index
        %get3A_2321 = tpu.vector_load %arg13[%get3A_2318, %get3A_2319, %get3A_2320] {strides = array<i32>} : memref<2x200x128xf32, #tpu.memory_space<vmem>>, vector<1x1x16xf32>,
        %get3A_2322 = vector.shape_cast %get3A_2321 : vector<1x1x16xf32> to vector<16xf32>
        %mul3A_2323 = arith.mulf %scan3A_397#1, %get3A_2322 : vector<16xf32>
        %add3A_2324 = arith.addf %mul3A_2317, %mul3A_2323 : vector<16xf32>
        %get3A_2325 = arith.index_cast %select_n3A_121 : i32 to index
        %get3A_2326 = arith.index_cast %add3A_2311 : i32 to index
        %get3A_2327 = arith.constant 32 : index
        %get3A_2328 = tpu.vector_load %arg13[%get3A_2325, %get3A_2326, %get3A_2327] {strides = array<i32>} : memref<2x200x128xf32, #tpu.memory_space<vmem>>, vector<1x1x16xf32>,
        %get3A_2329 = vector.shape_cast %get3A_2328 : vector<1x1x16xf32> to vector<16xf32>
        %mul3A_2330 = arith.mulf %scan3A_397#2, %get3A_2329 : vector<16xf32>
        %add3A_2331 = arith.addf %add3A_2324, %mul3A_2330 : vector<16xf32>
        %get3A_2332 = arith.index_cast %select_n3A_121 : i32 to index
        %get3A_2333 = arith.index_cast %add3A_2311 : i32 to index
        %get3A_2334 = arith.constant 48 : index
        %get3A_2335 = tpu.vector_load %arg13[%get3A_2332, %get3A_2333, %get3A_2334] {strides = array<i32>} : memref<2x200x128xf32, #tpu.memory_space<vmem>>, vector<1x1x16xf32>,
        %get3A_2336 = vector.shape_cast %get3A_2335 : vector<1x1x16xf32> to vector<16xf32>
        %mul3A_2337 = arith.mulf %scan3A_397#3, %get3A_2336 : vector<16xf32>
        %add3A_2338 = arith.addf %add3A_2331, %mul3A_2337 : vector<16xf32>
        %get3A_2339 = arith.index_cast %select_n3A_121 : i32 to index
        %get3A_2340 = arith.index_cast %add3A_2311 : i32 to index
        %get3A_2341 = arith.constant 64 : index
        %get3A_2342 = tpu.vector_load %arg13[%get3A_2339, %get3A_2340, %get3A_2341] {strides = array<i32>} : memref<2x200x128xf32, #tpu.memory_space<vmem>>, vector<1x1x16xf32>,
        %get3A_2343 = vector.shape_cast %get3A_2342 : vector<1x1x16xf32> to vector<16xf32>
        %mul3A_2344 = arith.mulf %scan3A_397#4, %get3A_2343 : vector<16xf32>
        %add3A_2345 = arith.addf %add3A_2338, %mul3A_2344 : vector<16xf32>
        %get3A_2346 = arith.index_cast %select_n3A_121 : i32 to index
        %get3A_2347 = arith.index_cast %add3A_2311 : i32 to index
        %get3A_2348 = arith.constant 80 : index
        %get3A_2349 = tpu.vector_load %arg13[%get3A_2346, %get3A_2347, %get3A_2348] {strides = array<i32>} : memref<2x200x128xf32, #tpu.memory_space<vmem>>, vector<1x1x16xf32>,
        %get3A_2350 = vector.shape_cast %get3A_2349 : vector<1x1x16xf32> to vector<16xf32>
        %mul3A_2351 = arith.mulf %scan3A_397#5, %get3A_2350 : vector<16xf32>
        %add3A_2352 = arith.addf %add3A_2345, %mul3A_2351 : vector<16xf32>
        %get3A_2353 = arith.index_cast %select_n3A_121 : i32 to index
        %get3A_2354 = arith.index_cast %add3A_2311 : i32 to index
        %get3A_2355 = arith.constant 96 : index
        %get3A_2356 = tpu.vector_load %arg13[%get3A_2353, %get3A_2354, %get3A_2355] {strides = array<i32>} : memref<2x200x128xf32, #tpu.memory_space<vmem>>, vector<1x1x16xf32>,
        %get3A_2357 = vector.shape_cast %get3A_2356 : vector<1x1x16xf32> to vector<16xf32>
        %mul3A_2358 = arith.mulf %scan3A_397#6, %get3A_2357 : vector<16xf32>
        %add3A_2359 = arith.addf %add3A_2352, %mul3A_2358 : vector<16xf32>
        %get3A_2360 = arith.index_cast %select_n3A_121 : i32 to index
        %get3A_2361 = arith.index_cast %add3A_2311 : i32 to index
        %get3A_2362 = arith.constant 112 : index
        %get3A_2363 = tpu.vector_load %arg13[%get3A_2360, %get3A_2361, %get3A_2362] {strides = array<i32>} : memref<2x200x128xf32, #tpu.memory_space<vmem>>, vector<1x1x16xf32>,
        %get3A_2364 = vector.shape_cast %get3A_2363 : vector<1x1x16xf32> to vector<16xf32>
        %mul3A_2365 = arith.mulf %scan3A_397#7, %get3A_2364 : vector<16xf32>
        %add3A_2366 = arith.addf %add3A_2359, %mul3A_2365 : vector<16xf32>
        %add3A_2367 = arith.constant 16 : i32
        %add3A_2368 = arith.addi %mul3A_376, %add3A_2367 : i32
        %add3A_2369 = arith.constant 12 : i32
        %add3A_2370 = arith.addi %add3A_2368, %add3A_2369 : i32
        %get3A_2371 = arith.index_cast %select_n3A_121 : i32 to index
        %get3A_2372 = arith.index_cast %add3A_2370 : i32 to index
        %get3A_2373 = arith.constant 0 : index
        %get3A_2374 = tpu.vector_load %arg13[%get3A_2371, %get3A_2372, %get3A_2373] {strides = array<i32>} : memref<2x200x128xf32, #tpu.memory_space<vmem>>, vector<1x1x16xf32>,
        %get3A_2375 = vector.shape_cast %get3A_2374 : vector<1x1x16xf32> to vector<16xf32>
        %mul3A_2376 = arith.mulf %scan3A_397#0, %get3A_2375 : vector<16xf32>
        %get3A_2377 = arith.index_cast %select_n3A_121 : i32 to index
        %get3A_2378 = arith.index_cast %add3A_2370 : i32 to index
        %get3A_2379 = arith.constant 16 : index
        %get3A_2380 = tpu.vector_load %arg13[%get3A_2377, %get3A_2378, %get3A_2379] {strides = array<i32>} : memref<2x200x128xf32, #tpu.memory_space<vmem>>, vector<1x1x16xf32>,
        %get3A_2381 = vector.shape_cast %get3A_2380 : vector<1x1x16xf32> to vector<16xf32>
        %mul3A_2382 = arith.mulf %scan3A_397#1, %get3A_2381 : vector<16xf32>
        %add3A_2383 = arith.addf %mul3A_2376, %mul3A_2382 : vector<16xf32>
        %get3A_2384 = arith.index_cast %select_n3A_121 : i32 to index
        %get3A_2385 = arith.index_cast %add3A_2370 : i32 to index
        %get3A_2386 = arith.constant 32 : index
        %get3A_2387 = tpu.vector_load %arg13[%get3A_2384, %get3A_2385, %get3A_2386] {strides = array<i32>} : memref<2x200x128xf32, #tpu.memory_space<vmem>>, vector<1x1x16xf32>,
        %get3A_2388 = vector.shape_cast %get3A_2387 : vector<1x1x16xf32> to vector<16xf32>
        %mul3A_2389 = arith.mulf %scan3A_397#2, %get3A_2388 : vector<16xf32>
        %add3A_2390 = arith.addf %add3A_2383, %mul3A_2389 : vector<16xf32>
        %get3A_2391 = arith.index_cast %select_n3A_121 : i32 to index
        %get3A_2392 = arith.index_cast %add3A_2370 : i32 to index
        %get3A_2393 = arith.constant 48 : index
        %get3A_2394 = tpu.vector_load %arg13[%get3A_2391, %get3A_2392, %get3A_2393] {strides = array<i32>} : memref<2x200x128xf32, #tpu.memory_space<vmem>>, vector<1x1x16xf32>,
        %get3A_2395 = vector.shape_cast %get3A_2394 : vector<1x1x16xf32> to vector<16xf32>
        %mul3A_2396 = arith.mulf %scan3A_397#3, %get3A_2395 : vector<16xf32>
        %add3A_2397 = arith.addf %add3A_2390, %mul3A_2396 : vector<16xf32>
        %get3A_2398 = arith.index_cast %select_n3A_121 : i32 to index
        %get3A_2399 = arith.index_cast %add3A_2370 : i32 to index
        %get3A_2400 = arith.constant 64 : index
        %get3A_2401 = tpu.vector_load %arg13[%get3A_2398, %get3A_2399, %get3A_2400] {strides = array<i32>} : memref<2x200x128xf32, #tpu.memory_space<vmem>>, vector<1x1x16xf32>,
        %get3A_2402 = vector.shape_cast %get3A_2401 : vector<1x1x16xf32> to vector<16xf32>
        %mul3A_2403 = arith.mulf %scan3A_397#4, %get3A_2402 : vector<16xf32>
        %add3A_2404 = arith.addf %add3A_2397, %mul3A_2403 : vector<16xf32>
        %get3A_2405 = arith.index_cast %select_n3A_121 : i32 to index
        %get3A_2406 = arith.index_cast %add3A_2370 : i32 to index
        %get3A_2407 = arith.constant 80 : index
        %get3A_2408 = tpu.vector_load %arg13[%get3A_2405, %get3A_2406, %get3A_2407] {strides = array<i32>} : memref<2x200x128xf32, #tpu.memory_space<vmem>>, vector<1x1x16xf32>,
        %get3A_2409 = vector.shape_cast %get3A_2408 : vector<1x1x16xf32> to vector<16xf32>
        %mul3A_2410 = arith.mulf %scan3A_397#5, %get3A_2409 : vector<16xf32>
        %add3A_2411 = arith.addf %add3A_2404, %mul3A_2410 : vector<16xf32>
        %get3A_2412 = arith.index_cast %select_n3A_121 : i32 to index
        %get3A_2413 = arith.index_cast %add3A_2370 : i32 to index
        %get3A_2414 = arith.constant 96 : index
        %get3A_2415 = tpu.vector_load %arg13[%get3A_2412, %get3A_2413, %get3A_2414] {strides = array<i32>} : memref<2x200x128xf32, #tpu.memory_space<vmem>>, vector<1x1x16xf32>,
        %get3A_2416 = vector.shape_cast %get3A_2415 : vector<1x1x16xf32> to vector<16xf32>
        %mul3A_2417 = arith.mulf %scan3A_397#6, %get3A_2416 : vector<16xf32>
        %add3A_2418 = arith.addf %add3A_2411, %mul3A_2417 : vector<16xf32>
        %get3A_2419 = arith.index_cast %select_n3A_121 : i32 to index
        %get3A_2420 = arith.index_cast %add3A_2370 : i32 to index
        %get3A_2421 = arith.constant 112 : index
        %get3A_2422 = tpu.vector_load %arg13[%get3A_2419, %get3A_2420, %get3A_2421] {strides = array<i32>} : memref<2x200x128xf32, #tpu.memory_space<vmem>>, vector<1x1x16xf32>,
        %get3A_2423 = vector.shape_cast %get3A_2422 : vector<1x1x16xf32> to vector<16xf32>
        %mul3A_2424 = arith.mulf %scan3A_397#7, %get3A_2423 : vector<16xf32>
        %add3A_2425 = arith.addf %add3A_2418, %mul3A_2424 : vector<16xf32>
        %add3A_2426 = arith.constant 16 : i32
        %add3A_2427 = arith.addi %mul3A_376, %add3A_2426 : i32
        %add3A_2428 = arith.constant 13 : i32
        %add3A_2429 = arith.addi %add3A_2427, %add3A_2428 : i32
        %get3A_2430 = arith.index_cast %select_n3A_121 : i32 to index
        %get3A_2431 = arith.index_cast %add3A_2429 : i32 to index
        %get3A_2432 = arith.constant 0 : index
        %get3A_2433 = tpu.vector_load %arg13[%get3A_2430, %get3A_2431, %get3A_2432] {strides = array<i32>} : memref<2x200x128xf32, #tpu.memory_space<vmem>>, vector<1x1x16xf32>,
        %get3A_2434 = vector.shape_cast %get3A_2433 : vector<1x1x16xf32> to vector<16xf32>
        %mul3A_2435 = arith.mulf %scan3A_397#0, %get3A_2434 : vector<16xf32>
        %get3A_2436 = arith.index_cast %select_n3A_121 : i32 to index
        %get3A_2437 = arith.index_cast %add3A_2429 : i32 to index
        %get3A_2438 = arith.constant 16 : index
        %get3A_2439 = tpu.vector_load %arg13[%get3A_2436, %get3A_2437, %get3A_2438] {strides = array<i32>} : memref<2x200x128xf32, #tpu.memory_space<vmem>>, vector<1x1x16xf32>,
        %get3A_2440 = vector.shape_cast %get3A_2439 : vector<1x1x16xf32> to vector<16xf32>
        %mul3A_2441 = arith.mulf %scan3A_397#1, %get3A_2440 : vector<16xf32>
        %add3A_2442 = arith.addf %mul3A_2435, %mul3A_2441 : vector<16xf32>
        %get3A_2443 = arith.index_cast %select_n3A_121 : i32 to index
        %get3A_2444 = arith.index_cast %add3A_2429 : i32 to index
        %get3A_2445 = arith.constant 32 : index
        %get3A_2446 = tpu.vector_load %arg13[%get3A_2443, %get3A_2444, %get3A_2445] {strides = array<i32>} : memref<2x200x128xf32, #tpu.memory_space<vmem>>, vector<1x1x16xf32>,
        %get3A_2447 = vector.shape_cast %get3A_2446 : vector<1x1x16xf32> to vector<16xf32>
        %mul3A_2448 = arith.mulf %scan3A_397#2, %get3A_2447 : vector<16xf32>
        %add3A_2449 = arith.addf %add3A_2442, %mul3A_2448 : vector<16xf32>
        %get3A_2450 = arith.index_cast %select_n3A_121 : i32 to index
        %get3A_2451 = arith.index_cast %add3A_2429 : i32 to index
        %get3A_2452 = arith.constant 48 : index
        %get3A_2453 = tpu.vector_load %arg13[%get3A_2450, %get3A_2451, %get3A_2452] {strides = array<i32>} : memref<2x200x128xf32, #tpu.memory_space<vmem>>, vector<1x1x16xf32>,
        %get3A_2454 = vector.shape_cast %get3A_2453 : vector<1x1x16xf32> to vector<16xf32>
        %mul3A_2455 = arith.mulf %scan3A_397#3, %get3A_2454 : vector<16xf32>
        %add3A_2456 = arith.addf %add3A_2449, %mul3A_2455 : vector<16xf32>
        %get3A_2457 = arith.index_cast %select_n3A_121 : i32 to index
        %get3A_2458 = arith.index_cast %add3A_2429 : i32 to index
        %get3A_2459 = arith.constant 64 : index
        %get3A_2460 = tpu.vector_load %arg13[%get3A_2457, %get3A_2458, %get3A_2459] {strides = array<i32>} : memref<2x200x128xf32, #tpu.memory_space<vmem>>, vector<1x1x16xf32>,
        %get3A_2461 = vector.shape_cast %get3A_2460 : vector<1x1x16xf32> to vector<16xf32>
        %mul3A_2462 = arith.mulf %scan3A_397#4, %get3A_2461 : vector<16xf32>
        %add3A_2463 = arith.addf %add3A_2456, %mul3A_2462 : vector<16xf32>
        %get3A_2464 = arith.index_cast %select_n3A_121 : i32 to index
        %get3A_2465 = arith.index_cast %add3A_2429 : i32 to index
        %get3A_2466 = arith.constant 80 : index
        %get3A_2467 = tpu.vector_load %arg13[%get3A_2464, %get3A_2465, %get3A_2466] {strides = array<i32>} : memref<2x200x128xf32, #tpu.memory_space<vmem>>, vector<1x1x16xf32>,
        %get3A_2468 = vector.shape_cast %get3A_2467 : vector<1x1x16xf32> to vector<16xf32>
        %mul3A_2469 = arith.mulf %scan3A_397#5, %get3A_2468 : vector<16xf32>
        %add3A_2470 = arith.addf %add3A_2463, %mul3A_2469 : vector<16xf32>
        %get3A_2471 = arith.index_cast %select_n3A_121 : i32 to index
        %get3A_2472 = arith.index_cast %add3A_2429 : i32 to index
        %get3A_2473 = arith.constant 96 : index
        %get3A_2474 = tpu.vector_load %arg13[%get3A_2471, %get3A_2472, %get3A_2473] {strides = array<i32>} : memref<2x200x128xf32, #tpu.memory_space<vmem>>, vector<1x1x16xf32>,
        %get3A_2475 = vector.shape_cast %get3A_2474 : vector<1x1x16xf32> to vector<16xf32>
        %mul3A_2476 = arith.mulf %scan3A_397#6, %get3A_2475 : vector<16xf32>
        %add3A_2477 = arith.addf %add3A_2470, %mul3A_2476 : vector<16xf32>
        %get3A_2478 = arith.index_cast %select_n3A_121 : i32 to index
        %get3A_2479 = arith.index_cast %add3A_2429 : i32 to index
        %get3A_2480 = arith.constant 112 : index
        %get3A_2481 = tpu.vector_load %arg13[%get3A_2478, %get3A_2479, %get3A_2480] {strides = array<i32>} : memref<2x200x128xf32, #tpu.memory_space<vmem>>, vector<1x1x16xf32>,
        %get3A_2482 = vector.shape_cast %get3A_2481 : vector<1x1x16xf32> to vector<16xf32>
        %mul3A_2483 = arith.mulf %scan3A_397#7, %get3A_2482 : vector<16xf32>
        %add3A_2484 = arith.addf %add3A_2477, %mul3A_2483 : vector<16xf32>
        %add3A_2485 = arith.constant 16 : i32
        %add3A_2486 = arith.addi %mul3A_376, %add3A_2485 : i32
        %add3A_2487 = arith.constant 14 : i32
        %add3A_2488 = arith.addi %add3A_2486, %add3A_2487 : i32
        %get3A_2489 = arith.index_cast %select_n3A_121 : i32 to index
        %get3A_2490 = arith.index_cast %add3A_2488 : i32 to index
        %get3A_2491 = arith.constant 0 : index
        %get3A_2492 = tpu.vector_load %arg13[%get3A_2489, %get3A_2490, %get3A_2491] {strides = array<i32>} : memref<2x200x128xf32, #tpu.memory_space<vmem>>, vector<1x1x16xf32>,
        %get3A_2493 = vector.shape_cast %get3A_2492 : vector<1x1x16xf32> to vector<16xf32>
        %mul3A_2494 = arith.mulf %scan3A_397#0, %get3A_2493 : vector<16xf32>
        %get3A_2495 = arith.index_cast %select_n3A_121 : i32 to index
        %get3A_2496 = arith.index_cast %add3A_2488 : i32 to index
        %get3A_2497 = arith.constant 16 : index
        %get3A_2498 = tpu.vector_load %arg13[%get3A_2495, %get3A_2496, %get3A_2497] {strides = array<i32>} : memref<2x200x128xf32, #tpu.memory_space<vmem>>, vector<1x1x16xf32>,
        %get3A_2499 = vector.shape_cast %get3A_2498 : vector<1x1x16xf32> to vector<16xf32>
        %mul3A_2500 = arith.mulf %scan3A_397#1, %get3A_2499 : vector<16xf32>
        %add3A_2501 = arith.addf %mul3A_2494, %mul3A_2500 : vector<16xf32>
        %get3A_2502 = arith.index_cast %select_n3A_121 : i32 to index
        %get3A_2503 = arith.index_cast %add3A_2488 : i32 to index
        %get3A_2504 = arith.constant 32 : index
        %get3A_2505 = tpu.vector_load %arg13[%get3A_2502, %get3A_2503, %get3A_2504] {strides = array<i32>} : memref<2x200x128xf32, #tpu.memory_space<vmem>>, vector<1x1x16xf32>,
        %get3A_2506 = vector.shape_cast %get3A_2505 : vector<1x1x16xf32> to vector<16xf32>
        %mul3A_2507 = arith.mulf %scan3A_397#2, %get3A_2506 : vector<16xf32>
        %add3A_2508 = arith.addf %add3A_2501, %mul3A_2507 : vector<16xf32>
        %get3A_2509 = arith.index_cast %select_n3A_121 : i32 to index
        %get3A_2510 = arith.index_cast %add3A_2488 : i32 to index
        %get3A_2511 = arith.constant 48 : index
        %get3A_2512 = tpu.vector_load %arg13[%get3A_2509, %get3A_2510, %get3A_2511] {strides = array<i32>} : memref<2x200x128xf32, #tpu.memory_space<vmem>>, vector<1x1x16xf32>,
        %get3A_2513 = vector.shape_cast %get3A_2512 : vector<1x1x16xf32> to vector<16xf32>
        %mul3A_2514 = arith.mulf %scan3A_397#3, %get3A_2513 : vector<16xf32>
        %add3A_2515 = arith.addf %add3A_2508, %mul3A_2514 : vector<16xf32>
        %get3A_2516 = arith.index_cast %select_n3A_121 : i32 to index
        %get3A_2517 = arith.index_cast %add3A_2488 : i32 to index
        %get3A_2518 = arith.constant 64 : index
        %get3A_2519 = tpu.vector_load %arg13[%get3A_2516, %get3A_2517, %get3A_2518] {strides = array<i32>} : memref<2x200x128xf32, #tpu.memory_space<vmem>>, vector<1x1x16xf32>,
        %get3A_2520 = vector.shape_cast %get3A_2519 : vector<1x1x16xf32> to vector<16xf32>
        %mul3A_2521 = arith.mulf %scan3A_397#4, %get3A_2520 : vector<16xf32>
        %add3A_2522 = arith.addf %add3A_2515, %mul3A_2521 : vector<16xf32>
        %get3A_2523 = arith.index_cast %select_n3A_121 : i32 to index
        %get3A_2524 = arith.index_cast %add3A_2488 : i32 to index
        %get3A_2525 = arith.constant 80 : index
        %get3A_2526 = tpu.vector_load %arg13[%get3A_2523, %get3A_2524, %get3A_2525] {strides = array<i32>} : memref<2x200x128xf32, #tpu.memory_space<vmem>>, vector<1x1x16xf32>,
        %get3A_2527 = vector.shape_cast %get3A_2526 : vector<1x1x16xf32> to vector<16xf32>
        %mul3A_2528 = arith.mulf %scan3A_397#5, %get3A_2527 : vector<16xf32>
        %add3A_2529 = arith.addf %add3A_2522, %mul3A_2528 : vector<16xf32>
        %get3A_2530 = arith.index_cast %select_n3A_121 : i32 to index
        %get3A_2531 = arith.index_cast %add3A_2488 : i32 to index
        %get3A_2532 = arith.constant 96 : index
        %get3A_2533 = tpu.vector_load %arg13[%get3A_2530, %get3A_2531, %get3A_2532] {strides = array<i32>} : memref<2x200x128xf32, #tpu.memory_space<vmem>>, vector<1x1x16xf32>,
        %get3A_2534 = vector.shape_cast %get3A_2533 : vector<1x1x16xf32> to vector<16xf32>
        %mul3A_2535 = arith.mulf %scan3A_397#6, %get3A_2534 : vector<16xf32>
        %add3A_2536 = arith.addf %add3A_2529, %mul3A_2535 : vector<16xf32>
        %get3A_2537 = arith.index_cast %select_n3A_121 : i32 to index
        %get3A_2538 = arith.index_cast %add3A_2488 : i32 to index
        %get3A_2539 = arith.constant 112 : index
        %get3A_2540 = tpu.vector_load %arg13[%get3A_2537, %get3A_2538, %get3A_2539] {strides = array<i32>} : memref<2x200x128xf32, #tpu.memory_space<vmem>>, vector<1x1x16xf32>,
        %get3A_2541 = vector.shape_cast %get3A_2540 : vector<1x1x16xf32> to vector<16xf32>
        %mul3A_2542 = arith.mulf %scan3A_397#7, %get3A_2541 : vector<16xf32>
        %add3A_2543 = arith.addf %add3A_2536, %mul3A_2542 : vector<16xf32>
        %add3A_2544 = arith.constant 16 : i32
        %add3A_2545 = arith.addi %mul3A_376, %add3A_2544 : i32
        %add3A_2546 = arith.constant 15 : i32
        %add3A_2547 = arith.addi %add3A_2545, %add3A_2546 : i32
        %get3A_2548 = arith.index_cast %select_n3A_121 : i32 to index
        %get3A_2549 = arith.index_cast %add3A_2547 : i32 to index
        %get3A_2550 = arith.constant 0 : index
        %get3A_2551 = tpu.vector_load %arg13[%get3A_2548, %get3A_2549, %get3A_2550] {strides = array<i32>} : memref<2x200x128xf32, #tpu.memory_space<vmem>>, vector<1x1x16xf32>,
        %get3A_2552 = vector.shape_cast %get3A_2551 : vector<1x1x16xf32> to vector<16xf32>
        %mul3A_2553 = arith.mulf %scan3A_397#0, %get3A_2552 : vector<16xf32>
        %get3A_2554 = arith.index_cast %select_n3A_121 : i32 to index
        %get3A_2555 = arith.index_cast %add3A_2547 : i32 to index
        %get3A_2556 = arith.constant 16 : index
        %get3A_2557 = tpu.vector_load %arg13[%get3A_2554, %get3A_2555, %get3A_2556] {strides = array<i32>} : memref<2x200x128xf32, #tpu.memory_space<vmem>>, vector<1x1x16xf32>,
        %get3A_2558 = vector.shape_cast %get3A_2557 : vector<1x1x16xf32> to vector<16xf32>
        %mul3A_2559 = arith.mulf %scan3A_397#1, %get3A_2558 : vector<16xf32>
        %add3A_2560 = arith.addf %mul3A_2553, %mul3A_2559 : vector<16xf32>
        %get3A_2561 = arith.index_cast %select_n3A_121 : i32 to index
        %get3A_2562 = arith.index_cast %add3A_2547 : i32 to index
        %get3A_2563 = arith.constant 32 : index
        %get3A_2564 = tpu.vector_load %arg13[%get3A_2561, %get3A_2562, %get3A_2563] {strides = array<i32>} : memref<2x200x128xf32, #tpu.memory_space<vmem>>, vector<1x1x16xf32>,
        %get3A_2565 = vector.shape_cast %get3A_2564 : vector<1x1x16xf32> to vector<16xf32>
        %mul3A_2566 = arith.mulf %scan3A_397#2, %get3A_2565 : vector<16xf32>
        %add3A_2567 = arith.addf %add3A_2560, %mul3A_2566 : vector<16xf32>
        %get3A_2568 = arith.index_cast %select_n3A_121 : i32 to index
        %get3A_2569 = arith.index_cast %add3A_2547 : i32 to index
        %get3A_2570 = arith.constant 48 : index
        %get3A_2571 = tpu.vector_load %arg13[%get3A_2568, %get3A_2569, %get3A_2570] {strides = array<i32>} : memref<2x200x128xf32, #tpu.memory_space<vmem>>, vector<1x1x16xf32>,
        %get3A_2572 = vector.shape_cast %get3A_2571 : vector<1x1x16xf32> to vector<16xf32>
        %mul3A_2573 = arith.mulf %scan3A_397#3, %get3A_2572 : vector<16xf32>
        %add3A_2574 = arith.addf %add3A_2567, %mul3A_2573 : vector<16xf32>
        %get3A_2575 = arith.index_cast %select_n3A_121 : i32 to index
        %get3A_2576 = arith.index_cast %add3A_2547 : i32 to index
        %get3A_2577 = arith.constant 64 : index
        %get3A_2578 = tpu.vector_load %arg13[%get3A_2575, %get3A_2576, %get3A_2577] {strides = array<i32>} : memref<2x200x128xf32, #tpu.memory_space<vmem>>, vector<1x1x16xf32>,
        %get3A_2579 = vector.shape_cast %get3A_2578 : vector<1x1x16xf32> to vector<16xf32>
        %mul3A_2580 = arith.mulf %scan3A_397#4, %get3A_2579 : vector<16xf32>
        %add3A_2581 = arith.addf %add3A_2574, %mul3A_2580 : vector<16xf32>
        %get3A_2582 = arith.index_cast %select_n3A_121 : i32 to index
        %get3A_2583 = arith.index_cast %add3A_2547 : i32 to index
        %get3A_2584 = arith.constant 80 : index
        %get3A_2585 = tpu.vector_load %arg13[%get3A_2582, %get3A_2583, %get3A_2584] {strides = array<i32>} : memref<2x200x128xf32, #tpu.memory_space<vmem>>, vector<1x1x16xf32>,
        %get3A_2586 = vector.shape_cast %get3A_2585 : vector<1x1x16xf32> to vector<16xf32>
        %mul3A_2587 = arith.mulf %scan3A_397#5, %get3A_2586 : vector<16xf32>
        %add3A_2588 = arith.addf %add3A_2581, %mul3A_2587 : vector<16xf32>
        %get3A_2589 = arith.index_cast %select_n3A_121 : i32 to index
        %get3A_2590 = arith.index_cast %add3A_2547 : i32 to index
        %get3A_2591 = arith.constant 96 : index
        %get3A_2592 = tpu.vector_load %arg13[%get3A_2589, %get3A_2590, %get3A_2591] {strides = array<i32>} : memref<2x200x128xf32, #tpu.memory_space<vmem>>, vector<1x1x16xf32>,
        %get3A_2593 = vector.shape_cast %get3A_2592 : vector<1x1x16xf32> to vector<16xf32>
        %mul3A_2594 = arith.mulf %scan3A_397#6, %get3A_2593 : vector<16xf32>
        %add3A_2595 = arith.addf %add3A_2588, %mul3A_2594 : vector<16xf32>
        %get3A_2596 = arith.index_cast %select_n3A_121 : i32 to index
        %get3A_2597 = arith.index_cast %add3A_2547 : i32 to index
        %get3A_2598 = arith.constant 112 : index
        %get3A_2599 = tpu.vector_load %arg13[%get3A_2596, %get3A_2597, %get3A_2598] {strides = array<i32>} : memref<2x200x128xf32, #tpu.memory_space<vmem>>, vector<1x1x16xf32>,
        %get3A_2600 = vector.shape_cast %get3A_2599 : vector<1x1x16xf32> to vector<16xf32>
        %mul3A_2601 = arith.mulf %scan3A_397#7, %get3A_2600 : vector<16xf32>
        %add3A_2602 = arith.addf %add3A_2595, %mul3A_2601 : vector<16xf32>
        %xor3A_2603 = arith.constant 1 : i32
        %xor3A_2604 = vector.broadcast %xor3A_2603 : i32 to vector<16xi32>
        %xor3A_2605 = arith.xori %iota3A, %xor3A_2604 : vector<16xi32>
        %broadcast_in_dim3A_2606 = vector.shape_cast %xor3A_2605 : vector<16xi32> to vector<16x1xi32>
        %gather3A_2607 = vector.shape_cast %broadcast_in_dim3A_2606 : vector<16x1xi32> to vector<16xi32>
        %gather3A_2608 = tpu.dynamic_gather %add3A_1717[%gather3A_2607] in [0] : vector<16xf32>, vector<16xi32> -> vector<16xf32>
        %add3A_2609 = arith.addf %add3A_1717, %gather3A_2608 : vector<16xf32>
        %xor3A_2610 = arith.constant 1 : i32
        %xor3A_2611 = vector.broadcast %xor3A_2610 : i32 to vector<16xi32>
        %xor3A_2612 = arith.xori %iota3A, %xor3A_2611 : vector<16xi32>
        %broadcast_in_dim3A_2613 = vector.shape_cast %xor3A_2612 : vector<16xi32> to vector<16x1xi32>
        %gather3A_2614 = vector.shape_cast %broadcast_in_dim3A_2613 : vector<16x1xi32> to vector<16xi32>
        %gather3A_2615 = tpu.dynamic_gather %add3A_1776[%gather3A_2614] in [0] : vector<16xf32>, vector<16xi32> -> vector<16xf32>
        %add3A_2616 = arith.addf %add3A_1776, %gather3A_2615 : vector<16xf32>
        %select_n3A_2617 = arith.select %eq3A_6, %add3A_2609, %add3A_2616 : vector<16xi1>, vector<16xf32>
        %xor3A_2618 = arith.constant 1 : i32
        %xor3A_2619 = vector.broadcast %xor3A_2618 : i32 to vector<16xi32>
        %xor3A_2620 = arith.xori %iota3A, %xor3A_2619 : vector<16xi32>
        %broadcast_in_dim3A_2621 = vector.shape_cast %xor3A_2620 : vector<16xi32> to vector<16x1xi32>
        %gather3A_2622 = vector.shape_cast %broadcast_in_dim3A_2621 : vector<16x1xi32> to vector<16xi32>
        %gather3A_2623 = tpu.dynamic_gather %add3A_1835[%gather3A_2622] in [0] : vector<16xf32>, vector<16xi32> -> vector<16xf32>
        %add3A_2624 = arith.addf %add3A_1835, %gather3A_2623 : vector<16xf32>
        %xor3A_2625 = arith.constant 1 : i32
        %xor3A_2626 = vector.broadcast %xor3A_2625 : i32 to vector<16xi32>
        %xor3A_2627 = arith.xori %iota3A, %xor3A_2626 : vector<16xi32>
        %broadcast_in_dim3A_2628 = vector.shape_cast %xor3A_2627 : vector<16xi32> to vector<16x1xi32>
        %gather3A_2629 = vector.shape_cast %broadcast_in_dim3A_2628 : vector<16x1xi32> to vector<16xi32>
        %gather3A_2630 = tpu.dynamic_gather %add3A_1894[%gather3A_2629] in [0] : vector<16xf32>, vector<16xi32> -> vector<16xf32>
        %add3A_2631 = arith.addf %add3A_1894, %gather3A_2630 : vector<16xf32>
        %select_n3A_2632 = arith.select %eq3A_6, %add3A_2624, %add3A_2631 : vector<16xi1>, vector<16xf32>
        %xor3A_2633 = arith.constant 1 : i32
        %xor3A_2634 = vector.broadcast %xor3A_2633 : i32 to vector<16xi32>
        %xor3A_2635 = arith.xori %iota3A, %xor3A_2634 : vector<16xi32>
        %broadcast_in_dim3A_2636 = vector.shape_cast %xor3A_2635 : vector<16xi32> to vector<16x1xi32>
        %gather3A_2637 = vector.shape_cast %broadcast_in_dim3A_2636 : vector<16x1xi32> to vector<16xi32>
        %gather3A_2638 = tpu.dynamic_gather %add3A_1953[%gather3A_2637] in [0] : vector<16xf32>, vector<16xi32> -> vector<16xf32>
        %add3A_2639 = arith.addf %add3A_1953, %gather3A_2638 : vector<16xf32>
        %xor3A_2640 = arith.constant 1 : i32
        %xor3A_2641 = vector.broadcast %xor3A_2640 : i32 to vector<16xi32>
        %xor3A_2642 = arith.xori %iota3A, %xor3A_2641 : vector<16xi32>
        %broadcast_in_dim3A_2643 = vector.shape_cast %xor3A_2642 : vector<16xi32> to vector<16x1xi32>
        %gather3A_2644 = vector.shape_cast %broadcast_in_dim3A_2643 : vector<16x1xi32> to vector<16xi32>
        %gather3A_2645 = tpu.dynamic_gather %add3A_2012[%gather3A_2644] in [0] : vector<16xf32>, vector<16xi32> -> vector<16xf32>
        %add3A_2646 = arith.addf %add3A_2012, %gather3A_2645 : vector<16xf32>
        %select_n3A_2647 = arith.select %eq3A_6, %add3A_2639, %add3A_2646 : vector<16xi1>, vector<16xf32>
        %xor3A_2648 = arith.constant 1 : i32
        %xor3A_2649 = vector.broadcast %xor3A_2648 : i32 to vector<16xi32>
        %xor3A_2650 = arith.xori %iota3A, %xor3A_2649 : vector<16xi32>
        %broadcast_in_dim3A_2651 = vector.shape_cast %xor3A_2650 : vector<16xi32> to vector<16x1xi32>
        %gather3A_2652 = vector.shape_cast %broadcast_in_dim3A_2651 : vector<16x1xi32> to vector<16xi32>
        %gather3A_2653 = tpu.dynamic_gather %add3A_2071[%gather3A_2652] in [0] : vector<16xf32>, vector<16xi32> -> vector<16xf32>
        %add3A_2654 = arith.addf %add3A_2071, %gather3A_2653 : vector<16xf32>
        %xor3A_2655 = arith.constant 1 : i32
        %xor3A_2656 = vector.broadcast %xor3A_2655 : i32 to vector<16xi32>
        %xor3A_2657 = arith.xori %iota3A, %xor3A_2656 : vector<16xi32>
        %broadcast_in_dim3A_2658 = vector.shape_cast %xor3A_2657 : vector<16xi32> to vector<16x1xi32>
        %gather3A_2659 = vector.shape_cast %broadcast_in_dim3A_2658 : vector<16x1xi32> to vector<16xi32>
        %gather3A_2660 = tpu.dynamic_gather %add3A_2130[%gather3A_2659] in [0] : vector<16xf32>, vector<16xi32> -> vector<16xf32>
        %add3A_2661 = arith.addf %add3A_2130, %gather3A_2660 : vector<16xf32>
        %select_n3A_2662 = arith.select %eq3A_6, %add3A_2654, %add3A_2661 : vector<16xi1>, vector<16xf32>
        %xor3A_2663 = arith.constant 1 : i32
        %xor3A_2664 = vector.broadcast %xor3A_2663 : i32 to vector<16xi32>
        %xor3A_2665 = arith.xori %iota3A, %xor3A_2664 : vector<16xi32>
        %broadcast_in_dim3A_2666 = vector.shape_cast %xor3A_2665 : vector<16xi32> to vector<16x1xi32>
        %gather3A_2667 = vector.shape_cast %broadcast_in_dim3A_2666 : vector<16x1xi32> to vector<16xi32>
        %gather3A_2668 = tpu.dynamic_gather %add3A_2189[%gather3A_2667] in [0] : vector<16xf32>, vector<16xi32> -> vector<16xf32>
        %add3A_2669 = arith.addf %add3A_2189, %gather3A_2668 : vector<16xf32>
        %xor3A_2670 = arith.constant 1 : i32
        %xor3A_2671 = vector.broadcast %xor3A_2670 : i32 to vector<16xi32>
        %xor3A_2672 = arith.xori %iota3A, %xor3A_2671 : vector<16xi32>
        %broadcast_in_dim3A_2673 = vector.shape_cast %xor3A_2672 : vector<16xi32> to vector<16x1xi32>
        %gather3A_2674 = vector.shape_cast %broadcast_in_dim3A_2673 : vector<16x1xi32> to vector<16xi32>
        %gather3A_2675 = tpu.dynamic_gather %add3A_2248[%gather3A_2674] in [0] : vector<16xf32>, vector<16xi32> -> vector<16xf32>
        %add3A_2676 = arith.addf %add3A_2248, %gather3A_2675 : vector<16xf32>
        %select_n3A_2677 = arith.select %eq3A_6, %add3A_2669, %add3A_2676 : vector<16xi1>, vector<16xf32>
        %xor3A_2678 = arith.constant 1 : i32
        %xor3A_2679 = vector.broadcast %xor3A_2678 : i32 to vector<16xi32>
        %xor3A_2680 = arith.xori %iota3A, %xor3A_2679 : vector<16xi32>
        %broadcast_in_dim3A_2681 = vector.shape_cast %xor3A_2680 : vector<16xi32> to vector<16x1xi32>
        %gather3A_2682 = vector.shape_cast %broadcast_in_dim3A_2681 : vector<16x1xi32> to vector<16xi32>
        %gather3A_2683 = tpu.dynamic_gather %add3A_2307[%gather3A_2682] in [0] : vector<16xf32>, vector<16xi32> -> vector<16xf32>
        %add3A_2684 = arith.addf %add3A_2307, %gather3A_2683 : vector<16xf32>
        %xor3A_2685 = arith.constant 1 : i32
        %xor3A_2686 = vector.broadcast %xor3A_2685 : i32 to vector<16xi32>
        %xor3A_2687 = arith.xori %iota3A, %xor3A_2686 : vector<16xi32>
        %broadcast_in_dim3A_2688 = vector.shape_cast %xor3A_2687 : vector<16xi32> to vector<16x1xi32>
        %gather3A_2689 = vector.shape_cast %broadcast_in_dim3A_2688 : vector<16x1xi32> to vector<16xi32>
        %gather3A_2690 = tpu.dynamic_gather %add3A_2366[%gather3A_2689] in [0] : vector<16xf32>, vector<16xi32> -> vector<16xf32>
        %add3A_2691 = arith.addf %add3A_2366, %gather3A_2690 : vector<16xf32>
        %select_n3A_2692 = arith.select %eq3A_6, %add3A_2684, %add3A_2691 : vector<16xi1>, vector<16xf32>
        %xor3A_2693 = arith.constant 1 : i32
        %xor3A_2694 = vector.broadcast %xor3A_2693 : i32 to vector<16xi32>
        %xor3A_2695 = arith.xori %iota3A, %xor3A_2694 : vector<16xi32>
        %broadcast_in_dim3A_2696 = vector.shape_cast %xor3A_2695 : vector<16xi32> to vector<16x1xi32>
        %gather3A_2697 = vector.shape_cast %broadcast_in_dim3A_2696 : vector<16x1xi32> to vector<16xi32>
        %gather3A_2698 = tpu.dynamic_gather %add3A_2425[%gather3A_2697] in [0] : vector<16xf32>, vector<16xi32> -> vector<16xf32>
        %add3A_2699 = arith.addf %add3A_2425, %gather3A_2698 : vector<16xf32>
        %xor3A_2700 = arith.constant 1 : i32
        %xor3A_2701 = vector.broadcast %xor3A_2700 : i32 to vector<16xi32>
        %xor3A_2702 = arith.xori %iota3A, %xor3A_2701 : vector<16xi32>
        %broadcast_in_dim3A_2703 = vector.shape_cast %xor3A_2702 : vector<16xi32> to vector<16x1xi32>
        %gather3A_2704 = vector.shape_cast %broadcast_in_dim3A_2703 : vector<16x1xi32> to vector<16xi32>
        %gather3A_2705 = tpu.dynamic_gather %add3A_2484[%gather3A_2704] in [0] : vector<16xf32>, vector<16xi32> -> vector<16xf32>
        %add3A_2706 = arith.addf %add3A_2484, %gather3A_2705 : vector<16xf32>
        %select_n3A_2707 = arith.select %eq3A_6, %add3A_2699, %add3A_2706 : vector<16xi1>, vector<16xf32>
        %xor3A_2708 = arith.constant 1 : i32
        %xor3A_2709 = vector.broadcast %xor3A_2708 : i32 to vector<16xi32>
        %xor3A_2710 = arith.xori %iota3A, %xor3A_2709 : vector<16xi32>
        %broadcast_in_dim3A_2711 = vector.shape_cast %xor3A_2710 : vector<16xi32> to vector<16x1xi32>
        %gather3A_2712 = vector.shape_cast %broadcast_in_dim3A_2711 : vector<16x1xi32> to vector<16xi32>
        %gather3A_2713 = tpu.dynamic_gather %add3A_2543[%gather3A_2712] in [0] : vector<16xf32>, vector<16xi32> -> vector<16xf32>
        %add3A_2714 = arith.addf %add3A_2543, %gather3A_2713 : vector<16xf32>
        %xor3A_2715 = arith.constant 1 : i32
        %xor3A_2716 = vector.broadcast %xor3A_2715 : i32 to vector<16xi32>
        %xor3A_2717 = arith.xori %iota3A, %xor3A_2716 : vector<16xi32>
        %broadcast_in_dim3A_2718 = vector.shape_cast %xor3A_2717 : vector<16xi32> to vector<16x1xi32>
        %gather3A_2719 = vector.shape_cast %broadcast_in_dim3A_2718 : vector<16x1xi32> to vector<16xi32>
        %gather3A_2720 = tpu.dynamic_gather %add3A_2602[%gather3A_2719] in [0] : vector<16xf32>, vector<16xi32> -> vector<16xf32>
        %add3A_2721 = arith.addf %add3A_2602, %gather3A_2720 : vector<16xf32>
        %select_n3A_2722 = arith.select %eq3A_6, %add3A_2714, %add3A_2721 : vector<16xi1>, vector<16xf32>
        %xor3A_2723 = arith.constant 2 : i32
        %xor3A_2724 = vector.broadcast %xor3A_2723 : i32 to vector<16xi32>
        %xor3A_2725 = arith.xori %iota3A, %xor3A_2724 : vector<16xi32>
        %broadcast_in_dim3A_2726 = vector.shape_cast %xor3A_2725 : vector<16xi32> to vector<16x1xi32>
        %gather3A_2727 = vector.shape_cast %broadcast_in_dim3A_2726 : vector<16x1xi32> to vector<16xi32>
        %gather3A_2728 = tpu.dynamic_gather %select_n3A_2617[%gather3A_2727] in [0] : vector<16xf32>, vector<16xi32> -> vector<16xf32>
        %add3A_2729 = arith.addf %select_n3A_2617, %gather3A_2728 : vector<16xf32>
        %xor3A_2730 = arith.constant 2 : i32
        %xor3A_2731 = vector.broadcast %xor3A_2730 : i32 to vector<16xi32>
        %xor3A_2732 = arith.xori %iota3A, %xor3A_2731 : vector<16xi32>
        %broadcast_in_dim3A_2733 = vector.shape_cast %xor3A_2732 : vector<16xi32> to vector<16x1xi32>
        %gather3A_2734 = vector.shape_cast %broadcast_in_dim3A_2733 : vector<16x1xi32> to vector<16xi32>
        %gather3A_2735 = tpu.dynamic_gather %select_n3A_2632[%gather3A_2734] in [0] : vector<16xf32>, vector<16xi32> -> vector<16xf32>
        %add3A_2736 = arith.addf %select_n3A_2632, %gather3A_2735 : vector<16xf32>
        %select_n3A_2737 = arith.select %eq3A_12, %add3A_2729, %add3A_2736 : vector<16xi1>, vector<16xf32>
        %xor3A_2738 = arith.constant 2 : i32
        %xor3A_2739 = vector.broadcast %xor3A_2738 : i32 to vector<16xi32>
        %xor3A_2740 = arith.xori %iota3A, %xor3A_2739 : vector<16xi32>
        %broadcast_in_dim3A_2741 = vector.shape_cast %xor3A_2740 : vector<16xi32> to vector<16x1xi32>
        %gather3A_2742 = vector.shape_cast %broadcast_in_dim3A_2741 : vector<16x1xi32> to vector<16xi32>
        %gather3A_2743 = tpu.dynamic_gather %select_n3A_2647[%gather3A_2742] in [0] : vector<16xf32>, vector<16xi32> -> vector<16xf32>
        %add3A_2744 = arith.addf %select_n3A_2647, %gather3A_2743 : vector<16xf32>
        %xor3A_2745 = arith.constant 2 : i32
        %xor3A_2746 = vector.broadcast %xor3A_2745 : i32 to vector<16xi32>
        %xor3A_2747 = arith.xori %iota3A, %xor3A_2746 : vector<16xi32>
        %broadcast_in_dim3A_2748 = vector.shape_cast %xor3A_2747 : vector<16xi32> to vector<16x1xi32>
        %gather3A_2749 = vector.shape_cast %broadcast_in_dim3A_2748 : vector<16x1xi32> to vector<16xi32>
        %gather3A_2750 = tpu.dynamic_gather %select_n3A_2662[%gather3A_2749] in [0] : vector<16xf32>, vector<16xi32> -> vector<16xf32>
        %add3A_2751 = arith.addf %select_n3A_2662, %gather3A_2750 : vector<16xf32>
        %select_n3A_2752 = arith.select %eq3A_12, %add3A_2744, %add3A_2751 : vector<16xi1>, vector<16xf32>
        %xor3A_2753 = arith.constant 2 : i32
        %xor3A_2754 = vector.broadcast %xor3A_2753 : i32 to vector<16xi32>
        %xor3A_2755 = arith.xori %iota3A, %xor3A_2754 : vector<16xi32>
        %broadcast_in_dim3A_2756 = vector.shape_cast %xor3A_2755 : vector<16xi32> to vector<16x1xi32>
        %gather3A_2757 = vector.shape_cast %broadcast_in_dim3A_2756 : vector<16x1xi32> to vector<16xi32>
        %gather3A_2758 = tpu.dynamic_gather %select_n3A_2677[%gather3A_2757] in [0] : vector<16xf32>, vector<16xi32> -> vector<16xf32>
        %add3A_2759 = arith.addf %select_n3A_2677, %gather3A_2758 : vector<16xf32>
        %xor3A_2760 = arith.constant 2 : i32
        %xor3A_2761 = vector.broadcast %xor3A_2760 : i32 to vector<16xi32>
        %xor3A_2762 = arith.xori %iota3A, %xor3A_2761 : vector<16xi32>
        %broadcast_in_dim3A_2763 = vector.shape_cast %xor3A_2762 : vector<16xi32> to vector<16x1xi32>
        %gather3A_2764 = vector.shape_cast %broadcast_in_dim3A_2763 : vector<16x1xi32> to vector<16xi32>
        %gather3A_2765 = tpu.dynamic_gather %select_n3A_2692[%gather3A_2764] in [0] : vector<16xf32>, vector<16xi32> -> vector<16xf32>
        %add3A_2766 = arith.addf %select_n3A_2692, %gather3A_2765 : vector<16xf32>
        %select_n3A_2767 = arith.select %eq3A_12, %add3A_2759, %add3A_2766 : vector<16xi1>, vector<16xf32>
        %xor3A_2768 = arith.constant 2 : i32
        %xor3A_2769 = vector.broadcast %xor3A_2768 : i32 to vector<16xi32>
        %xor3A_2770 = arith.xori %iota3A, %xor3A_2769 : vector<16xi32>
        %broadcast_in_dim3A_2771 = vector.shape_cast %xor3A_2770 : vector<16xi32> to vector<16x1xi32>
        %gather3A_2772 = vector.shape_cast %broadcast_in_dim3A_2771 : vector<16x1xi32> to vector<16xi32>
        %gather3A_2773 = tpu.dynamic_gather %select_n3A_2707[%gather3A_2772] in [0] : vector<16xf32>, vector<16xi32> -> vector<16xf32>
        %add3A_2774 = arith.addf %select_n3A_2707, %gather3A_2773 : vector<16xf32>
        %xor3A_2775 = arith.constant 2 : i32
        %xor3A_2776 = vector.broadcast %xor3A_2775 : i32 to vector<16xi32>
        %xor3A_2777 = arith.xori %iota3A, %xor3A_2776 : vector<16xi32>
        %broadcast_in_dim3A_2778 = vector.shape_cast %xor3A_2777 : vector<16xi32> to vector<16x1xi32>
        %gather3A_2779 = vector.shape_cast %broadcast_in_dim3A_2778 : vector<16x1xi32> to vector<16xi32>
        %gather3A_2780 = tpu.dynamic_gather %select_n3A_2722[%gather3A_2779] in [0] : vector<16xf32>, vector<16xi32> -> vector<16xf32>
        %add3A_2781 = arith.addf %select_n3A_2722, %gather3A_2780 : vector<16xf32>
        %select_n3A_2782 = arith.select %eq3A_12, %add3A_2774, %add3A_2781 : vector<16xi1>, vector<16xf32>
        %xor3A_2783 = arith.constant 4 : i32
        %xor3A_2784 = vector.broadcast %xor3A_2783 : i32 to vector<16xi32>
        %xor3A_2785 = arith.xori %iota3A, %xor3A_2784 : vector<16xi32>
        %broadcast_in_dim3A_2786 = vector.shape_cast %xor3A_2785 : vector<16xi32> to vector<16x1xi32>
        %gather3A_2787 = vector.shape_cast %broadcast_in_dim3A_2786 : vector<16x1xi32> to vector<16xi32>
        %gather3A_2788 = tpu.dynamic_gather %select_n3A_2737[%gather3A_2787] in [0] : vector<16xf32>, vector<16xi32> -> vector<16xf32>
        %add3A_2789 = arith.addf %select_n3A_2737, %gather3A_2788 : vector<16xf32>
        %xor3A_2790 = arith.constant 4 : i32
        %xor3A_2791 = vector.broadcast %xor3A_2790 : i32 to vector<16xi32>
        %xor3A_2792 = arith.xori %iota3A, %xor3A_2791 : vector<16xi32>
        %broadcast_in_dim3A_2793 = vector.shape_cast %xor3A_2792 : vector<16xi32> to vector<16x1xi32>
        %gather3A_2794 = vector.shape_cast %broadcast_in_dim3A_2793 : vector<16x1xi32> to vector<16xi32>
        %gather3A_2795 = tpu.dynamic_gather %select_n3A_2752[%gather3A_2794] in [0] : vector<16xf32>, vector<16xi32> -> vector<16xf32>
        %add3A_2796 = arith.addf %select_n3A_2752, %gather3A_2795 : vector<16xf32>
        %select_n3A_2797 = arith.select %eq3A_18, %add3A_2789, %add3A_2796 : vector<16xi1>, vector<16xf32>
        %xor3A_2798 = arith.constant 4 : i32
        %xor3A_2799 = vector.broadcast %xor3A_2798 : i32 to vector<16xi32>
        %xor3A_2800 = arith.xori %iota3A, %xor3A_2799 : vector<16xi32>
        %broadcast_in_dim3A_2801 = vector.shape_cast %xor3A_2800 : vector<16xi32> to vector<16x1xi32>
        %gather3A_2802 = vector.shape_cast %broadcast_in_dim3A_2801 : vector<16x1xi32> to vector<16xi32>
        %gather3A_2803 = tpu.dynamic_gather %select_n3A_2767[%gather3A_2802] in [0] : vector<16xf32>, vector<16xi32> -> vector<16xf32>
        %add3A_2804 = arith.addf %select_n3A_2767, %gather3A_2803 : vector<16xf32>
        %xor3A_2805 = arith.constant 4 : i32
        %xor3A_2806 = vector.broadcast %xor3A_2805 : i32 to vector<16xi32>
        %xor3A_2807 = arith.xori %iota3A, %xor3A_2806 : vector<16xi32>
        %broadcast_in_dim3A_2808 = vector.shape_cast %xor3A_2807 : vector<16xi32> to vector<16x1xi32>
        %gather3A_2809 = vector.shape_cast %broadcast_in_dim3A_2808 : vector<16x1xi32> to vector<16xi32>
        %gather3A_2810 = tpu.dynamic_gather %select_n3A_2782[%gather3A_2809] in [0] : vector<16xf32>, vector<16xi32> -> vector<16xf32>
        %add3A_2811 = arith.addf %select_n3A_2782, %gather3A_2810 : vector<16xf32>
        %select_n3A_2812 = arith.select %eq3A_18, %add3A_2804, %add3A_2811 : vector<16xi1>, vector<16xf32>
        %xor3A_2813 = arith.constant 8 : i32
        %xor3A_2814 = vector.broadcast %xor3A_2813 : i32 to vector<16xi32>
        %xor3A_2815 = arith.xori %iota3A, %xor3A_2814 : vector<16xi32>
        %broadcast_in_dim3A_2816 = vector.shape_cast %xor3A_2815 : vector<16xi32> to vector<16x1xi32>
        %gather3A_2817 = vector.shape_cast %broadcast_in_dim3A_2816 : vector<16x1xi32> to vector<16xi32>
        %gather3A_2818 = tpu.dynamic_gather %select_n3A_2797[%gather3A_2817] in [0] : vector<16xf32>, vector<16xi32> -> vector<16xf32>
        %add3A_2819 = arith.addf %select_n3A_2797, %gather3A_2818 : vector<16xf32>
        %xor3A_2820 = arith.constant 8 : i32
        %xor3A_2821 = vector.broadcast %xor3A_2820 : i32 to vector<16xi32>
        %xor3A_2822 = arith.xori %iota3A, %xor3A_2821 : vector<16xi32>
        %broadcast_in_dim3A_2823 = vector.shape_cast %xor3A_2822 : vector<16xi32> to vector<16x1xi32>
        %gather3A_2824 = vector.shape_cast %broadcast_in_dim3A_2823 : vector<16x1xi32> to vector<16xi32>
        %gather3A_2825 = tpu.dynamic_gather %select_n3A_2812[%gather3A_2824] in [0] : vector<16xf32>, vector<16xi32> -> vector<16xf32>
        %add3A_2826 = arith.addf %select_n3A_2812, %gather3A_2825 : vector<16xf32>
        %select_n3A_2827 = arith.select %eq3A_24, %add3A_2819, %add3A_2826 : vector<16xi1>, vector<16xf32>
        %swap3A_2828 = arith.index_cast %select_n3A_176 : i32 to index
        %swap3A_2829 = arith.index_cast %add3A_401 : i32 to index
        %swap3A_2830 = arith.constant 16 : index
        %swap3A_2831 = tpu.vector_load %arg15[%swap3A_2828, %swap3A_2829, %swap3A_2830] {strides = array<i32>} : memref<2x16x64xf32, #tpu.memory_space<vmem>>, vector<1x1x16xf32>,
        %swap3A_2832 = vector.shape_cast %swap3A_2831 : vector<1x1x16xf32> to vector<16xf32>
        %swap3A_2833 = vector.shape_cast %select_n3A_2827 : vector<16xf32> to vector<1x1x16xf32>
        tpu.vector_store %arg15[%swap3A_2828, %swap3A_2829, %swap3A_2830], %swap3A_2833 {strides = array<i32>} : memref<2x16x64xf32, #tpu.memory_space<vmem>>, vector<1x1x16xf32>,
        %add3A_2834 = arith.constant 32 : i32
        %add3A_2835 = arith.addi %mul3A_376, %add3A_2834 : i32
        %add3A_2836 = arith.constant 0 : i32
        %add3A_2837 = arith.addi %add3A_2835, %add3A_2836 : i32
        %get3A_2838 = arith.index_cast %select_n3A_121 : i32 to index
        %get3A_2839 = arith.index_cast %add3A_2837 : i32 to index
        %get3A_2840 = arith.constant 0 : index
        %get3A_2841 = tpu.vector_load %arg13[%get3A_2838, %get3A_2839, %get3A_2840] {strides = array<i32>} : memref<2x200x128xf32, #tpu.memory_space<vmem>>, vector<1x1x16xf32>,
        %get3A_2842 = vector.shape_cast %get3A_2841 : vector<1x1x16xf32> to vector<16xf32>
        %mul3A_2843 = arith.mulf %scan3A_397#0, %get3A_2842 : vector<16xf32>
        %get3A_2844 = arith.index_cast %select_n3A_121 : i32 to index
        %get3A_2845 = arith.index_cast %add3A_2837 : i32 to index
        %get3A_2846 = arith.constant 16 : index
        %get3A_2847 = tpu.vector_load %arg13[%get3A_2844, %get3A_2845, %get3A_2846] {strides = array<i32>} : memref<2x200x128xf32, #tpu.memory_space<vmem>>, vector<1x1x16xf32>,
        %get3A_2848 = vector.shape_cast %get3A_2847 : vector<1x1x16xf32> to vector<16xf32>
        %mul3A_2849 = arith.mulf %scan3A_397#1, %get3A_2848 : vector<16xf32>
        %add3A_2850 = arith.addf %mul3A_2843, %mul3A_2849 : vector<16xf32>
        %get3A_2851 = arith.index_cast %select_n3A_121 : i32 to index
        %get3A_2852 = arith.index_cast %add3A_2837 : i32 to index
        %get3A_2853 = arith.constant 32 : index
        %get3A_2854 = tpu.vector_load %arg13[%get3A_2851, %get3A_2852, %get3A_2853] {strides = array<i32>} : memref<2x200x128xf32, #tpu.memory_space<vmem>>, vector<1x1x16xf32>,
        %get3A_2855 = vector.shape_cast %get3A_2854 : vector<1x1x16xf32> to vector<16xf32>
        %mul3A_2856 = arith.mulf %scan3A_397#2, %get3A_2855 : vector<16xf32>
        %add3A_2857 = arith.addf %add3A_2850, %mul3A_2856 : vector<16xf32>
        %get3A_2858 = arith.index_cast %select_n3A_121 : i32 to index
        %get3A_2859 = arith.index_cast %add3A_2837 : i32 to index
        %get3A_2860 = arith.constant 48 : index
        %get3A_2861 = tpu.vector_load %arg13[%get3A_2858, %get3A_2859, %get3A_2860] {strides = array<i32>} : memref<2x200x128xf32, #tpu.memory_space<vmem>>, vector<1x1x16xf32>,
        %get3A_2862 = vector.shape_cast %get3A_2861 : vector<1x1x16xf32> to vector<16xf32>
        %mul3A_2863 = arith.mulf %scan3A_397#3, %get3A_2862 : vector<16xf32>
        %add3A_2864 = arith.addf %add3A_2857, %mul3A_2863 : vector<16xf32>
        %get3A_2865 = arith.index_cast %select_n3A_121 : i32 to index
        %get3A_2866 = arith.index_cast %add3A_2837 : i32 to index
        %get3A_2867 = arith.constant 64 : index
        %get3A_2868 = tpu.vector_load %arg13[%get3A_2865, %get3A_2866, %get3A_2867] {strides = array<i32>} : memref<2x200x128xf32, #tpu.memory_space<vmem>>, vector<1x1x16xf32>,
        %get3A_2869 = vector.shape_cast %get3A_2868 : vector<1x1x16xf32> to vector<16xf32>
        %mul3A_2870 = arith.mulf %scan3A_397#4, %get3A_2869 : vector<16xf32>
        %add3A_2871 = arith.addf %add3A_2864, %mul3A_2870 : vector<16xf32>
        %get3A_2872 = arith.index_cast %select_n3A_121 : i32 to index
        %get3A_2873 = arith.index_cast %add3A_2837 : i32 to index
        %get3A_2874 = arith.constant 80 : index
        %get3A_2875 = tpu.vector_load %arg13[%get3A_2872, %get3A_2873, %get3A_2874] {strides = array<i32>} : memref<2x200x128xf32, #tpu.memory_space<vmem>>, vector<1x1x16xf32>,
        %get3A_2876 = vector.shape_cast %get3A_2875 : vector<1x1x16xf32> to vector<16xf32>
        %mul3A_2877 = arith.mulf %scan3A_397#5, %get3A_2876 : vector<16xf32>
        %add3A_2878 = arith.addf %add3A_2871, %mul3A_2877 : vector<16xf32>
        %get3A_2879 = arith.index_cast %select_n3A_121 : i32 to index
        %get3A_2880 = arith.index_cast %add3A_2837 : i32 to index
        %get3A_2881 = arith.constant 96 : index
        %get3A_2882 = tpu.vector_load %arg13[%get3A_2879, %get3A_2880, %get3A_2881] {strides = array<i32>} : memref<2x200x128xf32, #tpu.memory_space<vmem>>, vector<1x1x16xf32>,
        %get3A_2883 = vector.shape_cast %get3A_2882 : vector<1x1x16xf32> to vector<16xf32>
        %mul3A_2884 = arith.mulf %scan3A_397#6, %get3A_2883 : vector<16xf32>
        %add3A_2885 = arith.addf %add3A_2878, %mul3A_2884 : vector<16xf32>
        %get3A_2886 = arith.index_cast %select_n3A_121 : i32 to index
        %get3A_2887 = arith.index_cast %add3A_2837 : i32 to index
        %get3A_2888 = arith.constant 112 : index
        %get3A_2889 = tpu.vector_load %arg13[%get3A_2886, %get3A_2887, %get3A_2888] {strides = array<i32>} : memref<2x200x128xf32, #tpu.memory_space<vmem>>, vector<1x1x16xf32>,
        %get3A_2890 = vector.shape_cast %get3A_2889 : vector<1x1x16xf32> to vector<16xf32>
        %mul3A_2891 = arith.mulf %scan3A_397#7, %get3A_2890 : vector<16xf32>
        %add3A_2892 = arith.addf %add3A_2885, %mul3A_2891 : vector<16xf32>
        %add3A_2893 = arith.constant 32 : i32
        %add3A_2894 = arith.addi %mul3A_376, %add3A_2893 : i32
        %add3A_2895 = arith.constant 1 : i32
        %add3A_2896 = arith.addi %add3A_2894, %add3A_2895 : i32
        %get3A_2897 = arith.index_cast %select_n3A_121 : i32 to index
        %get3A_2898 = arith.index_cast %add3A_2896 : i32 to index
        %get3A_2899 = arith.constant 0 : index
        %get3A_2900 = tpu.vector_load %arg13[%get3A_2897, %get3A_2898, %get3A_2899] {strides = array<i32>} : memref<2x200x128xf32, #tpu.memory_space<vmem>>, vector<1x1x16xf32>,
        %get3A_2901 = vector.shape_cast %get3A_2900 : vector<1x1x16xf32> to vector<16xf32>
        %mul3A_2902 = arith.mulf %scan3A_397#0, %get3A_2901 : vector<16xf32>
        %get3A_2903 = arith.index_cast %select_n3A_121 : i32 to index
        %get3A_2904 = arith.index_cast %add3A_2896 : i32 to index
        %get3A_2905 = arith.constant 16 : index
        %get3A_2906 = tpu.vector_load %arg13[%get3A_2903, %get3A_2904, %get3A_2905] {strides = array<i32>} : memref<2x200x128xf32, #tpu.memory_space<vmem>>, vector<1x1x16xf32>,
        %get3A_2907 = vector.shape_cast %get3A_2906 : vector<1x1x16xf32> to vector<16xf32>
        %mul3A_2908 = arith.mulf %scan3A_397#1, %get3A_2907 : vector<16xf32>
        %add3A_2909 = arith.addf %mul3A_2902, %mul3A_2908 : vector<16xf32>
        %get3A_2910 = arith.index_cast %select_n3A_121 : i32 to index
        %get3A_2911 = arith.index_cast %add3A_2896 : i32 to index
        %get3A_2912 = arith.constant 32 : index
        %get3A_2913 = tpu.vector_load %arg13[%get3A_2910, %get3A_2911, %get3A_2912] {strides = array<i32>} : memref<2x200x128xf32, #tpu.memory_space<vmem>>, vector<1x1x16xf32>,
        %get3A_2914 = vector.shape_cast %get3A_2913 : vector<1x1x16xf32> to vector<16xf32>
        %mul3A_2915 = arith.mulf %scan3A_397#2, %get3A_2914 : vector<16xf32>
        %add3A_2916 = arith.addf %add3A_2909, %mul3A_2915 : vector<16xf32>
        %get3A_2917 = arith.index_cast %select_n3A_121 : i32 to index
        %get3A_2918 = arith.index_cast %add3A_2896 : i32 to index
        %get3A_2919 = arith.constant 48 : index
        %get3A_2920 = tpu.vector_load %arg13[%get3A_2917, %get3A_2918, %get3A_2919] {strides = array<i32>} : memref<2x200x128xf32, #tpu.memory_space<vmem>>, vector<1x1x16xf32>,
        %get3A_2921 = vector.shape_cast %get3A_2920 : vector<1x1x16xf32> to vector<16xf32>
        %mul3A_2922 = arith.mulf %scan3A_397#3, %get3A_2921 : vector<16xf32>
        %add3A_2923 = arith.addf %add3A_2916, %mul3A_2922 : vector<16xf32>
        %get3A_2924 = arith.index_cast %select_n3A_121 : i32 to index
        %get3A_2925 = arith.index_cast %add3A_2896 : i32 to index
        %get3A_2926 = arith.constant 64 : index
        %get3A_2927 = tpu.vector_load %arg13[%get3A_2924, %get3A_2925, %get3A_2926] {strides = array<i32>} : memref<2x200x128xf32, #tpu.memory_space<vmem>>, vector<1x1x16xf32>,
        %get3A_2928 = vector.shape_cast %get3A_2927 : vector<1x1x16xf32> to vector<16xf32>
        %mul3A_2929 = arith.mulf %scan3A_397#4, %get3A_2928 : vector<16xf32>
        %add3A_2930 = arith.addf %add3A_2923, %mul3A_2929 : vector<16xf32>
        %get3A_2931 = arith.index_cast %select_n3A_121 : i32 to index
        %get3A_2932 = arith.index_cast %add3A_2896 : i32 to index
        %get3A_2933 = arith.constant 80 : index
        %get3A_2934 = tpu.vector_load %arg13[%get3A_2931, %get3A_2932, %get3A_2933] {strides = array<i32>} : memref<2x200x128xf32, #tpu.memory_space<vmem>>, vector<1x1x16xf32>,
        %get3A_2935 = vector.shape_cast %get3A_2934 : vector<1x1x16xf32> to vector<16xf32>
        %mul3A_2936 = arith.mulf %scan3A_397#5, %get3A_2935 : vector<16xf32>
        %add3A_2937 = arith.addf %add3A_2930, %mul3A_2936 : vector<16xf32>
        %get3A_2938 = arith.index_cast %select_n3A_121 : i32 to index
        %get3A_2939 = arith.index_cast %add3A_2896 : i32 to index
        %get3A_2940 = arith.constant 96 : index
        %get3A_2941 = tpu.vector_load %arg13[%get3A_2938, %get3A_2939, %get3A_2940] {strides = array<i32>} : memref<2x200x128xf32, #tpu.memory_space<vmem>>, vector<1x1x16xf32>,
        %get3A_2942 = vector.shape_cast %get3A_2941 : vector<1x1x16xf32> to vector<16xf32>
        %mul3A_2943 = arith.mulf %scan3A_397#6, %get3A_2942 : vector<16xf32>
        %add3A_2944 = arith.addf %add3A_2937, %mul3A_2943 : vector<16xf32>
        %get3A_2945 = arith.index_cast %select_n3A_121 : i32 to index
        %get3A_2946 = arith.index_cast %add3A_2896 : i32 to index
        %get3A_2947 = arith.constant 112 : index
        %get3A_2948 = tpu.vector_load %arg13[%get3A_2945, %get3A_2946, %get3A_2947] {strides = array<i32>} : memref<2x200x128xf32, #tpu.memory_space<vmem>>, vector<1x1x16xf32>,
        %get3A_2949 = vector.shape_cast %get3A_2948 : vector<1x1x16xf32> to vector<16xf32>
        %mul3A_2950 = arith.mulf %scan3A_397#7, %get3A_2949 : vector<16xf32>
        %add3A_2951 = arith.addf %add3A_2944, %mul3A_2950 : vector<16xf32>
        %add3A_2952 = arith.constant 32 : i32
        %add3A_2953 = arith.addi %mul3A_376, %add3A_2952 : i32
        %add3A_2954 = arith.constant 2 : i32
        %add3A_2955 = arith.addi %add3A_2953, %add3A_2954 : i32
        %get3A_2956 = arith.index_cast %select_n3A_121 : i32 to index
        %get3A_2957 = arith.index_cast %add3A_2955 : i32 to index
        %get3A_2958 = arith.constant 0 : index
        %get3A_2959 = tpu.vector_load %arg13[%get3A_2956, %get3A_2957, %get3A_2958] {strides = array<i32>} : memref<2x200x128xf32, #tpu.memory_space<vmem>>, vector<1x1x16xf32>,
        %get3A_2960 = vector.shape_cast %get3A_2959 : vector<1x1x16xf32> to vector<16xf32>
        %mul3A_2961 = arith.mulf %scan3A_397#0, %get3A_2960 : vector<16xf32>
        %get3A_2962 = arith.index_cast %select_n3A_121 : i32 to index
        %get3A_2963 = arith.index_cast %add3A_2955 : i32 to index
        %get3A_2964 = arith.constant 16 : index
        %get3A_2965 = tpu.vector_load %arg13[%get3A_2962, %get3A_2963, %get3A_2964] {strides = array<i32>} : memref<2x200x128xf32, #tpu.memory_space<vmem>>, vector<1x1x16xf32>,
        %get3A_2966 = vector.shape_cast %get3A_2965 : vector<1x1x16xf32> to vector<16xf32>
        %mul3A_2967 = arith.mulf %scan3A_397#1, %get3A_2966 : vector<16xf32>
        %add3A_2968 = arith.addf %mul3A_2961, %mul3A_2967 : vector<16xf32>
        %get3A_2969 = arith.index_cast %select_n3A_121 : i32 to index
        %get3A_2970 = arith.index_cast %add3A_2955 : i32 to index
        %get3A_2971 = arith.constant 32 : index
        %get3A_2972 = tpu.vector_load %arg13[%get3A_2969, %get3A_2970, %get3A_2971] {strides = array<i32>} : memref<2x200x128xf32, #tpu.memory_space<vmem>>, vector<1x1x16xf32>,
        %get3A_2973 = vector.shape_cast %get3A_2972 : vector<1x1x16xf32> to vector<16xf32>
        %mul3A_2974 = arith.mulf %scan3A_397#2, %get3A_2973 : vector<16xf32>
        %add3A_2975 = arith.addf %add3A_2968, %mul3A_2974 : vector<16xf32>
        %get3A_2976 = arith.index_cast %select_n3A_121 : i32 to index
        %get3A_2977 = arith.index_cast %add3A_2955 : i32 to index
        %get3A_2978 = arith.constant 48 : index
        %get3A_2979 = tpu.vector_load %arg13[%get3A_2976, %get3A_2977, %get3A_2978] {strides = array<i32>} : memref<2x200x128xf32, #tpu.memory_space<vmem>>, vector<1x1x16xf32>,
        %get3A_2980 = vector.shape_cast %get3A_2979 : vector<1x1x16xf32> to vector<16xf32>
        %mul3A_2981 = arith.mulf %scan3A_397#3, %get3A_2980 : vector<16xf32>
        %add3A_2982 = arith.addf %add3A_2975, %mul3A_2981 : vector<16xf32>
        %get3A_2983 = arith.index_cast %select_n3A_121 : i32 to index
        %get3A_2984 = arith.index_cast %add3A_2955 : i32 to index
        %get3A_2985 = arith.constant 64 : index
        %get3A_2986 = tpu.vector_load %arg13[%get3A_2983, %get3A_2984, %get3A_2985] {strides = array<i32>} : memref<2x200x128xf32, #tpu.memory_space<vmem>>, vector<1x1x16xf32>,
        %get3A_2987 = vector.shape_cast %get3A_2986 : vector<1x1x16xf32> to vector<16xf32>
        %mul3A_2988 = arith.mulf %scan3A_397#4, %get3A_2987 : vector<16xf32>
        %add3A_2989 = arith.addf %add3A_2982, %mul3A_2988 : vector<16xf32>
        %get3A_2990 = arith.index_cast %select_n3A_121 : i32 to index
        %get3A_2991 = arith.index_cast %add3A_2955 : i32 to index
        %get3A_2992 = arith.constant 80 : index
        %get3A_2993 = tpu.vector_load %arg13[%get3A_2990, %get3A_2991, %get3A_2992] {strides = array<i32>} : memref<2x200x128xf32, #tpu.memory_space<vmem>>, vector<1x1x16xf32>,
        %get3A_2994 = vector.shape_cast %get3A_2993 : vector<1x1x16xf32> to vector<16xf32>
        %mul3A_2995 = arith.mulf %scan3A_397#5, %get3A_2994 : vector<16xf32>
        %add3A_2996 = arith.addf %add3A_2989, %mul3A_2995 : vector<16xf32>
        %get3A_2997 = arith.index_cast %select_n3A_121 : i32 to index
        %get3A_2998 = arith.index_cast %add3A_2955 : i32 to index
        %get3A_2999 = arith.constant 96 : index
        %get3A_3000 = tpu.vector_load %arg13[%get3A_2997, %get3A_2998, %get3A_2999] {strides = array<i32>} : memref<2x200x128xf32, #tpu.memory_space<vmem>>, vector<1x1x16xf32>,
        %get3A_3001 = vector.shape_cast %get3A_3000 : vector<1x1x16xf32> to vector<16xf32>
        %mul3A_3002 = arith.mulf %scan3A_397#6, %get3A_3001 : vector<16xf32>
        %add3A_3003 = arith.addf %add3A_2996, %mul3A_3002 : vector<16xf32>
        %get3A_3004 = arith.index_cast %select_n3A_121 : i32 to index
        %get3A_3005 = arith.index_cast %add3A_2955 : i32 to index
        %get3A_3006 = arith.constant 112 : index
        %get3A_3007 = tpu.vector_load %arg13[%get3A_3004, %get3A_3005, %get3A_3006] {strides = array<i32>} : memref<2x200x128xf32, #tpu.memory_space<vmem>>, vector<1x1x16xf32>,
        %get3A_3008 = vector.shape_cast %get3A_3007 : vector<1x1x16xf32> to vector<16xf32>
        %mul3A_3009 = arith.mulf %scan3A_397#7, %get3A_3008 : vector<16xf32>
        %add3A_3010 = arith.addf %add3A_3003, %mul3A_3009 : vector<16xf32>
        %add3A_3011 = arith.constant 32 : i32
        %add3A_3012 = arith.addi %mul3A_376, %add3A_3011 : i32
        %add3A_3013 = arith.constant 3 : i32
        %add3A_3014 = arith.addi %add3A_3012, %add3A_3013 : i32
        %get3A_3015 = arith.index_cast %select_n3A_121 : i32 to index
        %get3A_3016 = arith.index_cast %add3A_3014 : i32 to index
        %get3A_3017 = arith.constant 0 : index
        %get3A_3018 = tpu.vector_load %arg13[%get3A_3015, %get3A_3016, %get3A_3017] {strides = array<i32>} : memref<2x200x128xf32, #tpu.memory_space<vmem>>, vector<1x1x16xf32>,
        %get3A_3019 = vector.shape_cast %get3A_3018 : vector<1x1x16xf32> to vector<16xf32>
        %mul3A_3020 = arith.mulf %scan3A_397#0, %get3A_3019 : vector<16xf32>
        %get3A_3021 = arith.index_cast %select_n3A_121 : i32 to index
        %get3A_3022 = arith.index_cast %add3A_3014 : i32 to index
        %get3A_3023 = arith.constant 16 : index
        %get3A_3024 = tpu.vector_load %arg13[%get3A_3021, %get3A_3022, %get3A_3023] {strides = array<i32>} : memref<2x200x128xf32, #tpu.memory_space<vmem>>, vector<1x1x16xf32>,
        %get3A_3025 = vector.shape_cast %get3A_3024 : vector<1x1x16xf32> to vector<16xf32>
        %mul3A_3026 = arith.mulf %scan3A_397#1, %get3A_3025 : vector<16xf32>
        %add3A_3027 = arith.addf %mul3A_3020, %mul3A_3026 : vector<16xf32>
        %get3A_3028 = arith.index_cast %select_n3A_121 : i32 to index
        %get3A_3029 = arith.index_cast %add3A_3014 : i32 to index
        %get3A_3030 = arith.constant 32 : index
        %get3A_3031 = tpu.vector_load %arg13[%get3A_3028, %get3A_3029, %get3A_3030] {strides = array<i32>} : memref<2x200x128xf32, #tpu.memory_space<vmem>>, vector<1x1x16xf32>,
        %get3A_3032 = vector.shape_cast %get3A_3031 : vector<1x1x16xf32> to vector<16xf32>
        %mul3A_3033 = arith.mulf %scan3A_397#2, %get3A_3032 : vector<16xf32>
        %add3A_3034 = arith.addf %add3A_3027, %mul3A_3033 : vector<16xf32>
        %get3A_3035 = arith.index_cast %select_n3A_121 : i32 to index
        %get3A_3036 = arith.index_cast %add3A_3014 : i32 to index
        %get3A_3037 = arith.constant 48 : index
        %get3A_3038 = tpu.vector_load %arg13[%get3A_3035, %get3A_3036, %get3A_3037] {strides = array<i32>} : memref<2x200x128xf32, #tpu.memory_space<vmem>>, vector<1x1x16xf32>,
        %get3A_3039 = vector.shape_cast %get3A_3038 : vector<1x1x16xf32> to vector<16xf32>
        %mul3A_3040 = arith.mulf %scan3A_397#3, %get3A_3039 : vector<16xf32>
        %add3A_3041 = arith.addf %add3A_3034, %mul3A_3040 : vector<16xf32>
        %get3A_3042 = arith.index_cast %select_n3A_121 : i32 to index
        %get3A_3043 = arith.index_cast %add3A_3014 : i32 to index
        %get3A_3044 = arith.constant 64 : index
        %get3A_3045 = tpu.vector_load %arg13[%get3A_3042, %get3A_3043, %get3A_3044] {strides = array<i32>} : memref<2x200x128xf32, #tpu.memory_space<vmem>>, vector<1x1x16xf32>,
        %get3A_3046 = vector.shape_cast %get3A_3045 : vector<1x1x16xf32> to vector<16xf32>
        %mul3A_3047 = arith.mulf %scan3A_397#4, %get3A_3046 : vector<16xf32>
        %add3A_3048 = arith.addf %add3A_3041, %mul3A_3047 : vector<16xf32>
        %get3A_3049 = arith.index_cast %select_n3A_121 : i32 to index
        %get3A_3050 = arith.index_cast %add3A_3014 : i32 to index
        %get3A_3051 = arith.constant 80 : index
        %get3A_3052 = tpu.vector_load %arg13[%get3A_3049, %get3A_3050, %get3A_3051] {strides = array<i32>} : memref<2x200x128xf32, #tpu.memory_space<vmem>>, vector<1x1x16xf32>,
        %get3A_3053 = vector.shape_cast %get3A_3052 : vector<1x1x16xf32> to vector<16xf32>
        %mul3A_3054 = arith.mulf %scan3A_397#5, %get3A_3053 : vector<16xf32>
        %add3A_3055 = arith.addf %add3A_3048, %mul3A_3054 : vector<16xf32>
        %get3A_3056 = arith.index_cast %select_n3A_121 : i32 to index
        %get3A_3057 = arith.index_cast %add3A_3014 : i32 to index
        %get3A_3058 = arith.constant 96 : index
        %get3A_3059 = tpu.vector_load %arg13[%get3A_3056, %get3A_3057, %get3A_3058] {strides = array<i32>} : memref<2x200x128xf32, #tpu.memory_space<vmem>>, vector<1x1x16xf32>,
        %get3A_3060 = vector.shape_cast %get3A_3059 : vector<1x1x16xf32> to vector<16xf32>
        %mul3A_3061 = arith.mulf %scan3A_397#6, %get3A_3060 : vector<16xf32>
        %add3A_3062 = arith.addf %add3A_3055, %mul3A_3061 : vector<16xf32>
        %get3A_3063 = arith.index_cast %select_n3A_121 : i32 to index
        %get3A_3064 = arith.index_cast %add3A_3014 : i32 to index
        %get3A_3065 = arith.constant 112 : index
        %get3A_3066 = tpu.vector_load %arg13[%get3A_3063, %get3A_3064, %get3A_3065] {strides = array<i32>} : memref<2x200x128xf32, #tpu.memory_space<vmem>>, vector<1x1x16xf32>,
        %get3A_3067 = vector.shape_cast %get3A_3066 : vector<1x1x16xf32> to vector<16xf32>
        %mul3A_3068 = arith.mulf %scan3A_397#7, %get3A_3067 : vector<16xf32>
        %add3A_3069 = arith.addf %add3A_3062, %mul3A_3068 : vector<16xf32>
        %add3A_3070 = arith.constant 32 : i32
        %add3A_3071 = arith.addi %mul3A_376, %add3A_3070 : i32
        %add3A_3072 = arith.constant 4 : i32
        %add3A_3073 = arith.addi %add3A_3071, %add3A_3072 : i32
        %get3A_3074 = arith.index_cast %select_n3A_121 : i32 to index
        %get3A_3075 = arith.index_cast %add3A_3073 : i32 to index
        %get3A_3076 = arith.constant 0 : index
        %get3A_3077 = tpu.vector_load %arg13[%get3A_3074, %get3A_3075, %get3A_3076] {strides = array<i32>} : memref<2x200x128xf32, #tpu.memory_space<vmem>>, vector<1x1x16xf32>,
        %get3A_3078 = vector.shape_cast %get3A_3077 : vector<1x1x16xf32> to vector<16xf32>
        %mul3A_3079 = arith.mulf %scan3A_397#0, %get3A_3078 : vector<16xf32>
        %get3A_3080 = arith.index_cast %select_n3A_121 : i32 to index
        %get3A_3081 = arith.index_cast %add3A_3073 : i32 to index
        %get3A_3082 = arith.constant 16 : index
        %get3A_3083 = tpu.vector_load %arg13[%get3A_3080, %get3A_3081, %get3A_3082] {strides = array<i32>} : memref<2x200x128xf32, #tpu.memory_space<vmem>>, vector<1x1x16xf32>,
        %get3A_3084 = vector.shape_cast %get3A_3083 : vector<1x1x16xf32> to vector<16xf32>
        %mul3A_3085 = arith.mulf %scan3A_397#1, %get3A_3084 : vector<16xf32>
        %add3A_3086 = arith.addf %mul3A_3079, %mul3A_3085 : vector<16xf32>
        %get3A_3087 = arith.index_cast %select_n3A_121 : i32 to index
        %get3A_3088 = arith.index_cast %add3A_3073 : i32 to index
        %get3A_3089 = arith.constant 32 : index
        %get3A_3090 = tpu.vector_load %arg13[%get3A_3087, %get3A_3088, %get3A_3089] {strides = array<i32>} : memref<2x200x128xf32, #tpu.memory_space<vmem>>, vector<1x1x16xf32>,
        %get3A_3091 = vector.shape_cast %get3A_3090 : vector<1x1x16xf32> to vector<16xf32>
        %mul3A_3092 = arith.mulf %scan3A_397#2, %get3A_3091 : vector<16xf32>
        %add3A_3093 = arith.addf %add3A_3086, %mul3A_3092 : vector<16xf32>
        %get3A_3094 = arith.index_cast %select_n3A_121 : i32 to index
        %get3A_3095 = arith.index_cast %add3A_3073 : i32 to index
        %get3A_3096 = arith.constant 48 : index
        %get3A_3097 = tpu.vector_load %arg13[%get3A_3094, %get3A_3095, %get3A_3096] {strides = array<i32>} : memref<2x200x128xf32, #tpu.memory_space<vmem>>, vector<1x1x16xf32>,
        %get3A_3098 = vector.shape_cast %get3A_3097 : vector<1x1x16xf32> to vector<16xf32>
        %mul3A_3099 = arith.mulf %scan3A_397#3, %get3A_3098 : vector<16xf32>
        %add3A_3100 = arith.addf %add3A_3093, %mul3A_3099 : vector<16xf32>
        %get3A_3101 = arith.index_cast %select_n3A_121 : i32 to index
        %get3A_3102 = arith.index_cast %add3A_3073 : i32 to index
        %get3A_3103 = arith.constant 64 : index
        %get3A_3104 = tpu.vector_load %arg13[%get3A_3101, %get3A_3102, %get3A_3103] {strides = array<i32>} : memref<2x200x128xf32, #tpu.memory_space<vmem>>, vector<1x1x16xf32>,
        %get3A_3105 = vector.shape_cast %get3A_3104 : vector<1x1x16xf32> to vector<16xf32>
        %mul3A_3106 = arith.mulf %scan3A_397#4, %get3A_3105 : vector<16xf32>
        %add3A_3107 = arith.addf %add3A_3100, %mul3A_3106 : vector<16xf32>
        %get3A_3108 = arith.index_cast %select_n3A_121 : i32 to index
        %get3A_3109 = arith.index_cast %add3A_3073 : i32 to index
        %get3A_3110 = arith.constant 80 : index
        %get3A_3111 = tpu.vector_load %arg13[%get3A_3108, %get3A_3109, %get3A_3110] {strides = array<i32>} : memref<2x200x128xf32, #tpu.memory_space<vmem>>, vector<1x1x16xf32>,
        %get3A_3112 = vector.shape_cast %get3A_3111 : vector<1x1x16xf32> to vector<16xf32>
        %mul3A_3113 = arith.mulf %scan3A_397#5, %get3A_3112 : vector<16xf32>
        %add3A_3114 = arith.addf %add3A_3107, %mul3A_3113 : vector<16xf32>
        %get3A_3115 = arith.index_cast %select_n3A_121 : i32 to index
        %get3A_3116 = arith.index_cast %add3A_3073 : i32 to index
        %get3A_3117 = arith.constant 96 : index
        %get3A_3118 = tpu.vector_load %arg13[%get3A_3115, %get3A_3116, %get3A_3117] {strides = array<i32>} : memref<2x200x128xf32, #tpu.memory_space<vmem>>, vector<1x1x16xf32>,
        %get3A_3119 = vector.shape_cast %get3A_3118 : vector<1x1x16xf32> to vector<16xf32>
        %mul3A_3120 = arith.mulf %scan3A_397#6, %get3A_3119 : vector<16xf32>
        %add3A_3121 = arith.addf %add3A_3114, %mul3A_3120 : vector<16xf32>
        %get3A_3122 = arith.index_cast %select_n3A_121 : i32 to index
        %get3A_3123 = arith.index_cast %add3A_3073 : i32 to index
        %get3A_3124 = arith.constant 112 : index
        %get3A_3125 = tpu.vector_load %arg13[%get3A_3122, %get3A_3123, %get3A_3124] {strides = array<i32>} : memref<2x200x128xf32, #tpu.memory_space<vmem>>, vector<1x1x16xf32>,
        %get3A_3126 = vector.shape_cast %get3A_3125 : vector<1x1x16xf32> to vector<16xf32>
        %mul3A_3127 = arith.mulf %scan3A_397#7, %get3A_3126 : vector<16xf32>
        %add3A_3128 = arith.addf %add3A_3121, %mul3A_3127 : vector<16xf32>
        %add3A_3129 = arith.constant 32 : i32
        %add3A_3130 = arith.addi %mul3A_376, %add3A_3129 : i32
        %add3A_3131 = arith.constant 5 : i32
        %add3A_3132 = arith.addi %add3A_3130, %add3A_3131 : i32
        %get3A_3133 = arith.index_cast %select_n3A_121 : i32 to index
        %get3A_3134 = arith.index_cast %add3A_3132 : i32 to index
        %get3A_3135 = arith.constant 0 : index
        %get3A_3136 = tpu.vector_load %arg13[%get3A_3133, %get3A_3134, %get3A_3135] {strides = array<i32>} : memref<2x200x128xf32, #tpu.memory_space<vmem>>, vector<1x1x16xf32>,
        %get3A_3137 = vector.shape_cast %get3A_3136 : vector<1x1x16xf32> to vector<16xf32>
        %mul3A_3138 = arith.mulf %scan3A_397#0, %get3A_3137 : vector<16xf32>
        %get3A_3139 = arith.index_cast %select_n3A_121 : i32 to index
        %get3A_3140 = arith.index_cast %add3A_3132 : i32 to index
        %get3A_3141 = arith.constant 16 : index
        %get3A_3142 = tpu.vector_load %arg13[%get3A_3139, %get3A_3140, %get3A_3141] {strides = array<i32>} : memref<2x200x128xf32, #tpu.memory_space<vmem>>, vector<1x1x16xf32>,
        %get3A_3143 = vector.shape_cast %get3A_3142 : vector<1x1x16xf32> to vector<16xf32>
        %mul3A_3144 = arith.mulf %scan3A_397#1, %get3A_3143 : vector<16xf32>
        %add3A_3145 = arith.addf %mul3A_3138, %mul3A_3144 : vector<16xf32>
        %get3A_3146 = arith.index_cast %select_n3A_121 : i32 to index
        %get3A_3147 = arith.index_cast %add3A_3132 : i32 to index
        %get3A_3148 = arith.constant 32 : index
        %get3A_3149 = tpu.vector_load %arg13[%get3A_3146, %get3A_3147, %get3A_3148] {strides = array<i32>} : memref<2x200x128xf32, #tpu.memory_space<vmem>>, vector<1x1x16xf32>,
        %get3A_3150 = vector.shape_cast %get3A_3149 : vector<1x1x16xf32> to vector<16xf32>
        %mul3A_3151 = arith.mulf %scan3A_397#2, %get3A_3150 : vector<16xf32>
        %add3A_3152 = arith.addf %add3A_3145, %mul3A_3151 : vector<16xf32>
        %get3A_3153 = arith.index_cast %select_n3A_121 : i32 to index
        %get3A_3154 = arith.index_cast %add3A_3132 : i32 to index
        %get3A_3155 = arith.constant 48 : index
        %get3A_3156 = tpu.vector_load %arg13[%get3A_3153, %get3A_3154, %get3A_3155] {strides = array<i32>} : memref<2x200x128xf32, #tpu.memory_space<vmem>>, vector<1x1x16xf32>,
        %get3A_3157 = vector.shape_cast %get3A_3156 : vector<1x1x16xf32> to vector<16xf32>
        %mul3A_3158 = arith.mulf %scan3A_397#3, %get3A_3157 : vector<16xf32>
        %add3A_3159 = arith.addf %add3A_3152, %mul3A_3158 : vector<16xf32>
        %get3A_3160 = arith.index_cast %select_n3A_121 : i32 to index
        %get3A_3161 = arith.index_cast %add3A_3132 : i32 to index
        %get3A_3162 = arith.constant 64 : index
        %get3A_3163 = tpu.vector_load %arg13[%get3A_3160, %get3A_3161, %get3A_3162] {strides = array<i32>} : memref<2x200x128xf32, #tpu.memory_space<vmem>>, vector<1x1x16xf32>,
        %get3A_3164 = vector.shape_cast %get3A_3163 : vector<1x1x16xf32> to vector<16xf32>
        %mul3A_3165 = arith.mulf %scan3A_397#4, %get3A_3164 : vector<16xf32>
        %add3A_3166 = arith.addf %add3A_3159, %mul3A_3165 : vector<16xf32>
        %get3A_3167 = arith.index_cast %select_n3A_121 : i32 to index
        %get3A_3168 = arith.index_cast %add3A_3132 : i32 to index
        %get3A_3169 = arith.constant 80 : index
        %get3A_3170 = tpu.vector_load %arg13[%get3A_3167, %get3A_3168, %get3A_3169] {strides = array<i32>} : memref<2x200x128xf32, #tpu.memory_space<vmem>>, vector<1x1x16xf32>,
        %get3A_3171 = vector.shape_cast %get3A_3170 : vector<1x1x16xf32> to vector<16xf32>
        %mul3A_3172 = arith.mulf %scan3A_397#5, %get3A_3171 : vector<16xf32>
        %add3A_3173 = arith.addf %add3A_3166, %mul3A_3172 : vector<16xf32>
        %get3A_3174 = arith.index_cast %select_n3A_121 : i32 to index
        %get3A_3175 = arith.index_cast %add3A_3132 : i32 to index
        %get3A_3176 = arith.constant 96 : index
        %get3A_3177 = tpu.vector_load %arg13[%get3A_3174, %get3A_3175, %get3A_3176] {strides = array<i32>} : memref<2x200x128xf32, #tpu.memory_space<vmem>>, vector<1x1x16xf32>,
        %get3A_3178 = vector.shape_cast %get3A_3177 : vector<1x1x16xf32> to vector<16xf32>
        %mul3A_3179 = arith.mulf %scan3A_397#6, %get3A_3178 : vector<16xf32>
        %add3A_3180 = arith.addf %add3A_3173, %mul3A_3179 : vector<16xf32>
        %get3A_3181 = arith.index_cast %select_n3A_121 : i32 to index
        %get3A_3182 = arith.index_cast %add3A_3132 : i32 to index
        %get3A_3183 = arith.constant 112 : index
        %get3A_3184 = tpu.vector_load %arg13[%get3A_3181, %get3A_3182, %get3A_3183] {strides = array<i32>} : memref<2x200x128xf32, #tpu.memory_space<vmem>>, vector<1x1x16xf32>,
        %get3A_3185 = vector.shape_cast %get3A_3184 : vector<1x1x16xf32> to vector<16xf32>
        %mul3A_3186 = arith.mulf %scan3A_397#7, %get3A_3185 : vector<16xf32>
        %add3A_3187 = arith.addf %add3A_3180, %mul3A_3186 : vector<16xf32>
        %add3A_3188 = arith.constant 32 : i32
        %add3A_3189 = arith.addi %mul3A_376, %add3A_3188 : i32
        %add3A_3190 = arith.constant 6 : i32
        %add3A_3191 = arith.addi %add3A_3189, %add3A_3190 : i32
        %get3A_3192 = arith.index_cast %select_n3A_121 : i32 to index
        %get3A_3193 = arith.index_cast %add3A_3191 : i32 to index
        %get3A_3194 = arith.constant 0 : index
        %get3A_3195 = tpu.vector_load %arg13[%get3A_3192, %get3A_3193, %get3A_3194] {strides = array<i32>} : memref<2x200x128xf32, #tpu.memory_space<vmem>>, vector<1x1x16xf32>,
        %get3A_3196 = vector.shape_cast %get3A_3195 : vector<1x1x16xf32> to vector<16xf32>
        %mul3A_3197 = arith.mulf %scan3A_397#0, %get3A_3196 : vector<16xf32>
        %get3A_3198 = arith.index_cast %select_n3A_121 : i32 to index
        %get3A_3199 = arith.index_cast %add3A_3191 : i32 to index
        %get3A_3200 = arith.constant 16 : index
        %get3A_3201 = tpu.vector_load %arg13[%get3A_3198, %get3A_3199, %get3A_3200] {strides = array<i32>} : memref<2x200x128xf32, #tpu.memory_space<vmem>>, vector<1x1x16xf32>,
        %get3A_3202 = vector.shape_cast %get3A_3201 : vector<1x1x16xf32> to vector<16xf32>
        %mul3A_3203 = arith.mulf %scan3A_397#1, %get3A_3202 : vector<16xf32>
        %add3A_3204 = arith.addf %mul3A_3197, %mul3A_3203 : vector<16xf32>
        %get3A_3205 = arith.index_cast %select_n3A_121 : i32 to index
        %get3A_3206 = arith.index_cast %add3A_3191 : i32 to index
        %get3A_3207 = arith.constant 32 : index
        %get3A_3208 = tpu.vector_load %arg13[%get3A_3205, %get3A_3206, %get3A_3207] {strides = array<i32>} : memref<2x200x128xf32, #tpu.memory_space<vmem>>, vector<1x1x16xf32>,
        %get3A_3209 = vector.shape_cast %get3A_3208 : vector<1x1x16xf32> to vector<16xf32>
        %mul3A_3210 = arith.mulf %scan3A_397#2, %get3A_3209 : vector<16xf32>
        %add3A_3211 = arith.addf %add3A_3204, %mul3A_3210 : vector<16xf32>
        %get3A_3212 = arith.index_cast %select_n3A_121 : i32 to index
        %get3A_3213 = arith.index_cast %add3A_3191 : i32 to index
        %get3A_3214 = arith.constant 48 : index
        %get3A_3215 = tpu.vector_load %arg13[%get3A_3212, %get3A_3213, %get3A_3214] {strides = array<i32>} : memref<2x200x128xf32, #tpu.memory_space<vmem>>, vector<1x1x16xf32>,
        %get3A_3216 = vector.shape_cast %get3A_3215 : vector<1x1x16xf32> to vector<16xf32>
        %mul3A_3217 = arith.mulf %scan3A_397#3, %get3A_3216 : vector<16xf32>
        %add3A_3218 = arith.addf %add3A_3211, %mul3A_3217 : vector<16xf32>
        %get3A_3219 = arith.index_cast %select_n3A_121 : i32 to index
        %get3A_3220 = arith.index_cast %add3A_3191 : i32 to index
        %get3A_3221 = arith.constant 64 : index
        %get3A_3222 = tpu.vector_load %arg13[%get3A_3219, %get3A_3220, %get3A_3221] {strides = array<i32>} : memref<2x200x128xf32, #tpu.memory_space<vmem>>, vector<1x1x16xf32>,
        %get3A_3223 = vector.shape_cast %get3A_3222 : vector<1x1x16xf32> to vector<16xf32>
        %mul3A_3224 = arith.mulf %scan3A_397#4, %get3A_3223 : vector<16xf32>
        %add3A_3225 = arith.addf %add3A_3218, %mul3A_3224 : vector<16xf32>
        %get3A_3226 = arith.index_cast %select_n3A_121 : i32 to index
        %get3A_3227 = arith.index_cast %add3A_3191 : i32 to index
        %get3A_3228 = arith.constant 80 : index
        %get3A_3229 = tpu.vector_load %arg13[%get3A_3226, %get3A_3227, %get3A_3228] {strides = array<i32>} : memref<2x200x128xf32, #tpu.memory_space<vmem>>, vector<1x1x16xf32>,
        %get3A_3230 = vector.shape_cast %get3A_3229 : vector<1x1x16xf32> to vector<16xf32>
        %mul3A_3231 = arith.mulf %scan3A_397#5, %get3A_3230 : vector<16xf32>
        %add3A_3232 = arith.addf %add3A_3225, %mul3A_3231 : vector<16xf32>
        %get3A_3233 = arith.index_cast %select_n3A_121 : i32 to index
        %get3A_3234 = arith.index_cast %add3A_3191 : i32 to index
        %get3A_3235 = arith.constant 96 : index
        %get3A_3236 = tpu.vector_load %arg13[%get3A_3233, %get3A_3234, %get3A_3235] {strides = array<i32>} : memref<2x200x128xf32, #tpu.memory_space<vmem>>, vector<1x1x16xf32>,
        %get3A_3237 = vector.shape_cast %get3A_3236 : vector<1x1x16xf32> to vector<16xf32>
        %mul3A_3238 = arith.mulf %scan3A_397#6, %get3A_3237 : vector<16xf32>
        %add3A_3239 = arith.addf %add3A_3232, %mul3A_3238 : vector<16xf32>
        %get3A_3240 = arith.index_cast %select_n3A_121 : i32 to index
        %get3A_3241 = arith.index_cast %add3A_3191 : i32 to index
        %get3A_3242 = arith.constant 112 : index
        %get3A_3243 = tpu.vector_load %arg13[%get3A_3240, %get3A_3241, %get3A_3242] {strides = array<i32>} : memref<2x200x128xf32, #tpu.memory_space<vmem>>, vector<1x1x16xf32>,
        %get3A_3244 = vector.shape_cast %get3A_3243 : vector<1x1x16xf32> to vector<16xf32>
        %mul3A_3245 = arith.mulf %scan3A_397#7, %get3A_3244 : vector<16xf32>
        %add3A_3246 = arith.addf %add3A_3239, %mul3A_3245 : vector<16xf32>
        %add3A_3247 = arith.constant 32 : i32
        %add3A_3248 = arith.addi %mul3A_376, %add3A_3247 : i32
        %add3A_3249 = arith.constant 7 : i32
        %add3A_3250 = arith.addi %add3A_3248, %add3A_3249 : i32
        %get3A_3251 = arith.index_cast %select_n3A_121 : i32 to index
        %get3A_3252 = arith.index_cast %add3A_3250 : i32 to index
        %get3A_3253 = arith.constant 0 : index
        %get3A_3254 = tpu.vector_load %arg13[%get3A_3251, %get3A_3252, %get3A_3253] {strides = array<i32>} : memref<2x200x128xf32, #tpu.memory_space<vmem>>, vector<1x1x16xf32>,
        %get3A_3255 = vector.shape_cast %get3A_3254 : vector<1x1x16xf32> to vector<16xf32>
        %mul3A_3256 = arith.mulf %scan3A_397#0, %get3A_3255 : vector<16xf32>
        %get3A_3257 = arith.index_cast %select_n3A_121 : i32 to index
        %get3A_3258 = arith.index_cast %add3A_3250 : i32 to index
        %get3A_3259 = arith.constant 16 : index
        %get3A_3260 = tpu.vector_load %arg13[%get3A_3257, %get3A_3258, %get3A_3259] {strides = array<i32>} : memref<2x200x128xf32, #tpu.memory_space<vmem>>, vector<1x1x16xf32>,
        %get3A_3261 = vector.shape_cast %get3A_3260 : vector<1x1x16xf32> to vector<16xf32>
        %mul3A_3262 = arith.mulf %scan3A_397#1, %get3A_3261 : vector<16xf32>
        %add3A_3263 = arith.addf %mul3A_3256, %mul3A_3262 : vector<16xf32>
        %get3A_3264 = arith.index_cast %select_n3A_121 : i32 to index
        %get3A_3265 = arith.index_cast %add3A_3250 : i32 to index
        %get3A_3266 = arith.constant 32 : index
        %get3A_3267 = tpu.vector_load %arg13[%get3A_3264, %get3A_3265, %get3A_3266] {strides = array<i32>} : memref<2x200x128xf32, #tpu.memory_space<vmem>>, vector<1x1x16xf32>,
        %get3A_3268 = vector.shape_cast %get3A_3267 : vector<1x1x16xf32> to vector<16xf32>
        %mul3A_3269 = arith.mulf %scan3A_397#2, %get3A_3268 : vector<16xf32>
        %add3A_3270 = arith.addf %add3A_3263, %mul3A_3269 : vector<16xf32>
        %get3A_3271 = arith.index_cast %select_n3A_121 : i32 to index
        %get3A_3272 = arith.index_cast %add3A_3250 : i32 to index
        %get3A_3273 = arith.constant 48 : index
        %get3A_3274 = tpu.vector_load %arg13[%get3A_3271, %get3A_3272, %get3A_3273] {strides = array<i32>} : memref<2x200x128xf32, #tpu.memory_space<vmem>>, vector<1x1x16xf32>,
        %get3A_3275 = vector.shape_cast %get3A_3274 : vector<1x1x16xf32> to vector<16xf32>
        %mul3A_3276 = arith.mulf %scan3A_397#3, %get3A_3275 : vector<16xf32>
        %add3A_3277 = arith.addf %add3A_3270, %mul3A_3276 : vector<16xf32>
        %get3A_3278 = arith.index_cast %select_n3A_121 : i32 to index
        %get3A_3279 = arith.index_cast %add3A_3250 : i32 to index
        %get3A_3280 = arith.constant 64 : index
        %get3A_3281 = tpu.vector_load %arg13[%get3A_3278, %get3A_3279, %get3A_3280] {strides = array<i32>} : memref<2x200x128xf32, #tpu.memory_space<vmem>>, vector<1x1x16xf32>,
        %get3A_3282 = vector.shape_cast %get3A_3281 : vector<1x1x16xf32> to vector<16xf32>
        %mul3A_3283 = arith.mulf %scan3A_397#4, %get3A_3282 : vector<16xf32>
        %add3A_3284 = arith.addf %add3A_3277, %mul3A_3283 : vector<16xf32>
        %get3A_3285 = arith.index_cast %select_n3A_121 : i32 to index
        %get3A_3286 = arith.index_cast %add3A_3250 : i32 to index
        %get3A_3287 = arith.constant 80 : index
        %get3A_3288 = tpu.vector_load %arg13[%get3A_3285, %get3A_3286, %get3A_3287] {strides = array<i32>} : memref<2x200x128xf32, #tpu.memory_space<vmem>>, vector<1x1x16xf32>,
        %get3A_3289 = vector.shape_cast %get3A_3288 : vector<1x1x16xf32> to vector<16xf32>
        %mul3A_3290 = arith.mulf %scan3A_397#5, %get3A_3289 : vector<16xf32>
        %add3A_3291 = arith.addf %add3A_3284, %mul3A_3290 : vector<16xf32>
        %get3A_3292 = arith.index_cast %select_n3A_121 : i32 to index
        %get3A_3293 = arith.index_cast %add3A_3250 : i32 to index
        %get3A_3294 = arith.constant 96 : index
        %get3A_3295 = tpu.vector_load %arg13[%get3A_3292, %get3A_3293, %get3A_3294] {strides = array<i32>} : memref<2x200x128xf32, #tpu.memory_space<vmem>>, vector<1x1x16xf32>,
        %get3A_3296 = vector.shape_cast %get3A_3295 : vector<1x1x16xf32> to vector<16xf32>
        %mul3A_3297 = arith.mulf %scan3A_397#6, %get3A_3296 : vector<16xf32>
        %add3A_3298 = arith.addf %add3A_3291, %mul3A_3297 : vector<16xf32>
        %get3A_3299 = arith.index_cast %select_n3A_121 : i32 to index
        %get3A_3300 = arith.index_cast %add3A_3250 : i32 to index
        %get3A_3301 = arith.constant 112 : index
        %get3A_3302 = tpu.vector_load %arg13[%get3A_3299, %get3A_3300, %get3A_3301] {strides = array<i32>} : memref<2x200x128xf32, #tpu.memory_space<vmem>>, vector<1x1x16xf32>,
        %get3A_3303 = vector.shape_cast %get3A_3302 : vector<1x1x16xf32> to vector<16xf32>
        %mul3A_3304 = arith.mulf %scan3A_397#7, %get3A_3303 : vector<16xf32>
        %add3A_3305 = arith.addf %add3A_3298, %mul3A_3304 : vector<16xf32>
        %add3A_3306 = arith.constant 32 : i32
        %add3A_3307 = arith.addi %mul3A_376, %add3A_3306 : i32
        %add3A_3308 = arith.constant 8 : i32
        %add3A_3309 = arith.addi %add3A_3307, %add3A_3308 : i32
        %get3A_3310 = arith.index_cast %select_n3A_121 : i32 to index
        %get3A_3311 = arith.index_cast %add3A_3309 : i32 to index
        %get3A_3312 = arith.constant 0 : index
        %get3A_3313 = tpu.vector_load %arg13[%get3A_3310, %get3A_3311, %get3A_3312] {strides = array<i32>} : memref<2x200x128xf32, #tpu.memory_space<vmem>>, vector<1x1x16xf32>,
        %get3A_3314 = vector.shape_cast %get3A_3313 : vector<1x1x16xf32> to vector<16xf32>
        %mul3A_3315 = arith.mulf %scan3A_397#0, %get3A_3314 : vector<16xf32>
        %get3A_3316 = arith.index_cast %select_n3A_121 : i32 to index
        %get3A_3317 = arith.index_cast %add3A_3309 : i32 to index
        %get3A_3318 = arith.constant 16 : index
        %get3A_3319 = tpu.vector_load %arg13[%get3A_3316, %get3A_3317, %get3A_3318] {strides = array<i32>} : memref<2x200x128xf32, #tpu.memory_space<vmem>>, vector<1x1x16xf32>,
        %get3A_3320 = vector.shape_cast %get3A_3319 : vector<1x1x16xf32> to vector<16xf32>
        %mul3A_3321 = arith.mulf %scan3A_397#1, %get3A_3320 : vector<16xf32>
        %add3A_3322 = arith.addf %mul3A_3315, %mul3A_3321 : vector<16xf32>
        %get3A_3323 = arith.index_cast %select_n3A_121 : i32 to index
        %get3A_3324 = arith.index_cast %add3A_3309 : i32 to index
        %get3A_3325 = arith.constant 32 : index
        %get3A_3326 = tpu.vector_load %arg13[%get3A_3323, %get3A_3324, %get3A_3325] {strides = array<i32>} : memref<2x200x128xf32, #tpu.memory_space<vmem>>, vector<1x1x16xf32>,
        %get3A_3327 = vector.shape_cast %get3A_3326 : vector<1x1x16xf32> to vector<16xf32>
        %mul3A_3328 = arith.mulf %scan3A_397#2, %get3A_3327 : vector<16xf32>
        %add3A_3329 = arith.addf %add3A_3322, %mul3A_3328 : vector<16xf32>
        %get3A_3330 = arith.index_cast %select_n3A_121 : i32 to index
        %get3A_3331 = arith.index_cast %add3A_3309 : i32 to index
        %get3A_3332 = arith.constant 48 : index
        %get3A_3333 = tpu.vector_load %arg13[%get3A_3330, %get3A_3331, %get3A_3332] {strides = array<i32>} : memref<2x200x128xf32, #tpu.memory_space<vmem>>, vector<1x1x16xf32>,
        %get3A_3334 = vector.shape_cast %get3A_3333 : vector<1x1x16xf32> to vector<16xf32>
        %mul3A_3335 = arith.mulf %scan3A_397#3, %get3A_3334 : vector<16xf32>
        %add3A_3336 = arith.addf %add3A_3329, %mul3A_3335 : vector<16xf32>
        %get3A_3337 = arith.index_cast %select_n3A_121 : i32 to index
        %get3A_3338 = arith.index_cast %add3A_3309 : i32 to index
        %get3A_3339 = arith.constant 64 : index
        %get3A_3340 = tpu.vector_load %arg13[%get3A_3337, %get3A_3338, %get3A_3339] {strides = array<i32>} : memref<2x200x128xf32, #tpu.memory_space<vmem>>, vector<1x1x16xf32>,
        %get3A_3341 = vector.shape_cast %get3A_3340 : vector<1x1x16xf32> to vector<16xf32>
        %mul3A_3342 = arith.mulf %scan3A_397#4, %get3A_3341 : vector<16xf32>
        %add3A_3343 = arith.addf %add3A_3336, %mul3A_3342 : vector<16xf32>
        %get3A_3344 = arith.index_cast %select_n3A_121 : i32 to index
        %get3A_3345 = arith.index_cast %add3A_3309 : i32 to index
        %get3A_3346 = arith.constant 80 : index
        %get3A_3347 = tpu.vector_load %arg13[%get3A_3344, %get3A_3345, %get3A_3346] {strides = array<i32>} : memref<2x200x128xf32, #tpu.memory_space<vmem>>, vector<1x1x16xf32>,
        %get3A_3348 = vector.shape_cast %get3A_3347 : vector<1x1x16xf32> to vector<16xf32>
        %mul3A_3349 = arith.mulf %scan3A_397#5, %get3A_3348 : vector<16xf32>
        %add3A_3350 = arith.addf %add3A_3343, %mul3A_3349 : vector<16xf32>
        %get3A_3351 = arith.index_cast %select_n3A_121 : i32 to index
        %get3A_3352 = arith.index_cast %add3A_3309 : i32 to index
        %get3A_3353 = arith.constant 96 : index
        %get3A_3354 = tpu.vector_load %arg13[%get3A_3351, %get3A_3352, %get3A_3353] {strides = array<i32>} : memref<2x200x128xf32, #tpu.memory_space<vmem>>, vector<1x1x16xf32>,
        %get3A_3355 = vector.shape_cast %get3A_3354 : vector<1x1x16xf32> to vector<16xf32>
        %mul3A_3356 = arith.mulf %scan3A_397#6, %get3A_3355 : vector<16xf32>
        %add3A_3357 = arith.addf %add3A_3350, %mul3A_3356 : vector<16xf32>
        %get3A_3358 = arith.index_cast %select_n3A_121 : i32 to index
        %get3A_3359 = arith.index_cast %add3A_3309 : i32 to index
        %get3A_3360 = arith.constant 112 : index
        %get3A_3361 = tpu.vector_load %arg13[%get3A_3358, %get3A_3359, %get3A_3360] {strides = array<i32>} : memref<2x200x128xf32, #tpu.memory_space<vmem>>, vector<1x1x16xf32>,
        %get3A_3362 = vector.shape_cast %get3A_3361 : vector<1x1x16xf32> to vector<16xf32>
        %mul3A_3363 = arith.mulf %scan3A_397#7, %get3A_3362 : vector<16xf32>
        %add3A_3364 = arith.addf %add3A_3357, %mul3A_3363 : vector<16xf32>
        %add3A_3365 = arith.constant 32 : i32
        %add3A_3366 = arith.addi %mul3A_376, %add3A_3365 : i32
        %add3A_3367 = arith.constant 9 : i32
        %add3A_3368 = arith.addi %add3A_3366, %add3A_3367 : i32
        %get3A_3369 = arith.index_cast %select_n3A_121 : i32 to index
        %get3A_3370 = arith.index_cast %add3A_3368 : i32 to index
        %get3A_3371 = arith.constant 0 : index
        %get3A_3372 = tpu.vector_load %arg13[%get3A_3369, %get3A_3370, %get3A_3371] {strides = array<i32>} : memref<2x200x128xf32, #tpu.memory_space<vmem>>, vector<1x1x16xf32>,
        %get3A_3373 = vector.shape_cast %get3A_3372 : vector<1x1x16xf32> to vector<16xf32>
        %mul3A_3374 = arith.mulf %scan3A_397#0, %get3A_3373 : vector<16xf32>
        %get3A_3375 = arith.index_cast %select_n3A_121 : i32 to index
        %get3A_3376 = arith.index_cast %add3A_3368 : i32 to index
        %get3A_3377 = arith.constant 16 : index
        %get3A_3378 = tpu.vector_load %arg13[%get3A_3375, %get3A_3376, %get3A_3377] {strides = array<i32>} : memref<2x200x128xf32, #tpu.memory_space<vmem>>, vector<1x1x16xf32>,
        %get3A_3379 = vector.shape_cast %get3A_3378 : vector<1x1x16xf32> to vector<16xf32>
        %mul3A_3380 = arith.mulf %scan3A_397#1, %get3A_3379 : vector<16xf32>
        %add3A_3381 = arith.addf %mul3A_3374, %mul3A_3380 : vector<16xf32>
        %get3A_3382 = arith.index_cast %select_n3A_121 : i32 to index
        %get3A_3383 = arith.index_cast %add3A_3368 : i32 to index
        %get3A_3384 = arith.constant 32 : index
        %get3A_3385 = tpu.vector_load %arg13[%get3A_3382, %get3A_3383, %get3A_3384] {strides = array<i32>} : memref<2x200x128xf32, #tpu.memory_space<vmem>>, vector<1x1x16xf32>,
        %get3A_3386 = vector.shape_cast %get3A_3385 : vector<1x1x16xf32> to vector<16xf32>
        %mul3A_3387 = arith.mulf %scan3A_397#2, %get3A_3386 : vector<16xf32>
        %add3A_3388 = arith.addf %add3A_3381, %mul3A_3387 : vector<16xf32>
        %get3A_3389 = arith.index_cast %select_n3A_121 : i32 to index
        %get3A_3390 = arith.index_cast %add3A_3368 : i32 to index
        %get3A_3391 = arith.constant 48 : index
        %get3A_3392 = tpu.vector_load %arg13[%get3A_3389, %get3A_3390, %get3A_3391] {strides = array<i32>} : memref<2x200x128xf32, #tpu.memory_space<vmem>>, vector<1x1x16xf32>,
        %get3A_3393 = vector.shape_cast %get3A_3392 : vector<1x1x16xf32> to vector<16xf32>
        %mul3A_3394 = arith.mulf %scan3A_397#3, %get3A_3393 : vector<16xf32>
        %add3A_3395 = arith.addf %add3A_3388, %mul3A_3394 : vector<16xf32>
        %get3A_3396 = arith.index_cast %select_n3A_121 : i32 to index
        %get3A_3397 = arith.index_cast %add3A_3368 : i32 to index
        %get3A_3398 = arith.constant 64 : index
        %get3A_3399 = tpu.vector_load %arg13[%get3A_3396, %get3A_3397, %get3A_3398] {strides = array<i32>} : memref<2x200x128xf32, #tpu.memory_space<vmem>>, vector<1x1x16xf32>,
        %get3A_3400 = vector.shape_cast %get3A_3399 : vector<1x1x16xf32> to vector<16xf32>
        %mul3A_3401 = arith.mulf %scan3A_397#4, %get3A_3400 : vector<16xf32>
        %add3A_3402 = arith.addf %add3A_3395, %mul3A_3401 : vector<16xf32>
        %get3A_3403 = arith.index_cast %select_n3A_121 : i32 to index
        %get3A_3404 = arith.index_cast %add3A_3368 : i32 to index
        %get3A_3405 = arith.constant 80 : index
        %get3A_3406 = tpu.vector_load %arg13[%get3A_3403, %get3A_3404, %get3A_3405] {strides = array<i32>} : memref<2x200x128xf32, #tpu.memory_space<vmem>>, vector<1x1x16xf32>,
        %get3A_3407 = vector.shape_cast %get3A_3406 : vector<1x1x16xf32> to vector<16xf32>
        %mul3A_3408 = arith.mulf %scan3A_397#5, %get3A_3407 : vector<16xf32>
        %add3A_3409 = arith.addf %add3A_3402, %mul3A_3408 : vector<16xf32>
        %get3A_3410 = arith.index_cast %select_n3A_121 : i32 to index
        %get3A_3411 = arith.index_cast %add3A_3368 : i32 to index
        %get3A_3412 = arith.constant 96 : index
        %get3A_3413 = tpu.vector_load %arg13[%get3A_3410, %get3A_3411, %get3A_3412] {strides = array<i32>} : memref<2x200x128xf32, #tpu.memory_space<vmem>>, vector<1x1x16xf32>,
        %get3A_3414 = vector.shape_cast %get3A_3413 : vector<1x1x16xf32> to vector<16xf32>
        %mul3A_3415 = arith.mulf %scan3A_397#6, %get3A_3414 : vector<16xf32>
        %add3A_3416 = arith.addf %add3A_3409, %mul3A_3415 : vector<16xf32>
        %get3A_3417 = arith.index_cast %select_n3A_121 : i32 to index
        %get3A_3418 = arith.index_cast %add3A_3368 : i32 to index
        %get3A_3419 = arith.constant 112 : index
        %get3A_3420 = tpu.vector_load %arg13[%get3A_3417, %get3A_3418, %get3A_3419] {strides = array<i32>} : memref<2x200x128xf32, #tpu.memory_space<vmem>>, vector<1x1x16xf32>,
        %get3A_3421 = vector.shape_cast %get3A_3420 : vector<1x1x16xf32> to vector<16xf32>
        %mul3A_3422 = arith.mulf %scan3A_397#7, %get3A_3421 : vector<16xf32>
        %add3A_3423 = arith.addf %add3A_3416, %mul3A_3422 : vector<16xf32>
        %add3A_3424 = arith.constant 32 : i32
        %add3A_3425 = arith.addi %mul3A_376, %add3A_3424 : i32
        %add3A_3426 = arith.constant 10 : i32
        %add3A_3427 = arith.addi %add3A_3425, %add3A_3426 : i32
        %get3A_3428 = arith.index_cast %select_n3A_121 : i32 to index
        %get3A_3429 = arith.index_cast %add3A_3427 : i32 to index
        %get3A_3430 = arith.constant 0 : index
        %get3A_3431 = tpu.vector_load %arg13[%get3A_3428, %get3A_3429, %get3A_3430] {strides = array<i32>} : memref<2x200x128xf32, #tpu.memory_space<vmem>>, vector<1x1x16xf32>,
        %get3A_3432 = vector.shape_cast %get3A_3431 : vector<1x1x16xf32> to vector<16xf32>
        %mul3A_3433 = arith.mulf %scan3A_397#0, %get3A_3432 : vector<16xf32>
        %get3A_3434 = arith.index_cast %select_n3A_121 : i32 to index
        %get3A_3435 = arith.index_cast %add3A_3427 : i32 to index
        %get3A_3436 = arith.constant 16 : index
        %get3A_3437 = tpu.vector_load %arg13[%get3A_3434, %get3A_3435, %get3A_3436] {strides = array<i32>} : memref<2x200x128xf32, #tpu.memory_space<vmem>>, vector<1x1x16xf32>,
        %get3A_3438 = vector.shape_cast %get3A_3437 : vector<1x1x16xf32> to vector<16xf32>
        %mul3A_3439 = arith.mulf %scan3A_397#1, %get3A_3438 : vector<16xf32>
        %add3A_3440 = arith.addf %mul3A_3433, %mul3A_3439 : vector<16xf32>
        %get3A_3441 = arith.index_cast %select_n3A_121 : i32 to index
        %get3A_3442 = arith.index_cast %add3A_3427 : i32 to index
        %get3A_3443 = arith.constant 32 : index
        %get3A_3444 = tpu.vector_load %arg13[%get3A_3441, %get3A_3442, %get3A_3443] {strides = array<i32>} : memref<2x200x128xf32, #tpu.memory_space<vmem>>, vector<1x1x16xf32>,
        %get3A_3445 = vector.shape_cast %get3A_3444 : vector<1x1x16xf32> to vector<16xf32>
        %mul3A_3446 = arith.mulf %scan3A_397#2, %get3A_3445 : vector<16xf32>
        %add3A_3447 = arith.addf %add3A_3440, %mul3A_3446 : vector<16xf32>
        %get3A_3448 = arith.index_cast %select_n3A_121 : i32 to index
        %get3A_3449 = arith.index_cast %add3A_3427 : i32 to index
        %get3A_3450 = arith.constant 48 : index
        %get3A_3451 = tpu.vector_load %arg13[%get3A_3448, %get3A_3449, %get3A_3450] {strides = array<i32>} : memref<2x200x128xf32, #tpu.memory_space<vmem>>, vector<1x1x16xf32>,
        %get3A_3452 = vector.shape_cast %get3A_3451 : vector<1x1x16xf32> to vector<16xf32>
        %mul3A_3453 = arith.mulf %scan3A_397#3, %get3A_3452 : vector<16xf32>
        %add3A_3454 = arith.addf %add3A_3447, %mul3A_3453 : vector<16xf32>
        %get3A_3455 = arith.index_cast %select_n3A_121 : i32 to index
        %get3A_3456 = arith.index_cast %add3A_3427 : i32 to index
        %get3A_3457 = arith.constant 64 : index
        %get3A_3458 = tpu.vector_load %arg13[%get3A_3455, %get3A_3456, %get3A_3457] {strides = array<i32>} : memref<2x200x128xf32, #tpu.memory_space<vmem>>, vector<1x1x16xf32>,
        %get3A_3459 = vector.shape_cast %get3A_3458 : vector<1x1x16xf32> to vector<16xf32>
        %mul3A_3460 = arith.mulf %scan3A_397#4, %get3A_3459 : vector<16xf32>
        %add3A_3461 = arith.addf %add3A_3454, %mul3A_3460 : vector<16xf32>
        %get3A_3462 = arith.index_cast %select_n3A_121 : i32 to index
        %get3A_3463 = arith.index_cast %add3A_3427 : i32 to index
        %get3A_3464 = arith.constant 80 : index
        %get3A_3465 = tpu.vector_load %arg13[%get3A_3462, %get3A_3463, %get3A_3464] {strides = array<i32>} : memref<2x200x128xf32, #tpu.memory_space<vmem>>, vector<1x1x16xf32>,
        %get3A_3466 = vector.shape_cast %get3A_3465 : vector<1x1x16xf32> to vector<16xf32>
        %mul3A_3467 = arith.mulf %scan3A_397#5, %get3A_3466 : vector<16xf32>
        %add3A_3468 = arith.addf %add3A_3461, %mul3A_3467 : vector<16xf32>
        %get3A_3469 = arith.index_cast %select_n3A_121 : i32 to index
        %get3A_3470 = arith.index_cast %add3A_3427 : i32 to index
        %get3A_3471 = arith.constant 96 : index
        %get3A_3472 = tpu.vector_load %arg13[%get3A_3469, %get3A_3470, %get3A_3471] {strides = array<i32>} : memref<2x200x128xf32, #tpu.memory_space<vmem>>, vector<1x1x16xf32>,
        %get3A_3473 = vector.shape_cast %get3A_3472 : vector<1x1x16xf32> to vector<16xf32>
        %mul3A_3474 = arith.mulf %scan3A_397#6, %get3A_3473 : vector<16xf32>
        %add3A_3475 = arith.addf %add3A_3468, %mul3A_3474 : vector<16xf32>
        %get3A_3476 = arith.index_cast %select_n3A_121 : i32 to index
        %get3A_3477 = arith.index_cast %add3A_3427 : i32 to index
        %get3A_3478 = arith.constant 112 : index
        %get3A_3479 = tpu.vector_load %arg13[%get3A_3476, %get3A_3477, %get3A_3478] {strides = array<i32>} : memref<2x200x128xf32, #tpu.memory_space<vmem>>, vector<1x1x16xf32>,
        %get3A_3480 = vector.shape_cast %get3A_3479 : vector<1x1x16xf32> to vector<16xf32>
        %mul3A_3481 = arith.mulf %scan3A_397#7, %get3A_3480 : vector<16xf32>
        %add3A_3482 = arith.addf %add3A_3475, %mul3A_3481 : vector<16xf32>
        %add3A_3483 = arith.constant 32 : i32
        %add3A_3484 = arith.addi %mul3A_376, %add3A_3483 : i32
        %add3A_3485 = arith.constant 11 : i32
        %add3A_3486 = arith.addi %add3A_3484, %add3A_3485 : i32
        %get3A_3487 = arith.index_cast %select_n3A_121 : i32 to index
        %get3A_3488 = arith.index_cast %add3A_3486 : i32 to index
        %get3A_3489 = arith.constant 0 : index
        %get3A_3490 = tpu.vector_load %arg13[%get3A_3487, %get3A_3488, %get3A_3489] {strides = array<i32>} : memref<2x200x128xf32, #tpu.memory_space<vmem>>, vector<1x1x16xf32>,
        %get3A_3491 = vector.shape_cast %get3A_3490 : vector<1x1x16xf32> to vector<16xf32>
        %mul3A_3492 = arith.mulf %scan3A_397#0, %get3A_3491 : vector<16xf32>
        %get3A_3493 = arith.index_cast %select_n3A_121 : i32 to index
        %get3A_3494 = arith.index_cast %add3A_3486 : i32 to index
        %get3A_3495 = arith.constant 16 : index
        %get3A_3496 = tpu.vector_load %arg13[%get3A_3493, %get3A_3494, %get3A_3495] {strides = array<i32>} : memref<2x200x128xf32, #tpu.memory_space<vmem>>, vector<1x1x16xf32>,
        %get3A_3497 = vector.shape_cast %get3A_3496 : vector<1x1x16xf32> to vector<16xf32>
        %mul3A_3498 = arith.mulf %scan3A_397#1, %get3A_3497 : vector<16xf32>
        %add3A_3499 = arith.addf %mul3A_3492, %mul3A_3498 : vector<16xf32>
        %get3A_3500 = arith.index_cast %select_n3A_121 : i32 to index
        %get3A_3501 = arith.index_cast %add3A_3486 : i32 to index
        %get3A_3502 = arith.constant 32 : index
        %get3A_3503 = tpu.vector_load %arg13[%get3A_3500, %get3A_3501, %get3A_3502] {strides = array<i32>} : memref<2x200x128xf32, #tpu.memory_space<vmem>>, vector<1x1x16xf32>,
        %get3A_3504 = vector.shape_cast %get3A_3503 : vector<1x1x16xf32> to vector<16xf32>
        %mul3A_3505 = arith.mulf %scan3A_397#2, %get3A_3504 : vector<16xf32>
        %add3A_3506 = arith.addf %add3A_3499, %mul3A_3505 : vector<16xf32>
        %get3A_3507 = arith.index_cast %select_n3A_121 : i32 to index
        %get3A_3508 = arith.index_cast %add3A_3486 : i32 to index
        %get3A_3509 = arith.constant 48 : index
        %get3A_3510 = tpu.vector_load %arg13[%get3A_3507, %get3A_3508, %get3A_3509] {strides = array<i32>} : memref<2x200x128xf32, #tpu.memory_space<vmem>>, vector<1x1x16xf32>,
        %get3A_3511 = vector.shape_cast %get3A_3510 : vector<1x1x16xf32> to vector<16xf32>
        %mul3A_3512 = arith.mulf %scan3A_397#3, %get3A_3511 : vector<16xf32>
        %add3A_3513 = arith.addf %add3A_3506, %mul3A_3512 : vector<16xf32>
        %get3A_3514 = arith.index_cast %select_n3A_121 : i32 to index
        %get3A_3515 = arith.index_cast %add3A_3486 : i32 to index
        %get3A_3516 = arith.constant 64 : index
        %get3A_3517 = tpu.vector_load %arg13[%get3A_3514, %get3A_3515, %get3A_3516] {strides = array<i32>} : memref<2x200x128xf32, #tpu.memory_space<vmem>>, vector<1x1x16xf32>,
        %get3A_3518 = vector.shape_cast %get3A_3517 : vector<1x1x16xf32> to vector<16xf32>
        %mul3A_3519 = arith.mulf %scan3A_397#4, %get3A_3518 : vector<16xf32>
        %add3A_3520 = arith.addf %add3A_3513, %mul3A_3519 : vector<16xf32>
        %get3A_3521 = arith.index_cast %select_n3A_121 : i32 to index
        %get3A_3522 = arith.index_cast %add3A_3486 : i32 to index
        %get3A_3523 = arith.constant 80 : index
        %get3A_3524 = tpu.vector_load %arg13[%get3A_3521, %get3A_3522, %get3A_3523] {strides = array<i32>} : memref<2x200x128xf32, #tpu.memory_space<vmem>>, vector<1x1x16xf32>,
        %get3A_3525 = vector.shape_cast %get3A_3524 : vector<1x1x16xf32> to vector<16xf32>
        %mul3A_3526 = arith.mulf %scan3A_397#5, %get3A_3525 : vector<16xf32>
        %add3A_3527 = arith.addf %add3A_3520, %mul3A_3526 : vector<16xf32>
        %get3A_3528 = arith.index_cast %select_n3A_121 : i32 to index
        %get3A_3529 = arith.index_cast %add3A_3486 : i32 to index
        %get3A_3530 = arith.constant 96 : index
        %get3A_3531 = tpu.vector_load %arg13[%get3A_3528, %get3A_3529, %get3A_3530] {strides = array<i32>} : memref<2x200x128xf32, #tpu.memory_space<vmem>>, vector<1x1x16xf32>,
        %get3A_3532 = vector.shape_cast %get3A_3531 : vector<1x1x16xf32> to vector<16xf32>
        %mul3A_3533 = arith.mulf %scan3A_397#6, %get3A_3532 : vector<16xf32>
        %add3A_3534 = arith.addf %add3A_3527, %mul3A_3533 : vector<16xf32>
        %get3A_3535 = arith.index_cast %select_n3A_121 : i32 to index
        %get3A_3536 = arith.index_cast %add3A_3486 : i32 to index
        %get3A_3537 = arith.constant 112 : index
        %get3A_3538 = tpu.vector_load %arg13[%get3A_3535, %get3A_3536, %get3A_3537] {strides = array<i32>} : memref<2x200x128xf32, #tpu.memory_space<vmem>>, vector<1x1x16xf32>,
        %get3A_3539 = vector.shape_cast %get3A_3538 : vector<1x1x16xf32> to vector<16xf32>
        %mul3A_3540 = arith.mulf %scan3A_397#7, %get3A_3539 : vector<16xf32>
        %add3A_3541 = arith.addf %add3A_3534, %mul3A_3540 : vector<16xf32>
        %add3A_3542 = arith.constant 32 : i32
        %add3A_3543 = arith.addi %mul3A_376, %add3A_3542 : i32
        %add3A_3544 = arith.constant 12 : i32
        %add3A_3545 = arith.addi %add3A_3543, %add3A_3544 : i32
        %get3A_3546 = arith.index_cast %select_n3A_121 : i32 to index
        %get3A_3547 = arith.index_cast %add3A_3545 : i32 to index
        %get3A_3548 = arith.constant 0 : index
        %get3A_3549 = tpu.vector_load %arg13[%get3A_3546, %get3A_3547, %get3A_3548] {strides = array<i32>} : memref<2x200x128xf32, #tpu.memory_space<vmem>>, vector<1x1x16xf32>,
        %get3A_3550 = vector.shape_cast %get3A_3549 : vector<1x1x16xf32> to vector<16xf32>
        %mul3A_3551 = arith.mulf %scan3A_397#0, %get3A_3550 : vector<16xf32>
        %get3A_3552 = arith.index_cast %select_n3A_121 : i32 to index
        %get3A_3553 = arith.index_cast %add3A_3545 : i32 to index
        %get3A_3554 = arith.constant 16 : index
        %get3A_3555 = tpu.vector_load %arg13[%get3A_3552, %get3A_3553, %get3A_3554] {strides = array<i32>} : memref<2x200x128xf32, #tpu.memory_space<vmem>>, vector<1x1x16xf32>,
        %get3A_3556 = vector.shape_cast %get3A_3555 : vector<1x1x16xf32> to vector<16xf32>
        %mul3A_3557 = arith.mulf %scan3A_397#1, %get3A_3556 : vector<16xf32>
        %add3A_3558 = arith.addf %mul3A_3551, %mul3A_3557 : vector<16xf32>
        %get3A_3559 = arith.index_cast %select_n3A_121 : i32 to index
        %get3A_3560 = arith.index_cast %add3A_3545 : i32 to index
        %get3A_3561 = arith.constant 32 : index
        %get3A_3562 = tpu.vector_load %arg13[%get3A_3559, %get3A_3560, %get3A_3561] {strides = array<i32>} : memref<2x200x128xf32, #tpu.memory_space<vmem>>, vector<1x1x16xf32>,
        %get3A_3563 = vector.shape_cast %get3A_3562 : vector<1x1x16xf32> to vector<16xf32>
        %mul3A_3564 = arith.mulf %scan3A_397#2, %get3A_3563 : vector<16xf32>
        %add3A_3565 = arith.addf %add3A_3558, %mul3A_3564 : vector<16xf32>
        %get3A_3566 = arith.index_cast %select_n3A_121 : i32 to index
        %get3A_3567 = arith.index_cast %add3A_3545 : i32 to index
        %get3A_3568 = arith.constant 48 : index
        %get3A_3569 = tpu.vector_load %arg13[%get3A_3566, %get3A_3567, %get3A_3568] {strides = array<i32>} : memref<2x200x128xf32, #tpu.memory_space<vmem>>, vector<1x1x16xf32>,
        %get3A_3570 = vector.shape_cast %get3A_3569 : vector<1x1x16xf32> to vector<16xf32>
        %mul3A_3571 = arith.mulf %scan3A_397#3, %get3A_3570 : vector<16xf32>
        %add3A_3572 = arith.addf %add3A_3565, %mul3A_3571 : vector<16xf32>
        %get3A_3573 = arith.index_cast %select_n3A_121 : i32 to index
        %get3A_3574 = arith.index_cast %add3A_3545 : i32 to index
        %get3A_3575 = arith.constant 64 : index
        %get3A_3576 = tpu.vector_load %arg13[%get3A_3573, %get3A_3574, %get3A_3575] {strides = array<i32>} : memref<2x200x128xf32, #tpu.memory_space<vmem>>, vector<1x1x16xf32>,
        %get3A_3577 = vector.shape_cast %get3A_3576 : vector<1x1x16xf32> to vector<16xf32>
        %mul3A_3578 = arith.mulf %scan3A_397#4, %get3A_3577 : vector<16xf32>
        %add3A_3579 = arith.addf %add3A_3572, %mul3A_3578 : vector<16xf32>
        %get3A_3580 = arith.index_cast %select_n3A_121 : i32 to index
        %get3A_3581 = arith.index_cast %add3A_3545 : i32 to index
        %get3A_3582 = arith.constant 80 : index
        %get3A_3583 = tpu.vector_load %arg13[%get3A_3580, %get3A_3581, %get3A_3582] {strides = array<i32>} : memref<2x200x128xf32, #tpu.memory_space<vmem>>, vector<1x1x16xf32>,
        %get3A_3584 = vector.shape_cast %get3A_3583 : vector<1x1x16xf32> to vector<16xf32>
        %mul3A_3585 = arith.mulf %scan3A_397#5, %get3A_3584 : vector<16xf32>
        %add3A_3586 = arith.addf %add3A_3579, %mul3A_3585 : vector<16xf32>
        %get3A_3587 = arith.index_cast %select_n3A_121 : i32 to index
        %get3A_3588 = arith.index_cast %add3A_3545 : i32 to index
        %get3A_3589 = arith.constant 96 : index
        %get3A_3590 = tpu.vector_load %arg13[%get3A_3587, %get3A_3588, %get3A_3589] {strides = array<i32>} : memref<2x200x128xf32, #tpu.memory_space<vmem>>, vector<1x1x16xf32>,
        %get3A_3591 = vector.shape_cast %get3A_3590 : vector<1x1x16xf32> to vector<16xf32>
        %mul3A_3592 = arith.mulf %scan3A_397#6, %get3A_3591 : vector<16xf32>
        %add3A_3593 = arith.addf %add3A_3586, %mul3A_3592 : vector<16xf32>
        %get3A_3594 = arith.index_cast %select_n3A_121 : i32 to index
        %get3A_3595 = arith.index_cast %add3A_3545 : i32 to index
        %get3A_3596 = arith.constant 112 : index
        %get3A_3597 = tpu.vector_load %arg13[%get3A_3594, %get3A_3595, %get3A_3596] {strides = array<i32>} : memref<2x200x128xf32, #tpu.memory_space<vmem>>, vector<1x1x16xf32>,
        %get3A_3598 = vector.shape_cast %get3A_3597 : vector<1x1x16xf32> to vector<16xf32>
        %mul3A_3599 = arith.mulf %scan3A_397#7, %get3A_3598 : vector<16xf32>
        %add3A_3600 = arith.addf %add3A_3593, %mul3A_3599 : vector<16xf32>
        %add3A_3601 = arith.constant 32 : i32
        %add3A_3602 = arith.addi %mul3A_376, %add3A_3601 : i32
        %add3A_3603 = arith.constant 13 : i32
        %add3A_3604 = arith.addi %add3A_3602, %add3A_3603 : i32
        %get3A_3605 = arith.index_cast %select_n3A_121 : i32 to index
        %get3A_3606 = arith.index_cast %add3A_3604 : i32 to index
        %get3A_3607 = arith.constant 0 : index
        %get3A_3608 = tpu.vector_load %arg13[%get3A_3605, %get3A_3606, %get3A_3607] {strides = array<i32>} : memref<2x200x128xf32, #tpu.memory_space<vmem>>, vector<1x1x16xf32>,
        %get3A_3609 = vector.shape_cast %get3A_3608 : vector<1x1x16xf32> to vector<16xf32>
        %mul3A_3610 = arith.mulf %scan3A_397#0, %get3A_3609 : vector<16xf32>
        %get3A_3611 = arith.index_cast %select_n3A_121 : i32 to index
        %get3A_3612 = arith.index_cast %add3A_3604 : i32 to index
        %get3A_3613 = arith.constant 16 : index
        %get3A_3614 = tpu.vector_load %arg13[%get3A_3611, %get3A_3612, %get3A_3613] {strides = array<i32>} : memref<2x200x128xf32, #tpu.memory_space<vmem>>, vector<1x1x16xf32>,
        %get3A_3615 = vector.shape_cast %get3A_3614 : vector<1x1x16xf32> to vector<16xf32>
        %mul3A_3616 = arith.mulf %scan3A_397#1, %get3A_3615 : vector<16xf32>
        %add3A_3617 = arith.addf %mul3A_3610, %mul3A_3616 : vector<16xf32>
        %get3A_3618 = arith.index_cast %select_n3A_121 : i32 to index
        %get3A_3619 = arith.index_cast %add3A_3604 : i32 to index
        %get3A_3620 = arith.constant 32 : index
        %get3A_3621 = tpu.vector_load %arg13[%get3A_3618, %get3A_3619, %get3A_3620] {strides = array<i32>} : memref<2x200x128xf32, #tpu.memory_space<vmem>>, vector<1x1x16xf32>,
        %get3A_3622 = vector.shape_cast %get3A_3621 : vector<1x1x16xf32> to vector<16xf32>
        %mul3A_3623 = arith.mulf %scan3A_397#2, %get3A_3622 : vector<16xf32>
        %add3A_3624 = arith.addf %add3A_3617, %mul3A_3623 : vector<16xf32>
        %get3A_3625 = arith.index_cast %select_n3A_121 : i32 to index
        %get3A_3626 = arith.index_cast %add3A_3604 : i32 to index
        %get3A_3627 = arith.constant 48 : index
        %get3A_3628 = tpu.vector_load %arg13[%get3A_3625, %get3A_3626, %get3A_3627] {strides = array<i32>} : memref<2x200x128xf32, #tpu.memory_space<vmem>>, vector<1x1x16xf32>,
        %get3A_3629 = vector.shape_cast %get3A_3628 : vector<1x1x16xf32> to vector<16xf32>
        %mul3A_3630 = arith.mulf %scan3A_397#3, %get3A_3629 : vector<16xf32>
        %add3A_3631 = arith.addf %add3A_3624, %mul3A_3630 : vector<16xf32>
        %get3A_3632 = arith.index_cast %select_n3A_121 : i32 to index
        %get3A_3633 = arith.index_cast %add3A_3604 : i32 to index
        %get3A_3634 = arith.constant 64 : index
        %get3A_3635 = tpu.vector_load %arg13[%get3A_3632, %get3A_3633, %get3A_3634] {strides = array<i32>} : memref<2x200x128xf32, #tpu.memory_space<vmem>>, vector<1x1x16xf32>,
        %get3A_3636 = vector.shape_cast %get3A_3635 : vector<1x1x16xf32> to vector<16xf32>
        %mul3A_3637 = arith.mulf %scan3A_397#4, %get3A_3636 : vector<16xf32>
        %add3A_3638 = arith.addf %add3A_3631, %mul3A_3637 : vector<16xf32>
        %get3A_3639 = arith.index_cast %select_n3A_121 : i32 to index
        %get3A_3640 = arith.index_cast %add3A_3604 : i32 to index
        %get3A_3641 = arith.constant 80 : index
        %get3A_3642 = tpu.vector_load %arg13[%get3A_3639, %get3A_3640, %get3A_3641] {strides = array<i32>} : memref<2x200x128xf32, #tpu.memory_space<vmem>>, vector<1x1x16xf32>,
        %get3A_3643 = vector.shape_cast %get3A_3642 : vector<1x1x16xf32> to vector<16xf32>
        %mul3A_3644 = arith.mulf %scan3A_397#5, %get3A_3643 : vector<16xf32>
        %add3A_3645 = arith.addf %add3A_3638, %mul3A_3644 : vector<16xf32>
        %get3A_3646 = arith.index_cast %select_n3A_121 : i32 to index
        %get3A_3647 = arith.index_cast %add3A_3604 : i32 to index
        %get3A_3648 = arith.constant 96 : index
        %get3A_3649 = tpu.vector_load %arg13[%get3A_3646, %get3A_3647, %get3A_3648] {strides = array<i32>} : memref<2x200x128xf32, #tpu.memory_space<vmem>>, vector<1x1x16xf32>,
        %get3A_3650 = vector.shape_cast %get3A_3649 : vector<1x1x16xf32> to vector<16xf32>
        %mul3A_3651 = arith.mulf %scan3A_397#6, %get3A_3650 : vector<16xf32>
        %add3A_3652 = arith.addf %add3A_3645, %mul3A_3651 : vector<16xf32>
        %get3A_3653 = arith.index_cast %select_n3A_121 : i32 to index
        %get3A_3654 = arith.index_cast %add3A_3604 : i32 to index
        %get3A_3655 = arith.constant 112 : index
        %get3A_3656 = tpu.vector_load %arg13[%get3A_3653, %get3A_3654, %get3A_3655] {strides = array<i32>} : memref<2x200x128xf32, #tpu.memory_space<vmem>>, vector<1x1x16xf32>,
        %get3A_3657 = vector.shape_cast %get3A_3656 : vector<1x1x16xf32> to vector<16xf32>
        %mul3A_3658 = arith.mulf %scan3A_397#7, %get3A_3657 : vector<16xf32>
        %add3A_3659 = arith.addf %add3A_3652, %mul3A_3658 : vector<16xf32>
        %add3A_3660 = arith.constant 32 : i32
        %add3A_3661 = arith.addi %mul3A_376, %add3A_3660 : i32
        %add3A_3662 = arith.constant 14 : i32
        %add3A_3663 = arith.addi %add3A_3661, %add3A_3662 : i32
        %get3A_3664 = arith.index_cast %select_n3A_121 : i32 to index
        %get3A_3665 = arith.index_cast %add3A_3663 : i32 to index
        %get3A_3666 = arith.constant 0 : index
        %get3A_3667 = tpu.vector_load %arg13[%get3A_3664, %get3A_3665, %get3A_3666] {strides = array<i32>} : memref<2x200x128xf32, #tpu.memory_space<vmem>>, vector<1x1x16xf32>,
        %get3A_3668 = vector.shape_cast %get3A_3667 : vector<1x1x16xf32> to vector<16xf32>
        %mul3A_3669 = arith.mulf %scan3A_397#0, %get3A_3668 : vector<16xf32>
        %get3A_3670 = arith.index_cast %select_n3A_121 : i32 to index
        %get3A_3671 = arith.index_cast %add3A_3663 : i32 to index
        %get3A_3672 = arith.constant 16 : index
        %get3A_3673 = tpu.vector_load %arg13[%get3A_3670, %get3A_3671, %get3A_3672] {strides = array<i32>} : memref<2x200x128xf32, #tpu.memory_space<vmem>>, vector<1x1x16xf32>,
        %get3A_3674 = vector.shape_cast %get3A_3673 : vector<1x1x16xf32> to vector<16xf32>
        %mul3A_3675 = arith.mulf %scan3A_397#1, %get3A_3674 : vector<16xf32>
        %add3A_3676 = arith.addf %mul3A_3669, %mul3A_3675 : vector<16xf32>
        %get3A_3677 = arith.index_cast %select_n3A_121 : i32 to index
        %get3A_3678 = arith.index_cast %add3A_3663 : i32 to index
        %get3A_3679 = arith.constant 32 : index
        %get3A_3680 = tpu.vector_load %arg13[%get3A_3677, %get3A_3678, %get3A_3679] {strides = array<i32>} : memref<2x200x128xf32, #tpu.memory_space<vmem>>, vector<1x1x16xf32>,
        %get3A_3681 = vector.shape_cast %get3A_3680 : vector<1x1x16xf32> to vector<16xf32>
        %mul3A_3682 = arith.mulf %scan3A_397#2, %get3A_3681 : vector<16xf32>
        %add3A_3683 = arith.addf %add3A_3676, %mul3A_3682 : vector<16xf32>
        %get3A_3684 = arith.index_cast %select_n3A_121 : i32 to index
        %get3A_3685 = arith.index_cast %add3A_3663 : i32 to index
        %get3A_3686 = arith.constant 48 : index
        %get3A_3687 = tpu.vector_load %arg13[%get3A_3684, %get3A_3685, %get3A_3686] {strides = array<i32>} : memref<2x200x128xf32, #tpu.memory_space<vmem>>, vector<1x1x16xf32>,
        %get3A_3688 = vector.shape_cast %get3A_3687 : vector<1x1x16xf32> to vector<16xf32>
        %mul3A_3689 = arith.mulf %scan3A_397#3, %get3A_3688 : vector<16xf32>
        %add3A_3690 = arith.addf %add3A_3683, %mul3A_3689 : vector<16xf32>
        %get3A_3691 = arith.index_cast %select_n3A_121 : i32 to index
        %get3A_3692 = arith.index_cast %add3A_3663 : i32 to index
        %get3A_3693 = arith.constant 64 : index
        %get3A_3694 = tpu.vector_load %arg13[%get3A_3691, %get3A_3692, %get3A_3693] {strides = array<i32>} : memref<2x200x128xf32, #tpu.memory_space<vmem>>, vector<1x1x16xf32>,
        %get3A_3695 = vector.shape_cast %get3A_3694 : vector<1x1x16xf32> to vector<16xf32>
        %mul3A_3696 = arith.mulf %scan3A_397#4, %get3A_3695 : vector<16xf32>
        %add3A_3697 = arith.addf %add3A_3690, %mul3A_3696 : vector<16xf32>
        %get3A_3698 = arith.index_cast %select_n3A_121 : i32 to index
        %get3A_3699 = arith.index_cast %add3A_3663 : i32 to index
        %get3A_3700 = arith.constant 80 : index
        %get3A_3701 = tpu.vector_load %arg13[%get3A_3698, %get3A_3699, %get3A_3700] {strides = array<i32>} : memref<2x200x128xf32, #tpu.memory_space<vmem>>, vector<1x1x16xf32>,
        %get3A_3702 = vector.shape_cast %get3A_3701 : vector<1x1x16xf32> to vector<16xf32>
        %mul3A_3703 = arith.mulf %scan3A_397#5, %get3A_3702 : vector<16xf32>
        %add3A_3704 = arith.addf %add3A_3697, %mul3A_3703 : vector<16xf32>
        %get3A_3705 = arith.index_cast %select_n3A_121 : i32 to index
        %get3A_3706 = arith.index_cast %add3A_3663 : i32 to index
        %get3A_3707 = arith.constant 96 : index
        %get3A_3708 = tpu.vector_load %arg13[%get3A_3705, %get3A_3706, %get3A_3707] {strides = array<i32>} : memref<2x200x128xf32, #tpu.memory_space<vmem>>, vector<1x1x16xf32>,
        %get3A_3709 = vector.shape_cast %get3A_3708 : vector<1x1x16xf32> to vector<16xf32>
        %mul3A_3710 = arith.mulf %scan3A_397#6, %get3A_3709 : vector<16xf32>
        %add3A_3711 = arith.addf %add3A_3704, %mul3A_3710 : vector<16xf32>
        %get3A_3712 = arith.index_cast %select_n3A_121 : i32 to index
        %get3A_3713 = arith.index_cast %add3A_3663 : i32 to index
        %get3A_3714 = arith.constant 112 : index
        %get3A_3715 = tpu.vector_load %arg13[%get3A_3712, %get3A_3713, %get3A_3714] {strides = array<i32>} : memref<2x200x128xf32, #tpu.memory_space<vmem>>, vector<1x1x16xf32>,
        %get3A_3716 = vector.shape_cast %get3A_3715 : vector<1x1x16xf32> to vector<16xf32>
        %mul3A_3717 = arith.mulf %scan3A_397#7, %get3A_3716 : vector<16xf32>
        %add3A_3718 = arith.addf %add3A_3711, %mul3A_3717 : vector<16xf32>
        %add3A_3719 = arith.constant 32 : i32
        %add3A_3720 = arith.addi %mul3A_376, %add3A_3719 : i32
        %add3A_3721 = arith.constant 15 : i32
        %add3A_3722 = arith.addi %add3A_3720, %add3A_3721 : i32
        %get3A_3723 = arith.index_cast %select_n3A_121 : i32 to index
        %get3A_3724 = arith.index_cast %add3A_3722 : i32 to index
        %get3A_3725 = arith.constant 0 : index
        %get3A_3726 = tpu.vector_load %arg13[%get3A_3723, %get3A_3724, %get3A_3725] {strides = array<i32>} : memref<2x200x128xf32, #tpu.memory_space<vmem>>, vector<1x1x16xf32>,
        %get3A_3727 = vector.shape_cast %get3A_3726 : vector<1x1x16xf32> to vector<16xf32>
        %mul3A_3728 = arith.mulf %scan3A_397#0, %get3A_3727 : vector<16xf32>
        %get3A_3729 = arith.index_cast %select_n3A_121 : i32 to index
        %get3A_3730 = arith.index_cast %add3A_3722 : i32 to index
        %get3A_3731 = arith.constant 16 : index
        %get3A_3732 = tpu.vector_load %arg13[%get3A_3729, %get3A_3730, %get3A_3731] {strides = array<i32>} : memref<2x200x128xf32, #tpu.memory_space<vmem>>, vector<1x1x16xf32>,
        %get3A_3733 = vector.shape_cast %get3A_3732 : vector<1x1x16xf32> to vector<16xf32>
        %mul3A_3734 = arith.mulf %scan3A_397#1, %get3A_3733 : vector<16xf32>
        %add3A_3735 = arith.addf %mul3A_3728, %mul3A_3734 : vector<16xf32>
        %get3A_3736 = arith.index_cast %select_n3A_121 : i32 to index
        %get3A_3737 = arith.index_cast %add3A_3722 : i32 to index
        %get3A_3738 = arith.constant 32 : index
        %get3A_3739 = tpu.vector_load %arg13[%get3A_3736, %get3A_3737, %get3A_3738] {strides = array<i32>} : memref<2x200x128xf32, #tpu.memory_space<vmem>>, vector<1x1x16xf32>,
        %get3A_3740 = vector.shape_cast %get3A_3739 : vector<1x1x16xf32> to vector<16xf32>
        %mul3A_3741 = arith.mulf %scan3A_397#2, %get3A_3740 : vector<16xf32>
        %add3A_3742 = arith.addf %add3A_3735, %mul3A_3741 : vector<16xf32>
        %get3A_3743 = arith.index_cast %select_n3A_121 : i32 to index
        %get3A_3744 = arith.index_cast %add3A_3722 : i32 to index
        %get3A_3745 = arith.constant 48 : index
        %get3A_3746 = tpu.vector_load %arg13[%get3A_3743, %get3A_3744, %get3A_3745] {strides = array<i32>} : memref<2x200x128xf32, #tpu.memory_space<vmem>>, vector<1x1x16xf32>,
        %get3A_3747 = vector.shape_cast %get3A_3746 : vector<1x1x16xf32> to vector<16xf32>
        %mul3A_3748 = arith.mulf %scan3A_397#3, %get3A_3747 : vector<16xf32>
        %add3A_3749 = arith.addf %add3A_3742, %mul3A_3748 : vector<16xf32>
        %get3A_3750 = arith.index_cast %select_n3A_121 : i32 to index
        %get3A_3751 = arith.index_cast %add3A_3722 : i32 to index
        %get3A_3752 = arith.constant 64 : index
        %get3A_3753 = tpu.vector_load %arg13[%get3A_3750, %get3A_3751, %get3A_3752] {strides = array<i32>} : memref<2x200x128xf32, #tpu.memory_space<vmem>>, vector<1x1x16xf32>,
        %get3A_3754 = vector.shape_cast %get3A_3753 : vector<1x1x16xf32> to vector<16xf32>
        %mul3A_3755 = arith.mulf %scan3A_397#4, %get3A_3754 : vector<16xf32>
        %add3A_3756 = arith.addf %add3A_3749, %mul3A_3755 : vector<16xf32>
        %get3A_3757 = arith.index_cast %select_n3A_121 : i32 to index
        %get3A_3758 = arith.index_cast %add3A_3722 : i32 to index
        %get3A_3759 = arith.constant 80 : index
        %get3A_3760 = tpu.vector_load %arg13[%get3A_3757, %get3A_3758, %get3A_3759] {strides = array<i32>} : memref<2x200x128xf32, #tpu.memory_space<vmem>>, vector<1x1x16xf32>,
        %get3A_3761 = vector.shape_cast %get3A_3760 : vector<1x1x16xf32> to vector<16xf32>
        %mul3A_3762 = arith.mulf %scan3A_397#5, %get3A_3761 : vector<16xf32>
        %add3A_3763 = arith.addf %add3A_3756, %mul3A_3762 : vector<16xf32>
        %get3A_3764 = arith.index_cast %select_n3A_121 : i32 to index
        %get3A_3765 = arith.index_cast %add3A_3722 : i32 to index
        %get3A_3766 = arith.constant 96 : index
        %get3A_3767 = tpu.vector_load %arg13[%get3A_3764, %get3A_3765, %get3A_3766] {strides = array<i32>} : memref<2x200x128xf32, #tpu.memory_space<vmem>>, vector<1x1x16xf32>,
        %get3A_3768 = vector.shape_cast %get3A_3767 : vector<1x1x16xf32> to vector<16xf32>
        %mul3A_3769 = arith.mulf %scan3A_397#6, %get3A_3768 : vector<16xf32>
        %add3A_3770 = arith.addf %add3A_3763, %mul3A_3769 : vector<16xf32>
        %get3A_3771 = arith.index_cast %select_n3A_121 : i32 to index
        %get3A_3772 = arith.index_cast %add3A_3722 : i32 to index
        %get3A_3773 = arith.constant 112 : index
        %get3A_3774 = tpu.vector_load %arg13[%get3A_3771, %get3A_3772, %get3A_3773] {strides = array<i32>} : memref<2x200x128xf32, #tpu.memory_space<vmem>>, vector<1x1x16xf32>,
        %get3A_3775 = vector.shape_cast %get3A_3774 : vector<1x1x16xf32> to vector<16xf32>
        %mul3A_3776 = arith.mulf %scan3A_397#7, %get3A_3775 : vector<16xf32>
        %add3A_3777 = arith.addf %add3A_3770, %mul3A_3776 : vector<16xf32>
        %xor3A_3778 = arith.constant 1 : i32
        %xor3A_3779 = vector.broadcast %xor3A_3778 : i32 to vector<16xi32>
        %xor3A_3780 = arith.xori %iota3A, %xor3A_3779 : vector<16xi32>
        %broadcast_in_dim3A_3781 = vector.shape_cast %xor3A_3780 : vector<16xi32> to vector<16x1xi32>
        %gather3A_3782 = vector.shape_cast %broadcast_in_dim3A_3781 : vector<16x1xi32> to vector<16xi32>
        %gather3A_3783 = tpu.dynamic_gather %add3A_2892[%gather3A_3782] in [0] : vector<16xf32>, vector<16xi32> -> vector<16xf32>
        %add3A_3784 = arith.addf %add3A_2892, %gather3A_3783 : vector<16xf32>
        %xor3A_3785 = arith.constant 1 : i32
        %xor3A_3786 = vector.broadcast %xor3A_3785 : i32 to vector<16xi32>
        %xor3A_3787 = arith.xori %iota3A, %xor3A_3786 : vector<16xi32>
        %broadcast_in_dim3A_3788 = vector.shape_cast %xor3A_3787 : vector<16xi32> to vector<16x1xi32>
        %gather3A_3789 = vector.shape_cast %broadcast_in_dim3A_3788 : vector<16x1xi32> to vector<16xi32>
        %gather3A_3790 = tpu.dynamic_gather %add3A_2951[%gather3A_3789] in [0] : vector<16xf32>, vector<16xi32> -> vector<16xf32>
        %add3A_3791 = arith.addf %add3A_2951, %gather3A_3790 : vector<16xf32>
        %select_n3A_3792 = arith.select %eq3A_6, %add3A_3784, %add3A_3791 : vector<16xi1>, vector<16xf32>
        %xor3A_3793 = arith.constant 1 : i32
        %xor3A_3794 = vector.broadcast %xor3A_3793 : i32 to vector<16xi32>
        %xor3A_3795 = arith.xori %iota3A, %xor3A_3794 : vector<16xi32>
        %broadcast_in_dim3A_3796 = vector.shape_cast %xor3A_3795 : vector<16xi32> to vector<16x1xi32>
        %gather3A_3797 = vector.shape_cast %broadcast_in_dim3A_3796 : vector<16x1xi32> to vector<16xi32>
        %gather3A_3798 = tpu.dynamic_gather %add3A_3010[%gather3A_3797] in [0] : vector<16xf32>, vector<16xi32> -> vector<16xf32>
        %add3A_3799 = arith.addf %add3A_3010, %gather3A_3798 : vector<16xf32>
        %xor3A_3800 = arith.constant 1 : i32
        %xor3A_3801 = vector.broadcast %xor3A_3800 : i32 to vector<16xi32>
        %xor3A_3802 = arith.xori %iota3A, %xor3A_3801 : vector<16xi32>
        %broadcast_in_dim3A_3803 = vector.shape_cast %xor3A_3802 : vector<16xi32> to vector<16x1xi32>
        %gather3A_3804 = vector.shape_cast %broadcast_in_dim3A_3803 : vector<16x1xi32> to vector<16xi32>
        %gather3A_3805 = tpu.dynamic_gather %add3A_3069[%gather3A_3804] in [0] : vector<16xf32>, vector<16xi32> -> vector<16xf32>
        %add3A_3806 = arith.addf %add3A_3069, %gather3A_3805 : vector<16xf32>
        %select_n3A_3807 = arith.select %eq3A_6, %add3A_3799, %add3A_3806 : vector<16xi1>, vector<16xf32>
        %xor3A_3808 = arith.constant 1 : i32
        %xor3A_3809 = vector.broadcast %xor3A_3808 : i32 to vector<16xi32>
        %xor3A_3810 = arith.xori %iota3A, %xor3A_3809 : vector<16xi32>
        %broadcast_in_dim3A_3811 = vector.shape_cast %xor3A_3810 : vector<16xi32> to vector<16x1xi32>
        %gather3A_3812 = vector.shape_cast %broadcast_in_dim3A_3811 : vector<16x1xi32> to vector<16xi32>
        %gather3A_3813 = tpu.dynamic_gather %add3A_3128[%gather3A_3812] in [0] : vector<16xf32>, vector<16xi32> -> vector<16xf32>
        %add3A_3814 = arith.addf %add3A_3128, %gather3A_3813 : vector<16xf32>
        %xor3A_3815 = arith.constant 1 : i32
        %xor3A_3816 = vector.broadcast %xor3A_3815 : i32 to vector<16xi32>
        %xor3A_3817 = arith.xori %iota3A, %xor3A_3816 : vector<16xi32>
        %broadcast_in_dim3A_3818 = vector.shape_cast %xor3A_3817 : vector<16xi32> to vector<16x1xi32>
        %gather3A_3819 = vector.shape_cast %broadcast_in_dim3A_3818 : vector<16x1xi32> to vector<16xi32>
        %gather3A_3820 = tpu.dynamic_gather %add3A_3187[%gather3A_3819] in [0] : vector<16xf32>, vector<16xi32> -> vector<16xf32>
        %add3A_3821 = arith.addf %add3A_3187, %gather3A_3820 : vector<16xf32>
        %select_n3A_3822 = arith.select %eq3A_6, %add3A_3814, %add3A_3821 : vector<16xi1>, vector<16xf32>
        %xor3A_3823 = arith.constant 1 : i32
        %xor3A_3824 = vector.broadcast %xor3A_3823 : i32 to vector<16xi32>
        %xor3A_3825 = arith.xori %iota3A, %xor3A_3824 : vector<16xi32>
        %broadcast_in_dim3A_3826 = vector.shape_cast %xor3A_3825 : vector<16xi32> to vector<16x1xi32>
        %gather3A_3827 = vector.shape_cast %broadcast_in_dim3A_3826 : vector<16x1xi32> to vector<16xi32>
        %gather3A_3828 = tpu.dynamic_gather %add3A_3246[%gather3A_3827] in [0] : vector<16xf32>, vector<16xi32> -> vector<16xf32>
        %add3A_3829 = arith.addf %add3A_3246, %gather3A_3828 : vector<16xf32>
        %xor3A_3830 = arith.constant 1 : i32
        %xor3A_3831 = vector.broadcast %xor3A_3830 : i32 to vector<16xi32>
        %xor3A_3832 = arith.xori %iota3A, %xor3A_3831 : vector<16xi32>
        %broadcast_in_dim3A_3833 = vector.shape_cast %xor3A_3832 : vector<16xi32> to vector<16x1xi32>
        %gather3A_3834 = vector.shape_cast %broadcast_in_dim3A_3833 : vector<16x1xi32> to vector<16xi32>
        %gather3A_3835 = tpu.dynamic_gather %add3A_3305[%gather3A_3834] in [0] : vector<16xf32>, vector<16xi32> -> vector<16xf32>
        %add3A_3836 = arith.addf %add3A_3305, %gather3A_3835 : vector<16xf32>
        %select_n3A_3837 = arith.select %eq3A_6, %add3A_3829, %add3A_3836 : vector<16xi1>, vector<16xf32>
        %xor3A_3838 = arith.constant 1 : i32
        %xor3A_3839 = vector.broadcast %xor3A_3838 : i32 to vector<16xi32>
        %xor3A_3840 = arith.xori %iota3A, %xor3A_3839 : vector<16xi32>
        %broadcast_in_dim3A_3841 = vector.shape_cast %xor3A_3840 : vector<16xi32> to vector<16x1xi32>
        %gather3A_3842 = vector.shape_cast %broadcast_in_dim3A_3841 : vector<16x1xi32> to vector<16xi32>
        %gather3A_3843 = tpu.dynamic_gather %add3A_3364[%gather3A_3842] in [0] : vector<16xf32>, vector<16xi32> -> vector<16xf32>
        %add3A_3844 = arith.addf %add3A_3364, %gather3A_3843 : vector<16xf32>
        %xor3A_3845 = arith.constant 1 : i32
        %xor3A_3846 = vector.broadcast %xor3A_3845 : i32 to vector<16xi32>
        %xor3A_3847 = arith.xori %iota3A, %xor3A_3846 : vector<16xi32>
        %broadcast_in_dim3A_3848 = vector.shape_cast %xor3A_3847 : vector<16xi32> to vector<16x1xi32>
        %gather3A_3849 = vector.shape_cast %broadcast_in_dim3A_3848 : vector<16x1xi32> to vector<16xi32>
        %gather3A_3850 = tpu.dynamic_gather %add3A_3423[%gather3A_3849] in [0] : vector<16xf32>, vector<16xi32> -> vector<16xf32>
        %add3A_3851 = arith.addf %add3A_3423, %gather3A_3850 : vector<16xf32>
        %select_n3A_3852 = arith.select %eq3A_6, %add3A_3844, %add3A_3851 : vector<16xi1>, vector<16xf32>
        %xor3A_3853 = arith.constant 1 : i32
        %xor3A_3854 = vector.broadcast %xor3A_3853 : i32 to vector<16xi32>
        %xor3A_3855 = arith.xori %iota3A, %xor3A_3854 : vector<16xi32>
        %broadcast_in_dim3A_3856 = vector.shape_cast %xor3A_3855 : vector<16xi32> to vector<16x1xi32>
        %gather3A_3857 = vector.shape_cast %broadcast_in_dim3A_3856 : vector<16x1xi32> to vector<16xi32>
        %gather3A_3858 = tpu.dynamic_gather %add3A_3482[%gather3A_3857] in [0] : vector<16xf32>, vector<16xi32> -> vector<16xf32>
        %add3A_3859 = arith.addf %add3A_3482, %gather3A_3858 : vector<16xf32>
        %xor3A_3860 = arith.constant 1 : i32
        %xor3A_3861 = vector.broadcast %xor3A_3860 : i32 to vector<16xi32>
        %xor3A_3862 = arith.xori %iota3A, %xor3A_3861 : vector<16xi32>
        %broadcast_in_dim3A_3863 = vector.shape_cast %xor3A_3862 : vector<16xi32> to vector<16x1xi32>
        %gather3A_3864 = vector.shape_cast %broadcast_in_dim3A_3863 : vector<16x1xi32> to vector<16xi32>
        %gather3A_3865 = tpu.dynamic_gather %add3A_3541[%gather3A_3864] in [0] : vector<16xf32>, vector<16xi32> -> vector<16xf32>
        %add3A_3866 = arith.addf %add3A_3541, %gather3A_3865 : vector<16xf32>
        %select_n3A_3867 = arith.select %eq3A_6, %add3A_3859, %add3A_3866 : vector<16xi1>, vector<16xf32>
        %xor3A_3868 = arith.constant 1 : i32
        %xor3A_3869 = vector.broadcast %xor3A_3868 : i32 to vector<16xi32>
        %xor3A_3870 = arith.xori %iota3A, %xor3A_3869 : vector<16xi32>
        %broadcast_in_dim3A_3871 = vector.shape_cast %xor3A_3870 : vector<16xi32> to vector<16x1xi32>
        %gather3A_3872 = vector.shape_cast %broadcast_in_dim3A_3871 : vector<16x1xi32> to vector<16xi32>
        %gather3A_3873 = tpu.dynamic_gather %add3A_3600[%gather3A_3872] in [0] : vector<16xf32>, vector<16xi32> -> vector<16xf32>
        %add3A_3874 = arith.addf %add3A_3600, %gather3A_3873 : vector<16xf32>
        %xor3A_3875 = arith.constant 1 : i32
        %xor3A_3876 = vector.broadcast %xor3A_3875 : i32 to vector<16xi32>
        %xor3A_3877 = arith.xori %iota3A, %xor3A_3876 : vector<16xi32>
        %broadcast_in_dim3A_3878 = vector.shape_cast %xor3A_3877 : vector<16xi32> to vector<16x1xi32>
        %gather3A_3879 = vector.shape_cast %broadcast_in_dim3A_3878 : vector<16x1xi32> to vector<16xi32>
        %gather3A_3880 = tpu.dynamic_gather %add3A_3659[%gather3A_3879] in [0] : vector<16xf32>, vector<16xi32> -> vector<16xf32>
        %add3A_3881 = arith.addf %add3A_3659, %gather3A_3880 : vector<16xf32>
        %select_n3A_3882 = arith.select %eq3A_6, %add3A_3874, %add3A_3881 : vector<16xi1>, vector<16xf32>
        %xor3A_3883 = arith.constant 1 : i32
        %xor3A_3884 = vector.broadcast %xor3A_3883 : i32 to vector<16xi32>
        %xor3A_3885 = arith.xori %iota3A, %xor3A_3884 : vector<16xi32>
        %broadcast_in_dim3A_3886 = vector.shape_cast %xor3A_3885 : vector<16xi32> to vector<16x1xi32>
        %gather3A_3887 = vector.shape_cast %broadcast_in_dim3A_3886 : vector<16x1xi32> to vector<16xi32>
        %gather3A_3888 = tpu.dynamic_gather %add3A_3718[%gather3A_3887] in [0] : vector<16xf32>, vector<16xi32> -> vector<16xf32>
        %add3A_3889 = arith.addf %add3A_3718, %gather3A_3888 : vector<16xf32>
        %xor3A_3890 = arith.constant 1 : i32
        %xor3A_3891 = vector.broadcast %xor3A_3890 : i32 to vector<16xi32>
        %xor3A_3892 = arith.xori %iota3A, %xor3A_3891 : vector<16xi32>
        %broadcast_in_dim3A_3893 = vector.shape_cast %xor3A_3892 : vector<16xi32> to vector<16x1xi32>
        %gather3A_3894 = vector.shape_cast %broadcast_in_dim3A_3893 : vector<16x1xi32> to vector<16xi32>
        %gather3A_3895 = tpu.dynamic_gather %add3A_3777[%gather3A_3894] in [0] : vector<16xf32>, vector<16xi32> -> vector<16xf32>
        %add3A_3896 = arith.addf %add3A_3777, %gather3A_3895 : vector<16xf32>
        %select_n3A_3897 = arith.select %eq3A_6, %add3A_3889, %add3A_3896 : vector<16xi1>, vector<16xf32>
        %xor3A_3898 = arith.constant 2 : i32
        %xor3A_3899 = vector.broadcast %xor3A_3898 : i32 to vector<16xi32>
        %xor3A_3900 = arith.xori %iota3A, %xor3A_3899 : vector<16xi32>
        %broadcast_in_dim3A_3901 = vector.shape_cast %xor3A_3900 : vector<16xi32> to vector<16x1xi32>
        %gather3A_3902 = vector.shape_cast %broadcast_in_dim3A_3901 : vector<16x1xi32> to vector<16xi32>
        %gather3A_3903 = tpu.dynamic_gather %select_n3A_3792[%gather3A_3902] in [0] : vector<16xf32>, vector<16xi32> -> vector<16xf32>
        %add3A_3904 = arith.addf %select_n3A_3792, %gather3A_3903 : vector<16xf32>
        %xor3A_3905 = arith.constant 2 : i32
        %xor3A_3906 = vector.broadcast %xor3A_3905 : i32 to vector<16xi32>
        %xor3A_3907 = arith.xori %iota3A, %xor3A_3906 : vector<16xi32>
        %broadcast_in_dim3A_3908 = vector.shape_cast %xor3A_3907 : vector<16xi32> to vector<16x1xi32>
        %gather3A_3909 = vector.shape_cast %broadcast_in_dim3A_3908 : vector<16x1xi32> to vector<16xi32>
        %gather3A_3910 = tpu.dynamic_gather %select_n3A_3807[%gather3A_3909] in [0] : vector<16xf32>, vector<16xi32> -> vector<16xf32>
        %add3A_3911 = arith.addf %select_n3A_3807, %gather3A_3910 : vector<16xf32>
        %select_n3A_3912 = arith.select %eq3A_12, %add3A_3904, %add3A_3911 : vector<16xi1>, vector<16xf32>
        %xor3A_3913 = arith.constant 2 : i32
        %xor3A_3914 = vector.broadcast %xor3A_3913 : i32 to vector<16xi32>
        %xor3A_3915 = arith.xori %iota3A, %xor3A_3914 : vector<16xi32>
        %broadcast_in_dim3A_3916 = vector.shape_cast %xor3A_3915 : vector<16xi32> to vector<16x1xi32>
        %gather3A_3917 = vector.shape_cast %broadcast_in_dim3A_3916 : vector<16x1xi32> to vector<16xi32>
        %gather3A_3918 = tpu.dynamic_gather %select_n3A_3822[%gather3A_3917] in [0] : vector<16xf32>, vector<16xi32> -> vector<16xf32>
        %add3A_3919 = arith.addf %select_n3A_3822, %gather3A_3918 : vector<16xf32>
        %xor3A_3920 = arith.constant 2 : i32
        %xor3A_3921 = vector.broadcast %xor3A_3920 : i32 to vector<16xi32>
        %xor3A_3922 = arith.xori %iota3A, %xor3A_3921 : vector<16xi32>
        %broadcast_in_dim3A_3923 = vector.shape_cast %xor3A_3922 : vector<16xi32> to vector<16x1xi32>
        %gather3A_3924 = vector.shape_cast %broadcast_in_dim3A_3923 : vector<16x1xi32> to vector<16xi32>
        %gather3A_3925 = tpu.dynamic_gather %select_n3A_3837[%gather3A_3924] in [0] : vector<16xf32>, vector<16xi32> -> vector<16xf32>
        %add3A_3926 = arith.addf %select_n3A_3837, %gather3A_3925 : vector<16xf32>
        %select_n3A_3927 = arith.select %eq3A_12, %add3A_3919, %add3A_3926 : vector<16xi1>, vector<16xf32>
        %xor3A_3928 = arith.constant 2 : i32
        %xor3A_3929 = vector.broadcast %xor3A_3928 : i32 to vector<16xi32>
        %xor3A_3930 = arith.xori %iota3A, %xor3A_3929 : vector<16xi32>
        %broadcast_in_dim3A_3931 = vector.shape_cast %xor3A_3930 : vector<16xi32> to vector<16x1xi32>
        %gather3A_3932 = vector.shape_cast %broadcast_in_dim3A_3931 : vector<16x1xi32> to vector<16xi32>
        %gather3A_3933 = tpu.dynamic_gather %select_n3A_3852[%gather3A_3932] in [0] : vector<16xf32>, vector<16xi32> -> vector<16xf32>
        %add3A_3934 = arith.addf %select_n3A_3852, %gather3A_3933 : vector<16xf32>
        %xor3A_3935 = arith.constant 2 : i32
        %xor3A_3936 = vector.broadcast %xor3A_3935 : i32 to vector<16xi32>
        %xor3A_3937 = arith.xori %iota3A, %xor3A_3936 : vector<16xi32>
        %broadcast_in_dim3A_3938 = vector.shape_cast %xor3A_3937 : vector<16xi32> to vector<16x1xi32>
        %gather3A_3939 = vector.shape_cast %broadcast_in_dim3A_3938 : vector<16x1xi32> to vector<16xi32>
        %gather3A_3940 = tpu.dynamic_gather %select_n3A_3867[%gather3A_3939] in [0] : vector<16xf32>, vector<16xi32> -> vector<16xf32>
        %add3A_3941 = arith.addf %select_n3A_3867, %gather3A_3940 : vector<16xf32>
        %select_n3A_3942 = arith.select %eq3A_12, %add3A_3934, %add3A_3941 : vector<16xi1>, vector<16xf32>
        %xor3A_3943 = arith.constant 2 : i32
        %xor3A_3944 = vector.broadcast %xor3A_3943 : i32 to vector<16xi32>
        %xor3A_3945 = arith.xori %iota3A, %xor3A_3944 : vector<16xi32>
        %broadcast_in_dim3A_3946 = vector.shape_cast %xor3A_3945 : vector<16xi32> to vector<16x1xi32>
        %gather3A_3947 = vector.shape_cast %broadcast_in_dim3A_3946 : vector<16x1xi32> to vector<16xi32>
        %gather3A_3948 = tpu.dynamic_gather %select_n3A_3882[%gather3A_3947] in [0] : vector<16xf32>, vector<16xi32> -> vector<16xf32>
        %add3A_3949 = arith.addf %select_n3A_3882, %gather3A_3948 : vector<16xf32>
        %xor3A_3950 = arith.constant 2 : i32
        %xor3A_3951 = vector.broadcast %xor3A_3950 : i32 to vector<16xi32>
        %xor3A_3952 = arith.xori %iota3A, %xor3A_3951 : vector<16xi32>
        %broadcast_in_dim3A_3953 = vector.shape_cast %xor3A_3952 : vector<16xi32> to vector<16x1xi32>
        %gather3A_3954 = vector.shape_cast %broadcast_in_dim3A_3953 : vector<16x1xi32> to vector<16xi32>
        %gather3A_3955 = tpu.dynamic_gather %select_n3A_3897[%gather3A_3954] in [0] : vector<16xf32>, vector<16xi32> -> vector<16xf32>
        %add3A_3956 = arith.addf %select_n3A_3897, %gather3A_3955 : vector<16xf32>
        %select_n3A_3957 = arith.select %eq3A_12, %add3A_3949, %add3A_3956 : vector<16xi1>, vector<16xf32>
        %xor3A_3958 = arith.constant 4 : i32
        %xor3A_3959 = vector.broadcast %xor3A_3958 : i32 to vector<16xi32>
        %xor3A_3960 = arith.xori %iota3A, %xor3A_3959 : vector<16xi32>
        %broadcast_in_dim3A_3961 = vector.shape_cast %xor3A_3960 : vector<16xi32> to vector<16x1xi32>
        %gather3A_3962 = vector.shape_cast %broadcast_in_dim3A_3961 : vector<16x1xi32> to vector<16xi32>
        %gather3A_3963 = tpu.dynamic_gather %select_n3A_3912[%gather3A_3962] in [0] : vector<16xf32>, vector<16xi32> -> vector<16xf32>
        %add3A_3964 = arith.addf %select_n3A_3912, %gather3A_3963 : vector<16xf32>
        %xor3A_3965 = arith.constant 4 : i32
        %xor3A_3966 = vector.broadcast %xor3A_3965 : i32 to vector<16xi32>
        %xor3A_3967 = arith.xori %iota3A, %xor3A_3966 : vector<16xi32>
        %broadcast_in_dim3A_3968 = vector.shape_cast %xor3A_3967 : vector<16xi32> to vector<16x1xi32>
        %gather3A_3969 = vector.shape_cast %broadcast_in_dim3A_3968 : vector<16x1xi32> to vector<16xi32>
        %gather3A_3970 = tpu.dynamic_gather %select_n3A_3927[%gather3A_3969] in [0] : vector<16xf32>, vector<16xi32> -> vector<16xf32>
        %add3A_3971 = arith.addf %select_n3A_3927, %gather3A_3970 : vector<16xf32>
        %select_n3A_3972 = arith.select %eq3A_18, %add3A_3964, %add3A_3971 : vector<16xi1>, vector<16xf32>
        %xor3A_3973 = arith.constant 4 : i32
        %xor3A_3974 = vector.broadcast %xor3A_3973 : i32 to vector<16xi32>
        %xor3A_3975 = arith.xori %iota3A, %xor3A_3974 : vector<16xi32>
        %broadcast_in_dim3A_3976 = vector.shape_cast %xor3A_3975 : vector<16xi32> to vector<16x1xi32>
        %gather3A_3977 = vector.shape_cast %broadcast_in_dim3A_3976 : vector<16x1xi32> to vector<16xi32>
        %gather3A_3978 = tpu.dynamic_gather %select_n3A_3942[%gather3A_3977] in [0] : vector<16xf32>, vector<16xi32> -> vector<16xf32>
        %add3A_3979 = arith.addf %select_n3A_3942, %gather3A_3978 : vector<16xf32>
        %xor3A_3980 = arith.constant 4 : i32
        %xor3A_3981 = vector.broadcast %xor3A_3980 : i32 to vector<16xi32>
        %xor3A_3982 = arith.xori %iota3A, %xor3A_3981 : vector<16xi32>
        %broadcast_in_dim3A_3983 = vector.shape_cast %xor3A_3982 : vector<16xi32> to vector<16x1xi32>
        %gather3A_3984 = vector.shape_cast %broadcast_in_dim3A_3983 : vector<16x1xi32> to vector<16xi32>
        %gather3A_3985 = tpu.dynamic_gather %select_n3A_3957[%gather3A_3984] in [0] : vector<16xf32>, vector<16xi32> -> vector<16xf32>
        %add3A_3986 = arith.addf %select_n3A_3957, %gather3A_3985 : vector<16xf32>
        %select_n3A_3987 = arith.select %eq3A_18, %add3A_3979, %add3A_3986 : vector<16xi1>, vector<16xf32>
        %xor3A_3988 = arith.constant 8 : i32
        %xor3A_3989 = vector.broadcast %xor3A_3988 : i32 to vector<16xi32>
        %xor3A_3990 = arith.xori %iota3A, %xor3A_3989 : vector<16xi32>
        %broadcast_in_dim3A_3991 = vector.shape_cast %xor3A_3990 : vector<16xi32> to vector<16x1xi32>
        %gather3A_3992 = vector.shape_cast %broadcast_in_dim3A_3991 : vector<16x1xi32> to vector<16xi32>
        %gather3A_3993 = tpu.dynamic_gather %select_n3A_3972[%gather3A_3992] in [0] : vector<16xf32>, vector<16xi32> -> vector<16xf32>
        %add3A_3994 = arith.addf %select_n3A_3972, %gather3A_3993 : vector<16xf32>
        %xor3A_3995 = arith.constant 8 : i32
        %xor3A_3996 = vector.broadcast %xor3A_3995 : i32 to vector<16xi32>
        %xor3A_3997 = arith.xori %iota3A, %xor3A_3996 : vector<16xi32>
        %broadcast_in_dim3A_3998 = vector.shape_cast %xor3A_3997 : vector<16xi32> to vector<16x1xi32>
        %gather3A_3999 = vector.shape_cast %broadcast_in_dim3A_3998 : vector<16x1xi32> to vector<16xi32>
        %gather3A_4000 = tpu.dynamic_gather %select_n3A_3987[%gather3A_3999] in [0] : vector<16xf32>, vector<16xi32> -> vector<16xf32>
        %add3A_4001 = arith.addf %select_n3A_3987, %gather3A_4000 : vector<16xf32>
        %select_n3A_4002 = arith.select %eq3A_24, %add3A_3994, %add3A_4001 : vector<16xi1>, vector<16xf32>
        %swap3A_4003 = arith.index_cast %select_n3A_176 : i32 to index
        %swap3A_4004 = arith.index_cast %add3A_401 : i32 to index
        %swap3A_4005 = arith.constant 32 : index
        %swap3A_4006 = tpu.vector_load %arg15[%swap3A_4003, %swap3A_4004, %swap3A_4005] {strides = array<i32>} : memref<2x16x64xf32, #tpu.memory_space<vmem>>, vector<1x1x16xf32>,
        %swap3A_4007 = vector.shape_cast %swap3A_4006 : vector<1x1x16xf32> to vector<16xf32>
        %swap3A_4008 = vector.shape_cast %select_n3A_4002 : vector<16xf32> to vector<1x1x16xf32>
        tpu.vector_store %arg15[%swap3A_4003, %swap3A_4004, %swap3A_4005], %swap3A_4008 {strides = array<i32>} : memref<2x16x64xf32, #tpu.memory_space<vmem>>, vector<1x1x16xf32>,
        %add3A_4009 = arith.constant 48 : i32
        %add3A_4010 = arith.addi %mul3A_376, %add3A_4009 : i32
        %get3A_4011 = arith.index_cast %select_n3A_121 : i32 to index
        %get3A_4012 = arith.index_cast %add3A_4010 : i32 to index
        %get3A_4013 = arith.constant 0 : index
        %get3A_4014 = tpu.vector_load %arg13[%get3A_4011, %get3A_4012, %get3A_4013] {strides = array<i32>} : memref<2x200x128xf32, #tpu.memory_space<vmem>>, vector<1x1x16xf32>,
        %get3A_4015 = vector.shape_cast %get3A_4014 : vector<1x1x16xf32> to vector<16xf32>
        %mul3A_4016 = arith.mulf %scan3A_397#0, %get3A_4015 : vector<16xf32>
        %get3A_4017 = arith.index_cast %select_n3A_121 : i32 to index
        %get3A_4018 = arith.index_cast %add3A_4010 : i32 to index
        %get3A_4019 = arith.constant 16 : index
        %get3A_4020 = tpu.vector_load %arg13[%get3A_4017, %get3A_4018, %get3A_4019] {strides = array<i32>} : memref<2x200x128xf32, #tpu.memory_space<vmem>>, vector<1x1x16xf32>,
        %get3A_4021 = vector.shape_cast %get3A_4020 : vector<1x1x16xf32> to vector<16xf32>
        %mul3A_4022 = arith.mulf %scan3A_397#1, %get3A_4021 : vector<16xf32>
        %add3A_4023 = arith.addf %mul3A_4016, %mul3A_4022 : vector<16xf32>
        %get3A_4024 = arith.index_cast %select_n3A_121 : i32 to index
        %get3A_4025 = arith.index_cast %add3A_4010 : i32 to index
        %get3A_4026 = arith.constant 32 : index
        %get3A_4027 = tpu.vector_load %arg13[%get3A_4024, %get3A_4025, %get3A_4026] {strides = array<i32>} : memref<2x200x128xf32, #tpu.memory_space<vmem>>, vector<1x1x16xf32>,
        %get3A_4028 = vector.shape_cast %get3A_4027 : vector<1x1x16xf32> to vector<16xf32>
        %mul3A_4029 = arith.mulf %scan3A_397#2, %get3A_4028 : vector<16xf32>
        %add3A_4030 = arith.addf %add3A_4023, %mul3A_4029 : vector<16xf32>
        %get3A_4031 = arith.index_cast %select_n3A_121 : i32 to index
        %get3A_4032 = arith.index_cast %add3A_4010 : i32 to index
        %get3A_4033 = arith.constant 48 : index
        %get3A_4034 = tpu.vector_load %arg13[%get3A_4031, %get3A_4032, %get3A_4033] {strides = array<i32>} : memref<2x200x128xf32, #tpu.memory_space<vmem>>, vector<1x1x16xf32>,
        %get3A_4035 = vector.shape_cast %get3A_4034 : vector<1x1x16xf32> to vector<16xf32>
        %mul3A_4036 = arith.mulf %scan3A_397#3, %get3A_4035 : vector<16xf32>
        %add3A_4037 = arith.addf %add3A_4030, %mul3A_4036 : vector<16xf32>
        %get3A_4038 = arith.index_cast %select_n3A_121 : i32 to index
        %get3A_4039 = arith.index_cast %add3A_4010 : i32 to index
        %get3A_4040 = arith.constant 64 : index
        %get3A_4041 = tpu.vector_load %arg13[%get3A_4038, %get3A_4039, %get3A_4040] {strides = array<i32>} : memref<2x200x128xf32, #tpu.memory_space<vmem>>, vector<1x1x16xf32>,
        %get3A_4042 = vector.shape_cast %get3A_4041 : vector<1x1x16xf32> to vector<16xf32>
        %mul3A_4043 = arith.mulf %scan3A_397#4, %get3A_4042 : vector<16xf32>
        %add3A_4044 = arith.addf %add3A_4037, %mul3A_4043 : vector<16xf32>
        %get3A_4045 = arith.index_cast %select_n3A_121 : i32 to index
        %get3A_4046 = arith.index_cast %add3A_4010 : i32 to index
        %get3A_4047 = arith.constant 80 : index
        %get3A_4048 = tpu.vector_load %arg13[%get3A_4045, %get3A_4046, %get3A_4047] {strides = array<i32>} : memref<2x200x128xf32, #tpu.memory_space<vmem>>, vector<1x1x16xf32>,
        %get3A_4049 = vector.shape_cast %get3A_4048 : vector<1x1x16xf32> to vector<16xf32>
        %mul3A_4050 = arith.mulf %scan3A_397#5, %get3A_4049 : vector<16xf32>
        %add3A_4051 = arith.addf %add3A_4044, %mul3A_4050 : vector<16xf32>
        %get3A_4052 = arith.index_cast %select_n3A_121 : i32 to index
        %get3A_4053 = arith.index_cast %add3A_4010 : i32 to index
        %get3A_4054 = arith.constant 96 : index
        %get3A_4055 = tpu.vector_load %arg13[%get3A_4052, %get3A_4053, %get3A_4054] {strides = array<i32>} : memref<2x200x128xf32, #tpu.memory_space<vmem>>, vector<1x1x16xf32>,
        %get3A_4056 = vector.shape_cast %get3A_4055 : vector<1x1x16xf32> to vector<16xf32>
        %mul3A_4057 = arith.mulf %scan3A_397#6, %get3A_4056 : vector<16xf32>
        %add3A_4058 = arith.addf %add3A_4051, %mul3A_4057 : vector<16xf32>
        %get3A_4059 = arith.index_cast %select_n3A_121 : i32 to index
        %get3A_4060 = arith.index_cast %add3A_4010 : i32 to index
        %get3A_4061 = arith.constant 112 : index
        %get3A_4062 = tpu.vector_load %arg13[%get3A_4059, %get3A_4060, %get3A_4061] {strides = array<i32>} : memref<2x200x128xf32, #tpu.memory_space<vmem>>, vector<1x1x16xf32>,
        %get3A_4063 = vector.shape_cast %get3A_4062 : vector<1x1x16xf32> to vector<16xf32>
        %mul3A_4064 = arith.mulf %scan3A_397#7, %get3A_4063 : vector<16xf32>
        %add3A_4065 = arith.addf %add3A_4058, %mul3A_4064 : vector<16xf32>
        %xor3A_4066 = arith.constant 8 : i32
        %xor3A_4067 = vector.broadcast %xor3A_4066 : i32 to vector<16xi32>
        %xor3A_4068 = arith.xori %iota3A, %xor3A_4067 : vector<16xi32>
        %broadcast_in_dim3A_4069 = vector.shape_cast %xor3A_4068 : vector<16xi32> to vector<16x1xi32>
        %gather3A_4070 = vector.shape_cast %broadcast_in_dim3A_4069 : vector<16x1xi32> to vector<16xi32>
        %gather3A_4071 = tpu.dynamic_gather %add3A_4065[%gather3A_4070] in [0] : vector<16xf32>, vector<16xi32> -> vector<16xf32>
        %add3A_4072 = arith.addf %add3A_4065, %gather3A_4071 : vector<16xf32>
        %xor3A_4073 = arith.constant 4 : i32
        %xor3A_4074 = vector.broadcast %xor3A_4073 : i32 to vector<16xi32>
        %xor3A_4075 = arith.xori %iota3A, %xor3A_4074 : vector<16xi32>
        %broadcast_in_dim3A_4076 = vector.shape_cast %xor3A_4075 : vector<16xi32> to vector<16x1xi32>
        %gather3A_4077 = vector.shape_cast %broadcast_in_dim3A_4076 : vector<16x1xi32> to vector<16xi32>
        %gather3A_4078 = tpu.dynamic_gather %add3A_4072[%gather3A_4077] in [0] : vector<16xf32>, vector<16xi32> -> vector<16xf32>
        %add3A_4079 = arith.addf %add3A_4072, %gather3A_4078 : vector<16xf32>
        %xor3A_4080 = arith.constant 2 : i32
        %xor3A_4081 = vector.broadcast %xor3A_4080 : i32 to vector<16xi32>
        %xor3A_4082 = arith.xori %iota3A, %xor3A_4081 : vector<16xi32>
        %broadcast_in_dim3A_4083 = vector.shape_cast %xor3A_4082 : vector<16xi32> to vector<16x1xi32>
        %gather3A_4084 = vector.shape_cast %broadcast_in_dim3A_4083 : vector<16x1xi32> to vector<16xi32>
        %gather3A_4085 = tpu.dynamic_gather %add3A_4079[%gather3A_4084] in [0] : vector<16xf32>, vector<16xi32> -> vector<16xf32>
        %add3A_4086 = arith.addf %add3A_4079, %gather3A_4085 : vector<16xf32>
        %xor3A_4087 = arith.constant 1 : i32
        %xor3A_4088 = vector.broadcast %xor3A_4087 : i32 to vector<16xi32>
        %xor3A_4089 = arith.xori %iota3A, %xor3A_4088 : vector<16xi32>
        %broadcast_in_dim3A_4090 = vector.shape_cast %xor3A_4089 : vector<16xi32> to vector<16x1xi32>
        %gather3A_4091 = vector.shape_cast %broadcast_in_dim3A_4090 : vector<16x1xi32> to vector<16xi32>
        %gather3A_4092 = tpu.dynamic_gather %add3A_4086[%gather3A_4091] in [0] : vector<16xf32>, vector<16xi32> -> vector<16xf32>
        %add3A_4093 = arith.addf %add3A_4086, %gather3A_4092 : vector<16xf32>
        %add3A_4094 = arith.constant 49 : i32
        %add3A_4095 = arith.addi %mul3A_376, %add3A_4094 : i32
        %get3A_4096 = arith.index_cast %select_n3A_121 : i32 to index
        %get3A_4097 = arith.index_cast %add3A_4095 : i32 to index
        %get3A_4098 = arith.constant 0 : index
        %get3A_4099 = tpu.vector_load %arg13[%get3A_4096, %get3A_4097, %get3A_4098] {strides = array<i32>} : memref<2x200x128xf32, #tpu.memory_space<vmem>>, vector<1x1x16xf32>,
        %get3A_4100 = vector.shape_cast %get3A_4099 : vector<1x1x16xf32> to vector<16xf32>
        %mul3A_4101 = arith.mulf %scan3A_397#0, %get3A_4100 : vector<16xf32>
        %get3A_4102 = arith.index_cast %select_n3A_121 : i32 to index
        %get3A_4103 = arith.index_cast %add3A_4095 : i32 to index
        %get3A_4104 = arith.constant 16 : index
        %get3A_4105 = tpu.vector_load %arg13[%get3A_4102, %get3A_4103, %get3A_4104] {strides = array<i32>} : memref<2x200x128xf32, #tpu.memory_space<vmem>>, vector<1x1x16xf32>,
        %get3A_4106 = vector.shape_cast %get3A_4105 : vector<1x1x16xf32> to vector<16xf32>
        %mul3A_4107 = arith.mulf %scan3A_397#1, %get3A_4106 : vector<16xf32>
        %add3A_4108 = arith.addf %mul3A_4101, %mul3A_4107 : vector<16xf32>
        %get3A_4109 = arith.index_cast %select_n3A_121 : i32 to index
        %get3A_4110 = arith.index_cast %add3A_4095 : i32 to index
        %get3A_4111 = arith.constant 32 : index
        %get3A_4112 = tpu.vector_load %arg13[%get3A_4109, %get3A_4110, %get3A_4111] {strides = array<i32>} : memref<2x200x128xf32, #tpu.memory_space<vmem>>, vector<1x1x16xf32>,
        %get3A_4113 = vector.shape_cast %get3A_4112 : vector<1x1x16xf32> to vector<16xf32>
        %mul3A_4114 = arith.mulf %scan3A_397#2, %get3A_4113 : vector<16xf32>
        %add3A_4115 = arith.addf %add3A_4108, %mul3A_4114 : vector<16xf32>
        %get3A_4116 = arith.index_cast %select_n3A_121 : i32 to index
        %get3A_4117 = arith.index_cast %add3A_4095 : i32 to index
        %get3A_4118 = arith.constant 48 : index
        %get3A_4119 = tpu.vector_load %arg13[%get3A_4116, %get3A_4117, %get3A_4118] {strides = array<i32>} : memref<2x200x128xf32, #tpu.memory_space<vmem>>, vector<1x1x16xf32>,
        %get3A_4120 = vector.shape_cast %get3A_4119 : vector<1x1x16xf32> to vector<16xf32>
        %mul3A_4121 = arith.mulf %scan3A_397#3, %get3A_4120 : vector<16xf32>
        %add3A_4122 = arith.addf %add3A_4115, %mul3A_4121 : vector<16xf32>
        %get3A_4123 = arith.index_cast %select_n3A_121 : i32 to index
        %get3A_4124 = arith.index_cast %add3A_4095 : i32 to index
        %get3A_4125 = arith.constant 64 : index
        %get3A_4126 = tpu.vector_load %arg13[%get3A_4123, %get3A_4124, %get3A_4125] {strides = array<i32>} : memref<2x200x128xf32, #tpu.memory_space<vmem>>, vector<1x1x16xf32>,
        %get3A_4127 = vector.shape_cast %get3A_4126 : vector<1x1x16xf32> to vector<16xf32>
        %mul3A_4128 = arith.mulf %scan3A_397#4, %get3A_4127 : vector<16xf32>
        %add3A_4129 = arith.addf %add3A_4122, %mul3A_4128 : vector<16xf32>
        %get3A_4130 = arith.index_cast %select_n3A_121 : i32 to index
        %get3A_4131 = arith.index_cast %add3A_4095 : i32 to index
        %get3A_4132 = arith.constant 80 : index
        %get3A_4133 = tpu.vector_load %arg13[%get3A_4130, %get3A_4131, %get3A_4132] {strides = array<i32>} : memref<2x200x128xf32, #tpu.memory_space<vmem>>, vector<1x1x16xf32>,
        %get3A_4134 = vector.shape_cast %get3A_4133 : vector<1x1x16xf32> to vector<16xf32>
        %mul3A_4135 = arith.mulf %scan3A_397#5, %get3A_4134 : vector<16xf32>
        %add3A_4136 = arith.addf %add3A_4129, %mul3A_4135 : vector<16xf32>
        %get3A_4137 = arith.index_cast %select_n3A_121 : i32 to index
        %get3A_4138 = arith.index_cast %add3A_4095 : i32 to index
        %get3A_4139 = arith.constant 96 : index
        %get3A_4140 = tpu.vector_load %arg13[%get3A_4137, %get3A_4138, %get3A_4139] {strides = array<i32>} : memref<2x200x128xf32, #tpu.memory_space<vmem>>, vector<1x1x16xf32>,
        %get3A_4141 = vector.shape_cast %get3A_4140 : vector<1x1x16xf32> to vector<16xf32>
        %mul3A_4142 = arith.mulf %scan3A_397#6, %get3A_4141 : vector<16xf32>
        %add3A_4143 = arith.addf %add3A_4136, %mul3A_4142 : vector<16xf32>
        %get3A_4144 = arith.index_cast %select_n3A_121 : i32 to index
        %get3A_4145 = arith.index_cast %add3A_4095 : i32 to index
        %get3A_4146 = arith.constant 112 : index
        %get3A_4147 = tpu.vector_load %arg13[%get3A_4144, %get3A_4145, %get3A_4146] {strides = array<i32>} : memref<2x200x128xf32, #tpu.memory_space<vmem>>, vector<1x1x16xf32>,
        %get3A_4148 = vector.shape_cast %get3A_4147 : vector<1x1x16xf32> to vector<16xf32>
        %mul3A_4149 = arith.mulf %scan3A_397#7, %get3A_4148 : vector<16xf32>
        %add3A_4150 = arith.addf %add3A_4143, %mul3A_4149 : vector<16xf32>
        %xor3A_4151 = arith.constant 8 : i32
        %xor3A_4152 = vector.broadcast %xor3A_4151 : i32 to vector<16xi32>
        %xor3A_4153 = arith.xori %iota3A, %xor3A_4152 : vector<16xi32>
        %broadcast_in_dim3A_4154 = vector.shape_cast %xor3A_4153 : vector<16xi32> to vector<16x1xi32>
        %gather3A_4155 = vector.shape_cast %broadcast_in_dim3A_4154 : vector<16x1xi32> to vector<16xi32>
        %gather3A_4156 = tpu.dynamic_gather %add3A_4150[%gather3A_4155] in [0] : vector<16xf32>, vector<16xi32> -> vector<16xf32>
        %add3A_4157 = arith.addf %add3A_4150, %gather3A_4156 : vector<16xf32>
        %xor3A_4158 = arith.constant 4 : i32
        %xor3A_4159 = vector.broadcast %xor3A_4158 : i32 to vector<16xi32>
        %xor3A_4160 = arith.xori %iota3A, %xor3A_4159 : vector<16xi32>
        %broadcast_in_dim3A_4161 = vector.shape_cast %xor3A_4160 : vector<16xi32> to vector<16x1xi32>
        %gather3A_4162 = vector.shape_cast %broadcast_in_dim3A_4161 : vector<16x1xi32> to vector<16xi32>
        %gather3A_4163 = tpu.dynamic_gather %add3A_4157[%gather3A_4162] in [0] : vector<16xf32>, vector<16xi32> -> vector<16xf32>
        %add3A_4164 = arith.addf %add3A_4157, %gather3A_4163 : vector<16xf32>
        %xor3A_4165 = arith.constant 2 : i32
        %xor3A_4166 = vector.broadcast %xor3A_4165 : i32 to vector<16xi32>
        %xor3A_4167 = arith.xori %iota3A, %xor3A_4166 : vector<16xi32>
        %broadcast_in_dim3A_4168 = vector.shape_cast %xor3A_4167 : vector<16xi32> to vector<16x1xi32>
        %gather3A_4169 = vector.shape_cast %broadcast_in_dim3A_4168 : vector<16x1xi32> to vector<16xi32>
        %gather3A_4170 = tpu.dynamic_gather %add3A_4164[%gather3A_4169] in [0] : vector<16xf32>, vector<16xi32> -> vector<16xf32>
        %add3A_4171 = arith.addf %add3A_4164, %gather3A_4170 : vector<16xf32>
        %xor3A_4172 = arith.constant 1 : i32
        %xor3A_4173 = vector.broadcast %xor3A_4172 : i32 to vector<16xi32>
        %xor3A_4174 = arith.xori %iota3A, %xor3A_4173 : vector<16xi32>
        %broadcast_in_dim3A_4175 = vector.shape_cast %xor3A_4174 : vector<16xi32> to vector<16x1xi32>
        %gather3A_4176 = vector.shape_cast %broadcast_in_dim3A_4175 : vector<16x1xi32> to vector<16xi32>
        %gather3A_4177 = tpu.dynamic_gather %add3A_4171[%gather3A_4176] in [0] : vector<16xf32>, vector<16xi32> -> vector<16xf32>
        %add3A_4178 = arith.addf %add3A_4171, %gather3A_4177 : vector<16xf32>
        %eq3A_4179 = arith.constant 0 : i32
        %eq3A_4180 = vector.broadcast %eq3A_4179 : i32 to vector<16xi32>
        %eq3A_4181 = arith.cmpi eq, %iota3A, %eq3A_4180 : vector<16xi32>
        %eq3A_4182 = arith.constant 1 : i32
        %eq3A_4183 = vector.broadcast %eq3A_4182 : i32 to vector<16xi32>
        %eq3A_4184 = arith.cmpi eq, %iota3A, %eq3A_4183 : vector<16xi32>
        %jit3A_4185 = arith.constant 0.000000e+00 : f32
        %broadcast_in_dim3A_4186 = vector.broadcast %jit3A_4185 : f32 to vector<16xf32>
        %select_n3A_4187 = arith.select %eq3A_4184, %add3A_4178, %broadcast_in_dim3A_4186 : vector<16xi1>, vector<16xf32>
        %select_n3A_4188 = arith.select %eq3A_4181, %add3A_4093, %select_n3A_4187 : vector<16xi1>, vector<16xf32>
        %swap3A_4189 = arith.index_cast %select_n3A_176 : i32 to index
        %swap3A_4190 = arith.index_cast %add3A_401 : i32 to index
        %swap3A_4191 = arith.constant 48 : index
        %swap3A_4192 = tpu.vector_load %arg15[%swap3A_4189, %swap3A_4190, %swap3A_4191] {strides = array<i32>} : memref<2x16x64xf32, #tpu.memory_space<vmem>>, vector<1x1x16xf32>,
        %swap3A_4193 = vector.shape_cast %swap3A_4192 : vector<1x1x16xf32> to vector<16xf32>
        %swap3A_4194 = vector.shape_cast %select_n3A_4188 : vector<16xf32> to vector<1x1x16xf32>
        tpu.vector_store %arg15[%swap3A_4189, %swap3A_4190, %swap3A_4191], %swap3A_4194 {strides = array<i32>} : memref<2x16x64xf32, #tpu.memory_space<vmem>>, vector<1x1x16xf32>,
        scf.yield %select_n3A_484 : vector<16xf32>
      }
      %scan3A_362 = arith.constant 4 : i32
      %eq3A_363 = arith.constant 3 : i32
      %eq3A_364 = arith.cmpi eq, %select_n3A_160, %eq3A_363 : i32
      %convert_element_type3A_365 = arith.extui %eq3A_364 : i1 to i32
      %cond3A_366 = arith.constant 0 : i32
      %cond3A_367 = arith.cmpi ne, %convert_element_type3A_365, %cond3A_366 : i32
      scf.if %cond3A_367 {
        %mul3A_373 = arith.constant 16 : i32
        %mul3A_374 = arith.muli %select_n3A_176, %mul3A_373 : i32
        %swap3A = arith.index_cast %mul3A_374 : i32 to index
        %swap3A_375 = tpu.vector_load %arg16[%swap3A] {strides = array<i32>} : memref<32xf32, #tpu.memory_space<vmem>>, vector<16xf32>,
        %swap3A_376 = vector.shape_cast %swap3A_375 : vector<16xf32> to vector<16xf32>
        %swap3A_377 = vector.shape_cast %scan3A_361 : vector<16xf32> to vector<16xf32>
        tpu.vector_store %arg16[%swap3A], %swap3A_377 {strides = array<i32>} : memref<32xf32, #tpu.memory_space<vmem>>, vector<16xf32>,
        %mul3A_378 = arith.constant 16 : i32
        %mul3A_379 = arith.muli %select_n3A_144, %mul3A_378 : i32
        %add3A_380 = arith.addi %mul3A_2, %mul3A_379 : i32
        %mul3A_381 = arith.constant 16 : i32
        %mul3A_382 = arith.muli %select_n3A_176, %mul3A_381 : i32
        %mul3A_383 = arith.constant 16 : i32
        %mul3A_384 = arith.muli %select_n3A_144, %mul3A_383 : i32
        %add3A_385 = arith.addi %mul3A_2, %mul3A_384 : i32
        %dma_start3A_386 = arith.constant 0 : i32
        %dma_start3A_387 = arith.constant 0 : i32
        %dma_start3A_388 = tpu.memref_slice %arg15[%select_n3A_176, %dma_start3A_386, %dma_start3A_387] : memref<2x16x64xf32, #tpu.memory_space<vmem>> -> memref<1x16x64xf32, #tpu.memory_space<vmem>>
        %dma_start3A_389 = tpu.memref_squeeze %dma_start3A_388 : memref<1x16x64xf32, #tpu.memory_space<vmem>> -> memref<16x64xf32, #tpu.memory_space<vmem>>
        %dma_start3A_390 = arith.constant 0 : i32
        %dma_start3A_391 = tpu.memref_slice %arg8[%add3A_380, %dma_start3A_390] : memref<16384x64xf32, #tpu.memory_space<hbm>> -> memref<16x64xf32, #tpu.memory_space<hbm>>
        %dma_start3A_392 = arith.constant 0 : i32
        %dma_start3A_393 = tpu.memref_slice %arg8[%add3A_380, %dma_start3A_392] : memref<16384x64xf32, #tpu.memory_space<hbm>> -> memref<16x64xf32, #tpu.memory_space<hbm>>
        %dma_start3A_394 = arith.constant 0 : i32
        %dma_start3A_395 = arith.constant 0 : i32
        %dma_start3A_396 = tpu.memref_slice %arg15[%select_n3A_176, %dma_start3A_394, %dma_start3A_395] : memref<2x16x64xf32, #tpu.memory_space<vmem>> -> memref<1x16x64xf32, #tpu.memory_space<vmem>>
        %dma_start3A_397 = tpu.memref_squeeze %dma_start3A_396 : memref<1x16x64xf32, #tpu.memory_space<vmem>> -> memref<16x64xf32, #tpu.memory_space<vmem>>
        tpu.enqueue_dma source(%dma_start3A_397 : memref<16x64xf32, #tpu.memory_space<vmem>>) target(%dma_start3A_393 : memref<16x64xf32, #tpu.memory_space<hbm>>) target_semaphore(%arg21 : memref<!tpu.dma_semaphore, #tpu.memory_space<semaphore_mem>>)
        %dma_start3A_398 = tpu.memref_slice %arg16[%mul3A_382] : memref<32xf32, #tpu.memory_space<vmem>> -> memref<16xf32, #tpu.memory_space<vmem>>
        %dma_start3A_399 = tpu.memref_slice %arg7[%add3A_385] : memref<16384xf32, #tpu.memory_space<hbm>> -> memref<16xf32, #tpu.memory_space<hbm>>
        %dma_start3A_400 = tpu.memref_slice %arg7[%add3A_385] : memref<16384xf32, #tpu.memory_space<hbm>> -> memref<16xf32, #tpu.memory_space<hbm>>
        %dma_start3A_401 = tpu.memref_slice %arg16[%mul3A_382] : memref<32xf32, #tpu.memory_space<vmem>> -> memref<16xf32, #tpu.memory_space<vmem>>
        tpu.enqueue_dma source(%dma_start3A_401 : memref<16xf32, #tpu.memory_space<vmem>>) target(%dma_start3A_400 : memref<16xf32, #tpu.memory_space<hbm>>) target_semaphore(%arg21 : memref<!tpu.dma_semaphore, #tpu.memory_space<semaphore_mem>>)
      } else {
      }
      %eq3A_368 = arith.constant 3 : i32
      %eq3A_369 = arith.cmpi eq, %select_n3A_160, %eq3A_368 : i32
      %broadcast_in_dim3A_370 = arith.constant 0.000000e+00 : f32
      %broadcast_in_dim3A_371 = vector.broadcast %broadcast_in_dim3A_370 : f32 to vector<16xf32>
      %select_n3A_372 = arith.select %eq3A_369, %broadcast_in_dim3A_371, %scan3A_361 : vector<16xf32>
      scf.yield %select_n3A_372 : vector<16xf32>
    }
    %scan3A_63 = arith.constant 128 : i32
    %add3A_64 = arith.constant 480 : i32
    %add3A_65 = arith.addi %mul3A_2, %add3A_64 : i32
    %add3A_66 = arith.constant 480 : i32
    %add3A_67 = arith.addi %mul3A_2, %add3A_66 : i32
    %dma_wait3A = arith.constant 0 : i32
    %dma_wait3A_68 = arith.constant 0 : i32
    %dma_wait3A_69 = arith.constant 0 : i32
    %dma_wait3A_70 = tpu.memref_slice %arg15[%dma_wait3A, %dma_wait3A_68, %dma_wait3A_69] : memref<2x16x64xf32, #tpu.memory_space<vmem>> -> memref<1x16x64xf32, #tpu.memory_space<vmem>>
    %dma_wait3A_71 = tpu.memref_squeeze %dma_wait3A_70 : memref<1x16x64xf32, #tpu.memory_space<vmem>> -> memref<16x64xf32, #tpu.memory_space<vmem>>
    %dma_wait3A_72 = arith.constant 0 : i32
    %dma_wait3A_73 = tpu.memref_slice %arg8[%add3A_65, %dma_wait3A_72] : memref<16384x64xf32, #tpu.memory_space<hbm>> -> memref<16x64xf32, #tpu.memory_space<hbm>>
    %dma_wait3A_74 = arith.constant 0 : i32
    %dma_wait3A_75 = tpu.memref_slice %arg8[%add3A_65, %dma_wait3A_74] : memref<16384x64xf32, #tpu.memory_space<hbm>> -> memref<16x64xf32, #tpu.memory_space<hbm>>
    %dma_wait3A_76 = arith.constant 0 : i32
    %dma_wait3A_77 = arith.constant 0 : i32
    %dma_wait3A_78 = tpu.memref_slice %arg15[%dma_wait3A, %dma_wait3A_76, %dma_wait3A_77] : memref<2x16x64xf32, #tpu.memory_space<vmem>> -> memref<1x16x64xf32, #tpu.memory_space<vmem>>
    %dma_wait3A_79 = tpu.memref_squeeze %dma_wait3A_78 : memref<1x16x64xf32, #tpu.memory_space<vmem>> -> memref<16x64xf32, #tpu.memory_space<vmem>>
    tpu.wait_dma2 semaphore(%arg21 : memref<!tpu.dma_semaphore, #tpu.memory_space<semaphore_mem>>) src(%dma_wait3A_79 : memref<16x64xf32, #tpu.memory_space<vmem>>) dst(%dma_wait3A_75 : memref<16x64xf32, #tpu.memory_space<hbm>>)
    %dma_wait3A_80 = arith.constant 0 : i32
    %dma_wait3A_81 = tpu.memref_slice %arg16[%dma_wait3A_80] : memref<32xf32, #tpu.memory_space<vmem>> -> memref<16xf32, #tpu.memory_space<vmem>>
    %dma_wait3A_82 = tpu.memref_slice %arg7[%add3A_67] : memref<16384xf32, #tpu.memory_space<hbm>> -> memref<16xf32, #tpu.memory_space<hbm>>
    %dma_wait3A_83 = tpu.memref_slice %arg7[%add3A_67] : memref<16384xf32, #tpu.memory_space<hbm>> -> memref<16xf32, #tpu.memory_space<hbm>>
    %dma_wait3A_84 = arith.constant 0 : i32
    %dma_wait3A_85 = tpu.memref_slice %arg16[%dma_wait3A_84] : memref<32xf32, #tpu.memory_space<vmem>> -> memref<16xf32, #tpu.memory_space<vmem>>
    tpu.wait_dma2 semaphore(%arg21 : memref<!tpu.dma_semaphore, #tpu.memory_space<semaphore_mem>>) src(%dma_wait3A_85 : memref<16xf32, #tpu.memory_space<vmem>>) dst(%dma_wait3A_83 : memref<16xf32, #tpu.memory_space<hbm>>)
    %add3A_86 = arith.constant 496 : i32
    %add3A_87 = arith.addi %mul3A_2, %add3A_86 : i32
    %add3A_88 = arith.constant 496 : i32
    %add3A_89 = arith.addi %mul3A_2, %add3A_88 : i32
    %dma_wait3A_90 = arith.constant 1 : i32
    %dma_wait3A_91 = arith.constant 0 : i32
    %dma_wait3A_92 = arith.constant 0 : i32
    %dma_wait3A_93 = tpu.memref_slice %arg15[%dma_wait3A_90, %dma_wait3A_91, %dma_wait3A_92] : memref<2x16x64xf32, #tpu.memory_space<vmem>> -> memref<1x16x64xf32, #tpu.memory_space<vmem>>
    %dma_wait3A_94 = tpu.memref_squeeze %dma_wait3A_93 : memref<1x16x64xf32, #tpu.memory_space<vmem>> -> memref<16x64xf32, #tpu.memory_space<vmem>>
    %dma_wait3A_95 = arith.constant 0 : i32
    %dma_wait3A_96 = tpu.memref_slice %arg8[%add3A_87, %dma_wait3A_95] : memref<16384x64xf32, #tpu.memory_space<hbm>> -> memref<16x64xf32, #tpu.memory_space<hbm>>
    %dma_wait3A_97 = arith.constant 0 : i32
    %dma_wait3A_98 = tpu.memref_slice %arg8[%add3A_87, %dma_wait3A_97] : memref<16384x64xf32, #tpu.memory_space<hbm>> -> memref<16x64xf32, #tpu.memory_space<hbm>>
    %dma_wait3A_99 = arith.constant 0 : i32
    %dma_wait3A_100 = arith.constant 0 : i32
    %dma_wait3A_101 = tpu.memref_slice %arg15[%dma_wait3A_90, %dma_wait3A_99, %dma_wait3A_100] : memref<2x16x64xf32, #tpu.memory_space<vmem>> -> memref<1x16x64xf32, #tpu.memory_space<vmem>>
    %dma_wait3A_102 = tpu.memref_squeeze %dma_wait3A_101 : memref<1x16x64xf32, #tpu.memory_space<vmem>> -> memref<16x64xf32, #tpu.memory_space<vmem>>
    tpu.wait_dma2 semaphore(%arg21 : memref<!tpu.dma_semaphore, #tpu.memory_space<semaphore_mem>>) src(%dma_wait3A_102 : memref<16x64xf32, #tpu.memory_space<vmem>>) dst(%dma_wait3A_98 : memref<16x64xf32, #tpu.memory_space<hbm>>)
    %dma_wait3A_103 = arith.constant 16 : i32
    %dma_wait3A_104 = tpu.memref_slice %arg16[%dma_wait3A_103] : memref<32xf32, #tpu.memory_space<vmem>> -> memref<16xf32, #tpu.memory_space<vmem>>
    %dma_wait3A_105 = tpu.memref_slice %arg7[%add3A_89] : memref<16384xf32, #tpu.memory_space<hbm>> -> memref<16xf32, #tpu.memory_space<hbm>>
    %dma_wait3A_106 = tpu.memref_slice %arg7[%add3A_89] : memref<16384xf32, #tpu.memory_space<hbm>> -> memref<16xf32, #tpu.memory_space<hbm>>
    %dma_wait3A_107 = arith.constant 16 : i32
    %dma_wait3A_108 = tpu.memref_slice %arg16[%dma_wait3A_107] : memref<32xf32, #tpu.memory_space<vmem>> -> memref<16xf32, #tpu.memory_space<vmem>>
    tpu.wait_dma2 semaphore(%arg21 : memref<!tpu.dma_semaphore, #tpu.memory_space<semaphore_mem>>) src(%dma_wait3A_108 : memref<16xf32, #tpu.memory_space<vmem>>) dst(%dma_wait3A_106 : memref<16xf32, #tpu.memory_space<hbm>>)
    return
  }
}

module attributes {stable_mosaic.version = 14 : i64} {
  func.func @_loss_body(%arg0: memref<128x128xf32, #tpu.memory_space<vmem>>, %arg1: memref<16384x64xf32, #tpu.memory_space<vmem>>, %arg2: memref<1x1xf32, #tpu.memory_space<smem>>) attributes {dimension_semantics = [], scalar_prefetch = 0 : i64, scratch_operands = 0 : i64, tpu.core_type = #tpu.core_type<tc>} {
    %get3A = arith.constant 0 : index
    %get3A_0 = arith.constant 0 : index
    %get3A_1 = vector.load %arg0[%get3A, %get3A_0] : memref<128x128xf32, #tpu.memory_space<vmem>>, vector<128x128xf32>
    %get3A_2 = arith.constant 0 : index
    %get3A_3 = arith.constant 0 : index
    %get3A_4 = vector.load %arg1[%get3A_2, %get3A_3] : memref<16384x64xf32, #tpu.memory_space<vmem>>, vector<16384x64xf32>
    %neg3A = arith.constant 0.000000e+00 : f32
    %neg3A_5 = vector.broadcast %neg3A : f32 to vector<128x128xf32>
    %neg3A_6 = arith.subf %neg3A_5, %get3A_1 : vector<128x128xf32>
    %max3A = arith.constant 0.000000e+00 : f32
    %max3A_7 = vector.broadcast %max3A : f32 to vector<128x128xf32>
    %max3A_8 = arith.maximumf %neg3A_6, %max3A_7 : vector<128x128xf32>
    %abs3A = math.absf %neg3A_6 : vector<128x128xf32>
    %neg3A_9 = arith.constant 0.000000e+00 : f32
    %neg3A_10 = vector.broadcast %neg3A_9 : f32 to vector<128x128xf32>
    %neg3A_11 = arith.subf %neg3A_10, %abs3A : vector<128x128xf32>
    %exp3A = math.exp %neg3A_11 : vector<128x128xf32>
    %log1p3A = math.log1p %exp3A : vector<128x128xf32>
    %add3A = arith.addf %max3A_8, %log1p3A : vector<128x128xf32>
    %reduce_sum3A = vector.shape_cast %add3A : vector<128x128xf32> to vector<1x128x128xf32>
    %reduce_sum3A_12 = arith.constant dense<0.000000e+00> : vector<1xf32>
    %reduce_sum3A_13 = vector.multi_reduction <add>, %reduce_sum3A, %reduce_sum3A_12 [1, 2] : vector<1x128x128xf32> to vector<1xf32>
    %reduce_sum3A_14 = vector.shape_cast %reduce_sum3A_13 : vector<1xf32> to vector<1x1x1xf32>
    %reduce_sum3A_15 = vector.extract %reduce_sum3A_14[0, 0, 0] : f32 from vector<1x1x1xf32>
    %div3A = arith.constant 1.638400e+04 : f32
    %div3A_16 = arith.divf %reduce_sum3A_15, %div3A : f32
    %iota3A = tpu.iota {dimensions = array<i32: 1>} : vector<16384x64xi32>
    %lt3A = arith.constant 50 : i32
    %lt3A_17 = vector.broadcast %lt3A : i32 to vector<16384x64xi32>
    %lt3A_18 = arith.cmpi slt, %iota3A, %lt3A_17 : vector<16384x64xi32>
    %max3A_19 = arith.constant 0.000000e+00 : f32
    %max3A_20 = vector.broadcast %max3A_19 : f32 to vector<16384x64xf32>
    %max3A_21 = arith.maximumf %get3A_4, %max3A_20 : vector<16384x64xf32>
    %abs3A_22 = math.absf %get3A_4 : vector<16384x64xf32>
    %neg3A_23 = arith.constant 0.000000e+00 : f32
    %neg3A_24 = vector.broadcast %neg3A_23 : f32 to vector<16384x64xf32>
    %neg3A_25 = arith.subf %neg3A_24, %abs3A_22 : vector<16384x64xf32>
    %exp3A_26 = math.exp %neg3A_25 : vector<16384x64xf32>
    %log1p3A_27 = math.log1p %exp3A_26 : vector<16384x64xf32>
    %add3A_28 = arith.addf %max3A_21, %log1p3A_27 : vector<16384x64xf32>
    %jit3A = arith.constant 0.000000e+00 : f32
    %broadcast_in_dim3A = vector.broadcast %jit3A : f32 to vector<16384x64xf32>
    %select_n3A = arith.select %lt3A_18, %add3A_28, %broadcast_in_dim3A : vector<16384x64xi1>, vector<16384x64xf32>
    %reduce_sum3A_29 = vector.shape_cast %select_n3A : vector<16384x64xf32> to vector<1x16384x64xf32>
    %reduce_sum3A_30 = arith.constant dense<0.000000e+00> : vector<1xf32>
    %reduce_sum3A_31 = vector.multi_reduction <add>, %reduce_sum3A_29, %reduce_sum3A_30 [1, 2] : vector<1x16384x64xf32> to vector<1xf32>
    %reduce_sum3A_32 = vector.shape_cast %reduce_sum3A_31 : vector<1xf32> to vector<1x1x1xf32>
    %reduce_sum3A_33 = vector.extract %reduce_sum3A_32[0, 0, 0] : f32 from vector<1x1x1xf32>
    %div3A_34 = arith.constant 8.192000e+05 : f32
    %div3A_35 = arith.divf %reduce_sum3A_33, %div3A_34 : f32
    %add3A_36 = arith.addf %div3A_16, %div3A_35 : f32
    %swap3A = arith.constant 0 : index
    %swap3A_37 = arith.constant 0 : index
    %swap3A_38 = memref.load %arg2[%swap3A, %swap3A_37] : memref<1x1xf32, #tpu.memory_space<smem>>
    memref.store %add3A_36, %arg2[%swap3A, %swap3A_37] : memref<1x1xf32, #tpu.memory_space<smem>>
    return
  }
}

</mosaic_0001>

<sc_bundles>
// kernel: kernel.4.cloned.1.call-start
scs
__scs_entry_jumppad:
0x0: {  	(pc) =	sbr.rel $0x88, $3  }
0x1: {  	(tag) =	ssettag $0x0;
	lr =	simm.s32 $0x1  }
0x2: {  	[smem:$0x3F9C] =	sst lr;
	_ =	strace $0xD0000000  }
0x3: {  	_ = 	snop  }
0x4: {  	_ = 	snop  }
0x5: {  	_ = 	snop  }
0x6: {  	_ = 	snop  }
0x7: {  	_ = 	snop  }
__scs_overlays_trampoline_lowered:
0x8: {  	[smem:$0x3FAB] =	sst s0  }
0x9: {  	[smem:$0x3FAC] =	sst s1  }
0xa: {  	[smem:$0x3FAD] =	sst s2  }
0xb: {  	[smem:$0x3FAE] =	sst s3  }
0xc: {  	[smem:$0x3FAF] =	sst s4  }
0xd: {  	[smem:$0x3FB0] =	sst s5  }
0xe: {  	[smem:$0x3FB1] =	sst s6  }
0xf: {  	[smem:$0x3FB2] =	sst s7  }
0x10: {  	[smem:$0x3FB3] =	sst s8  }
0x11: {  	[smem:$0x3FB4] =	sst s9;
	s0 =	simm.s32 @!p0 $0x0  }
0x12: {  	s1 =	sld [smem:$0x3F9A];
	s0 =	simm.s32 @p0 $0x1  }
0x13: {  	[smem:$0x3FB5] =	sst s0;
	s0 =	simm.s32 @!p1 $0x0  }
0x14: {  	s2 =	sld [smem:$0x3F99];
	s0 =	simm.s32 @p1 $0x1  }
0x15: {  	[smem:$0x3FB6] =	sst s0;
	s0 =	simm.s32 @!p2 $0x0  }
0x16: {  	s3 =	sld [smem:$0x3FDB];
	s0 =	simm.s32 @p2 $0x1  }
0x17: {  	s4 =	simm.s32 $0x1BF5;
	[smem:$0x3FB8] =	sst s0  }
0x18: {  	s0 =	sld [smem:$0x3F9B];
	_ =	swait.ge [sflag:s4], $0x0  }
0x19: {  	s7 =	sld [smem:$0x3F9C]  }
0x1a: {  	s8 =	sadd.s32 $0xFFFFE003, lr  }
0x1b: {  	s9 =	sadd.s32 $0xFFFFFEF7, lr;
	s5 =	simm.s32 $0xFFFFFFFF;
	p2 =	slt.u32 s8, $0xFFFFF086  }
0x1c: {  	p1 =	slt.u32 s9, $0xF7A;
	s5 =	simm.s32 @!p2 $0x0  }
0x1d: {  	s5 =	simm.s32 @p1 $0x1;
	p0 =	seq.s32 s7, s2  }
0x1e: {  	s7 =	smul.u32 @!p0 $0xF7A, s2;
	p2 =	seq.s32 @!p0 s5, $0x0  }
0x1f: {  	s9 =	smul.u32 $0xF7A, s1;
	s8 =	simm.s32 @!p0 $0x1BF5;
	p2 =	por !p2, p0  }
0x20: {  	[sflag:s8] =	ssyncset.s32 @!p0 $0xFFFFF086;
	s6 =	sadd.s32 @!p0 s3, s7;
	s7 =	simm.s32 @!p0 $0x108  }
0x21: {  	s3 =	sadd.s32 s3, s9;
	s6 =	sadd.s32 @!p0 $0x88, s6;
	s7 =	simm.s32 @p2 $0x1082  }
0x22: {  	[simem:s7], [sflag:s8] =	dma.local @!p0 [hbm:s6], $0xF7A  }
0x23: {  	s9 =	sor.u32 $0xD0000000, s2;
	s6 =	simm.s32 $0x108;
	_ =	swait.ge @!p0 [sflag:s8], $0x0  }
0x24: {  	s3 =	sadd.s32 $0x88, s3;
	s6 =	simm.s32 @!p1 $0x1082;
	[sflag:s4] =	ssyncset.s32 $0xFFFFF086  }
0x25: {  	[simem:s6], [sflag:s4] =	dma.local [hbm:s3], $0xF7A  }
0x26: {  	[smem:$0x3F9C] =	sst s1;
	(tag) =	ssettag s2;
	_ =	strace s9  }
0x27: {  	s1 =	sld [smem:$0x3FAC]  }
0x28: {  	s2 =	sld [smem:$0x3FAD]  }
0x29: {  	s4 =	sld [smem:$0x3FAF]  }
0x2a: {  	p0 =	seq.s32 s5, $0x0;
	s5 =	sld [smem:$0x3FB0]  }
0x2b: {  	s6 =	sld [smem:$0x3FB1]  }
0x2c: {  	s7 =	sld [smem:$0x3FB2]  }
0x2d: {  	s3 =	simm.s32 $0x108;
	s8 =	sld [smem:$0x3FB3]  }
0x2e: {  	s3 =	simm.s32 @!p0 $0x1082;
	s9 =	sld [smem:$0x3FB4]  }
0x2f: {  	lr =	sadd.s32 s0, s3;
	s0 =	sld [smem:$0x3FAB]  }
0x30: {  	s3 =	sld [smem:$0x3FAE]  }
0x31: {  	[smem:$0x3FB7] =	sst s10  }
0x32: {  	s10 =	sld [smem:$0x3FB5];
	_ =	sdelay $0x3  }
0x33: {  	p0 =	seq.s32 s10, $0x1;
	s10 =	sld [smem:$0x3FB7];
	_ =	sdelay $0x3  }
0x34: {  	[smem:$0x3FB7] =	sst s10  }
0x35: {  	s10 =	sld [smem:$0x3FB6];
	_ =	sdelay $0x3  }
0x36: {  	p1 =	seq.s32 s10, $0x1;
	s10 =	sld [smem:$0x3FB7];
	_ =	sdelay $0x3  }
0x37: {  	[smem:$0x3FB7] =	sst s10  }
0x38: {  	s10 =	sld [smem:$0x3FB8]  }
0x39: {  	_ = 	snop;
	(pc) =	sbr.ind lr, $3  }
0x3a: {  	_ = 	snop  }
0x3b: {  	_ = 	snop  }
0x3c: {  	p2 =	seq.s32 s10, $0x1;
	s10 =	sld [smem:$0x3FB7]  }
0x3d: {  	_ =	shalt  }
0x3e: {  	_ =	shalt  }
0x3f: {  	_ =	shalt  }
0x40: {  	_ =	shalt  }
0x41: {  	_ =	shalt  }
0x42: {  	_ =	shalt  }
0x43: {  	_ =	shalt  }
0x44: {  	_ =	shalt  }
0x45: {  	_ =	shalt  }
0x46: {  	_ =	shalt  }
0x47: {  	_ =	shalt  }
0x48: {  	_ =	shalt  }
0x49: {  	_ =	shalt  }
0x4a: {  	_ =	shalt  }
0x4b: {  	_ =	shalt  }
0x4c: {  	_ =	shalt  }
0x4d: {  	_ =	shalt  }
0x4e: {  	_ =	shalt  }
0x4f: {  	_ =	shalt  }
0x50: {  	_ =	shalt  }
0x51: {  	_ =	shalt  }
0x52: {  	_ =	shalt  }
0x53: {  	_ =	shalt  }
0x54: {  	_ =	shalt  }
0x55: {  	_ =	shalt  }
0x56: {  	_ =	shalt  }
0x57: {  	_ =	shalt  }
0x58: {  	_ =	shalt  }
0x59: {  	_ =	shalt  }
0x5a: {  	_ =	shalt  }
0x5b: {  	_ =	shalt  }
0x5c: {  	_ =	shalt  }
0x5d: {  	_ =	shalt  }
0x5e: {  	_ =	shalt  }
0x5f: {  	_ =	shalt  }
0x60: {  	_ =	shalt  }
0x61: {  	_ =	shalt  }
0x62: {  	_ =	shalt  }
0x63: {  	_ =	shalt  }
0x64: {  	_ =	shalt  }
0x65: {  	_ =	shalt  }
0x66: {  	_ =	shalt  }
0x67: {  	_ =	shalt  }
0x68: {  	_ =	shalt  }
0x69: {  	_ =	shalt  }
0x6a: {  	_ =	shalt  }
0x6b: {  	_ =	shalt  }
0x6c: {  	_ =	shalt  }
0x6d: {  	_ =	shalt  }
0x6e: {  	_ =	shalt  }
0x6f: {  	_ =	shalt  }
0x70: {  	_ =	shalt  }
0x71: {  	_ =	shalt  }
0x72: {  	_ =	shalt  }
0x73: {  	_ =	shalt  }
0x74: {  	_ =	shalt  }
0x75: {  	_ =	shalt  }
0x76: {  	_ =	shalt  }
0x77: {  	_ =	shalt  }
0x78: {  	_ =	shalt  }
0x79: {  	_ =	shalt  }
0x7a: {  	_ =	shalt  }
0x7b: {  	_ =	shalt  }
0x7c: {  	_ =	shalt  }
0x7d: {  	_ =	shalt  }
0x7e: {  	_ =	shalt  }
0x7f: {  	_ =	shalt  }
0x80: {  	_ =	shalt  }
0x81: {  	_ =	shalt  }
0x82: {  	_ =	shalt  }
0x83: {  	_ =	shalt  }
0x84: {  	_ =	shalt  }
0x85: {  	_ =	shalt  }
0x86: {  	_ =	shalt  }
0x87: {  	_ =	shalt  }
.Lfunc_end0:
.L_simem_size_0:
called_computation_lowered:
.L_overlay_start_0:
0x88: {  	s2 =	sld [smem:$0x3FD9]  }
0x89: {  	s3 =	sld [smem:$0x3FFE];
	_ =	sdelay $0x1  }
0x8a: {  	s1 =	srdreg.scid  }
0x8b: {  	s0 =	sand.u32 $0x1, s1  }
0x8c: {  	s17 =	sshll.u32 s0, $0xA;
	s2 =	sadd.s32 s3, s2  }
0x8d: {  	s2 =	sadd.s32 s2, s17  }
0x8e: {  	[smem:$0x3FC3] =	sst s2  }
0x8f: {  	_ = 	snop  }
0x90: {  	s2 =	sld [smem:$0x3FC8]  }
0x91: {  	s18 =	sld [smem:$0x3FC6]  }
0x92: {  	s4 =	sld [smem:$0x3FC5];
	(tm) =	ssettm $0x1  }
0x93: {  	s5 =	sld [smem:$0x3FFB];
	_ =	sdelay $0x3  }
0x94: {  	_ =	strace s5  }
0x95: {  	s5 =	sld [smem:$0x3FFC];
	_ =	sdelay $0x3  }
0x96: {  	_ =	strace s5  }
0x97: {  	s5 =	sld [smem:$0x3FFD];
	_ =	sdelay $0x3  }
0x98: {  	_ =	strace s5  }
0x99: {  	_ =	strace $0x8FFFFFFF  }
0x9a: {  	s19 =	sld [smem:$0x3FDB];
	_ =	sdelay $0x1  }
0x9b: {  	s6 =	simm.s32 $_scs_section_size  }
0x9c: {  	s7 =	simm.s32 $_size__tile_overlayer_lowered;
	s8 =	simm.s32 $_tile_overlayer_lowered  }
0x9d: {  	s22 =	simm.s32 $0x1BFF;
	s21 =	sshll.u32 s8, $0x1;
	s5 =	sadd.s32 s6, s19  }
0x9e: {  	s9 =	simm.s32 $0x0;
	s20 =	sshll.u32 s7, $0x1;
	s7 =	sadd.s32 s21, s5  }
0x9f: {  	[timem:s9], [sflag:s22] =	dma.local [hbm:s7], s20  }
0xa0: {  	_ =	swait.ge [sflag:s22], s20  }
0xa1: {  	s6 =	ssub.s32 $0x0, s20;
	[sflag:s22] =	ssyncset.done $0x0  }
0xa2: {  	[sflag:s22] =	ssyncadd.s32 s6;
	_ =	sdelay $0x1  }
0xa3: {  	s23 =	simm.s32 $0x1B8B  }
0xa4: {  	_ =	swait.ge [sflag:s23], $0x1  }
0xa5: {  	[sflag:s23] =	ssyncset.done $0x0  }
0xa6: {  	s25 =	simm.s32 $0x1B8E;
	s24 =	sld [smem:$0x3FFE];
	[sflag:s23] =	ssyncadd.s32 $0xFFFFFFFF  }
0xa7: {  	s26 =	simm.s32 $execute0_lowered;
	[smem:$0x3FD2] =	sst s25  }
0xa8: {  	s7 =	sshll.u32 s26, $0x1;
	_ =	strace $0x80000046;
	[dreg:$0x1] =	wrdreg $0xFFFFFFFF  }
0xa9: {  	s28 =	simm.s32 $_size_execute0_lowered;
	s5 =	sadd.s32 s5, s7;
	[dreg:$0x0] =	wrdreg $0x0  }
0xaa: {  	s7 =	sshll.u32 s28, $0x1;
	[dreg:$0x2] =	wrdreg s5  }
0xab: {  	[dreg:$0x3] =	wrdreg s7  }
0xac: {  	[dreg:$0x4] =	wrdreg $0xC0  }
0xad: {  	_ =	task [dreg:s9], $0x5FFFF  }
0xae: {  	[dreg:$0x1] =	wrdreg $0xFFFFFFFF  }
0xaf: {  	[dreg:$0x0] =	wrdreg $0x60  }
0xb0: {  	[dreg:$0x2] =	wrdreg s24  }
0xb1: {  	[dreg:$0x3] =	wrdreg s2  }
0xb2: {  	[dreg:$0x4] =	wrdreg s18  }
0xb3: {  	[dreg:$0x5] =	wrdreg s4  }
0xb4: {  	[dreg:$0x6] =	wrdreg $0x9  }
0xb5: {  	_ =	task.clear_ibuf [dreg:s9], $0x7FFFF;
	_ =	strace $0x90000046  }
0xb6: {  	s29 =	simm.s32 $0x9;
	_ =	strace $0x80000048  }
0xb7: {  	_ =	swait.ge [sflag:s29], $0x1  }
0xb8: {  	[sflag:s29] =	ssyncadd.s32 $0xFFFFFFFF  }
0xb9: {  	_ =	strace $0x90000048  }
0xba: {  	_ =	sfence  }
0xbb: {  	s30 =	sld [smem:$0x0];
	_ =	sdelay $0x2  }
0xbc: {  	s31 =	sshll.u32 s1, $0xD;
	s1 =	sshrl.u32 s1, $0x2  }
0xbd: {  	s3 =	sand.u32 $0x4000, s31;
	s1 =	sadd.s32 s1, s30  }
0xbe: {  	s0 =	sor.u32 s3, s0;
	s1 =	sshll.u32 s1, $0x11  }
0xbf: {  	s0 =	sor.u32 s1, s0  }
0xc0: {  	s0 =	sadd.s32 $0x8F2B, s0  }
0xc1: {  	[sflag:s0] =	ssyncadd.remote.s32 $0x1  }
0xc2: {  	_ =	sfence.sel $0xFFFF  }
0xc3: {  	[dreg:$0x0] =	wrdreg $0xFFFFFFFF;
	(pc) =	sbr.abs _section_cstart, $3  }
0xc4: {  	[dreg:$0x1] =	wrdreg $0xFFFFFFFF  }
0xc5: {  	_ =	task.clear_ibuf [dreg:s9], $0x2FFFF;
	_ =	strace $0x9FFFFFFF  }
0xc6: {  	(tm) =	ssettm $0x7FFFFFFF  }
0xc7: {  	_ =	shalt  }
tec
execute0_lowered:
.L_overlay_start_1:
0x0: {  	(tag) =	ssettag $0x1  }
0x1: {  	v0 =	vimm.s32 $0x76543210;
	v1 =	vimm.s32 $0xFEDCBA98;
	v2 =	vimm.s32 $0xBA98FEDC  }
0x2: {  	v3 =	vimm.s32 $0x32107654;
	v4 =	vimm.s32 $0xDCFE98BA;
	v5 =	vimm.s32 $0x54761032  }
0x3: {  	v6 =	vimm.s32 $0xEFCDAB89;
	v7 =	vimm.s32 $0x67452301;
	vm0 =	vcmask $0xB08  }
0x4: {  	vm1 =	vcmask $0x300;
	vm2 =	vcmask $0x700;
	vm3 =	vcmask $0x3330  }
0x5: {  	vm4 =	vcmask $0x2F20;
	vm5 =	vcmask $0xF00;
	v0 =	vunpack.c.l.s4.s8 v0  }
0x6: {  	v1 =	vunpack.c.l.s4.s8 v1;
	v2 =	vunpack.c.l.s4.s8 v2;
	v3 =	vunpack.c.l.s4.s8 v3  }
0x7: {  	s2 =	rddreg [dreg:$0x0];
	v4 =	vunpack.c.l.s4.s8 v4;
	vm0 =	vmor vm1, vm0;
	vm1 =	vcmask $0x1310  }
0x8: {  	s0 =	rddreg [dreg:$0x1];
	v5 =	vunpack.c.l.s4.s8 v5;
	v6 =	vunpack.c.l.s4.s8 v6;
	vm0 =	vmor vm0, vm1  }
0x9: {  	s1 =	rddreg [dreg:$0x2];
	vm1 =	vcmask $0x1B18;
	v0 =	vunpack.c.0.s8.s32 v0;
	v1 =	vunpack.c.0.s8.s32 v1  }
0xa: {  	s3 =	rddreg [dreg:$0x3];
	s4 =	simm.s32 $0x0;
	v2 =	vunpack.c.0.s8.s32 v2;
	v3 =	vunpack.c.0.s8.s32 v3;
	v4 =	vunpack.c.0.s8.s32 v4  }
0xb: {  	s5 =	srdreg.scid;
	s7 =	stileid.u32;
	s15 =	simm.s32 $0x6;
	v5 =	vunpack.c.0.s8.s32 v5;
	vm0 =	vmor vm0, vm1;
	vm1 =	vcmask $0x2320  }
0xc: {  	s16 =	simm.s32 $0x680;
	s17 =	simm.s32 $0xD00;
	s18 =	simm.s32 $0xC8;
	vm0 =	vmor vm0, vm1;
	vm1 =	vcmask $0x2B28;
	v1 =	vand.u32 $0xF, v1  }
0xd: {  	s23 =	simm.s32 $0x1;
	s24 =	simm.s32 $0x2;
	s25 =	simm.s32 $0x3;
	v2 =	vcombine.low v3, v2;
	v3 =	vunpack.c.l.s4.s8 v7;
	v4 =	vcombine.low v5, v4  }
0xe: {  	s26 =	simm.s32 $0x5;
	s28 =	simm.s32 $0x0;
	[smem:$0x7FF] =	sst s4;
	v5 =	vunpack.c.0.s8.s32 v6;
	vm0 =	vmor vm0, vm1;
	vm1 =	vcmask $0x1710  }
0xf: {  	s6 =	sadd.s32 $0xE00, s2;
	s5 =	sand.u32 $0x1, s5;
	s8 =	sshll.u32 s7, $0x1;
	v0 =	vcombine.low v1, v0;
	vm1 =	vmor vm2, vm1;
	vm2 =	vcmask $0x2720  }
0x10: {  	s7 =	sadd.s32 $0x19E00, s2;
	s10 =	ssub.s32 $0x2, s5;
	s5 =	sor.u32 s5, s8;
	vm0 =	vmor vm0, vm3;
	vm3 =	vcmask $0x3B38;
	v3 =	vunpack.c.0.s8.s32 v3  }
0x11: {  	s9 =	sadd.s32 $0x32E00, s2;
	s11 =	sshrl.u32 s10, $0x1;
	s12 =	smul.u32 $0xC80, s5;
	v62 =	vand.u32 $0xF, v2;
	v63 =	vand.u32 $0xF, v4;
	vm1 =	vmor vm1, vm2  }
0x12: {  	s8 =	sadd.s32 $0x72E00, s2;
	s31 =	ssub.s32 s10, s11;
	s10 =	sshll.u32 s5, $0x9;
	vm2 =	vcmask $0x3730;
	vm0 =	vmor vm0, vm3;
	[tilespmem:$0x1FFD0] =	vst v0;
	v5 =	vcombine.low v3, v5  }
0x13: {  	s5 =	sshll.u32 s5, $0x6;
	s11 =	sadd.s32 s6, s12;
	vm3 =	vmmov $0xff;
	vm1 =	vmor vm1, vm2;
	vm2 =	vmor vm5, vm4;
	_ =	strace $0x80000047;
	[tilespmem:$0x1FFE0] =	vst v62  }
0x14: {  	s12 =	sadd.s32 s7, s12;
	s13 =	sadd.s32 s0, s5;
	s14 =	smax.u32 s31, $0x1;
	vm4 =	vcmask $0x3F08;
	vm5 =	vmmov $0x1;
	[tilespmem:$0x1FFF0] =	vst v63;
	v4 =	vand.u32 $0xF, v5  }
.LBB2_1:
0x15: {  	[tilespmem:s4], [sflag:$0x6] =	stream.linear.gather [hbm4b:s11+s4], $0x320, $0x38;
	[tilespmem:$0x1BE00] =	vst v63  }
0x16: {  	_ =	swait.ge [sflag:s15], $0x320  }
0x17: {  	[sflag:s15] =	ssyncset.done $0x0  }
0x18: {  	[sflag:s15] =	ssyncadd.s32 $0xFFFFFCE0  }
0x19: {  	[tilespmem:s16], [sflag:$0x6] =	stream.linear.gather [hbm4b:s12+s4], $0x320, $0x38;
	[tilespmem:$0x1BE00] =	vst v63  }
0x1a: {  	_ =	swait.ge [sflag:s15], $0x320  }
0x1b: {  	[sflag:s15] =	ssyncset.done $0x0  }
0x1c: {  	[sflag:s15] =	ssyncadd.s32 $0xFFFFFCE0  }
0x1d: {  	[tilespmem:s17], [sflag:$0x6] =	stream.linear.gather [hbm4b:s13+s4], $0x10, $0x38;
	[tilespmem:$0x1BE00] =	vst v63  }
0x1e: {  	_ =	swait.ge [sflag:s15], $0x10  }
0x1f: {  	[sflag:s15] =	ssyncset.done $0x0  }
0x20: {  	s2 =	simm.s32 $0xD80;
	[sflag:s15] =	ssyncadd.s32 $0xFFFFFFF0  }
0x21: {  	[tilespmem:s2], [sflag:$0x1] =	stream.indirect.gather [hbm4b:s1+s18], $0x80, s4, s18, $0xb8;
	[tilespmem:$0x1BE00] =	vst v63  }
0x22: {  	s30 =	simm.s32 $0xD580  }
0x23: {  	[tilespmem:s30], [sflag:$0x2] =	stream.indirect.gather [hbm4b:s3+s18], $0x80, s16, s18, $0xb8;
	[tilespmem:$0x1BE00] =	vst v63  }
0x24: {  	s31 =	simm.s32 $0x10;
	s5 =	simm.s32 $0x19D80  }
0x25: {  	[tilespmem:s5], [sflag:$0x3] =	stream.indirect.gather [hbm4b:s3+s31], $0x80, s17, s31, $0xb8;
	[tilespmem:$0x1BE00] =	vst v63  }
0x26: {  	v1 =	vimm.f32 $0.0e+00;
	s5 =	simm.s32 $0x0  }
.LBB2_2:
0x27: {  	s2 =	sand.u32 $0x3, s5;
	p1 =	seq.s32 s5, $0x7F  }
0x28: {  	p0 =	sne.s32 @!p1 s2, $0x3  }
0x29: {  	p0 =	por p0, p1  }
0x2a: {  	s19 =	simm.s32 @!p0 $0x4  }
0x2b: {  	s29 =	sadd.s32 $0x1, s5;
	s31 =	sshrl.u32 s5, $0x2;
	_ =	swait.ge @!p0 [sflag:s19], $0x320  }
0x2c: {  	s20 =	sshll.u32 @!p1 s29, $0x1D;
	s21 =	sand.u32 @!p1 $0x1, s29;
	[sflag:s19] =	ssyncset.done @!p0 $0x0  }
0x2d: {  	s22 =	sand.u32 @!p1 $0x3, s29;
	s20 =	sshra.s32 @!p1 s20, $0x1F;
	[sflag:s19] =	ssyncadd.s32 @!p0 $0xFFFFFCE0  }
0x2e: {  	p2 =	seq.s32 @!p1 s21, $0x1;
	s21 =	smul.u32 @!p1 $0xC8, s22;
	_ =	swait.ge @!p0 [sflag:s19], $0x320  }
0x2f: {  	s22 =	simm.s32 @!p1 $0x6400;
	p2 =	por !p2, p1;
	[sflag:s19] =	ssyncset.done @!p0 $0x0  }
0x30: {  	s22 =	simm.s32 @p2 $0x0;
	p2 =	sgt.u32 @!p1 s5, $0x7B;
	[sflag:s19] =	ssyncadd.s32 @!p0 $0xFFFFFCE0  }
0x31: {  	s19 =	sand.u32 @!p1 $0x320, s20;
	s20 =	sadd.s32 @!p1 $0xD80, s22;
	p0 =	por p2, p1  }
0x32: {  	s19 =	sadd.s32 @!p1 s21, s19;
	s21 =	simm.s32 @!p1 $0xC8;
	p3 =	sne.s32 @!p0 s2, $0x3  }
0x33: {  	[tilespmem:s20], [sflag:$0x1] =	stream.indirect.gather @!p1 [hbm4b:s1+s21], $0x80, s19, s21, $0xb8;
	[tilespmem:$0x1BE00] =	vst v63  }
0x34: {  	s30 =	sand.u32 $0x1, s31;
	p0 =	por @!p1 p3, p2  }
0x35: {  	s20 =	sadd.s32 @!p1 $0xD580, s22;
	s19 =	sadd.s32 @!p1 $0x680, s19;
	p0 =	por p0, p1  }
0x36: {  	[tilespmem:s20], [sflag:$0x2] =	stream.indirect.gather @!p1 [hbm4b:s3+s21], $0x80, s19, s21, $0xb8;
	[tilespmem:$0x1BE00] =	vst v63  }
0x37: {  	s19 =	sxor.u32 @!p0 $0x1, s30  }
0x38: {  	s20 =	sshll.u32 @!p0 s19, $0xB;
	s19 =	sshll.u32 @!p0 s19, $0x4  }
0x39: {  	s21 =	simm.s32 @!p0 $0x10;
	s20 =	sadd.s32 @!p0 $0x19D80, s20;
	s19 =	sor.u32 @!p0 $0xD00, s19  }
0x3a: {  	[tilespmem:s20], [sflag:$0x3] =	stream.indirect.gather @!p0 [hbm4b:s3+s21], $0x80, s19, s21, $0xb8;
	[tilespmem:$0x1BE00] =	vst v63  }
0x3b: {  	p4 =	sne.s32 s2, $0x0;
	_ =	swait.ge [sflag:s23], $0x6400  }
.Ltmp0:
0x3c: {  	[sflag:s23] =	ssyncset.done $0x0;
	(pc) =	sbr.rel @p4 .LBB2_8-.Ltmp0, $4  }
0x3d: {  	[sflag:s23] =	ssyncadd.s32 $0xFFFF9C00  }
0x3e: {  	_ =	swait.ge [sflag:s24], $0x6400  }
0x3f: {  	p3 =	por @!p1 !p3, p2;
	p2 =	por !p2, p1;
	[sflag:s24] =	ssyncset.done $0x0  }
0x40: {  	p3 =	por !p3, p1;
	p0 =	por @!p0 $0x1, $0x1;
	[sflag:s24] =	ssyncadd.s32 $0xFFFF9C00  }
0x41: {  	p4 =	slt.u32 @!p1 s5, $0x7C  }
0x42: {  	p5 =	por p4, p4  }
0x43: {  	p5 =	por @!p3 p0, p0  }
0x44: {  	p5 =	por @!p2 p4, p4;
	p4 =	por $0x0, $0x0  }
0x45: {  	p4 =	por @!p1 p5, p5  }
.Ltmp1:
0x46: {  	_ = 	snop;
	(pc) =	sbr.rel @!p4 .LBB2_5-.Ltmp1, $4  }
0x47: {  	s20 =	sadd.s32 @!p1 $0x1, s31  }
0x48: {  	_ =	swait.ge [sflag:s25], $0x800;
	s20 =	simm.s32 @p1 $0x20  }
0x49: {  	[sflag:s25] =	ssyncset.done $0x0;
	s19 =	sshll.u32 s20, $0x4  }
0x4a: {  	[sflag:s25] =	ssyncadd.s32 $0xFFFFF800;
	s19 =	sadd.s32 s10, s19  }
0x4b: {  	s20 =	sand.u32 $0x1, s20  }
0x4c: {  	s21 =	smul.u32 $0x32, s19;
	p5 =	seq.s32 s20, $0x1;
	s20 =	simm.s32 $0x320  }
0x4d: {  	s20 =	simm.s32 @!p5 $0x0;
	p5 =	sgt.u32 s5, $0x7  }
.Ltmp2:
0x4e: {  	s21 =	sshrl.u32 s21, $0x3;
	(pc) =	sbr.rel @p5 .LBB2_6-.Ltmp2, $4  }
.Ltmp3:
0x4f: {  	s22 =	sadd.s32 s6, s21;
	(pc) =	sbr.rel @!p5 .LBB2_7-.Ltmp3, $4  }
0x50: {  	[tilespmem:s20], [sflag:$0x4] =	stream.linear.gather [hbm4b:s22+s4], $0x320, $0x38;
	[tilespmem:$0x1BE00] =	vst v63  }
0x51: {  	s21 =	sadd.s32 s7, s21;
	s20 =	sadd.s32 $0x680, s20  }
0x52: {  	[tilespmem:s20], [sflag:$0x4] =	stream.linear.gather [hbm4b:s21+s4], $0x320, $0x38;
	[tilespmem:$0x1BE00] =	vst v63  }
0x53: {  	_ = 	snop  }
.LBB2_5:
0x54: {  	p5 =	slt.u32 s5, $0x8  }
.Ltmp4:
0x55: {  	_ = 	snop;
	(pc) =	sbr.rel @p5 .LBB2_8-.Ltmp4, $1  }
0x56: {  	_ =	sdelay $0x3  }
.LBB2_6:
0x57: {  	_ =	swait.ge [sflag:s26], $0x800  }
.Ltmp5:
0x58: {  	[sflag:s26] =	ssyncset.done $0x0;
	(pc) =	sbr.rel @!p4 .LBB2_8-.Ltmp5, $4  }
0x59: {  	[sflag:s26] =	ssyncadd.s32 $0xFFFFF800  }
0x5a: {  	_ =	swait.ge [sflag:s26], $0x10  }
0x5b: {  	[sflag:s26] =	ssyncset.done $0x0  }
0x5c: {  	[sflag:s26] =	ssyncadd.s32 $0xFFFFFFF0  }
.LBB2_7:
0x5d: {  	s20 =	sshll.u32 s30, $0x4  }
0x5e: {  	s19 =	sshrl.u32 s19, $0x3;
	s20 =	sxor.u32 $0x10, s20  }
0x5f: {  	s19 =	sadd.s32 s0, s19;
	s20 =	sor.u32 $0xD00, s20  }
0x60: {  	[tilespmem:s20], [sflag:$0x6] =	stream.linear.gather [hbm4b:s19+s4], $0x10, $0x38;
	[tilespmem:$0x1BE00] =	vst v63  }
0x61: {  	_ =	swait.ge [sflag:s15], $0x10  }
0x62: {  	[sflag:s15] =	ssyncset.done $0x0  }
0x63: {  	[sflag:s15] =	ssyncadd.s32 $0xFFFFFFF0  }
.LBB2_8:
0x64: {  	p4 =	seq.s32 @!p1 s2, $0x3  }
0x65: {  	s5 =	sand.u32 $0x1, s5;
	p5 =	por p4, p4  }
0x66: {  	p5 =	por @!p3 p0, p0;
	p3 =	seq.s32 s5, $0x1;
	s5 =	simm.s32 $0x6400  }
0x67: {  	s20 =	sshll.u32 s30, $0xB;
	s2 =	sshll.u32 s2, $0x2;
	s5 =	simm.s32 @!p3 $0x0  }
0x68: {  	v0 =	vmov s20;
	p0 =	por $0x1, $0x1;
	p5 =	por @!p2 p4, p4;
	s21 =	sadd.s32 $0xD580, s5  }
0x69: {  	s19 =	simm.s32 $0x0;
	[tilespmem:$0x1FFC0] =	vst v0;
	p0 =	por @!p1 p5, p5;
	s5 =	sadd.s32 $0xDC0, s5;
	v7 =	vmov s21  }
.LBB2_9:
0x6a: {  	v22 =	vmov s5;
	_ =	sdelay $0x3  }
0x6b: {  	s22 =	simm.s32 $0x0  }
0x6c: {  	v9 =	vld.idx.msk [tilespmem:v22+s22+$0x30 ss:$0x1], $0xffff  }
0x6d: {  	v13 =	vld.idx.msk [tilespmem:v22+s22+$0xFFFFFFC0 ss:$0x1], $0xffff  }
0x6e: {  	v20 =	vld.idx.msk [tilespmem:v22+s22+$0xFFFFFFD0 ss:$0x1], $0xffff  }
0x6f: {  	v19 =	vld.idx.msk [tilespmem:v22+s22+$0xFFFFFFE0 ss:$0x1], $0xffff  }
0x70: {  	v10 =	vld.idx.msk [tilespmem:v22+s22+$0xFFFFFFF0 ss:$0x1], $0xffff  }
0x71: {  	v12 =	vimm.f32 $0.0e+00;
	v21 =	vimm.f32 $0.0e+00;
	v8 =	vld.idx.msk [tilespmem:v22+s22+$0x0 ss:$0x1], $0xffff  }
0x72: {  	v18 =	vimm.f32 $0.0e+00;
	v17 =	vimm.f32 $0.0e+00;
	v14 =	vimm.f32 $0.0e+00;
	v11 =	vld.idx.msk [tilespmem:v22+s22+$0x10 ss:$0x1], $0xffff  }
0x73: {  	[tilespmem:$0x1FFB0] =	vst v1;
	s20 =	simm.s32 $0x80;
	s21 =	simm.s32 $0x400;
	v16 =	vld.idx.msk [tilespmem:v22+s22+$0x20 ss:$0x1], $0xffff;
	v15 =	vadd.f32 v9, v12;
	v13 =	vadd.f32 v13, v12;
	v9 =	vimm.f32 $0.0e+00  }
.LBB2_10:
0x74: {  	p1 =	sne.s32 s21, $0x6200;
	v23 =	vld.idx.msk [tilespmem:v22+s20+$0x30 ss:$0x1], $0xffff;
	v12 =	vadd.f32 v20, v12  }
0x75: {  	v21 =	vadd.f32 v19, v21;
	v24 =	vld.idx.msk [tilespmem:v22+s20+$0xFFFFFFC0 ss:$0x1], $0xffff  }
0x76: {  	v18 =	vadd.f32 v10, v18;
	v20 =	vld.idx.msk [tilespmem:v22+s20+$0xFFFFFFD0 ss:$0x1], $0xffff  }
.Ltmp6:
0x77: {  	v9 =	vadd.f32 v8, v9;
	v19 =	vld.idx.msk [tilespmem:v22+s20+$0xFFFFFFE0 ss:$0x1], $0xffff;
	(pc) =	sbr.rel @p1 .LBB2_10-.Ltmp6, $4  }
0x78: {  	v17 =	vadd.f32 v11, v17;
	v10 =	vld.idx.msk [tilespmem:v22+s20+$0xFFFFFFF0 ss:$0x1], $0xffff  }
0x79: {  	v14 =	vadd.f32 v16, v14;
	v8 =	vld.idx.msk [tilespmem:v22+s20+$0x0 ss:$0x1], $0xffff  }
0x7a: {  	v15 =	vadd.f32 v23, v15;
	v11 =	vld.idx.msk [tilespmem:v22+s20+$0x10 ss:$0x1], $0xffff  }
0x7b: {  	v13 =	vadd.f32 v24, v13;
	v16 =	vld.idx.msk [tilespmem:v22+s20+$0x20 ss:$0x1], $0xffff;
	s20 =	sshra.s32 s21, $0x2;
	s21 =	sadd.s32 $0x200, s21  }
0x7c: {  	_ =	sdelay $0x3  }
0x7d: {  	v28 =	vld.idx.msk [tilespmem:v22+s20+$0x30 ss:$0x1], $0xffff  }
0x7e: {  	v25 =	vld.idx.msk [tilespmem:v22+s20+$0xFFFFFFC0 ss:$0x1], $0xffff  }
0x7f: {  	v27 =	vld.idx.msk [tilespmem:v22+s20+$0xFFFFFFD0 ss:$0x1], $0xffff  }
0x80: {  	v30 =	vld.idx.msk [tilespmem:v22+s20+$0xFFFFFFE0 ss:$0x1], $0xffff  }
0x81: {  	v31 =	vld.idx.msk [tilespmem:v22+s20+$0xFFFFFFF0 ss:$0x1], $0xffff  }
0x82: {  	v32 =	vld.idx.msk [tilespmem:v22+s20+$0x0 ss:$0x1], $0xffff;
	s21 =	smul.u32 $0x6400, s19  }
0x83: {  	v33 =	vld.idx.msk [tilespmem:v22+s20+$0x10 ss:$0x1], $0xffff  }
0x84: {  	v34 =	vld.idx.msk [tilespmem:v22+s20+$0x20 ss:$0x1], $0xffff;
	s20 =	sshra.s32 s21, $0x2  }
0x85: {  	v22 =	vld.idx.msk [tilespmem:v7+s20+$0x0 ss:$0x1], $0xffff  }
0x86: {  	v35 =	vld.idx.msk [tilespmem:v7+s20+$0x10 ss:$0x1], $0xffff  }
0x87: {  	v36 =	vld.idx.msk [tilespmem:v7+s20+$0x20 ss:$0x1], $0xffff  }
0x88: {  	v37 =	vld.idx.msk [tilespmem:v7+s20+$0x30 ss:$0x1], $0xffff  }
0x89: {  	v38 =	vld.idx.msk [tilespmem:v7+s20+$0x40 ss:$0x1], $0xffff  }
0x8a: {  	v39 =	vld.idx.msk [tilespmem:v7+s20+$0x50 ss:$0x1], $0xffff  }
0x8b: {  	v40 =	vld.idx.msk [tilespmem:v7+s20+$0x60 ss:$0x1], $0xffff  }
0x8c: {  	v41 =	vld.idx.msk [tilespmem:v7+s20+$0x70 ss:$0x1], $0xffff  }
0x8d: {  	v42 =	vld.idx.msk [tilespmem:v7+s20+$0x80 ss:$0x1], $0xffff  }
0x8e: {  	v43 =	vld.idx.msk [tilespmem:v7+s20+$0x90 ss:$0x1], $0xffff  }
0x8f: {  	v44 =	vld.idx.msk [tilespmem:v7+s20+$0xA0 ss:$0x1], $0xffff  }
0x90: {  	v45 =	vld.idx.msk [tilespmem:v7+s20+$0xB0 ss:$0x1], $0xffff  }
0x91: {  	v46 =	vld.idx.msk [tilespmem:v7+s20+$0xC0 ss:$0x1], $0xffff  }
0x92: {  	v47 =	vld.idx.msk [tilespmem:v7+s20+$0xD0 ss:$0x1], $0xffff  }
0x93: {  	v48 =	vld.idx.msk [tilespmem:v7+s20+$0xE0 ss:$0x1], $0xffff  }
0x94: {  	v49 =	vld.idx.msk [tilespmem:v7+s20+$0xF0 ss:$0x1], $0xffff  }
0x95: {  	v50 =	vld.idx.msk [tilespmem:v7+s20+$0x100 ss:$0x1], $0xffff  }
0x96: {  	v51 =	vld.idx.msk [tilespmem:v7+s20+$0x110 ss:$0x1], $0xffff  }
0x97: {  	v52 =	vld.idx.msk [tilespmem:v7+s20+$0x120 ss:$0x1], $0xffff  }
0x98: {  	v53 =	vld.idx.msk [tilespmem:v7+s20+$0x130 ss:$0x1], $0xffff  }
0x99: {  	v54 =	vld.idx.msk [tilespmem:v7+s20+$0x140 ss:$0x1], $0xffff  }
0x9a: {  	v55 =	vld.idx.msk [tilespmem:v7+s20+$0x150 ss:$0x1], $0xffff  }
0x9b: {  	v56 =	vld.idx.msk [tilespmem:v7+s20+$0x160 ss:$0x1], $0xffff  }
0x9c: {  	v57 =	vld.idx.msk [tilespmem:v7+s20+$0x170 ss:$0x1], $0xffff  }
0x9d: {  	v58 =	vld.idx.msk [tilespmem:v7+s20+$0x180 ss:$0x1], $0xffff  }
0x9e: {  	v59 =	vld.idx.msk [tilespmem:v7+s20+$0x190 ss:$0x1], $0xffff  }
0x9f: {  	v60 =	vld.idx.msk [tilespmem:v7+s20+$0x1A0 ss:$0x1], $0xffff  }
0xa0: {  	v61 =	vld.idx.msk [tilespmem:v7+s20+$0x1B0 ss:$0x1], $0xffff  }
0xa1: {  	v62 =	vld.idx.msk [tilespmem:v7+s20+$0x1C0 ss:$0x1], $0xffff  }
0xa2: {  	v63 =	vld.idx.msk [tilespmem:v7+s20+$0x1D0 ss:$0x1], $0xffff  }
0xa3: {  	v23 =	vld.idx.msk [tilespmem:v7+s20+$0x1E0 ss:$0x1], $0xffff  }
0xa4: {  	v0 =	vld.idx.msk [tilespmem:v7+s20+$0x1F0 ss:$0x1], $0xffff  }
0xa5: {  	v6 =	vld.idx.msk [tilespmem:v7+s20+$0x210 ss:$0x1], $0xffff  }
0xa6: {  	v5 =	vld.idx.msk [tilespmem:v7+s20+$0x220 ss:$0x1], $0xffff  }
0xa7: {  	v26 =	vld.idx.msk [tilespmem:v7+s20+$0x230 ss:$0x1], $0xffff  }
0xa8: {  	v1 =	vld.idx.msk [tilespmem:v7+s20+$0x240 ss:$0x1], $0xffff  }
0xa9: {  	v2 =	vld.idx.msk [tilespmem:v7+s20+$0x290 ss:$0x1], $0xffff  }
0xaa: {  	v24 =	vld.idx.msk [tilespmem:v7+s20+$0x2A0 ss:$0x1], $0xffff  }
0xab: {  	v29 =	vld.idx.msk [tilespmem:v7+s20+$0x2B0 ss:$0x1], $0xffff  }
0xac: {  	v3 =	vld.idx.msk [tilespmem:v7+s20+$0x2C0 ss:$0x1], $0xffff  }
0xad: {  	v19 =	vadd.f32 v19, v21;
	v21 =	vld.idx.msk [tilespmem:v7+s20+$0x2E0 ss:$0x1], $0xffff  }
0xae: {  	v12 =	vadd.f32 v20, v12;
	v8 =	vadd.f32 v8, v9;
	v20 =	vld.idx.msk [tilespmem:v7+s20+$0x320 ss:$0x1], $0xffff  }
0xaf: {  	v11 =	vadd.f32 v11, v17;
	v13 =	vadd.f32 v25, v13;
	v25 =	vld.idx.msk [tilespmem:v7+s20+$0x300 ss:$0x1], $0xffff  }
0xb0: {  	v8 =	vadd.f32 v32, v8;
	v32 =	vld.idx.msk [tilespmem:v7+s20+$0x360 ss:$0x1], $0xffff  }
0xb1: {  	v11 =	vadd.f32 v33, v11;
	v33 =	vld.idx.msk [tilespmem:v7+s20+$0x380 ss:$0x1], $0xffff  }
0xb2: {  	v15 =	vadd.f32 v28, v15;
	v28 =	vld.idx.msk [tilespmem:v7+s20+$0x3F0 ss:$0x1], $0xffff  }
0xb3: {  	v14 =	vadd.f32 v16, v14;
	[tilespmem:$0x1FE30] =	vst v0;
	v0 =	vld.idx.msk [tilespmem:v7+s20+$0x200 ss:$0x1], $0xffff  }
0xb4: {  	v12 =	vadd.f32 v27, v12;
	[tilespmem:$0x1FE40] =	vst v1;
	v1 =	vld.idx.msk [tilespmem:v7+s20+$0x250 ss:$0x1], $0xffff  }
0xb5: {  	v18 =	vadd.f32 v10, v18;
	v14 =	vadd.f32 v34, v14;
	[tilespmem:$0x1FE60] =	vst v3;
	v3 =	vld.idx.msk [tilespmem:v7+s20+$0x2D0 ss:$0x1], $0xffff  }
0xb6: {  	v10 =	vadd.f32 v30, v19;
	v27 =	vmul.f32 v22, v13;
	v30 =	vmul.f32 v35, v12;
	v35 =	vld.idx.msk [tilespmem:v7+s20+$0x310 ss:$0x1], $0xffff  }
0xb7: {  	v9 =	vadd.f32 v31, v18;
	v31 =	vmul.f32 v50, v13;
	v50 =	vmul.f32 v40, v14;
	v40 =	vld.idx.msk [tilespmem:v7+s20+$0x3D0 ss:$0x1], $0xffff  }
0xb8: {  	v22 =	vadd.f32 v30, v27;
	v27 =	vmul.f32 v36, v10;
	v36 =	vld.idx.msk [tilespmem:v7+s20+$0x330 ss:$0x1], $0xffff  }
0xb9: {  	v30 =	vld.idx.msk [tilespmem:v7+s20+$0x340 ss:$0x1], $0xffff  }
0xba: {  	v18 =	vadd.f32 v27, v22;
	v22 =	vmul.f32 v37, v9;
	v27 =	vld.idx.msk [tilespmem:v7+s20+$0x350 ss:$0x1], $0xffff;
	v37 =	vmul.f32 v42, v13  }
0xbb: {  	v42 =	vmul.f32 v43, v12;
	v43 =	vmul.f32 v38, v8;
	v38 =	vld.idx.msk [tilespmem:v7+s20+$0x3A0 ss:$0x1], $0xffff  }
0xbc: {  	[tilespmem:$0x1FE50] =	vst v1;
	v1 =	vld.idx.msk [tilespmem:v7+s20+$0x260 ss:$0x1], $0xffff  }
0xbd: {  	[tilespmem:$0x1FE90] =	vst v3;
	v3 =	vld.idx.msk [tilespmem:v7+s20+$0x2F0 ss:$0x1], $0xffff  }
0xbe: {  	v6 =	vmul.f32 v6, v12;
	v0 =	vmul.f32 v0, v13;
	v18 =	vadd.f32 v22, v18;
	v22 =	vld.idx.msk [tilespmem:v7+s20+$0x370 ss:$0x1], $0xffff  }
0xbf: {  	v44 =	vmul.f32 v44, v10;
	v5 =	vmul.f32 v5, v10;
	v17 =	vadd.f32 v42, v37;
	v37 =	vld.idx.msk [tilespmem:v7+s20+$0x390 ss:$0x1], $0xffff  }
0xc0: {  	v0 =	vadd.f32 v6, v0;
	v6 =	vld.idx.msk [tilespmem:v7+s20+$0x490 ss:$0x1], $0xffff;
	v42 =	vadd.f32 v43, v18;
	v43 =	vmul.f32 v39, v11  }
0xc1: {  	v17 =	vadd.f32 v44, v17;
	v44 =	vmul.f32 v45, v9;
	v45 =	vmul.f32 v51, v12;
	v39 =	vld.idx.msk [tilespmem:v7+s20+$0x3B0 ss:$0x1], $0xffff  }
0xc2: {  	v51 =	vmul.f32 v52, v10;
	v52 =	vmul.f32 v47, v11;
	v47 =	vld.idx.msk [tilespmem:v7+s20+$0x420 ss:$0x1], $0xffff  }
0xc3: {  	v0 =	vadd.f32 v5, v0;
	v5 =	vmul.f32 v26, v9;
	v26 =	vld.idx.msk [tilespmem:v7+s20+$0x4B0 ss:$0x1], $0xffff  }
0xc4: {  	[tilespmem:$0x1FE70] =	vst v1;
	v1 =	vld.idx.msk [tilespmem:v7+s20+$0x270 ss:$0x1], $0xffff  }
0xc5: {  	v16 =	vadd.f32 v43, v42;
	v42 =	vld.idx.msk [tilespmem:v7+s20+$0x3C0 ss:$0x1], $0xffff  }
0xc6: {  	v43 =	vld.idx.msk [tilespmem:v7+s20+$0x3E0 ss:$0x1], $0xffff  }
0xc7: {  	v17 =	vadd.f32 v44, v17;
	v44 =	vld.idx.msk [tilespmem:v7+s20+$0x400 ss:$0x1], $0xffff  }
0xc8: {  	v46 =	vmul.f32 v46, v8;
	v31 =	vadd.f32 v45, v31;
	v45 =	vld.idx.msk [tilespmem:v7+s20+$0x430 ss:$0x1], $0xffff  }
0xc9: {  	v53 =	vmul.f32 v53, v9;
	v41 =	vmul.f32 v41, v15;
	v0 =	vadd.f32 v5, v0;
	v5 =	vld [tilespmem:$0x1FE40]  }
0xca: {  	v33 =	vmul.f32 v33, v13;
	v37 =	vmul.f32 v37, v12;
	v17 =	vadd.f32 v46, v17;
	v46 =	vld.idx.msk [tilespmem:v7+s20+$0x410 ss:$0x1], $0xffff  }
0xcb: {  	v16 =	vadd.f32 v50, v16;
	v50 =	vmul.f32 v58, v13;
	v58 =	vmul.f32 v49, v15;
	v49 =	vld.idx.msk [tilespmem:v7+s20+$0x440 ss:$0x1], $0xffff  }
0xcc: {  	v19 =	vadd.f32 v51, v31;
	v51 =	vmul.f32 v59, v12;
	v59 =	vmul.f32 v61, v9;
	v31 =	vld.idx.msk [tilespmem:v7+s20+$0x470 ss:$0x1], $0xffff  }
0xcd: {  	v61 =	vmul.f32 v62, v8;
	v62 =	vmul.f32 v57, v15;
	v57 =	vld [tilespmem:$0x1FE50]  }
0xce: {  	v55 =	vmul.f32 v55, v11;
	v23 =	vmul.f32 v23, v14;
	v33 =	vadd.f32 v37, v33;
	v37 =	vld.idx.msk [tilespmem:v7+s20+$0x5F0 ss:$0x1], $0xffff  }
0xcf: {  	v2 =	vmul.f32 v2, v12;
	v20 =	vmul.f32 v20, v10;
	v16 =	vadd.f32 v41, v16;
	v41 =	vld.idx.msk [tilespmem:v7+s20+$0x450 ss:$0x1], $0xffff  }
0xd0: {  	v21 =	vmul.f32 v21, v14;
	v17 =	vadd.f32 v52, v17;
	v52 =	vmul.f32 v48, v14;
	v48 =	vld.idx.msk [tilespmem:v7+s20+$0x460 ss:$0x1], $0xffff  }
0xd1: {  	v19 =	vadd.f32 v53, v19;
	v53 =	vmul.f32 v54, v8;
	v18 =	vadd.f32 v51, v50;
	v51 =	vld.idx.msk [tilespmem:v7+s20+$0x480 ss:$0x1], $0xffff  }
0xd2: {  	v54 =	vmul.f32 v60, v10;
	v60 =	vmul.f32 v56, v14;
	v56 =	vld [tilespmem:$0x1FE30]  }
0xd3: {  	v32 =	vmul.f32 v32, v14;
	v28 =	vmul.f32 v28, v15;
	[tilespmem:$0x1FE80] =	vst v1;
	v1 =	vld.idx.msk [tilespmem:v7+s20+$0x280 ss:$0x1], $0xffff  }
0xd4: {  	v17 =	vadd.f32 v52, v17;
	v18 =	vadd.f32 v54, v18;
	v54 =	vmul.f32 v63, v11;
	v52 =	vld.idx.msk [tilespmem:v7+s20+$0x4A0 ss:$0x1], $0xffff  }
0xd5: {  	v19 =	vadd.f32 v53, v19;
	v5 =	vmul.f32 v5, v8;
	v63 =	vmul.f32 v38, v10;
	v38 =	vld.idx.msk [tilespmem:v7+s20+$0x560 ss:$0x1], $0xffff  }
0xd6: {  	v50 =	vmul.f32 v57, v11;
	v57 =	vmul.f32 v46, v12;
	v46 =	vld.idx.msk [tilespmem:v7+s20+$0x5B0 ss:$0x1], $0xffff  }
0xd7: {  	v19 =	vadd.f32 v55, v19;
	v17 =	vadd.f32 v58, v17;
	v58 =	vmul.f32 v35, v12;
	v35 =	vld.idx.msk [tilespmem:v7+s20+$0x4F0 ss:$0x1], $0xffff  }
0xd8: {  	v18 =	vadd.f32 v59, v18;
	v0 =	vadd.f32 v5, v0;
	v5 =	vmul.f32 v25, v13;
	v25 =	vld.idx.msk [tilespmem:v7+s20+$0x510 ss:$0x1], $0xffff  }
0xd9: {  	v30 =	vmul.f32 v30, v8;
	v6 =	vmul.f32 v6, v12;
	v59 =	vld [tilespmem:$0x1FE70]  }
0xda: {  	v19 =	vadd.f32 v60, v19;
	v18 =	vadd.f32 v61, v18;
	v1 =	vmul.f32 v1, v13;
	v60 =	vld [tilespmem:$0x1FE80]  }
0xdb: {  	v31 =	vmul.f32 v31, v15;
	v5 =	vadd.f32 v58, v5;
	v61 =	vld [tilespmem:$0x1FE90];
	v58 =	vmul.f32 v42, v8  }
0xdc: {  	v42 =	vld.idx.msk [tilespmem:v7+s20+$0x5A0 ss:$0x1], $0xffff;
	v34 =	vadd.f32 v54, v18;
	v1 =	vadd.f32 v2, v1;
	v2 =	vmul.f32 v24, v10  }
0xdd: {  	v51 =	vmul.f32 v51, v13;
	v18 =	vadd.f32 v62, v19;
	v24 =	vld.idx.msk [tilespmem:v7+s20+$0x4C0 ss:$0x1], $0xffff;
	v5 =	vadd.f32 v20, v5  }
0xde: {  	v62 =	vmul.f32 v36, v9;
	v36 =	vld.idx.msk [tilespmem:v7+s20+$0x530 ss:$0x1], $0xffff;
	v1 =	vadd.f32 v2, v1;
	v2 =	vmul.f32 v29, v9  }
0xdf: {  	v0 =	vadd.f32 v50, v0;
	v50 =	vmul.f32 v59, v14;
	v55 =	vadd.f32 v23, v34;
	v34 =	vld.idx.msk [tilespmem:v7+s20+$0x4D0 ss:$0x1], $0xffff  }
0xe0: {  	v23 =	vmul.f32 v56, v15;
	v5 =	vadd.f32 v62, v5;
	v1 =	vadd.f32 v2, v1;
	v2 =	vld [tilespmem:$0x1FE60]  }
0xe1: {  	v29 =	vld.idx.msk [tilespmem:v7+s20+$0x4E0 ss:$0x1], $0xffff;
	v56 =	vmul.f32 v39, v9;
	v53 =	vmul.f32 v60, v15;
	v0 =	vadd.f32 v50, v0  }
0xe2: {  	v39 =	vld.idx.msk [tilespmem:v7+s20+$0x590 ss:$0x1], $0xffff;
	v54 =	vmul.f32 v61, v11;
	v60 =	vmul.f32 v47, v10  }
0xe3: {  	v50 =	vld.idx.msk [tilespmem:v7+s20+$0x540 ss:$0x1], $0xffff;
	v20 =	vadd.f32 v53, v0;
	v0 =	vadd.f32 v30, v5;
	v5 =	vmul.f32 v27, v11  }
0xe4: {  	v61 =	vmul.f32 v40, v11;
	v47 =	vmul.f32 v43, v14;
	v43 =	vld.idx.msk [tilespmem:v7+s20+$0x5E0 ss:$0x1], $0xffff  }
0xe5: {  	v40 =	vld.idx.msk [tilespmem:v7+s20+$0x600 ss:$0x1], $0xffff;
	v0 =	vadd.f32 v5, v0;
	v5 =	vmul.f32 v44, v13;
	v2 =	vmul.f32 v2, v8  }
0xe6: {  	v59 =	vmul.f32 v3, v15;
	v25 =	vmul.f32 v25, v12;
	v19 =	vadd.f32 v23, v55;
	v27 =	vld.idx.msk [tilespmem:v7+s20+$0x570 ss:$0x1], $0xffff  }
0xe7: {  	v62 =	vmul.f32 v22, v15;
	v30 =	vld.idx.msk [tilespmem:v7+s20+$0x660 ss:$0x1], $0xffff;
	v5 =	vadd.f32 v57, v5;
	v1 =	vadd.f32 v2, v1  }
0xe8: {  	v55 =	vadd.f32 v63, v33;
	v63 =	vmul.f32 v45, v9;
	v24 =	vmul.f32 v24, v8;
	v2 =	vld.idx.msk [tilespmem:v7+s20+$0x520 ss:$0x1], $0xffff  }
0xe9: {  	v34 =	vmul.f32 v34, v11;
	v5 =	vadd.f32 v60, v5;
	v60 =	vld.idx.msk [tilespmem:v7+s20+$0x680 ss:$0x1], $0xffff;
	v1 =	vadd.f32 v54, v1  }
0xea: {  	v6 =	vadd.f32 v6, v51;
	v23 =	vld.idx.msk [tilespmem:v7+s20+$0x500 ss:$0x1], $0xffff;
	v29 =	vmul.f32 v29, v14;
	v44 =	vmul.f32 v38, v14  }
0xeb: {  	v33 =	vld.idx.msk [tilespmem:v7+s20+$0x580 ss:$0x1], $0xffff;
	v51 =	vmul.f32 v43, v14;
	v1 =	vadd.f32 v21, v1;
	v21 =	vadd.f32 v56, v55  }
0xec: {  	v0 =	vadd.f32 v32, v0;
	v32 =	vld.idx.msk [tilespmem:v7+s20+$0x5C0 ss:$0x1], $0xffff;
	v27 =	vmul.f32 v27, v15;
	v30 =	vmul.f32 v30, v14  }
0xed: {  	v45 =	vld.idx.msk [tilespmem:v7+s20+$0x5D0 ss:$0x1], $0xffff;
	v55 =	vmul.f32 v48, v14;
	v56 =	vmul.f32 v52, v10;
	v21 =	vadd.f32 v58, v21  }
0xee: {  	v53 =	vld.idx.msk [tilespmem:v7+s20+$0x610 ss:$0x1], $0xffff;
	v2 =	vmul.f32 v2, v10;
	v60 =	vmul.f32 v60, v13  }
0xef: {  	v38 =	vld.idx.msk [tilespmem:v7+s20+$0x6E0 ss:$0x1], $0xffff;
	v22 =	vadd.f32 v59, v1;
	v58 =	vmul.f32 v39, v12;
	v1 =	vadd.f32 v61, v21  }
0xf0: {  	v52 =	vld.idx.msk [tilespmem:v7+s20+$0x700 ss:$0x1], $0xffff;
	v21 =	vadd.f32 v62, v0;
	v0 =	vadd.f32 v63, v5;
	v5 =	vmul.f32 v49, v8  }
0xf1: {  	v59 =	vmul.f32 v42, v10;
	v62 =	vmul.f32 v32, v8;
	v32 =	vld.idx.msk [tilespmem:v7+s20+$0x6C0 ss:$0x1], $0xffff  }
0xf2: {  	v57 =	vld.idx.msk [tilespmem:v7+s20+$0x620 ss:$0x1], $0xffff;
	v61 =	vmul.f32 v46, v9;
	v0 =	vadd.f32 v5, v0;
	v5 =	vmul.f32 v41, v11  }
0xf3: {  	v63 =	vmul.f32 v35, v15;
	v46 =	vmul.f32 v45, v11;
	v1 =	vadd.f32 v47, v1;
	v41 =	vld.idx.msk [tilespmem:v7+s20+$0x6F0 ss:$0x1], $0xffff  }
0xf4: {  	v54 =	vld.idx.msk [tilespmem:v7+s20+$0x550 ss:$0x1], $0xffff;
	v49 =	vmul.f32 v40, v13;
	v0 =	vadd.f32 v5, v0;
	v5 =	vmul.f32 v23, v13  }
0xf5: {  	v48 =	vld.idx.msk [tilespmem:v7+s20+$0x630 ss:$0x1], $0xffff;
	v23 =	vadd.f32 v28, v1;
	v1 =	vadd.f32 v56, v6;
	v6 =	vmul.f32 v26, v9  }
0xf6: {  	v45 =	vmul.f32 v52, v13;
	v26 =	vld.idx.msk [tilespmem:v7+s20+$0x640 ss:$0x1], $0xffff;
	v32 =	vmul.f32 v32, v8  }
0xf7: {  	v47 =	vld.idx.msk [tilespmem:v7+s20+$0x7B0 ss:$0x1], $0xffff;
	v5 =	vadd.f32 v25, v5;
	v1 =	vadd.f32 v6, v1;
	v6 =	vmul.f32 v33, v13  }
0xf8: {  	v56 =	vld.idx.msk [tilespmem:v7+s20+$0x780 ss:$0x1], $0xffff;
	v0 =	vadd.f32 v55, v0;
	v55 =	vmul.f32 v37, v15;
	v42 =	vmul.f32 v41, v15  }
0xf9: {  	v25 =	vld.idx.msk [tilespmem:v7+s20+$0x650 ss:$0x1], $0xffff;
	v2 =	vadd.f32 v2, v5;
	v5 =	vmul.f32 v36, v9;
	v6 =	vadd.f32 v58, v6  }
0xfa: {  	v39 =	vld.idx.msk [tilespmem:v7+s20+$0x6A0 ss:$0x1], $0xffff;
	v1 =	vadd.f32 v24, v1;
	v0 =	vadd.f32 v31, v0;
	v58 =	vmul.f32 v48, v9  }
0xfb: {  	v33 =	vld.idx.msk [tilespmem:v7+s20+$0x670 ss:$0x1], $0xffff;
	v26 =	vmul.f32 v26, v8;
	v2 =	vadd.f32 v5, v2;
	v5 =	vmul.f32 v50, v8  }
0xfc: {  	v24 =	vld.idx.msk [tilespmem:v7+s20+$0x690 ss:$0x1], $0xffff;
	v6 =	vadd.f32 v59, v6;
	v50 =	vmul.f32 v53, v12;
	v53 =	vmul.f32 v57, v10  }
0xfd: {  	v31 =	vld.idx.msk [tilespmem:v7+s20+$0x6B0 ss:$0x1], $0xffff;
	v1 =	vadd.f32 v34, v1;
	v34 =	vmul.f32 v56, v13;
	v56 =	vmul.f32 v47, v9  }
0xfe: {  	v52 =	vld.idx.msk [tilespmem:v7+s20+$0x750 ss:$0x1], $0xffff;
	v47 =	vperm.xlane v18, v4;
	v25 =	vmul.f32 v25, v11  }
0xff: {  	v59 =	vld.idx.msk [tilespmem:v7+s20+$0x790 ss:$0x1], $0xffff;
	v2 =	vadd.f32 v5, v2;
	v5 =	vmul.f32 v54, v11;
	v6 =	vadd.f32 v61, v6  }
0x100: {  	v33 =	vmul.f32 v33, v15;
	v1 =	vadd.f32 v29, v1;
	v29 =	vadd.f32 v50, v49;
	v54 =	vld.idx.msk [tilespmem:v7+s20+$0x710 ss:$0x1], $0xffff  }
0x101: {  	v61 =	vld.idx.msk [tilespmem:v7+s20+$0x720 ss:$0x1], $0xffff;
	v18 =	vadd.f32 v47, v18;
	v24 =	vmul.f32 v24, v12;
	v2 =	vadd.f32 v5, v2  }
0x102: {  	v48 =	vld.idx.msk [tilespmem:v7+s20+$0x740 ss:$0x1], $0xffff;
	v31 =	vmul.f32 v31, v9;
	v6 =	vadd.f32 v62, v6;
	v1 =	vadd.f32 v63, v1  }
0x103: {  	v5 =	vld.idx.msk [tilespmem:v7+s20+$0x6D0 ss:$0x1], $0xffff;
	v57 =	vadd.f32 v53, v29;
	v63 =	vmul.f32 v39, v10;
	v24 =	vadd.f32 v24, v60  }
0x104: {  	v62 =	vld.idx.msk [tilespmem:v7+s20+$0x7A0 ss:$0x1], $0xffff;
	v39 =	vmul.f32 v38, v14;
	v37 =	vmul.f32 v59, v12;
	v6 =	vadd.f32 v46, v6  }
0x105: {  	v2 =	vadd.f32 v44, v2;
	v46 =	vmul.f32 v54, v12;
	v24 =	vadd.f32 v63, v24  }
0x106: {  	v50 =	vmul.f32 v61, v10;
	v34 =	vadd.f32 v37, v34;
	v6 =	vadd.f32 v51, v6  }
0x107: {  	v59 =	vld.idx.msk [tilespmem:v7+s20+$0x770 ss:$0x1], $0xffff;
	v61 =	vmul.f32 v52, v11;
	v2 =	vadd.f32 v27, v2;
	v27 =	vadd.f32 v58, v57  }
0x108: {  	v44 =	vld.idx.msk [tilespmem:v7+s20+$0x730 ss:$0x1], $0xffff;
	v57 =	vmul.f32 v48, v8;
	v48 =	vperm.xlane v19, v4;
	v49 =	vadd.f32 v46, v45  }
0x109: {  	v54 =	vld.idx.msk [tilespmem:v7+s20+$0x7D0 ss:$0x1], $0xffff;
	v24 =	vadd.f32 v31, v24;
	v29 =	vmul.f32 v62, v10;
	v5 =	vmul.f32 v5, v11  }
0x10a: {  	v45 =	vperm.xlane v16, v4;
	v6 =	vadd.f32 v55, v6;
	v26 =	vadd.f32 v26, v27  }
0x10b: {  	v51 =	vld.idx.msk [tilespmem:v7+s20+$0x7C0 ss:$0x1], $0xffff;
	v46 =	vperm.xlane v17, v4;
	v19 =	vadd.f32 v48, v19;
	v29 =	vadd.f32 v29, v34  }
0x10c: {  	v58 =	vld.idx.msk [tilespmem:v7+s20+$0x7E0 ss:$0x1], $0xffff;
	v43 =	vmul.f32 v59, v15;
	v24 =	vadd.f32 v32, v24;
	v16 =	vadd.f32 v45, v16  }
0x10d: {  	v53 =	vmul.f32 v44, v9;
	v17 =	vadd.f32 v46, v17;
	v25 =	vadd.f32 v25, v26  }
0x10e: {  	v26 =	vadd.f32 v50, v49;
	v36 =	vmul.f32 v54, v11;
	v49 =	vperm.xlane v20, v4  }
0x10f: {  	v50 =	vperm.xlane v22, v4;
	v18 =	vsel vm0, v18, v19;
	v54 =	vperm.xlane v23, v4  }
0x110: {  	v59 =	vperm.xlane v6, v4;
	v29 =	vadd.f32 v56, v29;
	v60 =	vmul.f32 v51, v8  }
0x111: {  	v55 =	vld.idx.msk [tilespmem:v7+s20+$0x760 ss:$0x1], $0xffff;
	v5 =	vadd.f32 v5, v24;
	v28 =	vmul.f32 v58, v14;
	v26 =	vadd.f32 v53, v26  }
0x112: {  	v56 =	vperm.xlane v1, v4;
	v25 =	vadd.f32 v30, v25;
	v51 =	vadd.f32 v49, v20  }
0x113: {  	v62 =	vld.idx.msk [tilespmem:v7+s20+$0x7F0 ss:$0x1], $0xffff;
	v58 =	vperm.xlane v2, v4;
	v52 =	vadd.f32 v50, v22;
	v6 =	vadd.f32 v59, v6  }
0x114: {  	v16 =	vsel vm0, v16, v17;
	v63 =	vadd.f32 v60, v29;
	v5 =	vadd.f32 v39, v5  }
0x115: {  	v53 =	vperm.xlane v21, v4;
	v1 =	vadd.f32 v56, v1;
	v2 =	vadd.f32 v58, v2  }
0x116: {  	v40 =	vmul.f32 v55, v14;
	v26 =	vadd.f32 v57, v26;
	v25 =	vadd.f32 v33, v25  }
0x117: {  	v55 =	vperm.xlane v0, v4;
	v19 =	vadd.f32 v53, v21;
	v5 =	vadd.f32 v42, v5;
	v42 =	vld [tilespmem:$0x1FFF0]  }
0x118: {  	v44 =	vmul.f32 v62, v15;
	v57 =	vadd.f32 v54, v23;
	v24 =	vadd.f32 v36, v63  }
0x119: {  	v17 =	vsel vm0, v51, v52;
	v0 =	vadd.f32 v55, v0;
	v26 =	vadd.f32 v61, v26  }
0x11a: {  	v2 =	vsel vm0, v2, v6;
	v60 =	vperm.xlane v25, v4;
	v24 =	vadd.f32 v28, v24  }
0x11b: {  	v61 =	vperm.xlane v5, v4;
	v0 =	vsel vm0, v0, v1;
	v26 =	vadd.f32 v40, v26  }
0x11c: {  	v3 =	vld [tilespmem:$0x1FFC0];
	v28 =	vadd.f32 v60, v25;
	v24 =	vadd.f32 v44, v24;
	v6 =	vperm.xlane v16, v42  }
0x11d: {  	v54 =	vld [tilespmem:$0x1FFE0];
	v26 =	vadd.f32 v43, v26;
	v30 =	vperm.xlane v18, v42;
	v34 =	vperm.xlane v0, v42  }
0x11e: {  	v5 =	vadd.f32 v61, v5;
	v35 =	vperm.xlane v2, v42;
	v63 =	vperm.xlane v24, v4  }
0x11f: {  	v62 =	vperm.xlane v26, v4;
	v6 =	vadd.f32 v6, v16;
	v32 =	vadd.f32 v30, v18  }
0x120: {  	v19 =	vsel vm0, v19, v57;
	v0 =	vadd.f32 v34, v0;
	v2 =	vadd.f32 v35, v2  }
0x121: {  	v29 =	vadd.f32 v63, v24;
	v1 =	vadd.f32 v62, v26;
	v6 =	vsel vm1, v6, v32  }
0x122: {  	s22 =	sadd.s32 s2, s19;
	v31 =	vperm.xlane v17, v42;
	v0 =	vsel vm1, v0, v2;
	v2 =	vperm.xlane v6, v54  }
0x123: {  	s21 =	sshll.u32 s22, $0x7;
	v33 =	vperm.xlane v19, v42;
	v5 =	vsel vm0, v28, v5;
	v1 =	vsel vm0, v1, v29  }
0x124: {  	v36 =	vperm.xlane v5, v42;
	v37 =	vperm.xlane v1, v42;
	v2 =	vadd.f32 v2, v6;
	v6 =	vld.idx.msk [tilespmem:v3+s21+$0x19D80 ss:$0x1], $0xffff  }
0x125: {  	v17 =	vadd.f32 v31, v17;
	v18 =	vadd.f32 v33, v19  }
0x126: {  	v5 =	vadd.f32 v36, v5;
	v1 =	vadd.f32 v37, v1  }
0x127: {  	v38 =	vsel vm1, v17, v18  }
0x128: {  	v1 =	vsel vm1, v5, v1;
	v5 =	vperm.xlane v38, v54  }
0x129: {  	v39 =	vperm.xlane v0, v54;
	v40 =	vperm.xlane v1, v54;
	[tilespmem:$0x1FF30] =	vst v6;
	v6 =	vld.idx.msk [tilespmem:v3+s21+$0x19D90 ss:$0x1], $0xffff  }
0x12a: {  	v5 =	vadd.f32 v5, v38  }
0x12b: {  	v0 =	vadd.f32 v39, v0;
	v1 =	vadd.f32 v40, v1  }
0x12c: {  	v2 =	vsel vm2, v2, v5;
	v5 =	vld [tilespmem:$0x1FFD0]  }
0x12d: {  	v0 =	vsel vm2, v0, v1;
	v1 =	vld.idx.msk [tilespmem:v3+s21+$0x19DB0 ss:$0x1], $0xffff  }
0x12e: {  	[tilespmem:$0x1FF40] =	vst v6;
	v6 =	vld.idx.msk [tilespmem:v3+s21+$0x19DA0 ss:$0x1], $0xffff;
	_ =	sdelay $0x3  }
0x12f: {  	[tilespmem:$0x1FF60] =	vst v1;
	v1 =	vperm.xlane v2, v5  }
0x130: {  	[tilespmem:$0x1FF50] =	vst v6;
	v6 =	vld.idx.msk [tilespmem:v3+s21+$0x19DC0 ss:$0x1], $0xffff  }
0x131: {  	v1 =	vadd.f32 v1, v2;
	v2 =	vld.idx.msk [tilespmem:v3+s21+$0x19DE0 ss:$0x1], $0xffff  }
0x132: {  	v5 =	vperm.xlane v0, v5;
	_ =	sdelay $0x1  }
0x133: {  	v0 =	vadd.f32 v5, v0  }
0x134: {  	[tilespmem:$0x1FF70] =	vst v6  }
0x135: {  	v0 =	vsel vm3, v1, v0;
	v6 =	vld.idx.msk [tilespmem:v3+s21+$0x19DD0 ss:$0x1], $0xffff;
	[tilespmem:$0x1FF90] =	vst v2  }
0x136: {  	v2 =	vld.idx.msk [tilespmem:v3+s21+$0x19DF0 ss:$0x1], $0xffff;
	[tilespmem:v3+s21+$0x1AD80 ss:$0x1] =	vst.idx.msk $0xffff, v0  }
0x137: {  	v0 =	vld.idx.msk [tilespmem:v7+s20+$0x800 ss:$0x1], $0xffff  }
0x138: {  	v1 =	vld.idx.msk [tilespmem:v7+s20+$0x810 ss:$0x1], $0xffff  }
0x139: {  	v5 =	vld.idx.msk [tilespmem:v7+s20+$0x830 ss:$0x1], $0xffff  }
0x13a: {  	v24 =	vld.idx.msk [tilespmem:v7+s20+$0x850 ss:$0x1], $0xffff  }
0x13b: {  	v25 =	vld.idx.msk [tilespmem:v7+s20+$0x860 ss:$0x1], $0xffff  }
0x13c: {  	v26 =	vld.idx.msk [tilespmem:v7+s20+$0x870 ss:$0x1], $0xffff  }
0x13d: {  	v27 =	vld.idx.msk [tilespmem:v7+s20+$0x880 ss:$0x1], $0xffff  }
0x13e: {  	v30 =	vld.idx.msk [tilespmem:v7+s20+$0x890 ss:$0x1], $0xffff  }
0x13f: {  	v32 =	vld.idx.msk [tilespmem:v7+s20+$0x8A0 ss:$0x1], $0xffff  }
0x140: {  	v34 =	vld.idx.msk [tilespmem:v7+s20+$0x8B0 ss:$0x1], $0xffff  }
0x141: {  	v35 =	vld.idx.msk [tilespmem:v7+s20+$0x8C0 ss:$0x1], $0xffff  }
0x142: {  	v36 =	vld.idx.msk [tilespmem:v7+s20+$0x8D0 ss:$0x1], $0xffff  }
0x143: {  	v37 =	vld.idx.msk [tilespmem:v7+s20+$0x8E0 ss:$0x1], $0xffff  }
0x144: {  	v38 =	vld.idx.msk [tilespmem:v7+s20+$0x8F0 ss:$0x1], $0xffff  }
0x145: {  	v39 =	vld.idx.msk [tilespmem:v7+s20+$0x900 ss:$0x1], $0xffff  }
0x146: {  	v40 =	vld.idx.msk [tilespmem:v7+s20+$0x910 ss:$0x1], $0xffff  }
0x147: {  	v41 =	vld.idx.msk [tilespmem:v7+s20+$0x920 ss:$0x1], $0xffff  }
0x148: {  	v16 =	vld.idx.msk [tilespmem:v7+s20+$0x930 ss:$0x1], $0xffff  }
0x149: {  	v43 =	vld.idx.msk [tilespmem:v7+s20+$0x940 ss:$0x1], $0xffff  }
0x14a: {  	v44 =	vld.idx.msk [tilespmem:v7+s20+$0x950 ss:$0x1], $0xffff  }
0x14b: {  	v45 =	vld.idx.msk [tilespmem:v7+s20+$0x960 ss:$0x1], $0xffff  }
0x14c: {  	v46 =	vld.idx.msk [tilespmem:v7+s20+$0x970 ss:$0x1], $0xffff  }
0x14d: {  	v47 =	vld.idx.msk [tilespmem:v7+s20+$0x980 ss:$0x1], $0xffff  }
0x14e: {  	v48 =	vld.idx.msk [tilespmem:v7+s20+$0x990 ss:$0x1], $0xffff  }
0x14f: {  	v49 =	vld.idx.msk [tilespmem:v7+s20+$0x9A0 ss:$0x1], $0xffff  }
0x150: {  	v50 =	vld.idx.msk [tilespmem:v7+s20+$0x9B0 ss:$0x1], $0xffff  }
0x151: {  	v51 =	vld.idx.msk [tilespmem:v7+s20+$0x9C0 ss:$0x1], $0xffff  }
0x152: {  	v52 =	vld.idx.msk [tilespmem:v7+s20+$0x9D0 ss:$0x1], $0xffff  }
0x153: {  	v53 =	vld.idx.msk [tilespmem:v7+s20+$0x9E0 ss:$0x1], $0xffff  }
0x154: {  	v20 =	vld.idx.msk [tilespmem:v7+s20+$0x9F0 ss:$0x1], $0xffff  }
0x155: {  	v55 =	vld.idx.msk [tilespmem:v7+s20+$0xA00 ss:$0x1], $0xffff  }
0x156: {  	v56 =	vld.idx.msk [tilespmem:v7+s20+$0xA10 ss:$0x1], $0xffff  }
0x157: {  	v57 =	vld.idx.msk [tilespmem:v7+s20+$0xA20 ss:$0x1], $0xffff  }
0x158: {  	v58 =	vld.idx.msk [tilespmem:v7+s20+$0xA30 ss:$0x1], $0xffff  }
0x159: {  	v59 =	vld.idx.msk [tilespmem:v7+s20+$0xA40 ss:$0x1], $0xffff  }
0x15a: {  	v60 =	vld.idx.msk [tilespmem:v7+s20+$0xA50 ss:$0x1], $0xffff  }
0x15b: {  	v61 =	vld.idx.msk [tilespmem:v7+s20+$0xA60 ss:$0x1], $0xffff  }
0x15c: {  	v62 =	vld.idx.msk [tilespmem:v7+s20+$0xA70 ss:$0x1], $0xffff  }
0x15d: {  	v63 =	vld.idx.msk [tilespmem:v7+s20+$0xA80 ss:$0x1], $0xffff  }
0x15e: {  	v31 =	vld.idx.msk [tilespmem:v7+s20+$0xA90 ss:$0x1], $0xffff  }
0x15f: {  	v33 =	vld.idx.msk [tilespmem:v7+s20+$0xAA0 ss:$0x1], $0xffff  }
0x160: {  	v18 =	vld.idx.msk [tilespmem:v7+s20+$0xAB0 ss:$0x1], $0xffff  }
0x161: {  	v22 =	vld.idx.msk [tilespmem:v7+s20+$0xAC0 ss:$0x1], $0xffff  }
0x162: {  	v28 =	vld.idx.msk [tilespmem:v7+s20+$0xAD0 ss:$0x1], $0xffff  }
0x163: {  	v3 =	vld.idx.msk [tilespmem:v7+s20+$0xAE0 ss:$0x1], $0xffff  }
0x164: {  	v19 =	vld.idx.msk [tilespmem:v7+s20+$0xB00 ss:$0x1], $0xffff  }
0x165: {  	v17 =	vld.idx.msk [tilespmem:v7+s20+$0xB10 ss:$0x1], $0xffff  }
0x166: {  	v21 =	vld.idx.msk [tilespmem:v7+s20+$0xB20 ss:$0x1], $0xffff  }
0x167: {  	[tilespmem:$0x1FFA0] =	vst v2;
	v2 =	vld.idx.msk [tilespmem:v7+s20+$0x820 ss:$0x1], $0xffff  }
0x168: {  	[tilespmem:$0x1FEA0] =	vst v3;
	v3 =	vld.idx.msk [tilespmem:v7+s20+$0xAF0 ss:$0x1], $0xffff  }
0x169: {  	v23 =	vld.idx.msk [tilespmem:v7+s20+$0xB30 ss:$0x1], $0xffff;
	v0 =	vmul.f32 v0, v13;
	v1 =	vmul.f32 v1, v12  }
0x16a: {  	v29 =	vld.idx.msk [tilespmem:v7+s20+$0xB40 ss:$0x1], $0xffff;
	v27 =	vmul.f32 v27, v13;
	v30 =	vmul.f32 v30, v12  }
0x16b: {  	[tilespmem:$0x1FF80] =	vst v6;
	v6 =	vld.idx.msk [tilespmem:v7+s20+$0x840 ss:$0x1], $0xffff  }
0x16c: {  	v0 =	vadd.f32 v1, v0;
	v1 =	vld.idx.msk [tilespmem:v7+s20+$0xB50 ss:$0x1], $0xffff;
	v27 =	vadd.f32 v30, v27;
	v30 =	vmul.f32 v32, v10  }
0x16d: {  	v32 =	vld.idx.msk [tilespmem:v7+s20+$0xBA0 ss:$0x1], $0xffff;
	[tilespmem:$0x1FEC0] =	vst v3;
	v3 =	vmul.f32 v2, v10  }
0x16e: {  	v27 =	vadd.f32 v30, v27;
	v30 =	vmul.f32 v34, v9;
	v34 =	vmul.f32 v40, v12;
	v40 =	vld.idx.msk [tilespmem:v7+s20+$0xBD0 ss:$0x1], $0xffff  }
0x16f: {  	v5 =	vmul.f32 v5, v9;
	v2 =	vld.idx.msk [tilespmem:v7+s20+$0xB60 ss:$0x1], $0xffff;
	v3 =	vadd.f32 v3, v0  }
0x170: {  	v27 =	vadd.f32 v30, v27;
	v30 =	vmul.f32 v35, v8;
	v35 =	vld.idx.msk [tilespmem:v7+s20+$0xBC0 ss:$0x1], $0xffff  }
0x171: {  	v0 =	vld.idx.msk [tilespmem:v7+s20+$0xB70 ss:$0x1], $0xffff;
	v3 =	vadd.f32 v5, v3;
	v5 =	vmul.f32 v6, v8  }
0x172: {  	v27 =	vadd.f32 v30, v27;
	v30 =	vmul.f32 v47, v13;
	v47 =	vmul.f32 v43, v8;
	v43 =	vld.idx.msk [tilespmem:v7+s20+$0xC30 ss:$0x1], $0xffff  }
0x173: {  	v24 =	vmul.f32 v24, v11;
	v6 =	vld.idx.msk [tilespmem:v7+s20+$0xB90 ss:$0x1], $0xffff;
	v3 =	vadd.f32 v5, v3;
	v5 =	vmul.f32 v39, v13  }
0x174: {  	v25 =	vmul.f32 v25, v14;
	[tilespmem:$0x1FEB0] =	vst v2;
	v2 =	vld.idx.msk [tilespmem:v7+s20+$0xC00 ss:$0x1], $0xffff  }
0x175: {  	v39 =	vld.idx.msk [tilespmem:v7+s20+$0xBB0 ss:$0x1], $0xffff;
	v24 =	vadd.f32 v24, v3;
	v3 =	vadd.f32 v34, v5;
	v5 =	vmul.f32 v41, v10  }
0x176: {  	[tilespmem:$0x1FED0] =	vst v0;
	v0 =	vld.idx.msk [tilespmem:v7+s20+$0xB80 ss:$0x1], $0xffff;
	v41 =	vmul.f32 v36, v11;
	v34 =	vmul.f32 v37, v14  }
0x177: {  	v36 =	vld.idx.msk [tilespmem:v7+s20+$0xBE0 ss:$0x1], $0xffff;
	v37 =	vmul.f32 v16, v9;
	v16 =	vmul.f32 v48, v12  }
0x178: {  	v48 =	vmul.f32 v49, v10;
	v49 =	vmul.f32 v44, v11;
	v44 =	vld.idx.msk [tilespmem:v7+s20+$0xC40 ss:$0x1], $0xffff  }
0x179: {  	v5 =	vadd.f32 v5, v3;
	v3 =	vld.idx.msk [tilespmem:v7+s20+$0xBF0 ss:$0x1], $0xffff;
	v27 =	vadd.f32 v41, v27  }
0x17a: {  	v24 =	vadd.f32 v25, v24;
	v30 =	vadd.f32 v16, v30;
	v41 =	vld.idx.msk [tilespmem:v7+s20+$0xC20 ss:$0x1], $0xffff  }
0x17b: {  	v25 =	vmul.f32 v26, v15;
	v16 =	vmul.f32 v38, v15;
	v38 =	vld.idx.msk [tilespmem:v7+s20+$0xC60 ss:$0x1], $0xffff;
	v5 =	vadd.f32 v37, v5  }
0x17c: {  	v37 =	vld.idx.msk [tilespmem:v7+s20+$0xC10 ss:$0x1], $0xffff;
	v27 =	vadd.f32 v34, v27;
	v30 =	vadd.f32 v48, v30;
	v48 =	vmul.f32 v50, v9  }
0x17d: {  	v6 =	vmul.f32 v6, v12;
	v24 =	vadd.f32 v25, v24;
	v34 =	vld.idx.msk [tilespmem:v7+s20+$0xC70 ss:$0x1], $0xffff;
	v0 =	vmul.f32 v0, v13  }
0x17e: {  	v25 =	vadd.f32 v16, v27;
	v50 =	vadd.f32 v48, v30;
	v16 =	vmul.f32 v55, v13;
	v48 =	vld.idx.msk [tilespmem:v7+s20+$0xC80 ss:$0x1], $0xffff  }
0x17f: {  	v55 =	vmul.f32 v56, v12;
	v56 =	vmul.f32 v52, v11;
	v52 =	vld.idx.msk [tilespmem:v7+s20+$0xCA0 ss:$0x1], $0xffff  }
0x180: {  	v5 =	vadd.f32 v47, v5;
	v30 =	vmul.f32 v46, v15;
	v46 =	vld.idx.msk [tilespmem:v7+s20+$0xCC0 ss:$0x1], $0xffff  }
0x181: {  	v51 =	vmul.f32 v51, v8;
	v0 =	vadd.f32 v6, v0;
	v6 =	vmul.f32 v32, v10;
	v32 =	vld.idx.msk [tilespmem:v7+s20+$0xD60 ss:$0x1], $0xffff  }
0x182: {  	v5 =	vadd.f32 v49, v5;
	v49 =	vmul.f32 v45, v14;
	v45 =	vld.idx.msk [tilespmem:v7+s20+$0xC50 ss:$0x1], $0xffff  }
0x183: {  	v57 =	vmul.f32 v57, v10;
	v31 =	vmul.f32 v31, v12;
	v27 =	vadd.f32 v51, v50;
	v51 =	vld.idx.msk [tilespmem:v7+s20+$0xC90 ss:$0x1], $0xffff  }
0x184: {  	v33 =	vmul.f32 v33, v10;
	v47 =	vadd.f32 v55, v16;
	v16 =	vmul.f32 v63, v13;
	v50 =	vld.idx.msk [tilespmem:v7+s20+$0xCD0 ss:$0x1], $0xffff  }
0x185: {  	v55 =	vld.idx.msk [tilespmem:v7+s20+$0xCF0 ss:$0x1], $0xffff;
	v63 =	vmul.f32 v22, v8;
	v0 =	vadd.f32 v6, v0;
	v6 =	vmul.f32 v39, v9  }
0x186: {  	v22 =	vld.idx.msk [tilespmem:v7+s20+$0xD50 ss:$0x1], $0xffff;
	v27 =	vadd.f32 v56, v27;
	v56 =	vmul.f32 v58, v9;
	v58 =	vmul.f32 v59, v8  }
0x187: {  	v59 =	vmul.f32 v60, v11;
	v60 =	vmul.f32 v19, v13;
	v19 =	vld.idx.msk [tilespmem:v7+s20+$0xD10 ss:$0x1], $0xffff  }
0x188: {  	v5 =	vadd.f32 v49, v5;
	v49 =	vmul.f32 v53, v14;
	v53 =	vmul.f32 v21, v10;
	v21 =	vld.idx.msk [tilespmem:v7+s20+$0xD30 ss:$0x1], $0xffff  }
0x189: {  	v31 =	vadd.f32 v31, v16;
	v0 =	vadd.f32 v6, v0;
	v6 =	vmul.f32 v35, v8;
	v35 =	vld.idx.msk [tilespmem:v7+s20+$0xDA0 ss:$0x1], $0xffff  }
0x18a: {  	v26 =	vadd.f32 v30, v5;
	v5 =	vadd.f32 v57, v47;
	v47 =	vld.idx.msk [tilespmem:v7+s20+$0xCB0 ss:$0x1], $0xffff  }
0x18b: {  	v18 =	vmul.f32 v18, v9;
	v17 =	vmul.f32 v17, v12;
	v31 =	vadd.f32 v33, v31;
	v33 =	vld.idx.msk [tilespmem:v7+s20+$0xCE0 ss:$0x1], $0xffff  }
0x18c: {  	v1 =	vmul.f32 v1, v11;
	v57 =	vmul.f32 v20, v15;
	v20 =	vld.idx.msk [tilespmem:v7+s20+$0xD20 ss:$0x1], $0xffff;
	v5 =	vadd.f32 v56, v5  }
0x18d: {  	v3 =	vmul.f32 v3, v15;
	v27 =	vadd.f32 v49, v27;
	v16 =	vadd.f32 v17, v60;
	v49 =	vld [tilespmem:$0x1FEC0]  }
0x18e: {  	v38 =	vmul.f32 v38, v14;
	v0 =	vadd.f32 v6, v0;
	v6 =	vld.idx.msk [tilespmem:v7+s20+$0xDC0 ss:$0x1], $0xffff;
	v5 =	vadd.f32 v58, v5  }
0x18f: {  	v60 =	vmul.f32 v29, v8;
	v17 =	vld.idx.msk [tilespmem:v7+s20+$0xDE0 ss:$0x1], $0xffff;
	v18 =	vadd.f32 v18, v31;
	v56 =	vmul.f32 v61, v14  }
0x190: {  	v31 =	vld.idx.msk [tilespmem:v7+s20+$0xD00 ss:$0x1], $0xffff;
	v16 =	vadd.f32 v53, v16;
	v5 =	vadd.f32 v59, v5;
	v59 =	vmul.f32 v23, v9  }
0x191: {  	v27 =	vadd.f32 v57, v27;
	v61 =	vld [tilespmem:$0x1FEA0];
	v18 =	vadd.f32 v63, v18;
	v58 =	vmul.f32 v28, v11  }
0x192: {  	v57 =	vmul.f32 v62, v15;
	v53 =	vld.idx.msk [tilespmem:v7+s20+$0xD40 ss:$0x1], $0xffff;
	v5 =	vadd.f32 v56, v5;
	v16 =	vadd.f32 v59, v16  }
0x193: {  	v34 =	vmul.f32 v34, v15;
	v63 =	vmul.f32 v37, v12;
	v37 =	vld.idx.msk [tilespmem:v7+s20+$0xD90 ss:$0x1], $0xffff;
	v18 =	vadd.f32 v58, v18  }
0x194: {  	v32 =	vmul.f32 v32, v14;
	v58 =	vld.idx.msk [tilespmem:v7+s20+$0xDB0 ss:$0x1], $0xffff;
	v28 =	vadd.f32 v57, v5;
	v5 =	vadd.f32 v60, v16  }
0x195: {  	v19 =	vmul.f32 v19, v12;
	v6 =	vmul.f32 v6, v8;
	v59 =	vld [tilespmem:$0x1FED0]  }
0x196: {  	v23 =	vmul.f32 v61, v14;
	v1 =	vadd.f32 v1, v5;
	v5 =	vmul.f32 v2, v13;
	v2 =	vld [tilespmem:$0x1FEB0]  }
0x197: {  	v56 =	vmul.f32 v49, v15;
	v49 =	vmul.f32 v21, v9;
	v21 =	vld.idx.msk [tilespmem:v7+s20+$0xE70 ss:$0x1], $0xffff  }
0x198: {  	v33 =	vmul.f32 v33, v14;
	v61 =	vmul.f32 v51, v12;
	v62 =	vadd.f32 v23, v18;
	v18 =	vld.idx.msk [tilespmem:v7+s20+$0xD80 ss:$0x1], $0xffff  }
0x199: {  	v51 =	vmul.f32 v35, v10;
	v23 =	vld.idx.msk [tilespmem:v7+s20+$0xDF0 ss:$0x1], $0xffff;
	v57 =	vmul.f32 v41, v10  }
0x19a: {  	v16 =	vld.idx.msk [tilespmem:v7+s20+$0xD70 ss:$0x1], $0xffff;
	v60 =	vmul.f32 v43, v9;
	v30 =	vadd.f32 v56, v62;
	v62 =	vmul.f32 v52, v10  }
0x19b: {  	v41 =	vld.idx.msk [tilespmem:v7+s20+$0xE00 ss:$0x1], $0xffff;
	v52 =	vmul.f32 v53, v8;
	v2 =	vmul.f32 v2, v14  }
0x19c: {  	v43 =	vld.idx.msk [tilespmem:v7+s20+$0xE20 ss:$0x1], $0xffff;
	v56 =	vmul.f32 v50, v11;
	v29 =	vmul.f32 v59, v15;
	v5 =	vadd.f32 v63, v5  }
0x19d: {  	v53 =	vld.idx.msk [tilespmem:v7+s20+$0xE90 ss:$0x1], $0xffff;
	v59 =	vmul.f32 v22, v11;
	v1 =	vadd.f32 v2, v1;
	v2 =	vmul.f32 v40, v11  }
0x19e: {  	v21 =	vmul.f32 v21, v15;
	v63 =	vmul.f32 v20, v10;
	v20 =	vld.idx.msk [tilespmem:v7+s20+$0xE50 ss:$0x1], $0xffff;
	v5 =	vadd.f32 v57, v5  }
0x19f: {  	v57 =	vmul.f32 v58, v9;
	v58 =	vld.idx.msk [tilespmem:v7+s20+$0xEA0 ss:$0x1], $0xffff;
	v0 =	vadd.f32 v2, v0;
	v2 =	vmul.f32 v36, v14  }
0x1a0: {  	v29 =	vadd.f32 v29, v1;
	v1 =	vadd.f32 v60, v5;
	v5 =	vmul.f32 v44, v8;
	v60 =	vld.idx.msk [tilespmem:v7+s20+$0xEB0 ss:$0x1], $0xffff  }
0x1a1: {  	v16 =	vmul.f32 v16, v15;
	v40 =	vld.idx.msk [tilespmem:v7+s20+$0xDD0 ss:$0x1], $0xffff;
	v0 =	vadd.f32 v2, v0;
	v2 =	vmul.f32 v48, v13  }
0x1a2: {  	v53 =	vmul.f32 v53, v12;
	v44 =	vld.idx.msk [tilespmem:v7+s20+$0xE30 ss:$0x1], $0xffff;
	v1 =	vadd.f32 v5, v1;
	v5 =	vmul.f32 v45, v11  }
0x1a3: {  	v20 =	vmul.f32 v20, v11;
	v36 =	vld.idx.msk [tilespmem:v7+s20+$0xE60 ss:$0x1], $0xffff;
	v48 =	vmul.f32 v46, v8;
	v2 =	vadd.f32 v61, v2  }
0x1a4: {  	v45 =	vld.idx.msk [tilespmem:v7+s20+$0xE10 ss:$0x1], $0xffff;
	v1 =	vadd.f32 v5, v1;
	v5 =	vmul.f32 v31, v13;
	v31 =	vadd.f32 v3, v0  }
0x1a5: {  	v3 =	vld.idx.msk [tilespmem:v7+s20+$0xE40 ss:$0x1], $0xffff;
	v61 =	vmul.f32 v55, v15;
	v22 =	vmul.f32 v60, v9;
	v0 =	vadd.f32 v62, v2  }
0x1a6: {  	v55 =	vld.idx.msk [tilespmem:v7+s20+$0xF20 ss:$0x1], $0xffff;
	v2 =	vmul.f32 v47, v9;
	v5 =	vadd.f32 v19, v5;
	v47 =	vmul.f32 v37, v12  }
0x1a7: {  	v1 =	vadd.f32 v38, v1;
	v19 =	vld.idx.msk [tilespmem:v7+s20+$0xED0 ss:$0x1], $0xffff;
	v62 =	vmul.f32 v41, v13;
	v37 =	vperm.xlane v30, v4  }
0x1a8: {  	v41 =	vld.idx.msk [tilespmem:v7+s20+$0xEF0 ss:$0x1], $0xffff;
	v0 =	vadd.f32 v2, v0;
	v2 =	vmul.f32 v18, v13;
	v5 =	vadd.f32 v63, v5  }
0x1a9: {  	v1 =	vadd.f32 v34, v1;
	v18 =	vld.idx.msk [tilespmem:v7+s20+$0xEC0 ss:$0x1], $0xffff;
	v63 =	vmul.f32 v45, v12;
	v39 =	vadd.f32 v37, v30  }
0x1aa: {  	v45 =	vld.idx.msk [tilespmem:v7+s20+$0xF00 ss:$0x1], $0xffff;
	v34 =	vperm.xlane v26, v4;
	v2 =	vadd.f32 v47, v2;
	v0 =	vadd.f32 v48, v0  }
0x1ab: {  	v3 =	vmul.f32 v3, v8;
	v5 =	vadd.f32 v49, v5;
	v46 =	vadd.f32 v63, v62;
	v48 =	vld.idx.msk [tilespmem:v7+s20+$0xF10 ss:$0x1], $0xffff  }
0x1ac: {  	v47 =	vmul.f32 v43, v10;
	v63 =	vmul.f32 v55, v10;
	v43 =	vld.idx.msk [tilespmem:v7+s20+$0xF50 ss:$0x1], $0xffff;
	v2 =	vadd.f32 v51, v2  }
0x1ad: {  	v19 =	vmul.f32 v19, v11;
	v5 =	vadd.f32 v52, v5;
	v0 =	vadd.f32 v56, v0;
	v52 =	vld.idx.msk [tilespmem:v7+s20+$0xF90 ss:$0x1], $0xffff  }
0x1ae: {  	v50 =	vadd.f32 v47, v46;
	v51 =	vmul.f32 v44, v9;
	v56 =	vld.idx.msk [tilespmem:v7+s20+$0xFA0 ss:$0x1], $0xffff;
	v46 =	vmul.f32 v36, v14  }
0x1af: {  	v47 =	vld.idx.msk [tilespmem:v7+s20+$0xF60 ss:$0x1], $0xffff;
	v36 =	vperm.xlane v28, v4;
	v18 =	vmul.f32 v18, v8;
	v2 =	vadd.f32 v57, v2  }
0x1b0: {  	v5 =	vadd.f32 v59, v5;
	v0 =	vadd.f32 v33, v0;
	v57 =	vmul.f32 v58, v10;
	v58 =	vld.idx.msk [tilespmem:v7+s20+$0xF30 ss:$0x1], $0xffff  }
0x1b1: {  	v59 =	vmul.f32 v45, v13;
	v45 =	vld.idx.msk [tilespmem:v7+s20+$0xFD0 ss:$0x1], $0xffff;
	v60 =	vmul.f32 v48, v12;
	v2 =	vadd.f32 v6, v2  }
0x1b2: {  	v49 =	vld.idx.msk [tilespmem:v7+s20+$0xF80 ss:$0x1], $0xffff;
	v6 =	vmul.f32 v40, v11;
	v5 =	vadd.f32 v32, v5;
	v33 =	vmul.f32 v52, v12  }
0x1b3: {  	v62 =	vld.idx.msk [tilespmem:v7+s20+$0xF40 ss:$0x1], $0xffff;
	v0 =	vadd.f32 v61, v0;
	v32 =	vmul.f32 v56, v10;
	v52 =	vmul.f32 v43, v11  }
0x1b4: {  	v43 =	vperm.xlane v1, v4;
	v2 =	vadd.f32 v6, v2;
	v6 =	vmul.f32 v17, v14  }
0x1b5: {  	v5 =	vadd.f32 v16, v5;
	v16 =	vadd.f32 v51, v50;
	v44 =	vmul.f32 v58, v9  }
0x1b6: {  	v35 =	vld.idx.msk [tilespmem:v7+s20+$0xE80 ss:$0x1], $0xffff;
	v56 =	vmul.f32 v45, v11;
	v58 =	vmul.f32 v47, v14;
	v2 =	vadd.f32 v6, v2  }
0x1b7: {  	v61 =	vld.idx.msk [tilespmem:v7+s20+$0xFB0 ss:$0x1], $0xffff;
	v6 =	vmul.f32 v23, v15;
	v3 =	vadd.f32 v3, v16;
	v23 =	vmul.f32 v49, v13  }
0x1b8: {  	v40 =	vld.idx.msk [tilespmem:v7+s20+$0xFC0 ss:$0x1], $0xffff;
	v16 =	vadd.f32 v60, v59;
	v49 =	vmul.f32 v62, v8;
	v59 =	vmul.f32 v41, v15  }
0x1b9: {  	v1 =	vadd.f32 v43, v1;
	v62 =	vperm.xlane v24, v4;
	v41 =	vperm.xlane v31, v4  }
0x1ba: {  	v45 =	vperm.xlane v5, v4;
	v2 =	vadd.f32 v6, v2;
	v3 =	vadd.f32 v20, v3  }
0x1bb: {  	v6 =	vmul.f32 v35, v13;
	v23 =	vadd.f32 v33, v23;
	v16 =	vadd.f32 v63, v16  }
0x1bc: {  	v38 =	vld.idx.msk [tilespmem:v7+s20+$0xEE0 ss:$0x1], $0xffff;
	v48 =	vmul.f32 v61, v9;
	v33 =	vadd.f32 v62, v24;
	v5 =	vadd.f32 v45, v5  }
0x1bd: {  	v20 =	vmul.f32 v40, v8;
	v6 =	vadd.f32 v53, v6;
	v23 =	vadd.f32 v32, v23  }
0x1be: {  	v51 =	vld.idx.msk [tilespmem:v7+s20+$0xF70 ss:$0x1], $0xffff;
	v35 =	vperm.xlane v27, v4;
	v16 =	vadd.f32 v44, v16;
	v3 =	vadd.f32 v46, v3  }
0x1bf: {  	v44 =	vperm.xlane v0, v4;
	v6 =	vadd.f32 v57, v6;
	v23 =	vadd.f32 v48, v23  }
0x1c0: {  	v46 =	vperm.xlane v2, v4;
	v16 =	vadd.f32 v49, v16;
	v3 =	vadd.f32 v21, v3  }
0x1c1: {  	v57 =	vmul.f32 v38, v14;
	v21 =	vadd.f32 v35, v27;
	v38 =	vadd.f32 v36, v28  }
0x1c2: {  	v50 =	vld.idx.msk [tilespmem:v7+s20+$0xFE0 ss:$0x1], $0xffff;
	v40 =	vperm.xlane v29, v4;
	v0 =	vadd.f32 v44, v0;
	v2 =	vadd.f32 v46, v2  }
0x1c3: {  	v60 =	vmul.f32 v51, v15;
	v6 =	vadd.f32 v22, v6;
	v55 =	vadd.f32 v20, v23  }
0x1c4: {  	v53 =	vld.idx.msk [tilespmem:v7+s20+$0xFF0 ss:$0x1], $0xffff;
	v32 =	vperm.xlane v25, v4;
	v16 =	vadd.f32 v52, v16;
	v20 =	vadd.f32 v34, v26  }
0x1c5: {  	v23 =	vadd.f32 v41, v31;
	v47 =	vperm.xlane v3, v4;
	v6 =	vadd.f32 v18, v6  }
0x1c6: {  	v0 =	vsel vm0, v1, v0;
	v2 =	vsel vm0, v5, v2;
	v16 =	vadd.f32 v58, v16  }
0x1c7: {  	v18 =	vmul.f32 v50, v14;
	v6 =	vadd.f32 v19, v6;
	v19 =	vadd.f32 v56, v55  }
0x1c8: {  	v20 =	vsel vm0, v20, v21;
	v21 =	vadd.f32 v40, v29;
	v3 =	vadd.f32 v47, v3  }
0x1c9: {  	v61 =	vmul.f32 v53, v15;
	v6 =	vadd.f32 v57, v6;
	v18 =	vadd.f32 v18, v19  }
0x1ca: {  	v52 =	vperm.xlane v20, v42;
	v16 =	vadd.f32 v60, v16;
	v21 =	vsel vm0, v21, v23  }
0x1cb: {  	v56 =	vperm.xlane v0, v42;
	v6 =	vadd.f32 v59, v6;
	v63 =	vadd.f32 v61, v18  }
0x1cc: {  	v53 =	vadd.f32 v52, v20;
	v55 =	vperm.xlane v21, v42;
	v49 =	vperm.xlane v16, v4  }
0x1cd: {  	v18 =	vadd.f32 v32, v25;
	v48 =	vperm.xlane v6, v4;
	v50 =	vperm.xlane v63, v4  }
0x1ce: {  	v19 =	vsel vm0, v38, v39;
	v57 =	vperm.xlane v2, v42;
	v1 =	vadd.f32 v49, v16  }
0x1cf: {  	v18 =	vsel vm0, v33, v18;
	v6 =	vadd.f32 v48, v6;
	v51 =	vadd.f32 v50, v63  }
0x1d0: {  	v0 =	vadd.f32 v56, v0;
	v17 =	vadd.f32 v55, v21;
	v5 =	vperm.xlane v18, v42  }
0x1d1: {  	v3 =	vsel vm0, v3, v6;
	v1 =	vsel vm0, v1, v51;
	v6 =	vperm.xlane v19, v42  }
0x1d2: {  	v2 =	vadd.f32 v57, v2;
	v58 =	vperm.xlane v3, v42;
	v59 =	vperm.xlane v1, v42  }
0x1d3: {  	v5 =	vadd.f32 v5, v18;
	v6 =	vadd.f32 v6, v19  }
0x1d4: {  	v3 =	vadd.f32 v58, v3;
	v1 =	vadd.f32 v59, v1  }
0x1d5: {  	v0 =	vsel vm1, v0, v2;
	v5 =	vsel vm1, v5, v53;
	v6 =	vsel vm1, v6, v17  }
0x1d6: {  	v2 =	vperm.xlane v5, v54;
	v1 =	vsel vm1, v3, v1;
	v3 =	vperm.xlane v6, v54;
	_ =	sdelay $0x1  }
0x1d7: {  	v2 =	vadd.f32 v2, v5;
	v3 =	vadd.f32 v3, v6;
	_ =	sdelay $0x1  }
0x1d8: {  	v60 =	vperm.xlane v0, v54;
	v61 =	vperm.xlane v1, v54;
	v2 =	vsel vm2, v2, v3;
	v3 =	vld [tilespmem:$0x1FFD0];
	_ =	sdelay $0x1  }
0x1d9: {  	v0 =	vadd.f32 v60, v0;
	v1 =	vadd.f32 v61, v1;
	_ =	sdelay $0x1  }
0x1da: {  	v0 =	vsel vm2, v0, v1  }
0x1db: {  	v1 =	vperm.xlane v2, v3;
	v3 =	vperm.xlane v0, v3;
	_ =	sdelay $0x1  }
0x1dc: {  	v1 =	vadd.f32 v1, v2;
	v0 =	vadd.f32 v3, v0;
	_ =	sdelay $0x1  }
0x1dd: {  	v0 =	vsel vm3, v1, v0;
	v1 =	vld [tilespmem:$0x1FFC0];
	_ =	sdelay $0x7  }
0x1de: {  	[tilespmem:v1+s21+$0x1AD90 ss:$0x1] =	vst.idx.msk $0xffff, v0  }
0x1df: {  	v0 =	vld.idx.msk [tilespmem:v7+s20+$0x1000 ss:$0x1], $0xffff  }
0x1e0: {  	v1 =	vld.idx.msk [tilespmem:v7+s20+$0x1010 ss:$0x1], $0xffff  }
0x1e1: {  	v2 =	vld.idx.msk [tilespmem:v7+s20+$0x1020 ss:$0x1], $0xffff  }
0x1e2: {  	v3 =	vld.idx.msk [tilespmem:v7+s20+$0x1030 ss:$0x1], $0xffff  }
0x1e3: {  	v6 =	vld.idx.msk [tilespmem:v7+s20+$0x1040 ss:$0x1], $0xffff  }
0x1e4: {  	v16 =	vld.idx.msk [tilespmem:v7+s20+$0x1050 ss:$0x1], $0xffff  }
0x1e5: {  	v17 =	vld.idx.msk [tilespmem:v7+s20+$0x1060 ss:$0x1], $0xffff  }
0x1e6: {  	v28 =	vld.idx.msk [tilespmem:v7+s20+$0x1070 ss:$0x1], $0xffff  }
0x1e7: {  	v18 =	vld.idx.msk [tilespmem:v7+s20+$0x1080 ss:$0x1], $0xffff  }
0x1e8: {  	v19 =	vld.idx.msk [tilespmem:v7+s20+$0x1090 ss:$0x1], $0xffff  }
0x1e9: {  	v20 =	vld.idx.msk [tilespmem:v7+s20+$0x10A0 ss:$0x1], $0xffff  }
0x1ea: {  	v21 =	vld.idx.msk [tilespmem:v7+s20+$0x10B0 ss:$0x1], $0xffff  }
0x1eb: {  	v22 =	vld.idx.msk [tilespmem:v7+s20+$0x10C0 ss:$0x1], $0xffff  }
0x1ec: {  	v23 =	vld.idx.msk [tilespmem:v7+s20+$0x10D0 ss:$0x1], $0xffff  }
0x1ed: {  	v24 =	vld.idx.msk [tilespmem:v7+s20+$0x10E0 ss:$0x1], $0xffff  }
0x1ee: {  	v25 =	vld.idx.msk [tilespmem:v7+s20+$0x10F0 ss:$0x1], $0xffff  }
0x1ef: {  	v26 =	vld.idx.msk [tilespmem:v7+s20+$0x1100 ss:$0x1], $0xffff  }
0x1f0: {  	v27 =	vld.idx.msk [tilespmem:v7+s20+$0x1110 ss:$0x1], $0xffff  }
0x1f1: {  	v32 =	vld.idx.msk [tilespmem:v7+s20+$0x1120 ss:$0x1], $0xffff  }
0x1f2: {  	v37 =	vld.idx.msk [tilespmem:v7+s20+$0x1130 ss:$0x1], $0xffff  }
0x1f3: {  	v38 =	vld.idx.msk [tilespmem:v7+s20+$0x1140 ss:$0x1], $0xffff  }
0x1f4: {  	v39 =	vld.idx.msk [tilespmem:v7+s20+$0x1150 ss:$0x1], $0xffff  }
0x1f5: {  	v40 =	vld.idx.msk [tilespmem:v7+s20+$0x1160 ss:$0x1], $0xffff  }
0x1f6: {  	v41 =	vld.idx.msk [tilespmem:v7+s20+$0x1170 ss:$0x1], $0xffff  }
0x1f7: {  	v33 =	vld.idx.msk [tilespmem:v7+s20+$0x1180 ss:$0x1], $0xffff  }
0x1f8: {  	v5 =	vld.idx.msk [tilespmem:v7+s20+$0x1190 ss:$0x1], $0xffff  }
0x1f9: {  	v43 =	vld.idx.msk [tilespmem:v7+s20+$0x11A0 ss:$0x1], $0xffff  }
0x1fa: {  	v44 =	vld.idx.msk [tilespmem:v7+s20+$0x11B0 ss:$0x1], $0xffff  }
0x1fb: {  	v45 =	vld.idx.msk [tilespmem:v7+s20+$0x11C0 ss:$0x1], $0xffff  }
0x1fc: {  	v46 =	vld.idx.msk [tilespmem:v7+s20+$0x11D0 ss:$0x1], $0xffff  }
0x1fd: {  	v47 =	vld.idx.msk [tilespmem:v7+s20+$0x11E0 ss:$0x1], $0xffff  }
0x1fe: {  	v48 =	vld.idx.msk [tilespmem:v7+s20+$0x11F0 ss:$0x1], $0xffff  }
0x1ff: {  	v49 =	vld.idx.msk [tilespmem:v7+s20+$0x1200 ss:$0x1], $0xffff  }
0x200: {  	v50 =	vld.idx.msk [tilespmem:v7+s20+$0x1210 ss:$0x1], $0xffff  }
0x201: {  	v51 =	vld.idx.msk [tilespmem:v7+s20+$0x1220 ss:$0x1], $0xffff  }
0x202: {  	v52 =	vld.idx.msk [tilespmem:v7+s20+$0x1230 ss:$0x1], $0xffff  }
0x203: {  	v53 =	vld.idx.msk [tilespmem:v7+s20+$0x1240 ss:$0x1], $0xffff  }
0x204: {  	v29 =	vld.idx.msk [tilespmem:v7+s20+$0x1250 ss:$0x1], $0xffff  }
0x205: {  	v35 =	vld.idx.msk [tilespmem:v7+s20+$0x1260 ss:$0x1], $0xffff  }
0x206: {  	v62 =	vld.idx.msk [tilespmem:v7+s20+$0x1270 ss:$0x1], $0xffff  }
0x207: {  	v55 =	vld.idx.msk [tilespmem:v7+s20+$0x1280 ss:$0x1], $0xffff  }
0x208: {  	v56 =	vld.idx.msk [tilespmem:v7+s20+$0x1290 ss:$0x1], $0xffff  }
0x209: {  	v57 =	vld.idx.msk [tilespmem:v7+s20+$0x12A0 ss:$0x1], $0xffff  }
0x20a: {  	v58 =	vld.idx.msk [tilespmem:v7+s20+$0x12B0 ss:$0x1], $0xffff  }
0x20b: {  	v59 =	vld.idx.msk [tilespmem:v7+s20+$0x12C0 ss:$0x1], $0xffff  }
0x20c: {  	v60 =	vld.idx.msk [tilespmem:v7+s20+$0x12D0 ss:$0x1], $0xffff  }
0x20d: {  	v61 =	vld.idx.msk [tilespmem:v7+s20+$0x12E0 ss:$0x1], $0xffff  }
0x20e: {  	v63 =	vld.idx.msk [tilespmem:v7+s20+$0x12F0 ss:$0x1], $0xffff  }
0x20f: {  	v30 =	vld.idx.msk [tilespmem:v7+s20+$0x1320 ss:$0x1], $0xffff  }
0x210: {  	v34 =	vld.idx.msk [tilespmem:v7+s20+$0x1330 ss:$0x1], $0xffff  }
0x211: {  	v36 =	vld.idx.msk [tilespmem:v7+s20+$0x1340 ss:$0x1], $0xffff;
	v0 =	vmul.f32 v0, v13;
	v1 =	vmul.f32 v1, v12  }
0x212: {  	[tilespmem:$0x1FEE0] =	vst v62;
	v62 =	vld.idx.msk [tilespmem:v7+s20+$0x1300 ss:$0x1], $0xffff;
	v18 =	vmul.f32 v18, v13;
	v19 =	vmul.f32 v19, v12  }
0x213: {  	[tilespmem:$0x1FEF0] =	vst v63;
	v63 =	vld.idx.msk [tilespmem:v7+s20+$0x1310 ss:$0x1], $0xffff;
	v2 =	vmul.f32 v2, v10;
	v0 =	vadd.f32 v1, v0  }
0x214: {  	v31 =	vmul.f32 v20, v10;
	v1 =	vld.idx.msk [tilespmem:v7+s20+$0x1350 ss:$0x1], $0xffff;
	v18 =	vadd.f32 v19, v18  }
0x215: {  	v3 =	vmul.f32 v3, v9;
	v20 =	vld.idx.msk [tilespmem:v7+s20+$0x1380 ss:$0x1], $0xffff;
	v2 =	vadd.f32 v2, v0  }
0x216: {  	v19 =	vmul.f32 v33, v13;
	v33 =	vld.idx.msk [tilespmem:v7+s20+$0x13F0 ss:$0x1], $0xffff;
	v18 =	vadd.f32 v31, v18;
	v31 =	vmul.f32 v21, v9  }
0x217: {  	v0 =	vld.idx.msk [tilespmem:v7+s20+$0x1370 ss:$0x1], $0xffff;
	v2 =	vadd.f32 v3, v2;
	v3 =	vmul.f32 v6, v8  }
0x218: {  	v21 =	vld.idx.msk [tilespmem:v7+s20+$0x13A0 ss:$0x1], $0xffff;
	v18 =	vadd.f32 v31, v18;
	v31 =	vmul.f32 v22, v8  }
0x219: {  	v6 =	vld.idx.msk [tilespmem:v7+s20+$0x13B0 ss:$0x1], $0xffff;
	[tilespmem:$0x1FF00] =	vst v1;
	v2 =	vadd.f32 v3, v2  }
0x21a: {  	v1 =	vld.idx.msk [tilespmem:v7+s20+$0x1360 ss:$0x1], $0xffff;
	v3 =	vmul.f32 v16, v11;
	v18 =	vadd.f32 v31, v18;
	v31 =	vmul.f32 v23, v11  }
0x21b: {  	v22 =	vld.idx.msk [tilespmem:v7+s20+$0x13C0 ss:$0x1], $0xffff;
	v23 =	vmul.f32 v27, v12;
	v27 =	vmul.f32 v46, v11  }
0x21c: {  	v46 =	vmul.f32 v55, v13;
	v55 =	vmul.f32 v51, v10;
	v51 =	vld.idx.msk [tilespmem:v7+s20+$0x14E0 ss:$0x1], $0xffff  }
0x21d: {  	v24 =	vmul.f32 v24, v14;
	[tilespmem:$0x1FF20] =	vst v0;
	v0 =	vld.idx.msk [tilespmem:v7+s20+$0x1390 ss:$0x1], $0xffff  }
0x21e: {  	v2 =	vadd.f32 v3, v2;
	v3 =	vmul.f32 v26, v13;
	v18 =	vadd.f32 v31, v18;
	v31 =	vld.idx.msk [tilespmem:v7+s20+$0x13E0 ss:$0x1], $0xffff  }
0x21f: {  	v16 =	vmul.f32 v17, v14;
	v26 =	vmul.f32 v5, v12;
	[tilespmem:$0x1FF10] =	vst v1;
	v1 =	vld.idx.msk [tilespmem:v7+s20+$0x13D0 ss:$0x1], $0xffff  }
0x220: {  	v3 =	vadd.f32 v23, v3;
	v23 =	vmul.f32 v32, v10;
	v32 =	vmul.f32 v43, v10;
	v43 =	vld.idx.msk [tilespmem:v7+s20+$0x1400 ss:$0x1], $0xffff  }
0x221: {  	v18 =	vadd.f32 v24, v18;
	v24 =	vmul.f32 v44, v9;
	v44 =	vld.idx.msk [tilespmem:v7+s20+$0x1420 ss:$0x1], $0xffff  }
0x222: {  	v19 =	vadd.f32 v26, v19;
	v2 =	vadd.f32 v16, v2;
	v16 =	vld.idx.msk [tilespmem:v7+s20+$0x1450 ss:$0x1], $0xffff  }
0x223: {  	v3 =	vadd.f32 v23, v3;
	v23 =	vld.idx.msk [tilespmem:v7+s20+$0x1410 ss:$0x1], $0xffff  }
0x224: {  	v37 =	vmul.f32 v37, v9;
	v19 =	vadd.f32 v32, v19;
	v32 =	vmul.f32 v38, v8;
	v38 =	vld.idx.msk [tilespmem:v7+s20+$0x1430 ss:$0x1], $0xffff  }
0x225: {  	v28 =	vmul.f32 v28, v15;
	v5 =	vmul.f32 v0, v12;
	v0 =	vld [tilespmem:$0x1FEE0]  }
0x226: {  	v3 =	vadd.f32 v37, v3;
	v19 =	vadd.f32 v24, v19;
	v37 =	vmul.f32 v45, v8;
	v45 =	vld.idx.msk [tilespmem:v7+s20+$0x1440 ss:$0x1], $0xffff  }
0x227: {  	v24 =	vadd.f32 v28, v2;
	v28 =	vmul.f32 v50, v12;
	v50 =	vmul.f32 v40, v14;
	v40 =	vld.idx.msk [tilespmem:v7+s20+$0x1490 ss:$0x1], $0xffff  }
0x228: {  	v26 =	vadd.f32 v37, v19;
	v37 =	vld.idx.msk [tilespmem:v7+s20+$0x1460 ss:$0x1], $0xffff  }
0x229: {  	v2 =	vadd.f32 v32, v3;
	v3 =	vmul.f32 v39, v11;
	v32 =	vld.idx.msk [tilespmem:v7+s20+$0x1470 ss:$0x1], $0xffff  }
0x22a: {  	v25 =	vmul.f32 v25, v15;
	v39 =	vld.idx.msk [tilespmem:v7+s20+$0x1480 ss:$0x1], $0xffff  }
0x22b: {  	v19 =	vld.idx.msk [tilespmem:v7+s20+$0x14F0 ss:$0x1], $0xffff;
	v2 =	vadd.f32 v3, v2;
	v3 =	vmul.f32 v49, v13;
	v49 =	vmul.f32 v56, v12  }
0x22c: {  	v25 =	vadd.f32 v25, v18;
	v56 =	vmul.f32 v47, v14;
	v47 =	vld.idx.msk [tilespmem:v7+s20+$0x14A0 ss:$0x1], $0xffff  }
0x22d: {  	v17 =	vadd.f32 v27, v26;
	v18 =	vadd.f32 v49, v46;
	v49 =	vld.idx.msk [tilespmem:v7+s20+$0x14B0 ss:$0x1], $0xffff  }
0x22e: {  	v52 =	vmul.f32 v52, v9;
	v3 =	vadd.f32 v28, v3;
	v46 =	vld.idx.msk [tilespmem:v7+s20+$0x14C0 ss:$0x1], $0xffff  }
0x22f: {  	v28 =	vmul.f32 v57, v10;
	v17 =	vadd.f32 v56, v17;
	v56 =	vmul.f32 v41, v15;
	v41 =	vld.idx.msk [tilespmem:v7+s20+$0x14D0 ss:$0x1], $0xffff  }
0x230: {  	v48 =	vmul.f32 v48, v15;
	v2 =	vadd.f32 v50, v2;
	v50 =	vld.idx.msk [tilespmem:v7+s20+$0x1530 ss:$0x1], $0xffff;
	v3 =	vadd.f32 v55, v3  }
0x231: {  	v57 =	vmul.f32 v53, v8;
	v53 =	vld.idx.msk [tilespmem:v7+s20+$0x15C0 ss:$0x1], $0xffff;
	v18 =	vadd.f32 v28, v18;
	v55 =	vmul.f32 v58, v9  }
0x232: {  	v27 =	vadd.f32 v48, v17;
	v48 =	vld.idx.msk [tilespmem:v7+s20+$0x1500 ss:$0x1], $0xffff;
	v3 =	vadd.f32 v52, v3  }
0x233: {  	v58 =	vmul.f32 v59, v8;
	v26 =	vadd.f32 v56, v2;
	v18 =	vadd.f32 v55, v18;
	v52 =	vld.idx.msk [tilespmem:v7+s20+$0x1510 ss:$0x1], $0xffff  }
0x234: {  	v2 =	vadd.f32 v57, v3;
	v3 =	vmul.f32 v29, v11;
	v57 =	vmul.f32 v21, v10;
	v21 =	vld.idx.msk [tilespmem:v7+s20+$0x1540 ss:$0x1], $0xffff  }
0x235: {  	v60 =	vmul.f32 v60, v11;
	v59 =	vadd.f32 v58, v18;
	v18 =	vld.idx.msk [tilespmem:v7+s20+$0x1560 ss:$0x1], $0xffff  }
0x236: {  	v58 =	vmul.f32 v34, v9;
	v34 =	vld.idx.msk [tilespmem:v7+s20+$0x1590 ss:$0x1], $0xffff;
	v2 =	vadd.f32 v3, v2;
	v3 =	vmul.f32 v62, v13  }
0x237: {  	v62 =	vmul.f32 v63, v12;
	v63 =	vmul.f32 v20, v13;
	v20 =	vld.idx.msk [tilespmem:v7+s20+$0x1520 ss:$0x1], $0xffff  }
0x238: {  	v35 =	vmul.f32 v35, v14;
	v17 =	vadd.f32 v60, v59;
	v60 =	vmul.f32 v36, v8;
	v36 =	vld.idx.msk [tilespmem:v7+s20+$0x1570 ss:$0x1], $0xffff  }
0x239: {  	v59 =	vmul.f32 v0, v15;
	v0 =	vld [tilespmem:$0x1FEF0]  }
0x23a: {  	v30 =	vmul.f32 v30, v10;
	v33 =	vmul.f32 v33, v15;
	v2 =	vadd.f32 v35, v2;
	v35 =	vld.idx.msk [tilespmem:v7+s20+$0x1550 ss:$0x1], $0xffff  }
0x23b: {  	v56 =	vmul.f32 v61, v14;
	v3 =	vadd.f32 v62, v3;
	v62 =	vmul.f32 v23, v12;
	v23 =	vld.idx.msk [tilespmem:v7+s20+$0x15B0 ss:$0x1], $0xffff  }
0x23c: {  	v6 =	vmul.f32 v6, v9;
	v5 =	vadd.f32 v5, v63;
	v63 =	vmul.f32 v40, v12;
	v40 =	vld.idx.msk [tilespmem:v7+s20+$0x15D0 ss:$0x1], $0xffff  }
0x23d: {  	v31 =	vmul.f32 v31, v14;
	v17 =	vadd.f32 v56, v17;
	v56 =	vmul.f32 v47, v10;
	v47 =	vld.idx.msk [tilespmem:v7+s20+$0x15E0 ss:$0x1], $0xffff  }
0x23e: {  	v37 =	vmul.f32 v37, v14;
	v5 =	vadd.f32 v57, v5;
	v61 =	vmul.f32 v0, v15;
	v0 =	vld [tilespmem:$0x1FF00]  }
0x23f: {  	v32 =	vmul.f32 v32, v15;
	v3 =	vadd.f32 v30, v3;
	v28 =	vadd.f32 v59, v2;
	v59 =	vld.idx.msk [tilespmem:v7+s20+$0x1610 ss:$0x1], $0xffff  }
0x240: {  	v57 =	vmul.f32 v49, v9;
	v49 =	vld.idx.msk [tilespmem:v7+s20+$0x1690 ss:$0x1], $0xffff;
	v5 =	vadd.f32 v6, v5;
	v6 =	vmul.f32 v22, v8  }
0x241: {  	v19 =	vmul.f32 v19, v15;
	v3 =	vadd.f32 v58, v3;
	v29 =	vadd.f32 v61, v17;
	v17 =	vld.idx.msk [tilespmem:v7+s20+$0x15F0 ss:$0x1], $0xffff  }
0x242: {  	v55 =	vmul.f32 v44, v10;
	v18 =	vmul.f32 v18, v14;
	v5 =	vadd.f32 v6, v5;
	v6 =	vld.idx.msk [tilespmem:v7+s20+$0x15A0 ss:$0x1], $0xffff  }
0x243: {  	v2 =	vadd.f32 v60, v3;
	v3 =	vmul.f32 v0, v11;
	v0 =	vmul.f32 v1, v11;
	v1 =	vld [tilespmem:$0x1FF10]  }
0x244: {  	v20 =	vmul.f32 v20, v10;
	v58 =	vld [tilespmem:$0x1FF20];
	v61 =	vmul.f32 v52, v12  }
0x245: {  	v22 =	vld.idx.msk [tilespmem:v7+s20+$0x1580 ss:$0x1], $0xffff;
	v60 =	vmul.f32 v46, v8;
	v0 =	vadd.f32 v0, v5;
	v5 =	vmul.f32 v39, v13  }
0x246: {  	v52 =	vld.idx.msk [tilespmem:v7+s20+$0x16B0 ss:$0x1], $0xffff;
	v59 =	vmul.f32 v59, v12;
	v2 =	vadd.f32 v3, v2;
	v3 =	vmul.f32 v43, v13  }
0x247: {  	v46 =	vld.idx.msk [tilespmem:v7+s20+$0x1680 ss:$0x1], $0xffff;
	v17 =	vmul.f32 v17, v15;
	v6 =	vmul.f32 v6, v10;
	v5 =	vadd.f32 v63, v5  }
0x248: {  	v43 =	vld.idx.msk [tilespmem:v7+s20+$0x1790 ss:$0x1], $0xffff;
	v3 =	vadd.f32 v62, v3;
	v0 =	vadd.f32 v31, v0;
	v1 =	vmul.f32 v1, v14  }
0x249: {  	v31 =	vmul.f32 v58, v15;
	v62 =	vmul.f32 v34, v12;
	v34 =	vld.idx.msk [tilespmem:v7+s20+$0x1660 ss:$0x1], $0xffff;
	v5 =	vadd.f32 v56, v5  }
0x24a: {  	v1 =	vadd.f32 v1, v2;
	v2 =	vadd.f32 v55, v3;
	v3 =	vmul.f32 v38, v9;
	v38 =	vld.idx.msk [tilespmem:v7+s20+$0x1600 ss:$0x1], $0xffff  }
0x24b: {  	v63 =	vmul.f32 v51, v14;
	v55 =	vmul.f32 v35, v11;
	v35 =	vld.idx.msk [tilespmem:v7+s20+$0x16F0 ss:$0x1], $0xffff  }
0x24c: {  	v51 =	vmul.f32 v21, v8;
	v56 =	vmul.f32 v36, v15;
	v5 =	vadd.f32 v57, v5;
	v57 =	vld.idx.msk [tilespmem:v7+s20+$0x1700 ss:$0x1], $0xffff  }
0x24d: {  	v2 =	vadd.f32 v3, v2;
	v3 =	vmul.f32 v45, v8;
	v45 =	vld.idx.msk [tilespmem:v7+s20+$0x1620 ss:$0x1], $0xffff;
	v30 =	vadd.f32 v31, v1  }
0x24e: {  	v31 =	vadd.f32 v33, v0;
	v33 =	vld.idx.msk [tilespmem:v7+s20+$0x1670 ss:$0x1], $0xffff;
	v0 =	vadd.f32 v60, v5;
	v5 =	vmul.f32 v41, v11  }
0x24f: {  	v34 =	vmul.f32 v34, v14;
	v41 =	vld.idx.msk [tilespmem:v7+s20+$0x1650 ss:$0x1], $0xffff;
	v1 =	vadd.f32 v3, v2;
	v2 =	vmul.f32 v16, v11  }
0x250: {  	v3 =	vld.idx.msk [tilespmem:v7+s20+$0x1630 ss:$0x1], $0xffff;
	v0 =	vadd.f32 v5, v0;
	v5 =	vmul.f32 v22, v13;
	v58 =	vmul.f32 v38, v13  }
0x251: {  	v16 =	vld.idx.msk [tilespmem:v7+s20+$0x1640 ss:$0x1], $0xffff;
	v38 =	vmul.f32 v43, v12;
	v1 =	vadd.f32 v2, v1;
	v2 =	vmul.f32 v48, v13  }
0x252: {  	v48 =	vmul.f32 v50, v9;
	v50 =	vld.idx.msk [tilespmem:v7+s20+$0x16A0 ss:$0x1], $0xffff;
	v5 =	vadd.f32 v62, v5;
	v0 =	vadd.f32 v63, v0  }
0x253: {  	v62 =	vld.idx.msk [tilespmem:v7+s20+$0x1780 ss:$0x1], $0xffff;
	v63 =	vmul.f32 v45, v10;
	v2 =	vadd.f32 v61, v2;
	v1 =	vadd.f32 v37, v1  }
0x254: {  	v60 =	vld.idx.msk [tilespmem:v7+s20+$0x1710 ss:$0x1], $0xffff;
	v61 =	vmul.f32 v49, v12;
	v5 =	vadd.f32 v6, v5;
	v6 =	vmul.f32 v23, v9  }
0x255: {  	v0 =	vadd.f32 v19, v0;
	v19 =	vld.idx.msk [tilespmem:v7+s20+$0x16E0 ss:$0x1], $0xffff;
	v3 =	vmul.f32 v3, v9;
	v2 =	vadd.f32 v20, v2  }
0x256: {  	v1 =	vadd.f32 v32, v1;
	v32 =	vld.idx.msk [tilespmem:v7+s20+$0x16D0 ss:$0x1], $0xffff;
	v5 =	vadd.f32 v6, v5;
	v6 =	vmul.f32 v53, v8  }
0x257: {  	v16 =	vmul.f32 v16, v8;
	v53 =	vld.idx.msk [tilespmem:v7+s20+$0x16C0 ss:$0x1], $0xffff;
	v44 =	vmul.f32 v50, v10;
	v2 =	vadd.f32 v48, v2  }
0x258: {  	v50 =	vmul.f32 v57, v13;
	v57 =	vld.idx.msk [tilespmem:v7+s20+$0x17C0 ss:$0x1], $0xffff;
	v37 =	vmul.f32 v62, v13;
	v5 =	vadd.f32 v6, v5  }
0x259: {  	v43 =	vld.idx.msk [tilespmem:v7+s20+$0x1770 ss:$0x1], $0xffff;
	v6 =	vmul.f32 v40, v11;
	v2 =	vadd.f32 v51, v2;
	v51 =	vmul.f32 v60, v12  }
0x25a: {  	v45 =	vld.idx.msk [tilespmem:v7+s20+$0x1720 ss:$0x1], $0xffff;
	v60 =	vmul.f32 v41, v11;
	v19 =	vmul.f32 v19, v14  }
0x25b: {  	v49 =	vld.idx.msk [tilespmem:v7+s20+$0x1730 ss:$0x1], $0xffff;
	v5 =	vadd.f32 v6, v5;
	v6 =	vmul.f32 v47, v14;
	v47 =	vmul.f32 v52, v9  }
0x25c: {  	v62 =	vld.idx.msk [tilespmem:v7+s20+$0x17D0 ss:$0x1], $0xffff;
	v32 =	vmul.f32 v32, v11;
	v2 =	vadd.f32 v55, v2;
	v48 =	vmul.f32 v53, v8  }
0x25d: {  	v52 =	vld.idx.msk [tilespmem:v7+s20+$0x17B0 ss:$0x1], $0xffff;
	v55 =	vadd.f32 v51, v50;
	v22 =	vmul.f32 v57, v8;
	v50 =	vmul.f32 v35, v15  }
0x25e: {  	v53 =	vld.idx.msk [tilespmem:v7+s20+$0x1740 ss:$0x1], $0xffff;
	v57 =	vperm.xlane v27, v4;
	v5 =	vadd.f32 v6, v5;
	v2 =	vadd.f32 v18, v2  }
0x25f: {  	v6 =	vmul.f32 v46, v13;
	v46 =	vld.idx.msk [tilespmem:v7+s20+$0x17A0 ss:$0x1], $0xffff;
	v18 =	vadd.f32 v59, v58;
	v58 =	vadd.f32 v38, v37  }
0x260: {  	v41 =	vld.idx.msk [tilespmem:v7+s20+$0x17E0 ss:$0x1], $0xffff;
	v51 =	vmul.f32 v43, v15;
	v21 =	vadd.f32 v57, v27;
	v5 =	vadd.f32 v17, v5  }
0x261: {  	v59 =	vld.idx.msk [tilespmem:v7+s20+$0x1750 ss:$0x1], $0xffff;
	v6 =	vadd.f32 v61, v6;
	v61 =	vmul.f32 v49, v9;
	v49 =	vmul.f32 v33, v15  }
0x262: {  	v2 =	vadd.f32 v56, v2;
	v18 =	vadd.f32 v63, v18;
	v56 =	vmul.f32 v45, v10  }
0x263: {  	v63 =	vld.idx.msk [tilespmem:v7+s20+$0x1760 ss:$0x1], $0xffff;
	v40 =	vmul.f32 v52, v9;
	v6 =	vadd.f32 v44, v6;
	v17 =	vmul.f32 v53, v8  }
0x264: {  	v53 =	vperm.xlane v24, v4;
	v3 =	vadd.f32 v3, v18;
	v20 =	vmul.f32 v46, v10  }
0x265: {  	v46 =	vmul.f32 v62, v11;
	v18 =	vmul.f32 v41, v14;
	v6 =	vadd.f32 v47, v6  }
0x266: {  	v44 =	vmul.f32 v59, v11;
	v59 =	vperm.xlane v29, v4;
	v3 =	vadd.f32 v16, v3  }
0x267: {  	v16 =	vadd.f32 v56, v55;
	v20 =	vadd.f32 v20, v58;
	v58 =	vperm.xlane v28, v4  }
0x268: {  	v6 =	vadd.f32 v48, v6;
	v47 =	vmul.f32 v63, v14;
	v3 =	vadd.f32 v60, v3  }
0x269: {  	v63 =	vperm.xlane v31, v4;
	v16 =	vadd.f32 v61, v16;
	v20 =	vadd.f32 v40, v20  }
0x26a: {  	v55 =	vperm.xlane v25, v4;
	v60 =	vadd.f32 v58, v28;
	v61 =	vadd.f32 v59, v29  }
0x26b: {  	v28 =	vperm.xlane v1, v4;
	v6 =	vadd.f32 v32, v6;
	v23 =	vadd.f32 v63, v31  }
0x26c: {  	v45 =	vld.idx.msk [tilespmem:v7+s20+$0x17F0 ss:$0x1], $0xffff;
	v29 =	vperm.xlane v0, v4;
	v16 =	vadd.f32 v17, v16;
	v20 =	vadd.f32 v22, v20  }
0x26d: {  	v31 =	vperm.xlane v2, v4;
	v3 =	vadd.f32 v34, v3;
	v17 =	vadd.f32 v53, v24  }
0x26e: {  	v32 =	vperm.xlane v5, v4;
	v1 =	vadd.f32 v28, v1;
	v0 =	vadd.f32 v29, v0  }
0x26f: {  	v62 =	vperm.xlane v30, v4;
	v6 =	vadd.f32 v19, v6;
	v19 =	vadd.f32 v55, v25  }
0x270: {  	v56 =	vperm.xlane v26, v4;
	v2 =	vadd.f32 v31, v2;
	v5 =	vadd.f32 v32, v5  }
0x271: {  	v52 =	vmul.f32 v45, v15;
	v16 =	vadd.f32 v44, v16;
	v48 =	vadd.f32 v46, v20  }
0x272: {  	v3 =	vadd.f32 v49, v3;
	v20 =	vadd.f32 v56, v26;
	v0 =	vsel vm0, v1, v0  }
0x273: {  	v6 =	vadd.f32 v50, v6;
	v17 =	vsel vm0, v17, v19;
	v19 =	vsel vm0, v60, v61  }
0x274: {  	v2 =	vsel vm0, v2, v5;
	v16 =	vadd.f32 v47, v16;
	v18 =	vadd.f32 v18, v48  }
0x275: {  	v41 =	vperm.xlane v0, v42;
	v20 =	vsel vm0, v20, v21;
	v33 =	vperm.xlane v3, v4  }
0x276: {  	v5 =	vperm.xlane v17, v42;
	v16 =	vadd.f32 v51, v16;
	v18 =	vadd.f32 v52, v18  }
0x277: {  	v21 =	vadd.f32 v62, v30;
	v43 =	vperm.xlane v2, v42;
	v34 =	vperm.xlane v6, v4  }
0x278: {  	v0 =	vadd.f32 v41, v0;
	v35 =	vperm.xlane v16, v4;
	v36 =	vperm.xlane v18, v4  }
0x279: {  	v38 =	vperm.xlane v20, v42;
	v3 =	vadd.f32 v33, v3;
	v6 =	vadd.f32 v34, v6  }
0x27a: {  	v21 =	vsel vm0, v21, v23;
	v1 =	vadd.f32 v35, v16;
	v37 =	vadd.f32 v36, v18  }
0x27b: {  	v5 =	vadd.f32 v5, v17;
	v2 =	vadd.f32 v43, v2;
	v40 =	vperm.xlane v21, v42  }
0x27c: {  	v3 =	vsel vm0, v3, v6;
	v6 =	vperm.xlane v19, v42;
	v1 =	vsel vm0, v1, v37  }
0x27d: {  	v39 =	vadd.f32 v38, v20;
	v44 =	vperm.xlane v3, v42;
	v45 =	vperm.xlane v1, v42  }
0x27e: {  	v17 =	vadd.f32 v40, v21;
	v6 =	vadd.f32 v6, v19  }
0x27f: {  	v0 =	vsel vm1, v0, v2;
	v3 =	vadd.f32 v44, v3;
	v1 =	vadd.f32 v45, v1  }
0x280: {  	v5 =	vsel vm1, v5, v39;
	v46 =	vperm.xlane v0, v54  }
0x281: {  	v2 =	vperm.xlane v5, v54;
	v6 =	vsel vm1, v6, v17;
	v1 =	vsel vm1, v3, v1  }
0x282: {  	v48 =	vld [tilespmem:$0x1FFD0];
	v3 =	vperm.xlane v6, v54;
	v47 =	vperm.xlane v1, v54  }
0x283: {  	v0 =	vadd.f32 v46, v0;
	v2 =	vadd.f32 v2, v5  }
0x284: {  	v49 =	vld [tilespmem:$0x1FFC0];
	v3 =	vadd.f32 v3, v6;
	v1 =	vadd.f32 v47, v1;
	_ =	sdelay $0x1  }
0x285: {  	v2 =	vsel vm2, v2, v3;
	v0 =	vsel vm2, v0, v1  }
0x286: {  	v1 =	vperm.xlane v2, v48;
	v3 =	vperm.xlane v0, v48;
	_ =	sdelay $0x1  }
0x287: {  	v1 =	vadd.f32 v1, v2;
	v0 =	vadd.f32 v3, v0;
	_ =	sdelay $0x1  }
0x288: {  	v0 =	vsel vm3, v1, v0  }
0x289: {  	[tilespmem:v49+s21+$0x1ADA0 ss:$0x1] =	vst.idx.msk $0xffff, v0  }
0x28a: {  	v1 =	vld.idx.msk [tilespmem:v7+s20+$0x1880 ss:$0x1], $0xffff  }
0x28b: {  	v2 =	vld.idx.msk [tilespmem:v7+s20+$0x1890 ss:$0x1], $0xffff  }
0x28c: {  	v50 =	vld [tilespmem:$0x1FF40]  }
0x28d: {  	v5 =	vld.idx.msk [tilespmem:v7+s20+$0x18A0 ss:$0x1], $0xffff  }
0x28e: {  	v6 =	vld [tilespmem:$0x1FF30];
	_ =	sdelay $0x1  }
0x28f: {  	v52 =	vld [tilespmem:$0x1FF50];
	v1 =	vmul.f32 v1, v13;
	v2 =	vmul.f32 v2, v12  }
0x290: {  	v60 =	vld [tilespmem:$0x1FF70]  }
0x291: {  	v1 =	vadd.f32 v2, v1;
	v2 =	vmul.f32 v5, v10;
	v5 =	vld [tilespmem:$0x1FF60]  }
0x292: {  	v16 =	vmul.f32 v50, v12;
	v6 =	vmul.f32 v6, v13;
	v53 =	vld.idx.msk [tilespmem:v7+s20+$0x18B0 ss:$0x1], $0xffff  }
0x293: {  	v0 =	vld.idx.msk [tilespmem:v7+s20+$0x1800 ss:$0x1], $0xffff  }
0x294: {  	v18 =	vmul.f32 v52, v10;
	v6 =	vadd.f32 v16, v6;
	v56 =	vld.idx.msk [tilespmem:v7+s20+$0x18C0 ss:$0x1], $0xffff  }
0x295: {  	v3 =	vld.idx.msk [tilespmem:v7+s20+$0x1810 ss:$0x1], $0xffff  }
0x296: {  	v6 =	vadd.f32 v18, v6;
	v58 =	vld.idx.msk [tilespmem:v7+s20+$0x18D0 ss:$0x1], $0xffff;
	v5 =	vmul.f32 v5, v9  }
0x297: {  	v51 =	vld.idx.msk [tilespmem:v7+s20+$0x1820 ss:$0x1], $0xffff;
	v1 =	vadd.f32 v2, v1;
	v2 =	vmul.f32 v53, v9  }
0x298: {  	v5 =	vadd.f32 v5, v6;
	v6 =	vld.idx.msk [tilespmem:v7+s20+$0x18E0 ss:$0x1], $0xffff  }
0x299: {  	v55 =	vld.idx.msk [tilespmem:v7+s20+$0x1830 ss:$0x1], $0xffff;
	v1 =	vadd.f32 v2, v1;
	v2 =	vmul.f32 v56, v8  }
0x29a: {  	v0 =	vmul.f32 v0, v13;
	v3 =	vmul.f32 v3, v12  }
0x29b: {  	v63 =	vld [tilespmem:$0x1FF80];
	v1 =	vadd.f32 v2, v1;
	v2 =	vmul.f32 v58, v11  }
0x29c: {  	v57 =	vld.idx.msk [tilespmem:v7+s20+$0x1840 ss:$0x1], $0xffff;
	v0 =	vadd.f32 v3, v0;
	v3 =	vmul.f32 v51, v10  }
0x29d: {  	v1 =	vadd.f32 v2, v1;
	v2 =	vmul.f32 v6, v14;
	v6 =	vld [tilespmem:$0x1FF90]  }
0x29e: {  	v59 =	vld.idx.msk [tilespmem:v7+s20+$0x1850 ss:$0x1], $0xffff;
	v0 =	vadd.f32 v3, v0;
	v3 =	vmul.f32 v55, v9;
	v9 =	vmul.f32 v60, v8;
	_ =	sdelay $0x1  }
0x29f: {  	v61 =	vld.idx.msk [tilespmem:v7+s20+$0x1860 ss:$0x1], $0xffff;
	v5 =	vadd.f32 v9, v5;
	v9 =	vmul.f32 v63, v11  }
0x2a0: {  	v0 =	vadd.f32 v3, v0;
	v3 =	vmul.f32 v57, v8;
	v8 =	vld.idx.msk [tilespmem:v7+s20+$0x18F0 ss:$0x1], $0xffff  }
0x2a1: {  	v62 =	vld.idx.msk [tilespmem:v7+s20+$0x1870 ss:$0x1], $0xffff;
	v5 =	vadd.f32 v9, v5;
	v6 =	vmul.f32 v6, v14  }
0x2a2: {  	v0 =	vadd.f32 v3, v0;
	v3 =	vmul.f32 v59, v11  }
0x2a3: {  	v5 =	vadd.f32 v6, v5;
	v6 =	vld [tilespmem:$0x1FFA0]  }
0x2a4: {  	v0 =	vadd.f32 v3, v0;
	v3 =	vmul.f32 v61, v14  }
0x2a5: {  	v1 =	vadd.f32 v2, v1;
	v2 =	vmul.f32 v8, v15  }
0x2a6: {  	v0 =	vadd.f32 v3, v0;
	v3 =	vmul.f32 v62, v15  }
0x2a7: {  	v1 =	vadd.f32 v2, v1  }
0x2a8: {  	v0 =	vadd.f32 v3, v0;
	v6 =	vmul.f32 v6, v15  }
0x2a9: {  	v3 =	vperm.xlane v1, v48  }
0x2aa: {  	v2 =	vadd.f32 v6, v5;
	v5 =	vperm.xlane v0, v48  }
0x2ab: {  	v1 =	vadd.f32 v1, v3  }
0x2ac: {  	v0 =	vadd.f32 v0, v5  }
0x2ad: {  	v3 =	vperm.xlane v1, v54  }
0x2ae: {  	v5 =	vperm.xlane v0, v54  }
0x2af: {  	v1 =	vadd.f32 v1, v3;
	v6 =	vperm.xlane v2, v48  }
0x2b0: {  	v0 =	vadd.f32 v0, v5  }
0x2b1: {  	v3 =	vperm.xlane v1, v42;
	v2 =	vadd.f32 v2, v6  }
0x2b2: {  	v5 =	vperm.xlane v0, v42  }
0x2b3: {  	v1 =	vadd.f32 v1, v3;
	v6 =	vperm.xlane v2, v54  }
0x2b4: {  	v0 =	vadd.f32 v0, v5  }
0x2b5: {  	v3 =	vperm.xlane v1, v4;
	v2 =	vadd.f32 v2, v6  }
0x2b6: {  	v5 =	vperm.xlane v0, v4  }
0x2b7: {  	v1 =	vadd.f32 v1, v3;
	v6 =	vperm.xlane v2, v42  }
0x2b8: {  	v0 =	vadd.f32 v0, v5  }
0x2b9: {  	s19 =	sadd.s32 $0x1, s19;
	v1 =	vsel vm4, $0x0, v1;
	v2 =	vadd.f32 v2, v6  }
0x2ba: {  	p1 =	sne.s32 s19, $0x4;
	v0 =	vsel vm5, v0, v1;
	v1 =	vld [tilespmem:$0x1FFB0]  }
.Ltmp7:
0x2bb: {  	v6 =	vperm.xlane v2, v4;
	(pc) =	sbr.rel @p1 .LBB2_9-.Ltmp7, $4  }
0x2bc: {  	_ = 	snop  }
0x2bd: {  	v3 =	vmov s22;
	v5 =	vlaneseq.u32;
	v2 =	vadd.f32 v2, v6  }
0x2be: {  	vm6 =	veq.s32 v3, v5  }
0x2bf: {  	s5 =	sadd.s32 $0x1900, s5;
	[tilespmem:v49+s21+$0x1ADB0 ss:$0x1] =	vst.idx.msk $0xffff, v0;
	v1 =	vsel vm6, v2, v1  }
0x2c0: {  	s2 =	sshll.u32 @p0 s31, $0x4;
	s5 =	sshll.u32 @p0 s30, $0x4  }
0x2c1: {  	s19 =	sshll.u32 @p0 s30, $0xB;
	s21 =	simm.s32 @p0 $0x0;
	s2 =	sadd.s32 @p0 s10, s2  }
0x2c2: {  	p1 =	sne.s32 s29, $0x80;
	s19 =	sadd.s32 @p0 $0x1AD80, s19;
	s20 =	sshll.u32 @p0 s2, $0x4  }
.Ltmp8:
0x2c3: {  	[tilespmem:s5+$0x1BD80] =	vst @p0 v1;
	s2 =	sshrl.u32 @p0 s2, $0x3;
	s20 =	sadd.s32 @p0 s9, s20;
	(pc) =	sbr.rel @p1 .LBB2_2-.Ltmp8, $4  }
0x2c4: {  	[hbm4b:s20+s21] =	stream.linear.scatter @p0 [tilespmem:s19], [sflag:$0x5], $0x800, $0x38;
	[tilespmem:$0x1BE00] =	vst v63  }
0x2c5: {  	s5 =	sor.u32 @p0 $0x1BD80, s5;
	s2 =	sadd.s32 @p0 s8, s2  }
0x2c6: {  	[hbm4b:s2+s21] =	stream.linear.scatter @p0 [tilespmem:s5], [sflag:$0x5], $0x10, $0x38;
	[tilespmem:$0x1BE00] =	vst v63  }
0x2c7: {  	v1 =	vpsel p0, $0x0, v1;
	s5 =	smov.u32 s29  }
0x2c8: {  	_ =	swait.ge [sflag:s26], $0x800  }
0x2c9: {  	[sflag:s26] =	ssyncset.done $0x0  }
0x2ca: {  	[sflag:s26] =	ssyncadd.s32 $0xFFFFF800  }
0x2cb: {  	_ =	swait.ge [sflag:s26], $0x10  }
0x2cc: {  	[sflag:s26] =	ssyncset.done $0x0  }
0x2cd: {  	s28 =	sadd.s32 $0x1, s28;
	[sflag:s26] =	ssyncadd.s32 $0xFFFFFFF0  }
0x2ce: {  	p0 =	sne.s32 s28, s14;
	_ =	swait.ge [sflag:s26], $0x800  }
.Ltmp9:
0x2cf: {  	[sflag:s26] =	ssyncset.done $0x0;
	(pc) =	sbr.rel @p0 .LBB2_1-.Ltmp9, $4  }
0x2d0: {  	[sflag:s26] =	ssyncadd.s32 $0xFFFFF800  }
0x2d1: {  	_ =	swait.ge [sflag:s26], $0x10  }
0x2d2: {  	[sflag:s26] =	ssyncset.done $0x0  }
0x2d3: {  	[sflag:s26] =	ssyncadd.s32 $0xFFFFFFF0  }
0x2d4: {  	_ =	sfence.sel $0x180000  }
0x2d5: {  	[bflag:$0x0] =	sbarrier.arrive $0xFFFF  }
0x2d6: {  	_ =	strace $0x90000047  }
0x2d7: {  	s0 =	stileid.u32;
	[bflag:$0x2] =	sbarrier.arrive $0xFFFF  }
0x2d8: {  	p0 =	sne.s32 s0, $0x0;
	s0 =	rddreg [dreg:$0x4]  }
0x2d9: {  	s0 =	sadd.s32 @!p0 $0x100000, s0  }
0x2da: {  	[sflag:s0] =	ssyncadd.tile.s32 @!p0 $0x1;
	_ =	shalt  }
.Lfunc_end2:
_tile_overlayer_lowered:
.L_overlay_start_2:
0x2db: {  	(tag) =	ssettag $0x2  }
0x2dc: {  	s0 =	rddreg [dreg:$0x0];
	s2 =	stileid.u32  }
0x2dd: {  	s1 =	rddreg [dreg:$0x1];
	p0 =	sne.s32 s2, $0x0  }
0x2de: {  	s3 =	rddreg [dreg:$0x2];
	[bflag:$0x3] =	sbarrier.arrive $0xFFFF;
	s2 =	simm.s32 @!p0 $0x1C06  }
0x2df: {  	[timem:s3], [sflag:s2] =	dma.local @!p0 [hbm:s0], s1  }
0x2e0: {  	s0 =	simm.s32 @!p0 $0x6  }
0x2e1: {  	_ =	swait.ge @!p0 [sflag:s0], s1  }
0x2e2: {  	s1 =	ssub.s32 @!p0 $0x0, s1;
	[sflag:s0] =	ssyncset.done @!p0 $0x0  }
0x2e3: {  	[sflag:s0] =	ssyncadd.s32 @!p0 s1  }
0x2e4: {  	[bflag:$0x3] =	sbarrier.arrive $0xFFFF  }
0x2e5: {  	_ =	shalt  }

</sc_bundles>
